<compile_context>
chip_gen: v7x
topology: tpu7x:2x2x1
jax: 0.10.2.dev20260603
libtpu: 0.0.44.dev20260713+nightly
codegen_flags: <defaults>
</compile_context>

<pallas_src>
import functools

import jax
import jax.numpy as jnp
from jax import lax
from jax.experimental import pallas as pl
from jax.experimental.pallas import tpu as pltpu
from jax.experimental.pallas import tpu_sc as plsc

N = 50000
E = 800000
EMB = 16
HID = 100
NUM_GRAPHS = 512

NP = 50176
HP = 128
NPG = 640
VP = 50176

NCORES = 2
NSUB = 16
NTILES = NCORES * NSUB
ROWS_PER_TILE = NP // NTILES
GCHUNK = 112
NGCH = ROWS_PER_TILE // GCHUNK

ZROWS = 112
RANGES = 4
RSIZE = NP // RANGES
PASSES = RANGES // NCORES
ZPS = RSIZE // NSUB
ZCH = 112
NZCH = ZPS // ZCH
EPS = E // NSUB
ECH = 112
NSLOT = 2
BCH = NSLOT * ECH
NBIG = EPS // BCH
TAILE = EPS - NBIG * BCH
TAILS = []
_left = TAILE
_sl = 0
while _left > 0:
    _nv = min(_left, ECH) // 16
    TAILS.append((_sl, _nv))
    _left -= _nv * 16
    _sl += 1
IGN = -1


@functools.cache
def _mesh():
    return plsc.VectorSubcoreMesh(core_axis_name="c", subcore_axis_name="s",
                                  num_cores=NCORES, num_subcores=NSUB)


def _emb_body(i0, i1, i2, i3, i4, stacked, out_h, idx_v, rowbuf, sem):
    c = lax.axis_index("c")
    s = lax.axis_index("s")
    base = (s * NCORES + c) * ROWS_PER_TILE
    idxs = (i0, i1, i2, i3, i4)

    def body(j, _):
        r0 = base + j * GCHUNK
        pltpu.sync_copy(idxs[0].at[pl.ds(r0, GCHUNK)], idx_v)
        pltpu.async_copy(stacked.at[idx_v], rowbuf, sem).wait()
        for t in range(1, 5):
            pltpu.sync_copy(idxs[t].at[pl.ds(r0, GCHUNK)], idx_v)
            pltpu.async_copy(stacked.at[idx_v], rowbuf, sem, add=True).wait()
        pltpu.sync_copy(rowbuf, out_h.at[pl.ds(r0, GCHUNK)])
        return 0
    lax.fori_loop(0, NGCH, body, 0)


@functools.cache
def _emb_gather():
    return pl.kernel(
        _emb_body,
        out_type=jax.ShapeDtypeStruct((NP, HP), jnp.float32),
        mesh=_mesh(),
        scratch_types=[
            pltpu.VMEM((GCHUNK,), jnp.int32),
            pltpu.VMEM((GCHUNK, HP), jnp.float32),
            pltpu.SemaphoreType.DMA,
        ],
    )


def _agg_body(h_h, src_h, dst_h, zeros_h, msum_h,
              sb0, sb1, db0, db1, si0, si1, si2, si3, di0, di1, di2, di3,
              rows, g0, g1, i0s, i0d, i1s, i1d, acc):
    gs = (g0, g1)
    iss = (i0s, i1s)
    isd = (i0d, i1d)
    sbs = (sb0, sb1)
    dbs = (db0, db1)
    sis = ((si0, si1), (si2, si3))
    dis = ((di0, di1), (di2, di3))
    c = lax.axis_index("c")
    s = lax.axis_index("s")
    eb = s * EPS

    def idx_refs(j, q):
        e0 = jnp.minimum(eb + j * BCH, eb + EPS - BCH)
        return ((src_h.at[pl.ds(e0, BCH)], sbs[q], iss[q]),
                (dst_h.at[pl.ds(e0, BCH)], dbs[q], isd[q]))

    def issue_idx(j, q):
        for tr in idx_refs(j, q):
            pltpu.async_copy(*tr)

    def wait_idx(j, q):
        for tr in idx_refs(j, q):
            pltpu.make_async_copy(*tr).wait()

    def mask_slot(lo, q, sl, nv):
        rs = sis[q][sl]
        rd = dis[q][sl]
        sb = sbs[q]
        db = dbs[q]
        for i in range(nv):
            off = sl * ECH + i * 16
            d = db[pl.ds(off, 16)]
            sv = sb[pl.ds(off, 16)]
            m = (d >= lo) & (d < lo + RSIZE)
            rs[pl.ds(i * 16, 16)] = jnp.where(m, sv, IGN)
            rd[pl.ds(i * 16, 16)] = jnp.where(m, d - lo, IGN)
        for i in range(nv, ECH // 16):
            rs[pl.ds(i * 16, 16)] = jnp.full((16,), IGN, jnp.int32)
            rd[pl.ds(i * 16, 16)] = jnp.full((16,), IGN, jnp.int32)

    def gsrc(q, sl):
        return h_h.at[plsc.Indices(sis[q][sl], ignored_value=IGN)]

    def issue_gather(q, sl):
        pltpu.async_copy(gsrc(q, sl), rows.at[sl], gs[sl])

    def wait_gather(q, sl):
        pltpu.make_async_copy(gsrc(q, sl), rows.at[sl], gs[sl]).wait()

    def do_add(q, sl):
        pltpu.sync_copy(rows.at[sl],
                        acc.at[plsc.Indices(dis[q][sl], ignored_value=IGN)],
                        add=True)

    for p in range(PASSES):
        lo = (2 * p + c) * RSIZE

        def zbody(j, _):
            pltpu.sync_copy(zeros_h.at[pl.ds(0, ZCH)],
                            acc.at[pl.ds(s * ZPS + j * ZCH, ZCH)])
            return 0
        lax.fori_loop(0, NZCH, zbody, 0)
        plsc.subcore_barrier()

        issue_idx(0, 0)
        wait_idx(0, 0)
        issue_idx(1, 1)
        for sl in range(NSLOT):
            mask_slot(lo, 0, sl, ECH // 16)
            issue_gather(0, sl)

        def big_iter(j, q):
            wait_idx(j, q)
            issue_idx(j + 1, 1 - q)
            for sl in range(NSLOT):
                mask_slot(lo, q, sl, ECH // 16)
            for sl in range(NSLOT):
                wait_gather(1 - q, sl)
                do_add(1 - q, sl)
                issue_gather(q, sl)

        pairs = (NBIG - 1) // 2
        def mbody(k, _):
            j = 1 + 2 * k
            big_iter(j, 1)
            big_iter(j + 1, 0)
            return 0
        lax.fori_loop(0, pairs, mbody, 0)
        if (NBIG - 1) - 2 * pairs:
            big_iter(NBIG - 1, 1)
            last_q = 1
        else:
            last_q = 0

        for sl in range(NSLOT):
            wait_gather(last_q, sl)
            do_add(last_q, sl)
        wait_idx(NBIG, 1 - last_q)

        e0 = eb + NBIG * BCH
        pltpu.sync_copy(src_h.at[pl.ds(e0, TAILE)], sb0.at[pl.ds(0, TAILE)])
        pltpu.sync_copy(dst_h.at[pl.ds(e0, TAILE)], db0.at[pl.ds(0, TAILE)])
        for sl, nv in TAILS:
            mask_slot(lo, 0, sl, nv)
            issue_gather(0, sl)
        for sl, nv in TAILS:
            wait_gather(0, sl)
            do_add(0, sl)
        plsc.subcore_barrier()

        pltpu.sync_copy(acc.at[pl.ds(s * ZPS, ZPS)],
                        msum_h.at[pl.ds(lo + s * ZPS, ZPS)])
        plsc.subcore_barrier()


@functools.cache
def _edge_agg():
    return pl.kernel(
        _agg_body,
        out_type=jax.ShapeDtypeStruct((NP, HP), jnp.float32),
        mesh=_mesh(),
        scratch_types=(
            [pltpu.VMEM((BCH,), jnp.int32)] * 4
            + [pltpu.VMEM((ECH,), jnp.int32)] * 8
            + [pltpu.VMEM((NSLOT, ECH, HP), jnp.float32)]
            + [pltpu.SemaphoreType.DMA] * 6
            + [pltpu.VMEM_SHARED((RSIZE, HP), jnp.float32)]
        ),
    )


def _pool_body(hn_h, batch_h, zeros_h, gpart_h, bidx, rows_v, sem, acc):
    c = lax.axis_index("c")
    s = lax.axis_index("s")
    base = (s * NCORES + c) * ROWS_PER_TILE
    gz = NPG // NSUB
    pltpu.sync_copy(zeros_h.at[pl.ds(0, gz)], acc.at[pl.ds(s * gz, gz)])
    plsc.subcore_barrier()

    def body(j, _):
        r0 = base + j * GCHUNK
        pltpu.sync_copy(batch_h.at[pl.ds(r0, GCHUNK)], bidx)
        pltpu.sync_copy(hn_h.at[pl.ds(r0, GCHUNK)], rows_v)
        pltpu.sync_copy(rows_v, acc.at[bidx], add=True)
        return 0
    lax.fori_loop(0, NGCH, body, 0)
    plsc.subcore_barrier()
    pltpu.sync_copy(acc.at[pl.ds(s * gz, gz)],
                    gpart_h.at[c, pl.ds(s * gz, gz)])


@functools.cache
def _pool():
    return pl.kernel(
        _pool_body,
        out_type=jax.ShapeDtypeStruct((NCORES, NPG, HP), jnp.float32),
        mesh=_mesh(),
        scratch_types=[
            pltpu.VMEM((GCHUNK,), jnp.int32),
            pltpu.VMEM((GCHUNK, HP), jnp.float32),
            pltpu.SemaphoreType.DMA,
            pltpu.VMEM_SHARED((NPG, HP), jnp.float32),
        ],
    )


def _mlin_body(g_ref, p_ref, wt_ref, w0_ref, b_ref, o_ref):
    acc = jnp.dot(g_ref[...], wt_ref[...], preferred_element_type=jnp.float32)
    o_ref[...] = acc + p_ref[...] * w0_ref[...] + b_ref[...]


def _msg_linear(gath, price, wt, w0, b):
    blk = 256
    return pl.pallas_call(
        _mlin_body,
        grid=(NP // blk,),
        in_specs=[
            pl.BlockSpec((blk, HP), lambda i: (i, 0)),
            pl.BlockSpec((blk, 1), lambda i: (i, 0)),
            pl.BlockSpec((HP, HP), lambda i: (0, 0)),
            pl.BlockSpec((1, HP), lambda i: (0, 0)),
            pl.BlockSpec((1, HP), lambda i: (0, 0)),
        ],
        out_specs=pl.BlockSpec((blk, HP), lambda i: (i, 0)),
        out_shape=jax.ShapeDtypeStruct((NP, HP), jnp.float32),
    )(gath, price, wt, w0, b)


def _gru_body(ms_ref, h_ref, wi_ref, wh_ref, bi_ref, bh_ref, o_ref):
    ms = ms_ref[...]
    h = h_ref[...]
    cnt = ms[:, HID:HID + 1]
    inv = 1.0 / jnp.maximum(cnt, 1.0)
    m = ms * inv
    gi = jnp.dot(m, wi_ref[...], preferred_element_type=jnp.float32) + bi_ref[...]
    gh = jnp.dot(h, wh_ref[...], preferred_element_type=jnp.float32) + bh_ref[...]
    r = jax.nn.sigmoid(gi[:, :HP] + gh[:, :HP])
    z = jax.nn.sigmoid(gi[:, HP:2 * HP] + gh[:, HP:2 * HP])
    n = jnp.tanh(gi[:, 2 * HP:] + r * gh[:, 2 * HP:])
    hn = (1.0 - z) * n + z * h
    col = lax.broadcasted_iota(jnp.int32, hn.shape, 1)
    o_ref[...] = jnp.where(col == HID, 1.0, hn)


def _gru(msum, h, wi, wh, bi, bh):
    blk = 256
    return pl.pallas_call(
        _gru_body,
        grid=(NP // blk,),
        in_specs=[
            pl.BlockSpec((blk, HP), lambda i: (i, 0)),
            pl.BlockSpec((blk, HP), lambda i: (i, 0)),
            pl.BlockSpec((HP, 3 * HP), lambda i: (0, 0)),
            pl.BlockSpec((HP, 3 * HP), lambda i: (0, 0)),
            pl.BlockSpec((1, 3 * HP), lambda i: (0, 0)),
            pl.BlockSpec((1, 3 * HP), lambda i: (0, 0)),
        ],
        out_specs=pl.BlockSpec((blk, HP), lambda i: (i, 0)),
        out_shape=jax.ShapeDtypeStruct((NP, HP), jnp.float32),
    )(msum, h, wi, wh, bi, bh)


def _fc_body(g0_ref, g1_ref, w_ref, b_ref, o_ref):
    g = g0_ref[...] + g1_ref[...]
    cnt = g[:, HID:HID + 1]
    gm = g * (1.0 / jnp.maximum(cnt, 1.0))
    o_ref[...] = jnp.dot(gm, w_ref[...],
                         preferred_element_type=jnp.float32) + b_ref[...]


def _fc(g0, g1, wt, b):
    blk = 512
    return pl.pallas_call(
        _fc_body,
        grid=(VP // blk,),
        in_specs=[
            pl.BlockSpec((NUM_GRAPHS, HP), lambda j: (0, 0)),
            pl.BlockSpec((NUM_GRAPHS, HP), lambda j: (0, 0)),
            pl.BlockSpec((HP, blk), lambda j: (0, j)),
            pl.BlockSpec((1, blk), lambda j: (0, j)),
        ],
        out_specs=pl.BlockSpec((NUM_GRAPHS, blk), lambda j: (0, j)),
        out_shape=jax.ShapeDtypeStruct((NUM_GRAPHS, VP), jnp.float32),
    )(g0, g1, wt, b)


def kernel(category, sub_category, element, brand, product_id_remapped,
           price_tensor, edge_index, batch, cat_emb, sub_emb, elem_emb,
           brand_emb, item_emb, msg_W, msg_b, W_ih, W_hh, b_ih, b_hh,
           fc_W, fc_b):
    i32 = jnp.int32
    padn = NP - N

    def pad1(x, v):
        return jnp.concatenate([x.astype(i32), jnp.full((padn,), v, i32)])

    tabs = (cat_emb, sub_emb, elem_emb, brand_emb, item_emb)
    offs = []
    o = 0
    for tb in tabs:
        offs.append(o)
        o += tb.shape[0]
    stacked = jnp.concatenate(
        [jnp.pad(tb, ((0, 0), (16 * t, HP - 16 * (t + 1))))
         for t, tb in enumerate(tabs)], axis=0)

    cat_i = pad1(category, 0) + offs[0]
    sub_i = pad1(sub_category, 0) + offs[1]
    elem_i = pad1(element, 0) + offs[2]
    brand_i = pad1(brand, 0) + offs[3]
    item_i = pad1(product_id_remapped, 0) + offs[4]
    batch_i = pad1(batch, NUM_GRAPHS)
    price = jnp.pad(price_tensor, ((0, padn), (0, 0)))
    src = edge_index[0].astype(i32)
    dst = edge_index[1].astype(i32)

    zeros_h = jnp.zeros((ZROWS, HP), jnp.float32)

    wt = jnp.pad(msg_W[:, 1:].T, ((0, HP - 5 * EMB), (0, HP - HID)))
    w0 = jnp.pad(msg_W[:, 0], (0, HP - HID)).reshape(1, HP)
    b1 = jnp.pad(msg_b, (0, HP - HID)).at[HID].set(1.0).reshape(1, HP)

    def gru_w(w):
        a = jnp.pad(w.T, ((0, HP - HID), (0, 0)))
        gs = [jnp.pad(a[:, i * HID:(i + 1) * HID], ((0, 0), (0, HP - HID)))
              for i in range(3)]
        return jnp.concatenate(gs, axis=1)

    def gru_b(b):
        return jnp.concatenate(
            [jnp.pad(b[i * HID:(i + 1) * HID], (0, HP - HID))
             for i in range(3)]).reshape(1, 3 * HP)

    wi, wh = gru_w(W_ih), gru_w(W_hh)
    bi, bh = gru_b(b_ih), gru_b(b_hh)

    fct = jnp.pad(fc_W.T, ((0, HP - HID), (0, VP - fc_W.shape[0])))
    fcb = jnp.pad(fc_b, (0, VP - fc_b.shape[0])).reshape(1, VP)

    gath = _emb_gather()(cat_i, sub_i, elem_i, brand_i, item_i, stacked)
    h = _msg_linear(gath, price, wt, w0, b1)
    msum = _edge_agg()(h, src, dst, zeros_h)
    hn = _gru(msum, h, wi, wh, bi, bh)
    gparts = _pool()(hn, batch_i, zeros_h)
    scores = _fc(gparts[0, :NUM_GRAPHS], gparts[1, :NUM_GRAPHS], fct, fcb)
    return scores[:, :N]

# --- scband reference (transcript-rebuilt; emitter-appended) ---
"""Pipeline reference for scband-sr-gnn-27169963115103 (READ-ONLY COPY).

The authoritative reference and input builder live on the scoring server;
editing this copy changes nothing except your own understanding.
"""

import jax, jax.numpy as jnp
import numpy as np

N = 50000
E = 800000
EMB = 16
HID = 100
NUM_ITEMS = 50000
NUM_CAT = 64
NUM_SUB = 512
NUM_ELEM = 1024
NUM_BRAND = 4096
NUM_GRAPHS = 512
NUM_ITERATIONS = 1
IN_DIM = 5 * EMB + 1


def setup_inputs(seed: int = 0) -> dict:
    key = jax.random.key(seed)
    ks = jax.random.split(key, 24)
    inp = {}
    inp["category"] = jax.random.randint(ks[0], (N,), 0, NUM_CAT)
    inp["sub_category"] = jax.random.randint(ks[1], (N,), 0, NUM_SUB)
    inp["element"] = jax.random.randint(ks[2], (N,), 0, NUM_ELEM)
    inp["brand"] = jax.random.randint(ks[3], (N,), 0, NUM_BRAND)
    inp["product_id_remapped"] = jax.random.randint(ks[4], (N,), 0, NUM_ITEMS)
    inp["price_tensor"] = jax.random.uniform(ks[5], (N, 1), dtype=jnp.float32)
    inp["edge_index"] = jax.random.randint(ks[6], (2, E), 0, N)
    inp["batch"] = jnp.sort(jax.random.randint(ks[7], (N,), 0, NUM_GRAPHS))
    inp["cat_emb"] = jax.random.normal(ks[8], (NUM_CAT, EMB), dtype=jnp.float32)
    inp["sub_emb"] = jax.random.normal(ks[9], (NUM_SUB, EMB), dtype=jnp.float32)
    inp["elem_emb"] = jax.random.normal(ks[10], (NUM_ELEM, EMB), dtype=jnp.float32)
    inp["brand_emb"] = jax.random.normal(ks[11], (NUM_BRAND, EMB), dtype=jnp.float32)
    inp["item_emb"] = jax.random.normal(ks[12], (NUM_ITEMS, EMB), dtype=jnp.float32)
    s_in = 1.0 / np.sqrt(IN_DIM)
    s_h = 1.0 / np.sqrt(HID)
    inp["msg_W"] = jax.random.uniform(ks[13], (HID, IN_DIM), dtype=jnp.float32, minval=-s_in, maxval=s_in)
    inp["msg_b"] = jax.random.uniform(ks[14], (HID,), dtype=jnp.float32, minval=-s_in, maxval=s_in)
    inp["W_ih"] = jax.random.uniform(ks[15], (3 * HID, HID), dtype=jnp.float32, minval=-s_h, maxval=s_h)
    inp["W_hh"] = jax.random.uniform(ks[16], (3 * HID, HID), dtype=jnp.float32, minval=-s_h, maxval=s_h)
    inp["b_ih"] = jax.random.uniform(ks[17], (3 * HID,), dtype=jnp.float32, minval=-s_h, maxval=s_h)
    inp["b_hh"] = jax.random.uniform(ks[18], (3 * HID,), dtype=jnp.float32, minval=-s_h, maxval=s_h)
    inp["fc_W"] = jax.random.uniform(ks[19], (NUM_ITEMS, HID), dtype=jnp.float32, minval=-s_h, maxval=s_h)
    inp["fc_b"] = jax.random.uniform(ks[20], (NUM_ITEMS,), dtype=jnp.float32, minval=-s_h, maxval=s_h)
    return inp


def _gru_cell(x, h, W_ih, W_hh, b_ih, b_hh):
    gi = x @ W_ih.T + b_ih
    gh = h @ W_hh.T + b_hh
    i_r, i_z, i_n = jnp.split(gi, 3, axis=1)
    h_r, h_z, h_n = jnp.split(gh, 3, axis=1)
    r = jax.nn.sigmoid(i_r + h_r)
    z = jax.nn.sigmoid(i_z + h_z)
    n = jnp.tanh(i_n + r * h_n)
    return (1.0 - z) * n + z * h


def reference(category, sub_category, element, brand, product_id_remapped, price_tensor, edge_index, batch, cat_emb, sub_emb, elem_emb, brand_emb, item_emb, msg_W, msg_b, W_ih, W_hh, b_ih, b_hh, fc_W, fc_b):
    # NodeEmbedding: concat of 5 embedding lookups
    emb = jnp.concatenate([
        jnp.take(cat_emb, category, axis=0),
        jnp.take(sub_emb, sub_category, axis=0),
        jnp.take(elem_emb, element, axis=0),
        jnp.take(brand_emb, brand, axis=0),
        jnp.take(item_emb, product_id_remapped, axis=0),
    ], axis=1)
    item_embeddings = jnp.concatenate([price_tensor, emb], axis=1)  # [N, 81]
    # GRUGraphLayer
    h = item_embeddings @ msg_W.T + msg_b  # message_linear -> [N, HID]
    src = edge_index[0]
    dst = edge_index[1]
    ones_e = jnp.ones((E,), dtype=h.dtype)
    for _ in range(NUM_ITERATIONS):
        msg_sum = jax.ops.segment_sum(jnp.take(h, src, axis=0), dst, num_segments=N)
        cnt = jax.ops.segment_sum(ones_e, dst, num_segments=N)
        messages = msg_sum / jnp.clip(cnt, 1.0, None)[:, None]  # aggr='mean'
        h = _gru_cell(messages, h, W_ih, W_hh, b_ih, b_hh)
    # global_mean_pool
    g_sum = jax.ops.segment_sum(h, batch, num_segments=NUM_GRAPHS)
    g_cnt = jax.ops.segment_sum(jnp.ones((N,), dtype=h.dtype), batch, num_segments=NUM_GRAPHS)
    g = g_sum / jnp.clip(g_cnt, 1.0, None)[:, None]
    scores = g @ fc_W.T + fc_b
    return scores

if __name__ == "__main__":
    import jax
    _d = setup_inputs()
    print(jax.jit(kernel)(*tuple(_d.values())))

</pallas_src>

<mosaic_0001>
#map = affine_map<(d0, d1) -> (0, 0)>
#map1 = affine_map<(d0, d1) -> (0)>
#map2 = affine_map<(d0, d1) -> (0, 0, 0)>
module attributes {stable_mosaic.version = 14 : i64} {
  func.func @_pool_body(%arg0: i32, %arg1: i32, %arg2: memref<50176x128xf32, #tpu.memory_space<hbm>>, %arg3: memref<50176xi32, #tpu.memory_space<hbm>>, %arg4: memref<112x128xf32, #tpu.memory_space<hbm>>, %arg5: memref<2x640x128xf32, #tpu.memory_space<hbm>>, %arg6: memref<112xi32, #tpu.memory_space<vmem>>, %arg7: memref<112x128xf32, #tpu.memory_space<vmem>>, %arg8: memref<!tpu.dma_semaphore, #tpu.memory_space<semaphore_mem>>, %arg9: memref<640x128xf32, #tpu.memory_space<vmem_shared>>) attributes {dimension_semantics = [#tpu.dimension_semantics<core_parallel>, #tpu.dimension_semantics<subcore_parallel>], iteration_bounds = array<i64: 2, 16>, scalar_prefetch = 0 : i64, scratch_operands = 4 : i64, tpu.core_type = #tpu.core_type<sc_vector_subcore>, window_params = [{transform_indices = #map}, {transform_indices = #map1}, {transform_indices = #map}, {transform_indices = #map2}]} {
    %mul3A = arith.constant 2 : i32
    %mul3A_0 = arith.muli %arg1, %mul3A : i32
    %add3A = arith.addi %mul3A_0, %arg0 : i32
    %mul3A_1 = arith.constant 1568 : i32
    %mul3A_2 = arith.muli %add3A, %mul3A_1 : i32
    %mul3A_3 = arith.constant 40 : i32
    %mul3A_4 = arith.muli %arg1, %mul3A_3 : i32
    "tpu.region"() ({
      %run_scoped3A = tpu.sem_alloc : memref<!tpu.dma_semaphore, #tpu.memory_space<semaphore_mem>>
      %dma_start3A = arith.constant 0 : i32
      %dma_start3A_16 = tpu.memref_slice %arg9[%mul3A_4, %dma_start3A] : memref<640x128xf32, #tpu.memory_space<vmem_shared>> -> memref<40x128xf32, #tpu.memory_space<vmem_shared>>
      %dma_start3A_17 = arith.constant 0 : i32
      %dma_start3A_18 = arith.constant 0 : i32
      %dma_start3A_19 = tpu.memref_slice %arg4[%dma_start3A_17, %dma_start3A_18] : memref<112x128xf32, #tpu.memory_space<hbm>> -> memref<40x128xf32, #tpu.memory_space<hbm>>
      tpu.enqueue_dma source(%dma_start3A_19 : memref<40x128xf32, #tpu.memory_space<hbm>>) target(%dma_start3A_16 : memref<40x128xf32, #tpu.memory_space<vmem_shared>>) target_semaphore(%run_scoped3A : memref<!tpu.dma_semaphore, #tpu.memory_space<semaphore_mem>>)
      %dma_wait3A = arith.constant 0 : i32
      %dma_wait3A_20 = tpu.memref_slice %arg9[%mul3A_4, %dma_wait3A] : memref<640x128xf32, #tpu.memory_space<vmem_shared>> -> memref<40x128xf32, #tpu.memory_space<vmem_shared>>
      %dma_wait3A_21 = arith.constant 0 : i32
      %dma_wait3A_22 = arith.constant 0 : i32
      %dma_wait3A_23 = tpu.memref_slice %arg4[%dma_wait3A_21, %dma_wait3A_22] : memref<112x128xf32, #tpu.memory_space<hbm>> -> memref<40x128xf32, #tpu.memory_space<hbm>>
      tpu.wait_dma2 semaphore(%run_scoped3A : memref<!tpu.dma_semaphore, #tpu.memory_space<semaphore_mem>>) src(%dma_wait3A_23 : memref<40x128xf32, #tpu.memory_space<hbm>>) dst(%dma_wait3A_20 : memref<40x128xf32, #tpu.memory_space<vmem_shared>>)
      tpu.yield
    }) : () -> ()
    %barrier3A = arith.constant 0 : index
    tpu.barrier barrier_id(%barrier3A)
    %scan3A = arith.constant 0 : i32
    %scan3A_5 = arith.constant 0 : i32
    %scan3A_6 = arith.constant 14 : i32
    %scan3A_7 = arith.addi %scan3A_5, %scan3A_6 : i32
    %scan3A_8 = arith.constant 1 : i32
    %scan3A_9 = scf.for %scan3A_16 = %scan3A_5 to %scan3A_7 step %scan3A_8 iter_args(%scan3A_17 = %scan3A) -> (i32)  : i32 {
      %mul3A_18 = arith.constant 112 : i32
      %mul3A_19 = arith.muli %scan3A_16, %mul3A_18 : i32
      %add3A_20 = arith.addi %mul3A_2, %mul3A_19 : i32
      "tpu.region"() ({
        %run_scoped3A = tpu.sem_alloc : memref<!tpu.dma_semaphore, #tpu.memory_space<semaphore_mem>>
        %dma_start3A = tpu.memref_slice %arg3[%add3A_20] : memref<50176xi32, #tpu.memory_space<hbm>> -> memref<112xi32, #tpu.memory_space<hbm>>
        %dma_start3A_22 = tpu.memref_slice %arg3[%add3A_20] : memref<50176xi32, #tpu.memory_space<hbm>> -> memref<112xi32, #tpu.memory_space<hbm>>
        tpu.enqueue_dma source(%dma_start3A_22 : memref<112xi32, #tpu.memory_space<hbm>>) target(%arg6 : memref<112xi32, #tpu.memory_space<vmem>>) target_semaphore(%run_scoped3A : memref<!tpu.dma_semaphore, #tpu.memory_space<semaphore_mem>>)
        %dma_wait3A = tpu.memref_slice %arg3[%add3A_20] : memref<50176xi32, #tpu.memory_space<hbm>> -> memref<112xi32, #tpu.memory_space<hbm>>
        %dma_wait3A_23 = tpu.memref_slice %arg3[%add3A_20] : memref<50176xi32, #tpu.memory_space<hbm>> -> memref<112xi32, #tpu.memory_space<hbm>>
        tpu.wait_dma2 semaphore(%run_scoped3A : memref<!tpu.dma_semaphore, #tpu.memory_space<semaphore_mem>>) src(%dma_wait3A_23 : memref<112xi32, #tpu.memory_space<hbm>>) dst(%arg6 : memref<112xi32, #tpu.memory_space<vmem>>)
        tpu.yield
      }) : () -> ()
      "tpu.region"() ({
        %run_scoped3A = tpu.sem_alloc : memref<!tpu.dma_semaphore, #tpu.memory_space<semaphore_mem>>
        %dma_start3A = arith.constant 0 : i32
        %dma_start3A_22 = tpu.memref_slice %arg2[%add3A_20, %dma_start3A] : memref<50176x128xf32, #tpu.memory_space<hbm>> -> memref<112x128xf32, #tpu.memory_space<hbm>>
        %dma_start3A_23 = arith.constant 0 : i32
        %dma_start3A_24 = tpu.memref_slice %arg2[%add3A_20, %dma_start3A_23] : memref<50176x128xf32, #tpu.memory_space<hbm>> -> memref<112x128xf32, #tpu.memory_space<hbm>>
        tpu.enqueue_dma source(%dma_start3A_24 : memref<112x128xf32, #tpu.memory_space<hbm>>) target(%arg7 : memref<112x128xf32, #tpu.memory_space<vmem>>) target_semaphore(%run_scoped3A : memref<!tpu.dma_semaphore, #tpu.memory_space<semaphore_mem>>)
        %dma_wait3A = arith.constant 0 : i32
        %dma_wait3A_25 = tpu.memref_slice %arg2[%add3A_20, %dma_wait3A] : memref<50176x128xf32, #tpu.memory_space<hbm>> -> memref<112x128xf32, #tpu.memory_space<hbm>>
        %dma_wait3A_26 = arith.constant 0 : i32
        %dma_wait3A_27 = tpu.memref_slice %arg2[%add3A_20, %dma_wait3A_26] : memref<50176x128xf32, #tpu.memory_space<hbm>> -> memref<112x128xf32, #tpu.memory_space<hbm>>
        tpu.wait_dma2 semaphore(%run_scoped3A : memref<!tpu.dma_semaphore, #tpu.memory_space<semaphore_mem>>) src(%dma_wait3A_27 : memref<112x128xf32, #tpu.memory_space<hbm>>) dst(%arg7 : memref<112x128xf32, #tpu.memory_space<vmem>>)
        tpu.yield
      }) : () -> ()
      "tpu.region"() ({
        %run_scoped3A = tpu.sem_alloc : memref<!tpu.dma_semaphore, #tpu.memory_space<semaphore_mem>>
        %dma_start3A = arith.constant 0 : i32
        %dma_start3A_22 = arith.constant 0 : i32
        %dma_start3A_23 = tpu.memref_slice %arg9[%dma_start3A, %dma_start3A_22] : memref<640x128xf32, #tpu.memory_space<vmem_shared>> -> memref<640x128xf32, #tpu.memory_space<vmem_shared>>
        tpu.enqueue_indirect_dma source(%arg7 : memref<112x128xf32, #tpu.memory_space<vmem>>) target(%dma_start3A_23 : memref<640x128xf32, #tpu.memory_space<vmem_shared>>) offsets(%arg6 : memref<112xi32, #tpu.memory_space<vmem>>) semaphore(%run_scoped3A : memref<!tpu.dma_semaphore, #tpu.memory_space<semaphore_mem>>) {add = true}
        %dma_wait3A = arith.constant 0 : i32
        %dma_wait3A_24 = arith.constant 0 : i32
        %dma_wait3A_25 = tpu.memref_slice %arg9[%dma_wait3A, %dma_wait3A_24] : memref<640x128xf32, #tpu.memory_space<vmem_shared>> -> memref<640x128xf32, #tpu.memory_space<vmem_shared>>
        tpu.wait_indirect_dma semaphore(%run_scoped3A : memref<!tpu.dma_semaphore, #tpu.memory_space<semaphore_mem>>) src(%arg7 : memref<112x128xf32, #tpu.memory_space<vmem>>) dst(%dma_wait3A_25 : memref<640x128xf32, #tpu.memory_space<vmem_shared>>)
        tpu.yield
      }) : () -> ()
      %scan3A_21 = arith.constant 0 : i32
      scf.yield %scan3A_21 : i32
    }
    %scan3A_10 = arith.constant 14 : i32
    %barrier3A_11 = arith.constant 0 : index
    tpu.barrier barrier_id(%barrier3A_11)
    %mul3A_12 = arith.constant 40 : i32
    %mul3A_13 = arith.muli %arg1, %mul3A_12 : i32
    %mul3A_14 = arith.constant 40 : i32
    %mul3A_15 = arith.muli %arg1, %mul3A_14 : i32
    "tpu.region"() ({
      %run_scoped3A = tpu.sem_alloc : memref<!tpu.dma_semaphore, #tpu.memory_space<semaphore_mem>>
      %dma_start3A = arith.constant 0 : i32
      %dma_start3A_16 = tpu.memref_slice %arg5[%arg0, %mul3A_15, %dma_start3A] : memref<2x640x128xf32, #tpu.memory_space<hbm>> -> memref<1x40x128xf32, #tpu.memory_space<hbm>>
      %dma_start3A_17 = tpu.memref_squeeze %dma_start3A_16 : memref<1x40x128xf32, #tpu.memory_space<hbm>> -> memref<40x128xf32, #tpu.memory_space<hbm>>
      %dma_start3A_18 = arith.constant 0 : i32
      %dma_start3A_19 = tpu.memref_slice %arg9[%mul3A_13, %dma_start3A_18] : memref<640x128xf32, #tpu.memory_space<vmem_shared>> -> memref<40x128xf32, #tpu.memory_space<vmem_shared>>
      tpu.enqueue_dma source(%dma_start3A_19 : memref<40x128xf32, #tpu.memory_space<vmem_shared>>) target(%dma_start3A_17 : memref<40x128xf32, #tpu.memory_space<hbm>>) target_semaphore(%run_scoped3A : memref<!tpu.dma_semaphore, #tpu.memory_space<semaphore_mem>>)
      %dma_wait3A = arith.constant 0 : i32
      %dma_wait3A_20 = tpu.memref_slice %arg5[%arg0, %mul3A_15, %dma_wait3A] : memref<2x640x128xf32, #tpu.memory_space<hbm>> -> memref<1x40x128xf32, #tpu.memory_space<hbm>>
      %dma_wait3A_21 = tpu.memref_squeeze %dma_wait3A_20 : memref<1x40x128xf32, #tpu.memory_space<hbm>> -> memref<40x128xf32, #tpu.memory_space<hbm>>
      %dma_wait3A_22 = arith.constant 0 : i32
      %dma_wait3A_23 = tpu.memref_slice %arg9[%mul3A_13, %dma_wait3A_22] : memref<640x128xf32, #tpu.memory_space<vmem_shared>> -> memref<40x128xf32, #tpu.memory_space<vmem_shared>>
      tpu.wait_dma2 semaphore(%run_scoped3A : memref<!tpu.dma_semaphore, #tpu.memory_space<semaphore_mem>>) src(%dma_wait3A_23 : memref<40x128xf32, #tpu.memory_space<vmem_shared>>) dst(%dma_wait3A_21 : memref<40x128xf32, #tpu.memory_space<hbm>>)
      tpu.yield
    }) : () -> ()
    return
  }
}

#map = affine_map<(d0, d1) -> (0)>
#map1 = affine_map<(d0, d1) -> (0, 0)>
module attributes {stable_mosaic.version = 14 : i64} {
  func.func @_emb_body(%arg0: i32, %arg1: i32, %arg2: memref<50176xi32, #tpu.memory_space<hbm>>, %arg3: memref<50176xi32, #tpu.memory_space<hbm>>, %arg4: memref<50176xi32, #tpu.memory_space<hbm>>, %arg5: memref<50176xi32, #tpu.memory_space<hbm>>, %arg6: memref<50176xi32, #tpu.memory_space<hbm>>, %arg7: memref<55696x128xf32, #tpu.memory_space<hbm>>, %arg8: memref<50176x128xf32, #tpu.memory_space<hbm>>, %arg9: memref<112xi32, #tpu.memory_space<vmem>>, %arg10: memref<112x128xf32, #tpu.memory_space<vmem>>, %arg11: memref<!tpu.dma_semaphore, #tpu.memory_space<semaphore_mem>>) attributes {dimension_semantics = [#tpu.dimension_semantics<core_parallel>, #tpu.dimension_semantics<subcore_parallel>], iteration_bounds = array<i64: 2, 16>, scalar_prefetch = 0 : i64, scratch_operands = 3 : i64, tpu.core_type = #tpu.core_type<sc_vector_subcore>, window_params = [{transform_indices = #map}, {transform_indices = #map}, {transform_indices = #map}, {transform_indices = #map}, {transform_indices = #map}, {transform_indices = #map1}, {transform_indices = #map1}]} {
    %mul3A = arith.constant 2 : i32
    %mul3A_0 = arith.muli %arg1, %mul3A : i32
    %add3A = arith.addi %mul3A_0, %arg0 : i32
    %mul3A_1 = arith.constant 1568 : i32
    %mul3A_2 = arith.muli %add3A, %mul3A_1 : i32
    %scan3A = arith.constant 0 : i32
    %scan3A_3 = arith.constant 0 : i32
    %scan3A_4 = arith.constant 14 : i32
    %scan3A_5 = arith.addi %scan3A_3, %scan3A_4 : i32
    %scan3A_6 = arith.constant 1 : i32
    %scan3A_7 = scf.for %scan3A_9 = %scan3A_3 to %scan3A_5 step %scan3A_6 iter_args(%scan3A_10 = %scan3A) -> (i32)  : i32 {
      %mul3A_11 = arith.constant 112 : i32
      %mul3A_12 = arith.muli %scan3A_9, %mul3A_11 : i32
      %add3A_13 = arith.addi %mul3A_2, %mul3A_12 : i32
      "tpu.region"() ({
        %run_scoped3A = tpu.sem_alloc : memref<!tpu.dma_semaphore, #tpu.memory_space<semaphore_mem>>
        %dma_start3A_43 = tpu.memref_slice %arg2[%add3A_13] : memref<50176xi32, #tpu.memory_space<hbm>> -> memref<112xi32, #tpu.memory_space<hbm>>
        %dma_start3A_44 = tpu.memref_slice %arg2[%add3A_13] : memref<50176xi32, #tpu.memory_space<hbm>> -> memref<112xi32, #tpu.memory_space<hbm>>
        tpu.enqueue_dma source(%dma_start3A_44 : memref<112xi32, #tpu.memory_space<hbm>>) target(%arg9 : memref<112xi32, #tpu.memory_space<vmem>>) target_semaphore(%run_scoped3A : memref<!tpu.dma_semaphore, #tpu.memory_space<semaphore_mem>>)
        %dma_wait3A_45 = tpu.memref_slice %arg2[%add3A_13] : memref<50176xi32, #tpu.memory_space<hbm>> -> memref<112xi32, #tpu.memory_space<hbm>>
        %dma_wait3A_46 = tpu.memref_slice %arg2[%add3A_13] : memref<50176xi32, #tpu.memory_space<hbm>> -> memref<112xi32, #tpu.memory_space<hbm>>
        tpu.wait_dma2 semaphore(%run_scoped3A : memref<!tpu.dma_semaphore, #tpu.memory_space<semaphore_mem>>) src(%dma_wait3A_46 : memref<112xi32, #tpu.memory_space<hbm>>) dst(%arg9 : memref<112xi32, #tpu.memory_space<vmem>>)
        tpu.yield
      }) : () -> ()
      %dma_start3A = arith.constant 0 : i32
      %dma_start3A_14 = arith.constant 0 : i32
      %dma_start3A_15 = tpu.memref_slice %arg7[%dma_start3A, %dma_start3A_14] : memref<55696x128xf32, #tpu.memory_space<hbm>> -> memref<55696x128xf32, #tpu.memory_space<hbm>>
      tpu.enqueue_indirect_dma source(%dma_start3A_15 : memref<55696x128xf32, #tpu.memory_space<hbm>>) target(%arg10 : memref<112x128xf32, #tpu.memory_space<vmem>>) offsets(%arg9 : memref<112xi32, #tpu.memory_space<vmem>>) semaphore(%arg11 : memref<!tpu.dma_semaphore, #tpu.memory_space<semaphore_mem>>)
      %dma_wait3A = arith.constant 0 : i32
      %dma_wait3A_16 = arith.constant 0 : i32
      %dma_wait3A_17 = tpu.memref_slice %arg7[%dma_wait3A, %dma_wait3A_16] : memref<55696x128xf32, #tpu.memory_space<hbm>> -> memref<55696x128xf32, #tpu.memory_space<hbm>>
      tpu.wait_indirect_dma semaphore(%arg11 : memref<!tpu.dma_semaphore, #tpu.memory_space<semaphore_mem>>) src(%dma_wait3A_17 : memref<55696x128xf32, #tpu.memory_space<hbm>>) dst(%arg10 : memref<112x128xf32, #tpu.memory_space<vmem>>)
      "tpu.region"() ({
        %run_scoped3A = tpu.sem_alloc : memref<!tpu.dma_semaphore, #tpu.memory_space<semaphore_mem>>
        %dma_start3A_43 = tpu.memref_slice %arg3[%add3A_13] : memref<50176xi32, #tpu.memory_space<hbm>> -> memref<112xi32, #tpu.memory_space<hbm>>
        %dma_start3A_44 = tpu.memref_slice %arg3[%add3A_13] : memref<50176xi32, #tpu.memory_space<hbm>> -> memref<112xi32, #tpu.memory_space<hbm>>
        tpu.enqueue_dma source(%dma_start3A_44 : memref<112xi32, #tpu.memory_space<hbm>>) target(%arg9 : memref<112xi32, #tpu.memory_space<vmem>>) target_semaphore(%run_scoped3A : memref<!tpu.dma_semaphore, #tpu.memory_space<semaphore_mem>>)
        %dma_wait3A_45 = tpu.memref_slice %arg3[%add3A_13] : memref<50176xi32, #tpu.memory_space<hbm>> -> memref<112xi32, #tpu.memory_space<hbm>>
        %dma_wait3A_46 = tpu.memref_slice %arg3[%add3A_13] : memref<50176xi32, #tpu.memory_space<hbm>> -> memref<112xi32, #tpu.memory_space<hbm>>
        tpu.wait_dma2 semaphore(%run_scoped3A : memref<!tpu.dma_semaphore, #tpu.memory_space<semaphore_mem>>) src(%dma_wait3A_46 : memref<112xi32, #tpu.memory_space<hbm>>) dst(%arg9 : memref<112xi32, #tpu.memory_space<vmem>>)
        tpu.yield
      }) : () -> ()
      %dma_start3A_18 = arith.constant 0 : i32
      %dma_start3A_19 = arith.constant 0 : i32
      %dma_start3A_20 = tpu.memref_slice %arg7[%dma_start3A_18, %dma_start3A_19] : memref<55696x128xf32, #tpu.memory_space<hbm>> -> memref<55696x128xf32, #tpu.memory_space<hbm>>
      tpu.enqueue_indirect_dma source(%dma_start3A_20 : memref<55696x128xf32, #tpu.memory_space<hbm>>) target(%arg10 : memref<112x128xf32, #tpu.memory_space<vmem>>) offsets(%arg9 : memref<112xi32, #tpu.memory_space<vmem>>) semaphore(%arg11 : memref<!tpu.dma_semaphore, #tpu.memory_space<semaphore_mem>>) {add = true}
      %dma_wait3A_21 = arith.constant 0 : i32
      %dma_wait3A_22 = arith.constant 0 : i32
      %dma_wait3A_23 = tpu.memref_slice %arg7[%dma_wait3A_21, %dma_wait3A_22] : memref<55696x128xf32, #tpu.memory_space<hbm>> -> memref<55696x128xf32, #tpu.memory_space<hbm>>
      tpu.wait_indirect_dma semaphore(%arg11 : memref<!tpu.dma_semaphore, #tpu.memory_space<semaphore_mem>>) src(%dma_wait3A_23 : memref<55696x128xf32, #tpu.memory_space<hbm>>) dst(%arg10 : memref<112x128xf32, #tpu.memory_space<vmem>>)
      "tpu.region"() ({
        %run_scoped3A = tpu.sem_alloc : memref<!tpu.dma_semaphore, #tpu.memory_space<semaphore_mem>>
        %dma_start3A_43 = tpu.memref_slice %arg4[%add3A_13] : memref<50176xi32, #tpu.memory_space<hbm>> -> memref<112xi32, #tpu.memory_space<hbm>>
        %dma_start3A_44 = tpu.memref_slice %arg4[%add3A_13] : memref<50176xi32, #tpu.memory_space<hbm>> -> memref<112xi32, #tpu.memory_space<hbm>>
        tpu.enqueue_dma source(%dma_start3A_44 : memref<112xi32, #tpu.memory_space<hbm>>) target(%arg9 : memref<112xi32, #tpu.memory_space<vmem>>) target_semaphore(%run_scoped3A : memref<!tpu.dma_semaphore, #tpu.memory_space<semaphore_mem>>)
        %dma_wait3A_45 = tpu.memref_slice %arg4[%add3A_13] : memref<50176xi32, #tpu.memory_space<hbm>> -> memref<112xi32, #tpu.memory_space<hbm>>
        %dma_wait3A_46 = tpu.memref_slice %arg4[%add3A_13] : memref<50176xi32, #tpu.memory_space<hbm>> -> memref<112xi32, #tpu.memory_space<hbm>>
        tpu.wait_dma2 semaphore(%run_scoped3A : memref<!tpu.dma_semaphore, #tpu.memory_space<semaphore_mem>>) src(%dma_wait3A_46 : memref<112xi32, #tpu.memory_space<hbm>>) dst(%arg9 : memref<112xi32, #tpu.memory_space<vmem>>)
        tpu.yield
      }) : () -> ()
      %dma_start3A_24 = arith.constant 0 : i32
      %dma_start3A_25 = arith.constant 0 : i32
      %dma_start3A_26 = tpu.memref_slice %arg7[%dma_start3A_24, %dma_start3A_25] : memref<55696x128xf32, #tpu.memory_space<hbm>> -> memref<55696x128xf32, #tpu.memory_space<hbm>>
      tpu.enqueue_indirect_dma source(%dma_start3A_26 : memref<55696x128xf32, #tpu.memory_space<hbm>>) target(%arg10 : memref<112x128xf32, #tpu.memory_space<vmem>>) offsets(%arg9 : memref<112xi32, #tpu.memory_space<vmem>>) semaphore(%arg11 : memref<!tpu.dma_semaphore, #tpu.memory_space<semaphore_mem>>) {add = true}
      %dma_wait3A_27 = arith.constant 0 : i32
      %dma_wait3A_28 = arith.constant 0 : i32
      %dma_wait3A_29 = tpu.memref_slice %arg7[%dma_wait3A_27, %dma_wait3A_28] : memref<55696x128xf32, #tpu.memory_space<hbm>> -> memref<55696x128xf32, #tpu.memory_space<hbm>>
      tpu.wait_indirect_dma semaphore(%arg11 : memref<!tpu.dma_semaphore, #tpu.memory_space<semaphore_mem>>) src(%dma_wait3A_29 : memref<55696x128xf32, #tpu.memory_space<hbm>>) dst(%arg10 : memref<112x128xf32, #tpu.memory_space<vmem>>)
      "tpu.region"() ({
        %run_scoped3A = tpu.sem_alloc : memref<!tpu.dma_semaphore, #tpu.memory_space<semaphore_mem>>
        %dma_start3A_43 = tpu.memref_slice %arg5[%add3A_13] : memref<50176xi32, #tpu.memory_space<hbm>> -> memref<112xi32, #tpu.memory_space<hbm>>
        %dma_start3A_44 = tpu.memref_slice %arg5[%add3A_13] : memref<50176xi32, #tpu.memory_space<hbm>> -> memref<112xi32, #tpu.memory_space<hbm>>
        tpu.enqueue_dma source(%dma_start3A_44 : memref<112xi32, #tpu.memory_space<hbm>>) target(%arg9 : memref<112xi32, #tpu.memory_space<vmem>>) target_semaphore(%run_scoped3A : memref<!tpu.dma_semaphore, #tpu.memory_space<semaphore_mem>>)
        %dma_wait3A_45 = tpu.memref_slice %arg5[%add3A_13] : memref<50176xi32, #tpu.memory_space<hbm>> -> memref<112xi32, #tpu.memory_space<hbm>>
        %dma_wait3A_46 = tpu.memref_slice %arg5[%add3A_13] : memref<50176xi32, #tpu.memory_space<hbm>> -> memref<112xi32, #tpu.memory_space<hbm>>
        tpu.wait_dma2 semaphore(%run_scoped3A : memref<!tpu.dma_semaphore, #tpu.memory_space<semaphore_mem>>) src(%dma_wait3A_46 : memref<112xi32, #tpu.memory_space<hbm>>) dst(%arg9 : memref<112xi32, #tpu.memory_space<vmem>>)
        tpu.yield
      }) : () -> ()
      %dma_start3A_30 = arith.constant 0 : i32
      %dma_start3A_31 = arith.constant 0 : i32
      %dma_start3A_32 = tpu.memref_slice %arg7[%dma_start3A_30, %dma_start3A_31] : memref<55696x128xf32, #tpu.memory_space<hbm>> -> memref<55696x128xf32, #tpu.memory_space<hbm>>
      tpu.enqueue_indirect_dma source(%dma_start3A_32 : memref<55696x128xf32, #tpu.memory_space<hbm>>) target(%arg10 : memref<112x128xf32, #tpu.memory_space<vmem>>) offsets(%arg9 : memref<112xi32, #tpu.memory_space<vmem>>) semaphore(%arg11 : memref<!tpu.dma_semaphore, #tpu.memory_space<semaphore_mem>>) {add = true}
      %dma_wait3A_33 = arith.constant 0 : i32
      %dma_wait3A_34 = arith.constant 0 : i32
      %dma_wait3A_35 = tpu.memref_slice %arg7[%dma_wait3A_33, %dma_wait3A_34] : memref<55696x128xf32, #tpu.memory_space<hbm>> -> memref<55696x128xf32, #tpu.memory_space<hbm>>
      tpu.wait_indirect_dma semaphore(%arg11 : memref<!tpu.dma_semaphore, #tpu.memory_space<semaphore_mem>>) src(%dma_wait3A_35 : memref<55696x128xf32, #tpu.memory_space<hbm>>) dst(%arg10 : memref<112x128xf32, #tpu.memory_space<vmem>>)
      "tpu.region"() ({
        %run_scoped3A = tpu.sem_alloc : memref<!tpu.dma_semaphore, #tpu.memory_space<semaphore_mem>>
        %dma_start3A_43 = tpu.memref_slice %arg6[%add3A_13] : memref<50176xi32, #tpu.memory_space<hbm>> -> memref<112xi32, #tpu.memory_space<hbm>>
        %dma_start3A_44 = tpu.memref_slice %arg6[%add3A_13] : memref<50176xi32, #tpu.memory_space<hbm>> -> memref<112xi32, #tpu.memory_space<hbm>>
        tpu.enqueue_dma source(%dma_start3A_44 : memref<112xi32, #tpu.memory_space<hbm>>) target(%arg9 : memref<112xi32, #tpu.memory_space<vmem>>) target_semaphore(%run_scoped3A : memref<!tpu.dma_semaphore, #tpu.memory_space<semaphore_mem>>)
        %dma_wait3A_45 = tpu.memref_slice %arg6[%add3A_13] : memref<50176xi32, #tpu.memory_space<hbm>> -> memref<112xi32, #tpu.memory_space<hbm>>
        %dma_wait3A_46 = tpu.memref_slice %arg6[%add3A_13] : memref<50176xi32, #tpu.memory_space<hbm>> -> memref<112xi32, #tpu.memory_space<hbm>>
        tpu.wait_dma2 semaphore(%run_scoped3A : memref<!tpu.dma_semaphore, #tpu.memory_space<semaphore_mem>>) src(%dma_wait3A_46 : memref<112xi32, #tpu.memory_space<hbm>>) dst(%arg9 : memref<112xi32, #tpu.memory_space<vmem>>)
        tpu.yield
      }) : () -> ()
      %dma_start3A_36 = arith.constant 0 : i32
      %dma_start3A_37 = arith.constant 0 : i32
      %dma_start3A_38 = tpu.memref_slice %arg7[%dma_start3A_36, %dma_start3A_37] : memref<55696x128xf32, #tpu.memory_space<hbm>> -> memref<55696x128xf32, #tpu.memory_space<hbm>>
      tpu.enqueue_indirect_dma source(%dma_start3A_38 : memref<55696x128xf32, #tpu.memory_space<hbm>>) target(%arg10 : memref<112x128xf32, #tpu.memory_space<vmem>>) offsets(%arg9 : memref<112xi32, #tpu.memory_space<vmem>>) semaphore(%arg11 : memref<!tpu.dma_semaphore, #tpu.memory_space<semaphore_mem>>) {add = true}
      %dma_wait3A_39 = arith.constant 0 : i32
      %dma_wait3A_40 = arith.constant 0 : i32
      %dma_wait3A_41 = tpu.memref_slice %arg7[%dma_wait3A_39, %dma_wait3A_40] : memref<55696x128xf32, #tpu.memory_space<hbm>> -> memref<55696x128xf32, #tpu.memory_space<hbm>>
      tpu.wait_indirect_dma semaphore(%arg11 : memref<!tpu.dma_semaphore, #tpu.memory_space<semaphore_mem>>) src(%dma_wait3A_41 : memref<55696x128xf32, #tpu.memory_space<hbm>>) dst(%arg10 : memref<112x128xf32, #tpu.memory_space<vmem>>)
      "tpu.region"() ({
        %run_scoped3A = tpu.sem_alloc : memref<!tpu.dma_semaphore, #tpu.memory_space<semaphore_mem>>
        %dma_start3A_43 = arith.constant 0 : i32
        %dma_start3A_44 = tpu.memref_slice %arg8[%add3A_13, %dma_start3A_43] : memref<50176x128xf32, #tpu.memory_space<hbm>> -> memref<112x128xf32, #tpu.memory_space<hbm>>
        %dma_start3A_45 = arith.constant 0 : i32
        %dma_start3A_46 = tpu.memref_slice %arg8[%add3A_13, %dma_start3A_45] : memref<50176x128xf32, #tpu.memory_space<hbm>> -> memref<112x128xf32, #tpu.memory_space<hbm>>
        tpu.enqueue_dma source(%arg10 : memref<112x128xf32, #tpu.memory_space<vmem>>) target(%dma_start3A_46 : memref<112x128xf32, #tpu.memory_space<hbm>>) target_semaphore(%run_scoped3A : memref<!tpu.dma_semaphore, #tpu.memory_space<semaphore_mem>>)
        %dma_wait3A_47 = arith.constant 0 : i32
        %dma_wait3A_48 = tpu.memref_slice %arg8[%add3A_13, %dma_wait3A_47] : memref<50176x128xf32, #tpu.memory_space<hbm>> -> memref<112x128xf32, #tpu.memory_space<hbm>>
        %dma_wait3A_49 = arith.constant 0 : i32
        %dma_wait3A_50 = tpu.memref_slice %arg8[%add3A_13, %dma_wait3A_49] : memref<50176x128xf32, #tpu.memory_space<hbm>> -> memref<112x128xf32, #tpu.memory_space<hbm>>
        tpu.wait_dma2 semaphore(%run_scoped3A : memref<!tpu.dma_semaphore, #tpu.memory_space<semaphore_mem>>) src(%arg10 : memref<112x128xf32, #tpu.memory_space<vmem>>) dst(%dma_wait3A_50 : memref<112x128xf32, #tpu.memory_space<hbm>>)
        tpu.yield
      }) : () -> ()
      %scan3A_42 = arith.constant 0 : i32
      scf.yield %scan3A_42 : i32
    }
    %scan3A_8 = arith.constant 14 : i32
    return
  }
}

#map = affine_map<(d0, d1) -> (0, 0)>
#map1 = affine_map<(d0, d1) -> (0)>
module attributes {stable_mosaic.version = 14 : i64} {
  func.func @_agg_body(%arg0: i32, %arg1: i32, %arg2: memref<50176x128xf32, #tpu.memory_space<hbm>>, %arg3: memref<800000xi32, #tpu.memory_space<hbm>>, %arg4: memref<800000xi32, #tpu.memory_space<hbm>>, %arg5: memref<112x128xf32, #tpu.memory_space<hbm>>, %arg6: memref<50176x128xf32, #tpu.memory_space<hbm>>, %arg7: memref<224xi32, #tpu.memory_space<vmem>>, %arg8: memref<224xi32, #tpu.memory_space<vmem>>, %arg9: memref<224xi32, #tpu.memory_space<vmem>>, %arg10: memref<224xi32, #tpu.memory_space<vmem>>, %arg11: memref<112xi32, #tpu.memory_space<vmem>>, %arg12: memref<112xi32, #tpu.memory_space<vmem>>, %arg13: memref<112xi32, #tpu.memory_space<vmem>>, %arg14: memref<112xi32, #tpu.memory_space<vmem>>, %arg15: memref<112xi32, #tpu.memory_space<vmem>>, %arg16: memref<112xi32, #tpu.memory_space<vmem>>, %arg17: memref<112xi32, #tpu.memory_space<vmem>>, %arg18: memref<112xi32, #tpu.memory_space<vmem>>, %arg19: memref<2x112x128xf32, #tpu.memory_space<vmem>>, %arg20: memref<!tpu.dma_semaphore, #tpu.memory_space<semaphore_mem>>, %arg21: memref<!tpu.dma_semaphore, #tpu.memory_space<semaphore_mem>>, %arg22: memref<!tpu.dma_semaphore, #tpu.memory_space<semaphore_mem>>, %arg23: memref<!tpu.dma_semaphore, #tpu.memory_space<semaphore_mem>>, %arg24: memref<!tpu.dma_semaphore, #tpu.memory_space<semaphore_mem>>, %arg25: memref<!tpu.dma_semaphore, #tpu.memory_space<semaphore_mem>>, %arg26: memref<12544x128xf32, #tpu.memory_space<vmem_shared>>) attributes {dimension_semantics = [#tpu.dimension_semantics<core_parallel>, #tpu.dimension_semantics<subcore_parallel>], iteration_bounds = array<i64: 2, 16>, scalar_prefetch = 0 : i64, scratch_operands = 20 : i64, tpu.core_type = #tpu.core_type<sc_vector_subcore>, window_params = [{transform_indices = #map}, {transform_indices = #map1}, {transform_indices = #map1}, {transform_indices = #map}, {transform_indices = #map}]} {
    %mul3A = arith.constant 50000 : i32
    %mul3A_0 = arith.muli %arg1, %mul3A : i32
    %add3A = arith.constant 0 : i32
    %add3A_1 = arith.addi %add3A, %arg0 : i32
    %mul3A_2 = arith.constant 12544 : i32
    %mul3A_3 = arith.muli %add3A_1, %mul3A_2 : i32
    %scan3A = arith.constant 0 : i32
    %scan3A_4 = arith.constant 0 : i32
    %scan3A_5 = arith.constant 7 : i32
    %scan3A_6 = arith.addi %scan3A_4, %scan3A_5 : i32
    %scan3A_7 = arith.constant 1 : i32
    %scan3A_8 = scf.for %scan3A_1319 = %scan3A_4 to %scan3A_6 step %scan3A_7 iter_args(%scan3A_1320 = %scan3A) -> (i32)  : i32 {
      %mul3A_1321 = arith.constant 784 : i32
      %mul3A_1322 = arith.muli %arg1, %mul3A_1321 : i32
      %mul3A_1323 = arith.constant 112 : i32
      %mul3A_1324 = arith.muli %scan3A_1319, %mul3A_1323 : i32
      %add3A_1325 = arith.addi %mul3A_1322, %mul3A_1324 : i32
      "tpu.region"() ({
        %run_scoped3A_1327 = tpu.sem_alloc : memref<!tpu.dma_semaphore, #tpu.memory_space<semaphore_mem>>
        %dma_start3A_1328 = arith.constant 0 : i32
        %dma_start3A_1329 = tpu.memref_slice %arg26[%add3A_1325, %dma_start3A_1328] : memref<12544x128xf32, #tpu.memory_space<vmem_shared>> -> memref<112x128xf32, #tpu.memory_space<vmem_shared>>
        %dma_start3A_1330 = arith.constant 0 : i32
        %dma_start3A_1331 = arith.constant 0 : i32
        %dma_start3A_1332 = tpu.memref_slice %arg5[%dma_start3A_1330, %dma_start3A_1331] : memref<112x128xf32, #tpu.memory_space<hbm>> -> memref<112x128xf32, #tpu.memory_space<hbm>>
        tpu.enqueue_dma source(%dma_start3A_1332 : memref<112x128xf32, #tpu.memory_space<hbm>>) target(%dma_start3A_1329 : memref<112x128xf32, #tpu.memory_space<vmem_shared>>) target_semaphore(%run_scoped3A_1327 : memref<!tpu.dma_semaphore, #tpu.memory_space<semaphore_mem>>)
        %dma_wait3A_1333 = arith.constant 0 : i32
        %dma_wait3A_1334 = tpu.memref_slice %arg26[%add3A_1325, %dma_wait3A_1333] : memref<12544x128xf32, #tpu.memory_space<vmem_shared>> -> memref<112x128xf32, #tpu.memory_space<vmem_shared>>
        %dma_wait3A_1335 = arith.constant 0 : i32
        %dma_wait3A_1336 = arith.constant 0 : i32
        %dma_wait3A_1337 = tpu.memref_slice %arg5[%dma_wait3A_1335, %dma_wait3A_1336] : memref<112x128xf32, #tpu.memory_space<hbm>> -> memref<112x128xf32, #tpu.memory_space<hbm>>
        tpu.wait_dma2 semaphore(%run_scoped3A_1327 : memref<!tpu.dma_semaphore, #tpu.memory_space<semaphore_mem>>) src(%dma_wait3A_1337 : memref<112x128xf32, #tpu.memory_space<hbm>>) dst(%dma_wait3A_1334 : memref<112x128xf32, #tpu.memory_space<vmem_shared>>)
        tpu.yield
      }) : () -> ()
      %scan3A_1326 = arith.constant 0 : i32
      scf.yield %scan3A_1326 : i32
    }
    %scan3A_9 = arith.constant 7 : i32
    %barrier3A = arith.constant 0 : index
    tpu.barrier barrier_id(%barrier3A)
    %add3A_10 = arith.constant 0 : i32
    %add3A_11 = arith.addi %mul3A_0, %add3A_10 : i32
    %add3A_12 = arith.constant 50000 : i32
    %add3A_13 = arith.addi %mul3A_0, %add3A_12 : i32
    %sub3A = arith.constant 224 : i32
    %sub3A_14 = arith.subi %add3A_13, %sub3A : i32
    %min3A = arith.minsi %add3A_11, %sub3A_14 : i32
    %dma_start3A = tpu.memref_slice %arg3[%min3A] : memref<800000xi32, #tpu.memory_space<hbm>> -> memref<224xi32, #tpu.memory_space<hbm>>
    %dma_start3A_15 = tpu.memref_slice %arg3[%min3A] : memref<800000xi32, #tpu.memory_space<hbm>> -> memref<224xi32, #tpu.memory_space<hbm>>
    tpu.enqueue_dma source(%dma_start3A_15 : memref<224xi32, #tpu.memory_space<hbm>>) target(%arg7 : memref<224xi32, #tpu.memory_space<vmem>>) target_semaphore(%arg22 : memref<!tpu.dma_semaphore, #tpu.memory_space<semaphore_mem>>)
    %dma_start3A_16 = tpu.memref_slice %arg4[%min3A] : memref<800000xi32, #tpu.memory_space<hbm>> -> memref<224xi32, #tpu.memory_space<hbm>>
    %dma_start3A_17 = tpu.memref_slice %arg4[%min3A] : memref<800000xi32, #tpu.memory_space<hbm>> -> memref<224xi32, #tpu.memory_space<hbm>>
    tpu.enqueue_dma source(%dma_start3A_17 : memref<224xi32, #tpu.memory_space<hbm>>) target(%arg9 : memref<224xi32, #tpu.memory_space<vmem>>) target_semaphore(%arg23 : memref<!tpu.dma_semaphore, #tpu.memory_space<semaphore_mem>>)
    %add3A_18 = arith.constant 0 : i32
    %add3A_19 = arith.addi %mul3A_0, %add3A_18 : i32
    %add3A_20 = arith.constant 50000 : i32
    %add3A_21 = arith.addi %mul3A_0, %add3A_20 : i32
    %sub3A_22 = arith.constant 224 : i32
    %sub3A_23 = arith.subi %add3A_21, %sub3A_22 : i32
    %min3A_24 = arith.minsi %add3A_19, %sub3A_23 : i32
    %dma_wait3A = tpu.memref_slice %arg3[%min3A_24] : memref<800000xi32, #tpu.memory_space<hbm>> -> memref<224xi32, #tpu.memory_space<hbm>>
    %dma_wait3A_25 = tpu.memref_slice %arg3[%min3A_24] : memref<800000xi32, #tpu.memory_space<hbm>> -> memref<224xi32, #tpu.memory_space<hbm>>
    tpu.wait_dma2 semaphore(%arg22 : memref<!tpu.dma_semaphore, #tpu.memory_space<semaphore_mem>>) src(%dma_wait3A_25 : memref<224xi32, #tpu.memory_space<hbm>>) dst(%arg7 : memref<224xi32, #tpu.memory_space<vmem>>)
    %dma_wait3A_26 = tpu.memref_slice %arg4[%min3A_24] : memref<800000xi32, #tpu.memory_space<hbm>> -> memref<224xi32, #tpu.memory_space<hbm>>
    %dma_wait3A_27 = tpu.memref_slice %arg4[%min3A_24] : memref<800000xi32, #tpu.memory_space<hbm>> -> memref<224xi32, #tpu.memory_space<hbm>>
    tpu.wait_dma2 semaphore(%arg23 : memref<!tpu.dma_semaphore, #tpu.memory_space<semaphore_mem>>) src(%dma_wait3A_27 : memref<224xi32, #tpu.memory_space<hbm>>) dst(%arg9 : memref<224xi32, #tpu.memory_space<vmem>>)
    %add3A_28 = arith.constant 224 : i32
    %add3A_29 = arith.addi %mul3A_0, %add3A_28 : i32
    %add3A_30 = arith.constant 50000 : i32
    %add3A_31 = arith.addi %mul3A_0, %add3A_30 : i32
    %sub3A_32 = arith.constant 224 : i32
    %sub3A_33 = arith.subi %add3A_31, %sub3A_32 : i32
    %min3A_34 = arith.minsi %add3A_29, %sub3A_33 : i32
    %dma_start3A_35 = tpu.memref_slice %arg3[%min3A_34] : memref<800000xi32, #tpu.memory_space<hbm>> -> memref<224xi32, #tpu.memory_space<hbm>>
    %dma_start3A_36 = tpu.memref_slice %arg3[%min3A_34] : memref<800000xi32, #tpu.memory_space<hbm>> -> memref<224xi32, #tpu.memory_space<hbm>>
    tpu.enqueue_dma source(%dma_start3A_36 : memref<224xi32, #tpu.memory_space<hbm>>) target(%arg8 : memref<224xi32, #tpu.memory_space<vmem>>) target_semaphore(%arg24 : memref<!tpu.dma_semaphore, #tpu.memory_space<semaphore_mem>>)
    %dma_start3A_37 = tpu.memref_slice %arg4[%min3A_34] : memref<800000xi32, #tpu.memory_space<hbm>> -> memref<224xi32, #tpu.memory_space<hbm>>
    %dma_start3A_38 = tpu.memref_slice %arg4[%min3A_34] : memref<800000xi32, #tpu.memory_space<hbm>> -> memref<224xi32, #tpu.memory_space<hbm>>
    tpu.enqueue_dma source(%dma_start3A_38 : memref<224xi32, #tpu.memory_space<hbm>>) target(%arg10 : memref<224xi32, #tpu.memory_space<vmem>>) target_semaphore(%arg25 : memref<!tpu.dma_semaphore, #tpu.memory_space<semaphore_mem>>)
    %get3A = arith.constant 0 : index
    %get3A_39 = tpu.vector_load %arg9[%get3A] {strides = array<i32>} : memref<224xi32, #tpu.memory_space<vmem>>, vector<16xi32>,
    %get3A_40 = vector.shape_cast %get3A_39 : vector<16xi32> to vector<16xi32>
    %get3A_41 = arith.constant 0 : index
    %get3A_42 = tpu.vector_load %arg7[%get3A_41] {strides = array<i32>} : memref<224xi32, #tpu.memory_space<vmem>>, vector<16xi32>,
    %get3A_43 = vector.shape_cast %get3A_42 : vector<16xi32> to vector<16xi32>
    %ge3A = vector.broadcast %mul3A_3 : i32 to vector<16xi32>
    %ge3A_44 = arith.cmpi sge, %get3A_40, %ge3A : vector<16xi32>
    %add3A_45 = arith.constant 12544 : i32
    %add3A_46 = arith.addi %mul3A_3, %add3A_45 : i32
    %lt3A = vector.broadcast %add3A_46 : i32 to vector<16xi32>
    %lt3A_47 = arith.cmpi slt, %get3A_40, %lt3A : vector<16xi32>
    %and3A = arith.andi %ge3A_44, %lt3A_47 : vector<16xi1>
    %jit3A = arith.constant -1 : i32
    %broadcast_in_dim3A = vector.broadcast %jit3A : i32 to vector<16xi32>
    %select_n3A = arith.select %and3A, %get3A_43, %broadcast_in_dim3A : vector<16xi1>, vector<16xi32>
    %swap3A = arith.constant 0 : index
    %swap3A_48 = tpu.vector_load %arg11[%swap3A] {strides = array<i32>} : memref<112xi32, #tpu.memory_space<vmem>>, vector<16xi32>,
    %swap3A_49 = vector.shape_cast %swap3A_48 : vector<16xi32> to vector<16xi32>
    %swap3A_50 = vector.shape_cast %select_n3A : vector<16xi32> to vector<16xi32>
    tpu.vector_store %arg11[%swap3A], %swap3A_50 {strides = array<i32>} : memref<112xi32, #tpu.memory_space<vmem>>, vector<16xi32>,
    %sub3A_51 = vector.broadcast %mul3A_3 : i32 to vector<16xi32>
    %sub3A_52 = arith.subi %get3A_40, %sub3A_51 : vector<16xi32>
    %jit3A_53 = arith.constant -1 : i32
    %broadcast_in_dim3A_54 = vector.broadcast %jit3A_53 : i32 to vector<16xi32>
    %select_n3A_55 = arith.select %and3A, %sub3A_52, %broadcast_in_dim3A_54 : vector<16xi1>, vector<16xi32>
    %swap3A_56 = arith.constant 0 : index
    %swap3A_57 = tpu.vector_load %arg15[%swap3A_56] {strides = array<i32>} : memref<112xi32, #tpu.memory_space<vmem>>, vector<16xi32>,
    %swap3A_58 = vector.shape_cast %swap3A_57 : vector<16xi32> to vector<16xi32>
    %swap3A_59 = vector.shape_cast %select_n3A_55 : vector<16xi32> to vector<16xi32>
    tpu.vector_store %arg15[%swap3A_56], %swap3A_59 {strides = array<i32>} : memref<112xi32, #tpu.memory_space<vmem>>, vector<16xi32>,
    %get3A_60 = arith.constant 16 : index
    %get3A_61 = tpu.vector_load %arg9[%get3A_60] {strides = array<i32>} : memref<224xi32, #tpu.memory_space<vmem>>, vector<16xi32>,
    %get3A_62 = vector.shape_cast %get3A_61 : vector<16xi32> to vector<16xi32>
    %get3A_63 = arith.constant 16 : index
    %get3A_64 = tpu.vector_load %arg7[%get3A_63] {strides = array<i32>} : memref<224xi32, #tpu.memory_space<vmem>>, vector<16xi32>,
    %get3A_65 = vector.shape_cast %get3A_64 : vector<16xi32> to vector<16xi32>
    %ge3A_66 = vector.broadcast %mul3A_3 : i32 to vector<16xi32>
    %ge3A_67 = arith.cmpi sge, %get3A_62, %ge3A_66 : vector<16xi32>
    %add3A_68 = arith.constant 12544 : i32
    %add3A_69 = arith.addi %mul3A_3, %add3A_68 : i32
    %lt3A_70 = vector.broadcast %add3A_69 : i32 to vector<16xi32>
    %lt3A_71 = arith.cmpi slt, %get3A_62, %lt3A_70 : vector<16xi32>
    %and3A_72 = arith.andi %ge3A_67, %lt3A_71 : vector<16xi1>
    %jit3A_73 = arith.constant -1 : i32
    %broadcast_in_dim3A_74 = vector.broadcast %jit3A_73 : i32 to vector<16xi32>
    %select_n3A_75 = arith.select %and3A_72, %get3A_65, %broadcast_in_dim3A_74 : vector<16xi1>, vector<16xi32>
    %swap3A_76 = arith.constant 16 : index
    %swap3A_77 = tpu.vector_load %arg11[%swap3A_76] {strides = array<i32>} : memref<112xi32, #tpu.memory_space<vmem>>, vector<16xi32>,
    %swap3A_78 = vector.shape_cast %swap3A_77 : vector<16xi32> to vector<16xi32>
    %swap3A_79 = vector.shape_cast %select_n3A_75 : vector<16xi32> to vector<16xi32>
    tpu.vector_store %arg11[%swap3A_76], %swap3A_79 {strides = array<i32>} : memref<112xi32, #tpu.memory_space<vmem>>, vector<16xi32>,
    %sub3A_80 = vector.broadcast %mul3A_3 : i32 to vector<16xi32>
    %sub3A_81 = arith.subi %get3A_62, %sub3A_80 : vector<16xi32>
    %jit3A_82 = arith.constant -1 : i32
    %broadcast_in_dim3A_83 = vector.broadcast %jit3A_82 : i32 to vector<16xi32>
    %select_n3A_84 = arith.select %and3A_72, %sub3A_81, %broadcast_in_dim3A_83 : vector<16xi1>, vector<16xi32>
    %swap3A_85 = arith.constant 16 : index
    %swap3A_86 = tpu.vector_load %arg15[%swap3A_85] {strides = array<i32>} : memref<112xi32, #tpu.memory_space<vmem>>, vector<16xi32>,
    %swap3A_87 = vector.shape_cast %swap3A_86 : vector<16xi32> to vector<16xi32>
    %swap3A_88 = vector.shape_cast %select_n3A_84 : vector<16xi32> to vector<16xi32>
    tpu.vector_store %arg15[%swap3A_85], %swap3A_88 {strides = array<i32>} : memref<112xi32, #tpu.memory_space<vmem>>, vector<16xi32>,
    %get3A_89 = arith.constant 32 : index
    %get3A_90 = tpu.vector_load %arg9[%get3A_89] {strides = array<i32>} : memref<224xi32, #tpu.memory_space<vmem>>, vector<16xi32>,
    %get3A_91 = vector.shape_cast %get3A_90 : vector<16xi32> to vector<16xi32>
    %get3A_92 = arith.constant 32 : index
    %get3A_93 = tpu.vector_load %arg7[%get3A_92] {strides = array<i32>} : memref<224xi32, #tpu.memory_space<vmem>>, vector<16xi32>,
    %get3A_94 = vector.shape_cast %get3A_93 : vector<16xi32> to vector<16xi32>
    %ge3A_95 = vector.broadcast %mul3A_3 : i32 to vector<16xi32>
    %ge3A_96 = arith.cmpi sge, %get3A_91, %ge3A_95 : vector<16xi32>
    %add3A_97 = arith.constant 12544 : i32
    %add3A_98 = arith.addi %mul3A_3, %add3A_97 : i32
    %lt3A_99 = vector.broadcast %add3A_98 : i32 to vector<16xi32>
    %lt3A_100 = arith.cmpi slt, %get3A_91, %lt3A_99 : vector<16xi32>
    %and3A_101 = arith.andi %ge3A_96, %lt3A_100 : vector<16xi1>
    %jit3A_102 = arith.constant -1 : i32
    %broadcast_in_dim3A_103 = vector.broadcast %jit3A_102 : i32 to vector<16xi32>
    %select_n3A_104 = arith.select %and3A_101, %get3A_94, %broadcast_in_dim3A_103 : vector<16xi1>, vector<16xi32>
    %swap3A_105 = arith.constant 32 : index
    %swap3A_106 = tpu.vector_load %arg11[%swap3A_105] {strides = array<i32>} : memref<112xi32, #tpu.memory_space<vmem>>, vector<16xi32>,
    %swap3A_107 = vector.shape_cast %swap3A_106 : vector<16xi32> to vector<16xi32>
    %swap3A_108 = vector.shape_cast %select_n3A_104 : vector<16xi32> to vector<16xi32>
    tpu.vector_store %arg11[%swap3A_105], %swap3A_108 {strides = array<i32>} : memref<112xi32, #tpu.memory_space<vmem>>, vector<16xi32>,
    %sub3A_109 = vector.broadcast %mul3A_3 : i32 to vector<16xi32>
    %sub3A_110 = arith.subi %get3A_91, %sub3A_109 : vector<16xi32>
    %jit3A_111 = arith.constant -1 : i32
    %broadcast_in_dim3A_112 = vector.broadcast %jit3A_111 : i32 to vector<16xi32>
    %select_n3A_113 = arith.select %and3A_101, %sub3A_110, %broadcast_in_dim3A_112 : vector<16xi1>, vector<16xi32>
    %swap3A_114 = arith.constant 32 : index
    %swap3A_115 = tpu.vector_load %arg15[%swap3A_114] {strides = array<i32>} : memref<112xi32, #tpu.memory_space<vmem>>, vector<16xi32>,
    %swap3A_116 = vector.shape_cast %swap3A_115 : vector<16xi32> to vector<16xi32>
    %swap3A_117 = vector.shape_cast %select_n3A_113 : vector<16xi32> to vector<16xi32>
    tpu.vector_store %arg15[%swap3A_114], %swap3A_117 {strides = array<i32>} : memref<112xi32, #tpu.memory_space<vmem>>, vector<16xi32>,
    %get3A_118 = arith.constant 48 : index
    %get3A_119 = tpu.vector_load %arg9[%get3A_118] {strides = array<i32>} : memref<224xi32, #tpu.memory_space<vmem>>, vector<16xi32>,
    %get3A_120 = vector.shape_cast %get3A_119 : vector<16xi32> to vector<16xi32>
    %get3A_121 = arith.constant 48 : index
    %get3A_122 = tpu.vector_load %arg7[%get3A_121] {strides = array<i32>} : memref<224xi32, #tpu.memory_space<vmem>>, vector<16xi32>,
    %get3A_123 = vector.shape_cast %get3A_122 : vector<16xi32> to vector<16xi32>
    %ge3A_124 = vector.broadcast %mul3A_3 : i32 to vector<16xi32>
    %ge3A_125 = arith.cmpi sge, %get3A_120, %ge3A_124 : vector<16xi32>
    %add3A_126 = arith.constant 12544 : i32
    %add3A_127 = arith.addi %mul3A_3, %add3A_126 : i32
    %lt3A_128 = vector.broadcast %add3A_127 : i32 to vector<16xi32>
    %lt3A_129 = arith.cmpi slt, %get3A_120, %lt3A_128 : vector<16xi32>
    %and3A_130 = arith.andi %ge3A_125, %lt3A_129 : vector<16xi1>
    %jit3A_131 = arith.constant -1 : i32
    %broadcast_in_dim3A_132 = vector.broadcast %jit3A_131 : i32 to vector<16xi32>
    %select_n3A_133 = arith.select %and3A_130, %get3A_123, %broadcast_in_dim3A_132 : vector<16xi1>, vector<16xi32>
    %swap3A_134 = arith.constant 48 : index
    %swap3A_135 = tpu.vector_load %arg11[%swap3A_134] {strides = array<i32>} : memref<112xi32, #tpu.memory_space<vmem>>, vector<16xi32>,
    %swap3A_136 = vector.shape_cast %swap3A_135 : vector<16xi32> to vector<16xi32>
    %swap3A_137 = vector.shape_cast %select_n3A_133 : vector<16xi32> to vector<16xi32>
    tpu.vector_store %arg11[%swap3A_134], %swap3A_137 {strides = array<i32>} : memref<112xi32, #tpu.memory_space<vmem>>, vector<16xi32>,
    %sub3A_138 = vector.broadcast %mul3A_3 : i32 to vector<16xi32>
    %sub3A_139 = arith.subi %get3A_120, %sub3A_138 : vector<16xi32>
    %jit3A_140 = arith.constant -1 : i32
    %broadcast_in_dim3A_141 = vector.broadcast %jit3A_140 : i32 to vector<16xi32>
    %select_n3A_142 = arith.select %and3A_130, %sub3A_139, %broadcast_in_dim3A_141 : vector<16xi1>, vector<16xi32>
    %swap3A_143 = arith.constant 48 : index
    %swap3A_144 = tpu.vector_load %arg15[%swap3A_143] {strides = array<i32>} : memref<112xi32, #tpu.memory_space<vmem>>, vector<16xi32>,
    %swap3A_145 = vector.shape_cast %swap3A_144 : vector<16xi32> to vector<16xi32>
    %swap3A_146 = vector.shape_cast %select_n3A_142 : vector<16xi32> to vector<16xi32>
    tpu.vector_store %arg15[%swap3A_143], %swap3A_146 {strides = array<i32>} : memref<112xi32, #tpu.memory_space<vmem>>, vector<16xi32>,
    %get3A_147 = arith.constant 64 : index
    %get3A_148 = tpu.vector_load %arg9[%get3A_147] {strides = array<i32>} : memref<224xi32, #tpu.memory_space<vmem>>, vector<16xi32>,
    %get3A_149 = vector.shape_cast %get3A_148 : vector<16xi32> to vector<16xi32>
    %get3A_150 = arith.constant 64 : index
    %get3A_151 = tpu.vector_load %arg7[%get3A_150] {strides = array<i32>} : memref<224xi32, #tpu.memory_space<vmem>>, vector<16xi32>,
    %get3A_152 = vector.shape_cast %get3A_151 : vector<16xi32> to vector<16xi32>
    %ge3A_153 = vector.broadcast %mul3A_3 : i32 to vector<16xi32>
    %ge3A_154 = arith.cmpi sge, %get3A_149, %ge3A_153 : vector<16xi32>
    %add3A_155 = arith.constant 12544 : i32
    %add3A_156 = arith.addi %mul3A_3, %add3A_155 : i32
    %lt3A_157 = vector.broadcast %add3A_156 : i32 to vector<16xi32>
    %lt3A_158 = arith.cmpi slt, %get3A_149, %lt3A_157 : vector<16xi32>
    %and3A_159 = arith.andi %ge3A_154, %lt3A_158 : vector<16xi1>
    %jit3A_160 = arith.constant -1 : i32
    %broadcast_in_dim3A_161 = vector.broadcast %jit3A_160 : i32 to vector<16xi32>
    %select_n3A_162 = arith.select %and3A_159, %get3A_152, %broadcast_in_dim3A_161 : vector<16xi1>, vector<16xi32>
    %swap3A_163 = arith.constant 64 : index
    %swap3A_164 = tpu.vector_load %arg11[%swap3A_163] {strides = array<i32>} : memref<112xi32, #tpu.memory_space<vmem>>, vector<16xi32>,
    %swap3A_165 = vector.shape_cast %swap3A_164 : vector<16xi32> to vector<16xi32>
    %swap3A_166 = vector.shape_cast %select_n3A_162 : vector<16xi32> to vector<16xi32>
    tpu.vector_store %arg11[%swap3A_163], %swap3A_166 {strides = array<i32>} : memref<112xi32, #tpu.memory_space<vmem>>, vector<16xi32>,
    %sub3A_167 = vector.broadcast %mul3A_3 : i32 to vector<16xi32>
    %sub3A_168 = arith.subi %get3A_149, %sub3A_167 : vector<16xi32>
    %jit3A_169 = arith.constant -1 : i32
    %broadcast_in_dim3A_170 = vector.broadcast %jit3A_169 : i32 to vector<16xi32>
    %select_n3A_171 = arith.select %and3A_159, %sub3A_168, %broadcast_in_dim3A_170 : vector<16xi1>, vector<16xi32>
    %swap3A_172 = arith.constant 64 : index
    %swap3A_173 = tpu.vector_load %arg15[%swap3A_172] {strides = array<i32>} : memref<112xi32, #tpu.memory_space<vmem>>, vector<16xi32>,
    %swap3A_174 = vector.shape_cast %swap3A_173 : vector<16xi32> to vector<16xi32>
    %swap3A_175 = vector.shape_cast %select_n3A_171 : vector<16xi32> to vector<16xi32>
    tpu.vector_store %arg15[%swap3A_172], %swap3A_175 {strides = array<i32>} : memref<112xi32, #tpu.memory_space<vmem>>, vector<16xi32>,
    %get3A_176 = arith.constant 80 : index
    %get3A_177 = tpu.vector_load %arg9[%get3A_176] {strides = array<i32>} : memref<224xi32, #tpu.memory_space<vmem>>, vector<16xi32>,
    %get3A_178 = vector.shape_cast %get3A_177 : vector<16xi32> to vector<16xi32>
    %get3A_179 = arith.constant 80 : index
    %get3A_180 = tpu.vector_load %arg7[%get3A_179] {strides = array<i32>} : memref<224xi32, #tpu.memory_space<vmem>>, vector<16xi32>,
    %get3A_181 = vector.shape_cast %get3A_180 : vector<16xi32> to vector<16xi32>
    %ge3A_182 = vector.broadcast %mul3A_3 : i32 to vector<16xi32>
    %ge3A_183 = arith.cmpi sge, %get3A_178, %ge3A_182 : vector<16xi32>
    %add3A_184 = arith.constant 12544 : i32
    %add3A_185 = arith.addi %mul3A_3, %add3A_184 : i32
    %lt3A_186 = vector.broadcast %add3A_185 : i32 to vector<16xi32>
    %lt3A_187 = arith.cmpi slt, %get3A_178, %lt3A_186 : vector<16xi32>
    %and3A_188 = arith.andi %ge3A_183, %lt3A_187 : vector<16xi1>
    %jit3A_189 = arith.constant -1 : i32
    %broadcast_in_dim3A_190 = vector.broadcast %jit3A_189 : i32 to vector<16xi32>
    %select_n3A_191 = arith.select %and3A_188, %get3A_181, %broadcast_in_dim3A_190 : vector<16xi1>, vector<16xi32>
    %swap3A_192 = arith.constant 80 : index
    %swap3A_193 = tpu.vector_load %arg11[%swap3A_192] {strides = array<i32>} : memref<112xi32, #tpu.memory_space<vmem>>, vector<16xi32>,
    %swap3A_194 = vector.shape_cast %swap3A_193 : vector<16xi32> to vector<16xi32>
    %swap3A_195 = vector.shape_cast %select_n3A_191 : vector<16xi32> to vector<16xi32>
    tpu.vector_store %arg11[%swap3A_192], %swap3A_195 {strides = array<i32>} : memref<112xi32, #tpu.memory_space<vmem>>, vector<16xi32>,
    %sub3A_196 = vector.broadcast %mul3A_3 : i32 to vector<16xi32>
    %sub3A_197 = arith.subi %get3A_178, %sub3A_196 : vector<16xi32>
    %jit3A_198 = arith.constant -1 : i32
    %broadcast_in_dim3A_199 = vector.broadcast %jit3A_198 : i32 to vector<16xi32>
    %select_n3A_200 = arith.select %and3A_188, %sub3A_197, %broadcast_in_dim3A_199 : vector<16xi1>, vector<16xi32>
    %swap3A_201 = arith.constant 80 : index
    %swap3A_202 = tpu.vector_load %arg15[%swap3A_201] {strides = array<i32>} : memref<112xi32, #tpu.memory_space<vmem>>, vector<16xi32>,
    %swap3A_203 = vector.shape_cast %swap3A_202 : vector<16xi32> to vector<16xi32>
    %swap3A_204 = vector.shape_cast %select_n3A_200 : vector<16xi32> to vector<16xi32>
    tpu.vector_store %arg15[%swap3A_201], %swap3A_204 {strides = array<i32>} : memref<112xi32, #tpu.memory_space<vmem>>, vector<16xi32>,
    %get3A_205 = arith.constant 96 : index
    %get3A_206 = tpu.vector_load %arg9[%get3A_205] {strides = array<i32>} : memref<224xi32, #tpu.memory_space<vmem>>, vector<16xi32>,
    %get3A_207 = vector.shape_cast %get3A_206 : vector<16xi32> to vector<16xi32>
    %get3A_208 = arith.constant 96 : index
    %get3A_209 = tpu.vector_load %arg7[%get3A_208] {strides = array<i32>} : memref<224xi32, #tpu.memory_space<vmem>>, vector<16xi32>,
    %get3A_210 = vector.shape_cast %get3A_209 : vector<16xi32> to vector<16xi32>
    %ge3A_211 = vector.broadcast %mul3A_3 : i32 to vector<16xi32>
    %ge3A_212 = arith.cmpi sge, %get3A_207, %ge3A_211 : vector<16xi32>
    %add3A_213 = arith.constant 12544 : i32
    %add3A_214 = arith.addi %mul3A_3, %add3A_213 : i32
    %lt3A_215 = vector.broadcast %add3A_214 : i32 to vector<16xi32>
    %lt3A_216 = arith.cmpi slt, %get3A_207, %lt3A_215 : vector<16xi32>
    %and3A_217 = arith.andi %ge3A_212, %lt3A_216 : vector<16xi1>
    %jit3A_218 = arith.constant -1 : i32
    %broadcast_in_dim3A_219 = vector.broadcast %jit3A_218 : i32 to vector<16xi32>
    %select_n3A_220 = arith.select %and3A_217, %get3A_210, %broadcast_in_dim3A_219 : vector<16xi1>, vector<16xi32>
    %swap3A_221 = arith.constant 96 : index
    %swap3A_222 = tpu.vector_load %arg11[%swap3A_221] {strides = array<i32>} : memref<112xi32, #tpu.memory_space<vmem>>, vector<16xi32>,
    %swap3A_223 = vector.shape_cast %swap3A_222 : vector<16xi32> to vector<16xi32>
    %swap3A_224 = vector.shape_cast %select_n3A_220 : vector<16xi32> to vector<16xi32>
    tpu.vector_store %arg11[%swap3A_221], %swap3A_224 {strides = array<i32>} : memref<112xi32, #tpu.memory_space<vmem>>, vector<16xi32>,
    %sub3A_225 = vector.broadcast %mul3A_3 : i32 to vector<16xi32>
    %sub3A_226 = arith.subi %get3A_207, %sub3A_225 : vector<16xi32>
    %jit3A_227 = arith.constant -1 : i32
    %broadcast_in_dim3A_228 = vector.broadcast %jit3A_227 : i32 to vector<16xi32>
    %select_n3A_229 = arith.select %and3A_217, %sub3A_226, %broadcast_in_dim3A_228 : vector<16xi1>, vector<16xi32>
    %swap3A_230 = arith.constant 96 : index
    %swap3A_231 = tpu.vector_load %arg15[%swap3A_230] {strides = array<i32>} : memref<112xi32, #tpu.memory_space<vmem>>, vector<16xi32>,
    %swap3A_232 = vector.shape_cast %swap3A_231 : vector<16xi32> to vector<16xi32>
    %swap3A_233 = vector.shape_cast %select_n3A_229 : vector<16xi32> to vector<16xi32>
    tpu.vector_store %arg15[%swap3A_230], %swap3A_233 {strides = array<i32>} : memref<112xi32, #tpu.memory_space<vmem>>, vector<16xi32>,
    %dma_start3A_234 = arith.constant 0 : i32
    %dma_start3A_235 = arith.constant 0 : i32
    %dma_start3A_236 = arith.constant 0 : i32
    %dma_start3A_237 = tpu.memref_slice %arg19[%dma_start3A_234, %dma_start3A_235, %dma_start3A_236] : memref<2x112x128xf32, #tpu.memory_space<vmem>> -> memref<1x112x128xf32, #tpu.memory_space<vmem>>
    %dma_start3A_238 = tpu.memref_squeeze %dma_start3A_237 : memref<1x112x128xf32, #tpu.memory_space<vmem>> -> memref<112x128xf32, #tpu.memory_space<vmem>>
    %dma_start3A_239 = arith.constant 0 : i32
    %dma_start3A_240 = arith.constant 0 : i32
    %dma_start3A_241 = tpu.memref_slice %arg2[%dma_start3A_239, %dma_start3A_240] : memref<50176x128xf32, #tpu.memory_space<hbm>> -> memref<50176x128xf32, #tpu.memory_space<hbm>>
    %dma_start3A_242 = arith.constant -1 : i32
    tpu.enqueue_indirect_dma source(%dma_start3A_241 : memref<50176x128xf32, #tpu.memory_space<hbm>>) target(%dma_start3A_238 : memref<112x128xf32, #tpu.memory_space<vmem>>) offsets(%arg11 : memref<112xi32, #tpu.memory_space<vmem>>) offset_filter(%dma_start3A_242) semaphore(%arg20 : memref<!tpu.dma_semaphore, #tpu.memory_space<semaphore_mem>>)
    %get3A_243 = arith.constant 112 : index
    %get3A_244 = tpu.vector_load %arg9[%get3A_243] {strides = array<i32>} : memref<224xi32, #tpu.memory_space<vmem>>, vector<16xi32>,
    %get3A_245 = vector.shape_cast %get3A_244 : vector<16xi32> to vector<16xi32>
    %get3A_246 = arith.constant 112 : index
    %get3A_247 = tpu.vector_load %arg7[%get3A_246] {strides = array<i32>} : memref<224xi32, #tpu.memory_space<vmem>>, vector<16xi32>,
    %get3A_248 = vector.shape_cast %get3A_247 : vector<16xi32> to vector<16xi32>
    %ge3A_249 = vector.broadcast %mul3A_3 : i32 to vector<16xi32>
    %ge3A_250 = arith.cmpi sge, %get3A_245, %ge3A_249 : vector<16xi32>
    %add3A_251 = arith.constant 12544 : i32
    %add3A_252 = arith.addi %mul3A_3, %add3A_251 : i32
    %lt3A_253 = vector.broadcast %add3A_252 : i32 to vector<16xi32>
    %lt3A_254 = arith.cmpi slt, %get3A_245, %lt3A_253 : vector<16xi32>
    %and3A_255 = arith.andi %ge3A_250, %lt3A_254 : vector<16xi1>
    %jit3A_256 = arith.constant -1 : i32
    %broadcast_in_dim3A_257 = vector.broadcast %jit3A_256 : i32 to vector<16xi32>
    %select_n3A_258 = arith.select %and3A_255, %get3A_248, %broadcast_in_dim3A_257 : vector<16xi1>, vector<16xi32>
    %swap3A_259 = arith.constant 0 : index
    %swap3A_260 = tpu.vector_load %arg12[%swap3A_259] {strides = array<i32>} : memref<112xi32, #tpu.memory_space<vmem>>, vector<16xi32>,
    %swap3A_261 = vector.shape_cast %swap3A_260 : vector<16xi32> to vector<16xi32>
    %swap3A_262 = vector.shape_cast %select_n3A_258 : vector<16xi32> to vector<16xi32>
    tpu.vector_store %arg12[%swap3A_259], %swap3A_262 {strides = array<i32>} : memref<112xi32, #tpu.memory_space<vmem>>, vector<16xi32>,
    %sub3A_263 = vector.broadcast %mul3A_3 : i32 to vector<16xi32>
    %sub3A_264 = arith.subi %get3A_245, %sub3A_263 : vector<16xi32>
    %jit3A_265 = arith.constant -1 : i32
    %broadcast_in_dim3A_266 = vector.broadcast %jit3A_265 : i32 to vector<16xi32>
    %select_n3A_267 = arith.select %and3A_255, %sub3A_264, %broadcast_in_dim3A_266 : vector<16xi1>, vector<16xi32>
    %swap3A_268 = arith.constant 0 : index
    %swap3A_269 = tpu.vector_load %arg16[%swap3A_268] {strides = array<i32>} : memref<112xi32, #tpu.memory_space<vmem>>, vector<16xi32>,
    %swap3A_270 = vector.shape_cast %swap3A_269 : vector<16xi32> to vector<16xi32>
    %swap3A_271 = vector.shape_cast %select_n3A_267 : vector<16xi32> to vector<16xi32>
    tpu.vector_store %arg16[%swap3A_268], %swap3A_271 {strides = array<i32>} : memref<112xi32, #tpu.memory_space<vmem>>, vector<16xi32>,
    %get3A_272 = arith.constant 128 : index
    %get3A_273 = tpu.vector_load %arg9[%get3A_272] {strides = array<i32>} : memref<224xi32, #tpu.memory_space<vmem>>, vector<16xi32>,
    %get3A_274 = vector.shape_cast %get3A_273 : vector<16xi32> to vector<16xi32>
    %get3A_275 = arith.constant 128 : index
    %get3A_276 = tpu.vector_load %arg7[%get3A_275] {strides = array<i32>} : memref<224xi32, #tpu.memory_space<vmem>>, vector<16xi32>,
    %get3A_277 = vector.shape_cast %get3A_276 : vector<16xi32> to vector<16xi32>
    %ge3A_278 = vector.broadcast %mul3A_3 : i32 to vector<16xi32>
    %ge3A_279 = arith.cmpi sge, %get3A_274, %ge3A_278 : vector<16xi32>
    %add3A_280 = arith.constant 12544 : i32
    %add3A_281 = arith.addi %mul3A_3, %add3A_280 : i32
    %lt3A_282 = vector.broadcast %add3A_281 : i32 to vector<16xi32>
    %lt3A_283 = arith.cmpi slt, %get3A_274, %lt3A_282 : vector<16xi32>
    %and3A_284 = arith.andi %ge3A_279, %lt3A_283 : vector<16xi1>
    %jit3A_285 = arith.constant -1 : i32
    %broadcast_in_dim3A_286 = vector.broadcast %jit3A_285 : i32 to vector<16xi32>
    %select_n3A_287 = arith.select %and3A_284, %get3A_277, %broadcast_in_dim3A_286 : vector<16xi1>, vector<16xi32>
    %swap3A_288 = arith.constant 16 : index
    %swap3A_289 = tpu.vector_load %arg12[%swap3A_288] {strides = array<i32>} : memref<112xi32, #tpu.memory_space<vmem>>, vector<16xi32>,
    %swap3A_290 = vector.shape_cast %swap3A_289 : vector<16xi32> to vector<16xi32>
    %swap3A_291 = vector.shape_cast %select_n3A_287 : vector<16xi32> to vector<16xi32>
    tpu.vector_store %arg12[%swap3A_288], %swap3A_291 {strides = array<i32>} : memref<112xi32, #tpu.memory_space<vmem>>, vector<16xi32>,
    %sub3A_292 = vector.broadcast %mul3A_3 : i32 to vector<16xi32>
    %sub3A_293 = arith.subi %get3A_274, %sub3A_292 : vector<16xi32>
    %jit3A_294 = arith.constant -1 : i32
    %broadcast_in_dim3A_295 = vector.broadcast %jit3A_294 : i32 to vector<16xi32>
    %select_n3A_296 = arith.select %and3A_284, %sub3A_293, %broadcast_in_dim3A_295 : vector<16xi1>, vector<16xi32>
    %swap3A_297 = arith.constant 16 : index
    %swap3A_298 = tpu.vector_load %arg16[%swap3A_297] {strides = array<i32>} : memref<112xi32, #tpu.memory_space<vmem>>, vector<16xi32>,
    %swap3A_299 = vector.shape_cast %swap3A_298 : vector<16xi32> to vector<16xi32>
    %swap3A_300 = vector.shape_cast %select_n3A_296 : vector<16xi32> to vector<16xi32>
    tpu.vector_store %arg16[%swap3A_297], %swap3A_300 {strides = array<i32>} : memref<112xi32, #tpu.memory_space<vmem>>, vector<16xi32>,
    %get3A_301 = arith.constant 144 : index
    %get3A_302 = tpu.vector_load %arg9[%get3A_301] {strides = array<i32>} : memref<224xi32, #tpu.memory_space<vmem>>, vector<16xi32>,
    %get3A_303 = vector.shape_cast %get3A_302 : vector<16xi32> to vector<16xi32>
    %get3A_304 = arith.constant 144 : index
    %get3A_305 = tpu.vector_load %arg7[%get3A_304] {strides = array<i32>} : memref<224xi32, #tpu.memory_space<vmem>>, vector<16xi32>,
    %get3A_306 = vector.shape_cast %get3A_305 : vector<16xi32> to vector<16xi32>
    %ge3A_307 = vector.broadcast %mul3A_3 : i32 to vector<16xi32>
    %ge3A_308 = arith.cmpi sge, %get3A_303, %ge3A_307 : vector<16xi32>
    %add3A_309 = arith.constant 12544 : i32
    %add3A_310 = arith.addi %mul3A_3, %add3A_309 : i32
    %lt3A_311 = vector.broadcast %add3A_310 : i32 to vector<16xi32>
    %lt3A_312 = arith.cmpi slt, %get3A_303, %lt3A_311 : vector<16xi32>
    %and3A_313 = arith.andi %ge3A_308, %lt3A_312 : vector<16xi1>
    %jit3A_314 = arith.constant -1 : i32
    %broadcast_in_dim3A_315 = vector.broadcast %jit3A_314 : i32 to vector<16xi32>
    %select_n3A_316 = arith.select %and3A_313, %get3A_306, %broadcast_in_dim3A_315 : vector<16xi1>, vector<16xi32>
    %swap3A_317 = arith.constant 32 : index
    %swap3A_318 = tpu.vector_load %arg12[%swap3A_317] {strides = array<i32>} : memref<112xi32, #tpu.memory_space<vmem>>, vector<16xi32>,
    %swap3A_319 = vector.shape_cast %swap3A_318 : vector<16xi32> to vector<16xi32>
    %swap3A_320 = vector.shape_cast %select_n3A_316 : vector<16xi32> to vector<16xi32>
    tpu.vector_store %arg12[%swap3A_317], %swap3A_320 {strides = array<i32>} : memref<112xi32, #tpu.memory_space<vmem>>, vector<16xi32>,
    %sub3A_321 = vector.broadcast %mul3A_3 : i32 to vector<16xi32>
    %sub3A_322 = arith.subi %get3A_303, %sub3A_321 : vector<16xi32>
    %jit3A_323 = arith.constant -1 : i32
    %broadcast_in_dim3A_324 = vector.broadcast %jit3A_323 : i32 to vector<16xi32>
    %select_n3A_325 = arith.select %and3A_313, %sub3A_322, %broadcast_in_dim3A_324 : vector<16xi1>, vector<16xi32>
    %swap3A_326 = arith.constant 32 : index
    %swap3A_327 = tpu.vector_load %arg16[%swap3A_326] {strides = array<i32>} : memref<112xi32, #tpu.memory_space<vmem>>, vector<16xi32>,
    %swap3A_328 = vector.shape_cast %swap3A_327 : vector<16xi32> to vector<16xi32>
    %swap3A_329 = vector.shape_cast %select_n3A_325 : vector<16xi32> to vector<16xi32>
    tpu.vector_store %arg16[%swap3A_326], %swap3A_329 {strides = array<i32>} : memref<112xi32, #tpu.memory_space<vmem>>, vector<16xi32>,
    %get3A_330 = arith.constant 160 : index
    %get3A_331 = tpu.vector_load %arg9[%get3A_330] {strides = array<i32>} : memref<224xi32, #tpu.memory_space<vmem>>, vector<16xi32>,
    %get3A_332 = vector.shape_cast %get3A_331 : vector<16xi32> to vector<16xi32>
    %get3A_333 = arith.constant 160 : index
    %get3A_334 = tpu.vector_load %arg7[%get3A_333] {strides = array<i32>} : memref<224xi32, #tpu.memory_space<vmem>>, vector<16xi32>,
    %get3A_335 = vector.shape_cast %get3A_334 : vector<16xi32> to vector<16xi32>
    %ge3A_336 = vector.broadcast %mul3A_3 : i32 to vector<16xi32>
    %ge3A_337 = arith.cmpi sge, %get3A_332, %ge3A_336 : vector<16xi32>
    %add3A_338 = arith.constant 12544 : i32
    %add3A_339 = arith.addi %mul3A_3, %add3A_338 : i32
    %lt3A_340 = vector.broadcast %add3A_339 : i32 to vector<16xi32>
    %lt3A_341 = arith.cmpi slt, %get3A_332, %lt3A_340 : vector<16xi32>
    %and3A_342 = arith.andi %ge3A_337, %lt3A_341 : vector<16xi1>
    %jit3A_343 = arith.constant -1 : i32
    %broadcast_in_dim3A_344 = vector.broadcast %jit3A_343 : i32 to vector<16xi32>
    %select_n3A_345 = arith.select %and3A_342, %get3A_335, %broadcast_in_dim3A_344 : vector<16xi1>, vector<16xi32>
    %swap3A_346 = arith.constant 48 : index
    %swap3A_347 = tpu.vector_load %arg12[%swap3A_346] {strides = array<i32>} : memref<112xi32, #tpu.memory_space<vmem>>, vector<16xi32>,
    %swap3A_348 = vector.shape_cast %swap3A_347 : vector<16xi32> to vector<16xi32>
    %swap3A_349 = vector.shape_cast %select_n3A_345 : vector<16xi32> to vector<16xi32>
    tpu.vector_store %arg12[%swap3A_346], %swap3A_349 {strides = array<i32>} : memref<112xi32, #tpu.memory_space<vmem>>, vector<16xi32>,
    %sub3A_350 = vector.broadcast %mul3A_3 : i32 to vector<16xi32>
    %sub3A_351 = arith.subi %get3A_332, %sub3A_350 : vector<16xi32>
    %jit3A_352 = arith.constant -1 : i32
    %broadcast_in_dim3A_353 = vector.broadcast %jit3A_352 : i32 to vector<16xi32>
    %select_n3A_354 = arith.select %and3A_342, %sub3A_351, %broadcast_in_dim3A_353 : vector<16xi1>, vector<16xi32>
    %swap3A_355 = arith.constant 48 : index
    %swap3A_356 = tpu.vector_load %arg16[%swap3A_355] {strides = array<i32>} : memref<112xi32, #tpu.memory_space<vmem>>, vector<16xi32>,
    %swap3A_357 = vector.shape_cast %swap3A_356 : vector<16xi32> to vector<16xi32>
    %swap3A_358 = vector.shape_cast %select_n3A_354 : vector<16xi32> to vector<16xi32>
    tpu.vector_store %arg16[%swap3A_355], %swap3A_358 {strides = array<i32>} : memref<112xi32, #tpu.memory_space<vmem>>, vector<16xi32>,
    %get3A_359 = arith.constant 176 : index
    %get3A_360 = tpu.vector_load %arg9[%get3A_359] {strides = array<i32>} : memref<224xi32, #tpu.memory_space<vmem>>, vector<16xi32>,
    %get3A_361 = vector.shape_cast %get3A_360 : vector<16xi32> to vector<16xi32>
    %get3A_362 = arith.constant 176 : index
    %get3A_363 = tpu.vector_load %arg7[%get3A_362] {strides = array<i32>} : memref<224xi32, #tpu.memory_space<vmem>>, vector<16xi32>,
    %get3A_364 = vector.shape_cast %get3A_363 : vector<16xi32> to vector<16xi32>
    %ge3A_365 = vector.broadcast %mul3A_3 : i32 to vector<16xi32>
    %ge3A_366 = arith.cmpi sge, %get3A_361, %ge3A_365 : vector<16xi32>
    %add3A_367 = arith.constant 12544 : i32
    %add3A_368 = arith.addi %mul3A_3, %add3A_367 : i32
    %lt3A_369 = vector.broadcast %add3A_368 : i32 to vector<16xi32>
    %lt3A_370 = arith.cmpi slt, %get3A_361, %lt3A_369 : vector<16xi32>
    %and3A_371 = arith.andi %ge3A_366, %lt3A_370 : vector<16xi1>
    %jit3A_372 = arith.constant -1 : i32
    %broadcast_in_dim3A_373 = vector.broadcast %jit3A_372 : i32 to vector<16xi32>
    %select_n3A_374 = arith.select %and3A_371, %get3A_364, %broadcast_in_dim3A_373 : vector<16xi1>, vector<16xi32>
    %swap3A_375 = arith.constant 64 : index
    %swap3A_376 = tpu.vector_load %arg12[%swap3A_375] {strides = array<i32>} : memref<112xi32, #tpu.memory_space<vmem>>, vector<16xi32>,
    %swap3A_377 = vector.shape_cast %swap3A_376 : vector<16xi32> to vector<16xi32>
    %swap3A_378 = vector.shape_cast %select_n3A_374 : vector<16xi32> to vector<16xi32>
    tpu.vector_store %arg12[%swap3A_375], %swap3A_378 {strides = array<i32>} : memref<112xi32, #tpu.memory_space<vmem>>, vector<16xi32>,
    %sub3A_379 = vector.broadcast %mul3A_3 : i32 to vector<16xi32>
    %sub3A_380 = arith.subi %get3A_361, %sub3A_379 : vector<16xi32>
    %jit3A_381 = arith.constant -1 : i32
    %broadcast_in_dim3A_382 = vector.broadcast %jit3A_381 : i32 to vector<16xi32>
    %select_n3A_383 = arith.select %and3A_371, %sub3A_380, %broadcast_in_dim3A_382 : vector<16xi1>, vector<16xi32>
    %swap3A_384 = arith.constant 64 : index
    %swap3A_385 = tpu.vector_load %arg16[%swap3A_384] {strides = array<i32>} : memref<112xi32, #tpu.memory_space<vmem>>, vector<16xi32>,
    %swap3A_386 = vector.shape_cast %swap3A_385 : vector<16xi32> to vector<16xi32>
    %swap3A_387 = vector.shape_cast %select_n3A_383 : vector<16xi32> to vector<16xi32>
    tpu.vector_store %arg16[%swap3A_384], %swap3A_387 {strides = array<i32>} : memref<112xi32, #tpu.memory_space<vmem>>, vector<16xi32>,
    %get3A_388 = arith.constant 192 : index
    %get3A_389 = tpu.vector_load %arg9[%get3A_388] {strides = array<i32>} : memref<224xi32, #tpu.memory_space<vmem>>, vector<16xi32>,
    %get3A_390 = vector.shape_cast %get3A_389 : vector<16xi32> to vector<16xi32>
    %get3A_391 = arith.constant 192 : index
    %get3A_392 = tpu.vector_load %arg7[%get3A_391] {strides = array<i32>} : memref<224xi32, #tpu.memory_space<vmem>>, vector<16xi32>,
    %get3A_393 = vector.shape_cast %get3A_392 : vector<16xi32> to vector<16xi32>
    %ge3A_394 = vector.broadcast %mul3A_3 : i32 to vector<16xi32>
    %ge3A_395 = arith.cmpi sge, %get3A_390, %ge3A_394 : vector<16xi32>
    %add3A_396 = arith.constant 12544 : i32
    %add3A_397 = arith.addi %mul3A_3, %add3A_396 : i32
    %lt3A_398 = vector.broadcast %add3A_397 : i32 to vector<16xi32>
    %lt3A_399 = arith.cmpi slt, %get3A_390, %lt3A_398 : vector<16xi32>
    %and3A_400 = arith.andi %ge3A_395, %lt3A_399 : vector<16xi1>
    %jit3A_401 = arith.constant -1 : i32
    %broadcast_in_dim3A_402 = vector.broadcast %jit3A_401 : i32 to vector<16xi32>
    %select_n3A_403 = arith.select %and3A_400, %get3A_393, %broadcast_in_dim3A_402 : vector<16xi1>, vector<16xi32>
    %swap3A_404 = arith.constant 80 : index
    %swap3A_405 = tpu.vector_load %arg12[%swap3A_404] {strides = array<i32>} : memref<112xi32, #tpu.memory_space<vmem>>, vector<16xi32>,
    %swap3A_406 = vector.shape_cast %swap3A_405 : vector<16xi32> to vector<16xi32>
    %swap3A_407 = vector.shape_cast %select_n3A_403 : vector<16xi32> to vector<16xi32>
    tpu.vector_store %arg12[%swap3A_404], %swap3A_407 {strides = array<i32>} : memref<112xi32, #tpu.memory_space<vmem>>, vector<16xi32>,
    %sub3A_408 = vector.broadcast %mul3A_3 : i32 to vector<16xi32>
    %sub3A_409 = arith.subi %get3A_390, %sub3A_408 : vector<16xi32>
    %jit3A_410 = arith.constant -1 : i32
    %broadcast_in_dim3A_411 = vector.broadcast %jit3A_410 : i32 to vector<16xi32>
    %select_n3A_412 = arith.select %and3A_400, %sub3A_409, %broadcast_in_dim3A_411 : vector<16xi1>, vector<16xi32>
    %swap3A_413 = arith.constant 80 : index
    %swap3A_414 = tpu.vector_load %arg16[%swap3A_413] {strides = array<i32>} : memref<112xi32, #tpu.memory_space<vmem>>, vector<16xi32>,
    %swap3A_415 = vector.shape_cast %swap3A_414 : vector<16xi32> to vector<16xi32>
    %swap3A_416 = vector.shape_cast %select_n3A_412 : vector<16xi32> to vector<16xi32>
    tpu.vector_store %arg16[%swap3A_413], %swap3A_416 {strides = array<i32>} : memref<112xi32, #tpu.memory_space<vmem>>, vector<16xi32>,
    %get3A_417 = arith.constant 208 : index
    %get3A_418 = tpu.vector_load %arg9[%get3A_417] {strides = array<i32>} : memref<224xi32, #tpu.memory_space<vmem>>, vector<16xi32>,
    %get3A_419 = vector.shape_cast %get3A_418 : vector<16xi32> to vector<16xi32>
    %get3A_420 = arith.constant 208 : index
    %get3A_421 = tpu.vector_load %arg7[%get3A_420] {strides = array<i32>} : memref<224xi32, #tpu.memory_space<vmem>>, vector<16xi32>,
    %get3A_422 = vector.shape_cast %get3A_421 : vector<16xi32> to vector<16xi32>
    %ge3A_423 = vector.broadcast %mul3A_3 : i32 to vector<16xi32>
    %ge3A_424 = arith.cmpi sge, %get3A_419, %ge3A_423 : vector<16xi32>
    %add3A_425 = arith.constant 12544 : i32
    %add3A_426 = arith.addi %mul3A_3, %add3A_425 : i32
    %lt3A_427 = vector.broadcast %add3A_426 : i32 to vector<16xi32>
    %lt3A_428 = arith.cmpi slt, %get3A_419, %lt3A_427 : vector<16xi32>
    %and3A_429 = arith.andi %ge3A_424, %lt3A_428 : vector<16xi1>
    %jit3A_430 = arith.constant -1 : i32
    %broadcast_in_dim3A_431 = vector.broadcast %jit3A_430 : i32 to vector<16xi32>
    %select_n3A_432 = arith.select %and3A_429, %get3A_422, %broadcast_in_dim3A_431 : vector<16xi1>, vector<16xi32>
    %swap3A_433 = arith.constant 96 : index
    %swap3A_434 = tpu.vector_load %arg12[%swap3A_433] {strides = array<i32>} : memref<112xi32, #tpu.memory_space<vmem>>, vector<16xi32>,
    %swap3A_435 = vector.shape_cast %swap3A_434 : vector<16xi32> to vector<16xi32>
    %swap3A_436 = vector.shape_cast %select_n3A_432 : vector<16xi32> to vector<16xi32>
    tpu.vector_store %arg12[%swap3A_433], %swap3A_436 {strides = array<i32>} : memref<112xi32, #tpu.memory_space<vmem>>, vector<16xi32>,
    %sub3A_437 = vector.broadcast %mul3A_3 : i32 to vector<16xi32>
    %sub3A_438 = arith.subi %get3A_419, %sub3A_437 : vector<16xi32>
    %jit3A_439 = arith.constant -1 : i32
    %broadcast_in_dim3A_440 = vector.broadcast %jit3A_439 : i32 to vector<16xi32>
    %select_n3A_441 = arith.select %and3A_429, %sub3A_438, %broadcast_in_dim3A_440 : vector<16xi1>, vector<16xi32>
    %swap3A_442 = arith.constant 96 : index
    %swap3A_443 = tpu.vector_load %arg16[%swap3A_442] {strides = array<i32>} : memref<112xi32, #tpu.memory_space<vmem>>, vector<16xi32>,
    %swap3A_444 = vector.shape_cast %swap3A_443 : vector<16xi32> to vector<16xi32>
    %swap3A_445 = vector.shape_cast %select_n3A_441 : vector<16xi32> to vector<16xi32>
    tpu.vector_store %arg16[%swap3A_442], %swap3A_445 {strides = array<i32>} : memref<112xi32, #tpu.memory_space<vmem>>, vector<16xi32>,
    %dma_start3A_446 = arith.constant 1 : i32
    %dma_start3A_447 = arith.constant 0 : i32
    %dma_start3A_448 = arith.constant 0 : i32
    %dma_start3A_449 = tpu.memref_slice %arg19[%dma_start3A_446, %dma_start3A_447, %dma_start3A_448] : memref<2x112x128xf32, #tpu.memory_space<vmem>> -> memref<1x112x128xf32, #tpu.memory_space<vmem>>
    %dma_start3A_450 = tpu.memref_squeeze %dma_start3A_449 : memref<1x112x128xf32, #tpu.memory_space<vmem>> -> memref<112x128xf32, #tpu.memory_space<vmem>>
    %dma_start3A_451 = arith.constant 0 : i32
    %dma_start3A_452 = arith.constant 0 : i32
    %dma_start3A_453 = tpu.memref_slice %arg2[%dma_start3A_451, %dma_start3A_452] : memref<50176x128xf32, #tpu.memory_space<hbm>> -> memref<50176x128xf32, #tpu.memory_space<hbm>>
    %dma_start3A_454 = arith.constant -1 : i32
    tpu.enqueue_indirect_dma source(%dma_start3A_453 : memref<50176x128xf32, #tpu.memory_space<hbm>>) target(%dma_start3A_450 : memref<112x128xf32, #tpu.memory_space<vmem>>) offsets(%arg12 : memref<112xi32, #tpu.memory_space<vmem>>) offset_filter(%dma_start3A_454) semaphore(%arg21 : memref<!tpu.dma_semaphore, #tpu.memory_space<semaphore_mem>>)
    %scan3A_455 = arith.constant 0 : i32
    %scan3A_456 = arith.constant 0 : i32
    %scan3A_457 = arith.constant 111 : i32
    %scan3A_458 = arith.addi %scan3A_456, %scan3A_457 : i32
    %scan3A_459 = arith.constant 1 : i32
    %scan3A_460 = scf.for %scan3A_1319 = %scan3A_456 to %scan3A_458 step %scan3A_459 iter_args(%scan3A_1320 = %scan3A_455) -> (i32)  : i32 {
      %mul3A_1321 = arith.constant 2 : i32
      %mul3A_1322 = arith.muli %mul3A_1321, %scan3A_1319 : i32
      %add3A_1323 = arith.constant 1 : i32
      %add3A_1324 = arith.addi %add3A_1323, %mul3A_1322 : i32
      %mul3A_1325 = arith.constant 224 : i32
      %mul3A_1326 = arith.muli %add3A_1324, %mul3A_1325 : i32
      %add3A_1327 = arith.addi %mul3A_0, %mul3A_1326 : i32
      %add3A_1328 = arith.constant 50000 : i32
      %add3A_1329 = arith.addi %mul3A_0, %add3A_1328 : i32
      %sub3A_1330 = arith.constant 224 : i32
      %sub3A_1331 = arith.subi %add3A_1329, %sub3A_1330 : i32
      %min3A_1332 = arith.minsi %add3A_1327, %sub3A_1331 : i32
      %dma_wait3A_1333 = tpu.memref_slice %arg3[%min3A_1332] : memref<800000xi32, #tpu.memory_space<hbm>> -> memref<224xi32, #tpu.memory_space<hbm>>
      %dma_wait3A_1334 = tpu.memref_slice %arg3[%min3A_1332] : memref<800000xi32, #tpu.memory_space<hbm>> -> memref<224xi32, #tpu.memory_space<hbm>>
      tpu.wait_dma2 semaphore(%arg24 : memref<!tpu.dma_semaphore, #tpu.memory_space<semaphore_mem>>) src(%dma_wait3A_1334 : memref<224xi32, #tpu.memory_space<hbm>>) dst(%arg8 : memref<224xi32, #tpu.memory_space<vmem>>)
      %dma_wait3A_1335 = tpu.memref_slice %arg4[%min3A_1332] : memref<800000xi32, #tpu.memory_space<hbm>> -> memref<224xi32, #tpu.memory_space<hbm>>
      %dma_wait3A_1336 = tpu.memref_slice %arg4[%min3A_1332] : memref<800000xi32, #tpu.memory_space<hbm>> -> memref<224xi32, #tpu.memory_space<hbm>>
      tpu.wait_dma2 semaphore(%arg25 : memref<!tpu.dma_semaphore, #tpu.memory_space<semaphore_mem>>) src(%dma_wait3A_1336 : memref<224xi32, #tpu.memory_space<hbm>>) dst(%arg10 : memref<224xi32, #tpu.memory_space<vmem>>)
      %add3A_1337 = arith.constant 1 : i32
      %add3A_1338 = arith.addi %add3A_1324, %add3A_1337 : i32
      %mul3A_1339 = arith.constant 224 : i32
      %mul3A_1340 = arith.muli %add3A_1338, %mul3A_1339 : i32
      %add3A_1341 = arith.addi %mul3A_0, %mul3A_1340 : i32
      %add3A_1342 = arith.constant 50000 : i32
      %add3A_1343 = arith.addi %mul3A_0, %add3A_1342 : i32
      %sub3A_1344 = arith.constant 224 : i32
      %sub3A_1345 = arith.subi %add3A_1343, %sub3A_1344 : i32
      %min3A_1346 = arith.minsi %add3A_1341, %sub3A_1345 : i32
      %dma_start3A_1347 = tpu.memref_slice %arg3[%min3A_1346] : memref<800000xi32, #tpu.memory_space<hbm>> -> memref<224xi32, #tpu.memory_space<hbm>>
      %dma_start3A_1348 = tpu.memref_slice %arg3[%min3A_1346] : memref<800000xi32, #tpu.memory_space<hbm>> -> memref<224xi32, #tpu.memory_space<hbm>>
      tpu.enqueue_dma source(%dma_start3A_1348 : memref<224xi32, #tpu.memory_space<hbm>>) target(%arg7 : memref<224xi32, #tpu.memory_space<vmem>>) target_semaphore(%arg22 : memref<!tpu.dma_semaphore, #tpu.memory_space<semaphore_mem>>)
      %dma_start3A_1349 = tpu.memref_slice %arg4[%min3A_1346] : memref<800000xi32, #tpu.memory_space<hbm>> -> memref<224xi32, #tpu.memory_space<hbm>>
      %dma_start3A_1350 = tpu.memref_slice %arg4[%min3A_1346] : memref<800000xi32, #tpu.memory_space<hbm>> -> memref<224xi32, #tpu.memory_space<hbm>>
      tpu.enqueue_dma source(%dma_start3A_1350 : memref<224xi32, #tpu.memory_space<hbm>>) target(%arg9 : memref<224xi32, #tpu.memory_space<vmem>>) target_semaphore(%arg23 : memref<!tpu.dma_semaphore, #tpu.memory_space<semaphore_mem>>)
      %get3A_1351 = arith.constant 0 : index
      %get3A_1352 = tpu.vector_load %arg10[%get3A_1351] {strides = array<i32>} : memref<224xi32, #tpu.memory_space<vmem>>, vector<16xi32>,
      %get3A_1353 = vector.shape_cast %get3A_1352 : vector<16xi32> to vector<16xi32>
      %get3A_1354 = arith.constant 0 : index
      %get3A_1355 = tpu.vector_load %arg8[%get3A_1354] {strides = array<i32>} : memref<224xi32, #tpu.memory_space<vmem>>, vector<16xi32>,
      %get3A_1356 = vector.shape_cast %get3A_1355 : vector<16xi32> to vector<16xi32>
      %ge3A_1357 = vector.broadcast %mul3A_3 : i32 to vector<16xi32>
      %ge3A_1358 = arith.cmpi sge, %get3A_1353, %ge3A_1357 : vector<16xi32>
      %add3A_1359 = arith.constant 12544 : i32
      %add3A_1360 = arith.addi %mul3A_3, %add3A_1359 : i32
      %lt3A_1361 = vector.broadcast %add3A_1360 : i32 to vector<16xi32>
      %lt3A_1362 = arith.cmpi slt, %get3A_1353, %lt3A_1361 : vector<16xi32>
      %and3A_1363 = arith.andi %ge3A_1358, %lt3A_1362 : vector<16xi1>
      %jit3A_1364 = arith.constant -1 : i32
      %broadcast_in_dim3A_1365 = vector.broadcast %jit3A_1364 : i32 to vector<16xi32>
      %select_n3A_1366 = arith.select %and3A_1363, %get3A_1356, %broadcast_in_dim3A_1365 : vector<16xi1>, vector<16xi32>
      %swap3A_1367 = arith.constant 0 : index
      %swap3A_1368 = tpu.vector_load %arg13[%swap3A_1367] {strides = array<i32>} : memref<112xi32, #tpu.memory_space<vmem>>, vector<16xi32>,
      %swap3A_1369 = vector.shape_cast %swap3A_1368 : vector<16xi32> to vector<16xi32>
      %swap3A_1370 = vector.shape_cast %select_n3A_1366 : vector<16xi32> to vector<16xi32>
      tpu.vector_store %arg13[%swap3A_1367], %swap3A_1370 {strides = array<i32>} : memref<112xi32, #tpu.memory_space<vmem>>, vector<16xi32>,
      %sub3A_1371 = vector.broadcast %mul3A_3 : i32 to vector<16xi32>
      %sub3A_1372 = arith.subi %get3A_1353, %sub3A_1371 : vector<16xi32>
      %jit3A_1373 = arith.constant -1 : i32
      %broadcast_in_dim3A_1374 = vector.broadcast %jit3A_1373 : i32 to vector<16xi32>
      %select_n3A_1375 = arith.select %and3A_1363, %sub3A_1372, %broadcast_in_dim3A_1374 : vector<16xi1>, vector<16xi32>
      %swap3A_1376 = arith.constant 0 : index
      %swap3A_1377 = tpu.vector_load %arg17[%swap3A_1376] {strides = array<i32>} : memref<112xi32, #tpu.memory_space<vmem>>, vector<16xi32>,
      %swap3A_1378 = vector.shape_cast %swap3A_1377 : vector<16xi32> to vector<16xi32>
      %swap3A_1379 = vector.shape_cast %select_n3A_1375 : vector<16xi32> to vector<16xi32>
      tpu.vector_store %arg17[%swap3A_1376], %swap3A_1379 {strides = array<i32>} : memref<112xi32, #tpu.memory_space<vmem>>, vector<16xi32>,
      %get3A_1380 = arith.constant 16 : index
      %get3A_1381 = tpu.vector_load %arg10[%get3A_1380] {strides = array<i32>} : memref<224xi32, #tpu.memory_space<vmem>>, vector<16xi32>,
      %get3A_1382 = vector.shape_cast %get3A_1381 : vector<16xi32> to vector<16xi32>
      %get3A_1383 = arith.constant 16 : index
      %get3A_1384 = tpu.vector_load %arg8[%get3A_1383] {strides = array<i32>} : memref<224xi32, #tpu.memory_space<vmem>>, vector<16xi32>,
      %get3A_1385 = vector.shape_cast %get3A_1384 : vector<16xi32> to vector<16xi32>
      %ge3A_1386 = vector.broadcast %mul3A_3 : i32 to vector<16xi32>
      %ge3A_1387 = arith.cmpi sge, %get3A_1382, %ge3A_1386 : vector<16xi32>
      %add3A_1388 = arith.constant 12544 : i32
      %add3A_1389 = arith.addi %mul3A_3, %add3A_1388 : i32
      %lt3A_1390 = vector.broadcast %add3A_1389 : i32 to vector<16xi32>
      %lt3A_1391 = arith.cmpi slt, %get3A_1382, %lt3A_1390 : vector<16xi32>
      %and3A_1392 = arith.andi %ge3A_1387, %lt3A_1391 : vector<16xi1>
      %jit3A_1393 = arith.constant -1 : i32
      %broadcast_in_dim3A_1394 = vector.broadcast %jit3A_1393 : i32 to vector<16xi32>
      %select_n3A_1395 = arith.select %and3A_1392, %get3A_1385, %broadcast_in_dim3A_1394 : vector<16xi1>, vector<16xi32>
      %swap3A_1396 = arith.constant 16 : index
      %swap3A_1397 = tpu.vector_load %arg13[%swap3A_1396] {strides = array<i32>} : memref<112xi32, #tpu.memory_space<vmem>>, vector<16xi32>,
      %swap3A_1398 = vector.shape_cast %swap3A_1397 : vector<16xi32> to vector<16xi32>
      %swap3A_1399 = vector.shape_cast %select_n3A_1395 : vector<16xi32> to vector<16xi32>
      tpu.vector_store %arg13[%swap3A_1396], %swap3A_1399 {strides = array<i32>} : memref<112xi32, #tpu.memory_space<vmem>>, vector<16xi32>,
      %sub3A_1400 = vector.broadcast %mul3A_3 : i32 to vector<16xi32>
      %sub3A_1401 = arith.subi %get3A_1382, %sub3A_1400 : vector<16xi32>
      %jit3A_1402 = arith.constant -1 : i32
      %broadcast_in_dim3A_1403 = vector.broadcast %jit3A_1402 : i32 to vector<16xi32>
      %select_n3A_1404 = arith.select %and3A_1392, %sub3A_1401, %broadcast_in_dim3A_1403 : vector<16xi1>, vector<16xi32>
      %swap3A_1405 = arith.constant 16 : index
      %swap3A_1406 = tpu.vector_load %arg17[%swap3A_1405] {strides = array<i32>} : memref<112xi32, #tpu.memory_space<vmem>>, vector<16xi32>,
      %swap3A_1407 = vector.shape_cast %swap3A_1406 : vector<16xi32> to vector<16xi32>
      %swap3A_1408 = vector.shape_cast %select_n3A_1404 : vector<16xi32> to vector<16xi32>
      tpu.vector_store %arg17[%swap3A_1405], %swap3A_1408 {strides = array<i32>} : memref<112xi32, #tpu.memory_space<vmem>>, vector<16xi32>,
      %get3A_1409 = arith.constant 32 : index
      %get3A_1410 = tpu.vector_load %arg10[%get3A_1409] {strides = array<i32>} : memref<224xi32, #tpu.memory_space<vmem>>, vector<16xi32>,
      %get3A_1411 = vector.shape_cast %get3A_1410 : vector<16xi32> to vector<16xi32>
      %get3A_1412 = arith.constant 32 : index
      %get3A_1413 = tpu.vector_load %arg8[%get3A_1412] {strides = array<i32>} : memref<224xi32, #tpu.memory_space<vmem>>, vector<16xi32>,
      %get3A_1414 = vector.shape_cast %get3A_1413 : vector<16xi32> to vector<16xi32>
      %ge3A_1415 = vector.broadcast %mul3A_3 : i32 to vector<16xi32>
      %ge3A_1416 = arith.cmpi sge, %get3A_1411, %ge3A_1415 : vector<16xi32>
      %add3A_1417 = arith.constant 12544 : i32
      %add3A_1418 = arith.addi %mul3A_3, %add3A_1417 : i32
      %lt3A_1419 = vector.broadcast %add3A_1418 : i32 to vector<16xi32>
      %lt3A_1420 = arith.cmpi slt, %get3A_1411, %lt3A_1419 : vector<16xi32>
      %and3A_1421 = arith.andi %ge3A_1416, %lt3A_1420 : vector<16xi1>
      %jit3A_1422 = arith.constant -1 : i32
      %broadcast_in_dim3A_1423 = vector.broadcast %jit3A_1422 : i32 to vector<16xi32>
      %select_n3A_1424 = arith.select %and3A_1421, %get3A_1414, %broadcast_in_dim3A_1423 : vector<16xi1>, vector<16xi32>
      %swap3A_1425 = arith.constant 32 : index
      %swap3A_1426 = tpu.vector_load %arg13[%swap3A_1425] {strides = array<i32>} : memref<112xi32, #tpu.memory_space<vmem>>, vector<16xi32>,
      %swap3A_1427 = vector.shape_cast %swap3A_1426 : vector<16xi32> to vector<16xi32>
      %swap3A_1428 = vector.shape_cast %select_n3A_1424 : vector<16xi32> to vector<16xi32>
      tpu.vector_store %arg13[%swap3A_1425], %swap3A_1428 {strides = array<i32>} : memref<112xi32, #tpu.memory_space<vmem>>, vector<16xi32>,
      %sub3A_1429 = vector.broadcast %mul3A_3 : i32 to vector<16xi32>
      %sub3A_1430 = arith.subi %get3A_1411, %sub3A_1429 : vector<16xi32>
      %jit3A_1431 = arith.constant -1 : i32
      %broadcast_in_dim3A_1432 = vector.broadcast %jit3A_1431 : i32 to vector<16xi32>
      %select_n3A_1433 = arith.select %and3A_1421, %sub3A_1430, %broadcast_in_dim3A_1432 : vector<16xi1>, vector<16xi32>
      %swap3A_1434 = arith.constant 32 : index
      %swap3A_1435 = tpu.vector_load %arg17[%swap3A_1434] {strides = array<i32>} : memref<112xi32, #tpu.memory_space<vmem>>, vector<16xi32>,
      %swap3A_1436 = vector.shape_cast %swap3A_1435 : vector<16xi32> to vector<16xi32>
      %swap3A_1437 = vector.shape_cast %select_n3A_1433 : vector<16xi32> to vector<16xi32>
      tpu.vector_store %arg17[%swap3A_1434], %swap3A_1437 {strides = array<i32>} : memref<112xi32, #tpu.memory_space<vmem>>, vector<16xi32>,
      %get3A_1438 = arith.constant 48 : index
      %get3A_1439 = tpu.vector_load %arg10[%get3A_1438] {strides = array<i32>} : memref<224xi32, #tpu.memory_space<vmem>>, vector<16xi32>,
      %get3A_1440 = vector.shape_cast %get3A_1439 : vector<16xi32> to vector<16xi32>
      %get3A_1441 = arith.constant 48 : index
      %get3A_1442 = tpu.vector_load %arg8[%get3A_1441] {strides = array<i32>} : memref<224xi32, #tpu.memory_space<vmem>>, vector<16xi32>,
      %get3A_1443 = vector.shape_cast %get3A_1442 : vector<16xi32> to vector<16xi32>
      %ge3A_1444 = vector.broadcast %mul3A_3 : i32 to vector<16xi32>
      %ge3A_1445 = arith.cmpi sge, %get3A_1440, %ge3A_1444 : vector<16xi32>
      %add3A_1446 = arith.constant 12544 : i32
      %add3A_1447 = arith.addi %mul3A_3, %add3A_1446 : i32
      %lt3A_1448 = vector.broadcast %add3A_1447 : i32 to vector<16xi32>
      %lt3A_1449 = arith.cmpi slt, %get3A_1440, %lt3A_1448 : vector<16xi32>
      %and3A_1450 = arith.andi %ge3A_1445, %lt3A_1449 : vector<16xi1>
      %jit3A_1451 = arith.constant -1 : i32
      %broadcast_in_dim3A_1452 = vector.broadcast %jit3A_1451 : i32 to vector<16xi32>
      %select_n3A_1453 = arith.select %and3A_1450, %get3A_1443, %broadcast_in_dim3A_1452 : vector<16xi1>, vector<16xi32>
      %swap3A_1454 = arith.constant 48 : index
      %swap3A_1455 = tpu.vector_load %arg13[%swap3A_1454] {strides = array<i32>} : memref<112xi32, #tpu.memory_space<vmem>>, vector<16xi32>,
      %swap3A_1456 = vector.shape_cast %swap3A_1455 : vector<16xi32> to vector<16xi32>
      %swap3A_1457 = vector.shape_cast %select_n3A_1453 : vector<16xi32> to vector<16xi32>
      tpu.vector_store %arg13[%swap3A_1454], %swap3A_1457 {strides = array<i32>} : memref<112xi32, #tpu.memory_space<vmem>>, vector<16xi32>,
      %sub3A_1458 = vector.broadcast %mul3A_3 : i32 to vector<16xi32>
      %sub3A_1459 = arith.subi %get3A_1440, %sub3A_1458 : vector<16xi32>
      %jit3A_1460 = arith.constant -1 : i32
      %broadcast_in_dim3A_1461 = vector.broadcast %jit3A_1460 : i32 to vector<16xi32>
      %select_n3A_1462 = arith.select %and3A_1450, %sub3A_1459, %broadcast_in_dim3A_1461 : vector<16xi1>, vector<16xi32>
      %swap3A_1463 = arith.constant 48 : index
      %swap3A_1464 = tpu.vector_load %arg17[%swap3A_1463] {strides = array<i32>} : memref<112xi32, #tpu.memory_space<vmem>>, vector<16xi32>,
      %swap3A_1465 = vector.shape_cast %swap3A_1464 : vector<16xi32> to vector<16xi32>
      %swap3A_1466 = vector.shape_cast %select_n3A_1462 : vector<16xi32> to vector<16xi32>
      tpu.vector_store %arg17[%swap3A_1463], %swap3A_1466 {strides = array<i32>} : memref<112xi32, #tpu.memory_space<vmem>>, vector<16xi32>,
      %get3A_1467 = arith.constant 64 : index
      %get3A_1468 = tpu.vector_load %arg10[%get3A_1467] {strides = array<i32>} : memref<224xi32, #tpu.memory_space<vmem>>, vector<16xi32>,
      %get3A_1469 = vector.shape_cast %get3A_1468 : vector<16xi32> to vector<16xi32>
      %get3A_1470 = arith.constant 64 : index
      %get3A_1471 = tpu.vector_load %arg8[%get3A_1470] {strides = array<i32>} : memref<224xi32, #tpu.memory_space<vmem>>, vector<16xi32>,
      %get3A_1472 = vector.shape_cast %get3A_1471 : vector<16xi32> to vector<16xi32>
      %ge3A_1473 = vector.broadcast %mul3A_3 : i32 to vector<16xi32>
      %ge3A_1474 = arith.cmpi sge, %get3A_1469, %ge3A_1473 : vector<16xi32>
      %add3A_1475 = arith.constant 12544 : i32
      %add3A_1476 = arith.addi %mul3A_3, %add3A_1475 : i32
      %lt3A_1477 = vector.broadcast %add3A_1476 : i32 to vector<16xi32>
      %lt3A_1478 = arith.cmpi slt, %get3A_1469, %lt3A_1477 : vector<16xi32>
      %and3A_1479 = arith.andi %ge3A_1474, %lt3A_1478 : vector<16xi1>
      %jit3A_1480 = arith.constant -1 : i32
      %broadcast_in_dim3A_1481 = vector.broadcast %jit3A_1480 : i32 to vector<16xi32>
      %select_n3A_1482 = arith.select %and3A_1479, %get3A_1472, %broadcast_in_dim3A_1481 : vector<16xi1>, vector<16xi32>
      %swap3A_1483 = arith.constant 64 : index
      %swap3A_1484 = tpu.vector_load %arg13[%swap3A_1483] {strides = array<i32>} : memref<112xi32, #tpu.memory_space<vmem>>, vector<16xi32>,
      %swap3A_1485 = vector.shape_cast %swap3A_1484 : vector<16xi32> to vector<16xi32>
      %swap3A_1486 = vector.shape_cast %select_n3A_1482 : vector<16xi32> to vector<16xi32>
      tpu.vector_store %arg13[%swap3A_1483], %swap3A_1486 {strides = array<i32>} : memref<112xi32, #tpu.memory_space<vmem>>, vector<16xi32>,
      %sub3A_1487 = vector.broadcast %mul3A_3 : i32 to vector<16xi32>
      %sub3A_1488 = arith.subi %get3A_1469, %sub3A_1487 : vector<16xi32>
      %jit3A_1489 = arith.constant -1 : i32
      %broadcast_in_dim3A_1490 = vector.broadcast %jit3A_1489 : i32 to vector<16xi32>
      %select_n3A_1491 = arith.select %and3A_1479, %sub3A_1488, %broadcast_in_dim3A_1490 : vector<16xi1>, vector<16xi32>
      %swap3A_1492 = arith.constant 64 : index
      %swap3A_1493 = tpu.vector_load %arg17[%swap3A_1492] {strides = array<i32>} : memref<112xi32, #tpu.memory_space<vmem>>, vector<16xi32>,
      %swap3A_1494 = vector.shape_cast %swap3A_1493 : vector<16xi32> to vector<16xi32>
      %swap3A_1495 = vector.shape_cast %select_n3A_1491 : vector<16xi32> to vector<16xi32>
      tpu.vector_store %arg17[%swap3A_1492], %swap3A_1495 {strides = array<i32>} : memref<112xi32, #tpu.memory_space<vmem>>, vector<16xi32>,
      %get3A_1496 = arith.constant 80 : index
      %get3A_1497 = tpu.vector_load %arg10[%get3A_1496] {strides = array<i32>} : memref<224xi32, #tpu.memory_space<vmem>>, vector<16xi32>,
      %get3A_1498 = vector.shape_cast %get3A_1497 : vector<16xi32> to vector<16xi32>
      %get3A_1499 = arith.constant 80 : index
      %get3A_1500 = tpu.vector_load %arg8[%get3A_1499] {strides = array<i32>} : memref<224xi32, #tpu.memory_space<vmem>>, vector<16xi32>,
      %get3A_1501 = vector.shape_cast %get3A_1500 : vector<16xi32> to vector<16xi32>
      %ge3A_1502 = vector.broadcast %mul3A_3 : i32 to vector<16xi32>
      %ge3A_1503 = arith.cmpi sge, %get3A_1498, %ge3A_1502 : vector<16xi32>
      %add3A_1504 = arith.constant 12544 : i32
      %add3A_1505 = arith.addi %mul3A_3, %add3A_1504 : i32
      %lt3A_1506 = vector.broadcast %add3A_1505 : i32 to vector<16xi32>
      %lt3A_1507 = arith.cmpi slt, %get3A_1498, %lt3A_1506 : vector<16xi32>
      %and3A_1508 = arith.andi %ge3A_1503, %lt3A_1507 : vector<16xi1>
      %jit3A_1509 = arith.constant -1 : i32
      %broadcast_in_dim3A_1510 = vector.broadcast %jit3A_1509 : i32 to vector<16xi32>
      %select_n3A_1511 = arith.select %and3A_1508, %get3A_1501, %broadcast_in_dim3A_1510 : vector<16xi1>, vector<16xi32>
      %swap3A_1512 = arith.constant 80 : index
      %swap3A_1513 = tpu.vector_load %arg13[%swap3A_1512] {strides = array<i32>} : memref<112xi32, #tpu.memory_space<vmem>>, vector<16xi32>,
      %swap3A_1514 = vector.shape_cast %swap3A_1513 : vector<16xi32> to vector<16xi32>
      %swap3A_1515 = vector.shape_cast %select_n3A_1511 : vector<16xi32> to vector<16xi32>
      tpu.vector_store %arg13[%swap3A_1512], %swap3A_1515 {strides = array<i32>} : memref<112xi32, #tpu.memory_space<vmem>>, vector<16xi32>,
      %sub3A_1516 = vector.broadcast %mul3A_3 : i32 to vector<16xi32>
      %sub3A_1517 = arith.subi %get3A_1498, %sub3A_1516 : vector<16xi32>
      %jit3A_1518 = arith.constant -1 : i32
      %broadcast_in_dim3A_1519 = vector.broadcast %jit3A_1518 : i32 to vector<16xi32>
      %select_n3A_1520 = arith.select %and3A_1508, %sub3A_1517, %broadcast_in_dim3A_1519 : vector<16xi1>, vector<16xi32>
      %swap3A_1521 = arith.constant 80 : index
      %swap3A_1522 = tpu.vector_load %arg17[%swap3A_1521] {strides = array<i32>} : memref<112xi32, #tpu.memory_space<vmem>>, vector<16xi32>,
      %swap3A_1523 = vector.shape_cast %swap3A_1522 : vector<16xi32> to vector<16xi32>
      %swap3A_1524 = vector.shape_cast %select_n3A_1520 : vector<16xi32> to vector<16xi32>
      tpu.vector_store %arg17[%swap3A_1521], %swap3A_1524 {strides = array<i32>} : memref<112xi32, #tpu.memory_space<vmem>>, vector<16xi32>,
      %get3A_1525 = arith.constant 96 : index
      %get3A_1526 = tpu.vector_load %arg10[%get3A_1525] {strides = array<i32>} : memref<224xi32, #tpu.memory_space<vmem>>, vector<16xi32>,
      %get3A_1527 = vector.shape_cast %get3A_1526 : vector<16xi32> to vector<16xi32>
      %get3A_1528 = arith.constant 96 : index
      %get3A_1529 = tpu.vector_load %arg8[%get3A_1528] {strides = array<i32>} : memref<224xi32, #tpu.memory_space<vmem>>, vector<16xi32>,
      %get3A_1530 = vector.shape_cast %get3A_1529 : vector<16xi32> to vector<16xi32>
      %ge3A_1531 = vector.broadcast %mul3A_3 : i32 to vector<16xi32>
      %ge3A_1532 = arith.cmpi sge, %get3A_1527, %ge3A_1531 : vector<16xi32>
      %add3A_1533 = arith.constant 12544 : i32
      %add3A_1534 = arith.addi %mul3A_3, %add3A_1533 : i32
      %lt3A_1535 = vector.broadcast %add3A_1534 : i32 to vector<16xi32>
      %lt3A_1536 = arith.cmpi slt, %get3A_1527, %lt3A_1535 : vector<16xi32>
      %and3A_1537 = arith.andi %ge3A_1532, %lt3A_1536 : vector<16xi1>
      %jit3A_1538 = arith.constant -1 : i32
      %broadcast_in_dim3A_1539 = vector.broadcast %jit3A_1538 : i32 to vector<16xi32>
      %select_n3A_1540 = arith.select %and3A_1537, %get3A_1530, %broadcast_in_dim3A_1539 : vector<16xi1>, vector<16xi32>
      %swap3A_1541 = arith.constant 96 : index
      %swap3A_1542 = tpu.vector_load %arg13[%swap3A_1541] {strides = array<i32>} : memref<112xi32, #tpu.memory_space<vmem>>, vector<16xi32>,
      %swap3A_1543 = vector.shape_cast %swap3A_1542 : vector<16xi32> to vector<16xi32>
      %swap3A_1544 = vector.shape_cast %select_n3A_1540 : vector<16xi32> to vector<16xi32>
      tpu.vector_store %arg13[%swap3A_1541], %swap3A_1544 {strides = array<i32>} : memref<112xi32, #tpu.memory_space<vmem>>, vector<16xi32>,
      %sub3A_1545 = vector.broadcast %mul3A_3 : i32 to vector<16xi32>
      %sub3A_1546 = arith.subi %get3A_1527, %sub3A_1545 : vector<16xi32>
      %jit3A_1547 = arith.constant -1 : i32
      %broadcast_in_dim3A_1548 = vector.broadcast %jit3A_1547 : i32 to vector<16xi32>
      %select_n3A_1549 = arith.select %and3A_1537, %sub3A_1546, %broadcast_in_dim3A_1548 : vector<16xi1>, vector<16xi32>
      %swap3A_1550 = arith.constant 96 : index
      %swap3A_1551 = tpu.vector_load %arg17[%swap3A_1550] {strides = array<i32>} : memref<112xi32, #tpu.memory_space<vmem>>, vector<16xi32>,
      %swap3A_1552 = vector.shape_cast %swap3A_1551 : vector<16xi32> to vector<16xi32>
      %swap3A_1553 = vector.shape_cast %select_n3A_1549 : vector<16xi32> to vector<16xi32>
      tpu.vector_store %arg17[%swap3A_1550], %swap3A_1553 {strides = array<i32>} : memref<112xi32, #tpu.memory_space<vmem>>, vector<16xi32>,
      %get3A_1554 = arith.constant 112 : index
      %get3A_1555 = tpu.vector_load %arg10[%get3A_1554] {strides = array<i32>} : memref<224xi32, #tpu.memory_space<vmem>>, vector<16xi32>,
      %get3A_1556 = vector.shape_cast %get3A_1555 : vector<16xi32> to vector<16xi32>
      %get3A_1557 = arith.constant 112 : index
      %get3A_1558 = tpu.vector_load %arg8[%get3A_1557] {strides = array<i32>} : memref<224xi32, #tpu.memory_space<vmem>>, vector<16xi32>,
      %get3A_1559 = vector.shape_cast %get3A_1558 : vector<16xi32> to vector<16xi32>
      %ge3A_1560 = vector.broadcast %mul3A_3 : i32 to vector<16xi32>
      %ge3A_1561 = arith.cmpi sge, %get3A_1556, %ge3A_1560 : vector<16xi32>
      %add3A_1562 = arith.constant 12544 : i32
      %add3A_1563 = arith.addi %mul3A_3, %add3A_1562 : i32
      %lt3A_1564 = vector.broadcast %add3A_1563 : i32 to vector<16xi32>
      %lt3A_1565 = arith.cmpi slt, %get3A_1556, %lt3A_1564 : vector<16xi32>
      %and3A_1566 = arith.andi %ge3A_1561, %lt3A_1565 : vector<16xi1>
      %jit3A_1567 = arith.constant -1 : i32
      %broadcast_in_dim3A_1568 = vector.broadcast %jit3A_1567 : i32 to vector<16xi32>
      %select_n3A_1569 = arith.select %and3A_1566, %get3A_1559, %broadcast_in_dim3A_1568 : vector<16xi1>, vector<16xi32>
      %swap3A_1570 = arith.constant 0 : index
      %swap3A_1571 = tpu.vector_load %arg14[%swap3A_1570] {strides = array<i32>} : memref<112xi32, #tpu.memory_space<vmem>>, vector<16xi32>,
      %swap3A_1572 = vector.shape_cast %swap3A_1571 : vector<16xi32> to vector<16xi32>
      %swap3A_1573 = vector.shape_cast %select_n3A_1569 : vector<16xi32> to vector<16xi32>
      tpu.vector_store %arg14[%swap3A_1570], %swap3A_1573 {strides = array<i32>} : memref<112xi32, #tpu.memory_space<vmem>>, vector<16xi32>,
      %sub3A_1574 = vector.broadcast %mul3A_3 : i32 to vector<16xi32>
      %sub3A_1575 = arith.subi %get3A_1556, %sub3A_1574 : vector<16xi32>
      %jit3A_1576 = arith.constant -1 : i32
      %broadcast_in_dim3A_1577 = vector.broadcast %jit3A_1576 : i32 to vector<16xi32>
      %select_n3A_1578 = arith.select %and3A_1566, %sub3A_1575, %broadcast_in_dim3A_1577 : vector<16xi1>, vector<16xi32>
      %swap3A_1579 = arith.constant 0 : index
      %swap3A_1580 = tpu.vector_load %arg18[%swap3A_1579] {strides = array<i32>} : memref<112xi32, #tpu.memory_space<vmem>>, vector<16xi32>,
      %swap3A_1581 = vector.shape_cast %swap3A_1580 : vector<16xi32> to vector<16xi32>
      %swap3A_1582 = vector.shape_cast %select_n3A_1578 : vector<16xi32> to vector<16xi32>
      tpu.vector_store %arg18[%swap3A_1579], %swap3A_1582 {strides = array<i32>} : memref<112xi32, #tpu.memory_space<vmem>>, vector<16xi32>,
      %get3A_1583 = arith.constant 128 : index
      %get3A_1584 = tpu.vector_load %arg10[%get3A_1583] {strides = array<i32>} : memref<224xi32, #tpu.memory_space<vmem>>, vector<16xi32>,
      %get3A_1585 = vector.shape_cast %get3A_1584 : vector<16xi32> to vector<16xi32>
      %get3A_1586 = arith.constant 128 : index
      %get3A_1587 = tpu.vector_load %arg8[%get3A_1586] {strides = array<i32>} : memref<224xi32, #tpu.memory_space<vmem>>, vector<16xi32>,
      %get3A_1588 = vector.shape_cast %get3A_1587 : vector<16xi32> to vector<16xi32>
      %ge3A_1589 = vector.broadcast %mul3A_3 : i32 to vector<16xi32>
      %ge3A_1590 = arith.cmpi sge, %get3A_1585, %ge3A_1589 : vector<16xi32>
      %add3A_1591 = arith.constant 12544 : i32
      %add3A_1592 = arith.addi %mul3A_3, %add3A_1591 : i32
      %lt3A_1593 = vector.broadcast %add3A_1592 : i32 to vector<16xi32>
      %lt3A_1594 = arith.cmpi slt, %get3A_1585, %lt3A_1593 : vector<16xi32>
      %and3A_1595 = arith.andi %ge3A_1590, %lt3A_1594 : vector<16xi1>
      %jit3A_1596 = arith.constant -1 : i32
      %broadcast_in_dim3A_1597 = vector.broadcast %jit3A_1596 : i32 to vector<16xi32>
      %select_n3A_1598 = arith.select %and3A_1595, %get3A_1588, %broadcast_in_dim3A_1597 : vector<16xi1>, vector<16xi32>
      %swap3A_1599 = arith.constant 16 : index
      %swap3A_1600 = tpu.vector_load %arg14[%swap3A_1599] {strides = array<i32>} : memref<112xi32, #tpu.memory_space<vmem>>, vector<16xi32>,
      %swap3A_1601 = vector.shape_cast %swap3A_1600 : vector<16xi32> to vector<16xi32>
      %swap3A_1602 = vector.shape_cast %select_n3A_1598 : vector<16xi32> to vector<16xi32>
      tpu.vector_store %arg14[%swap3A_1599], %swap3A_1602 {strides = array<i32>} : memref<112xi32, #tpu.memory_space<vmem>>, vector<16xi32>,
      %sub3A_1603 = vector.broadcast %mul3A_3 : i32 to vector<16xi32>
      %sub3A_1604 = arith.subi %get3A_1585, %sub3A_1603 : vector<16xi32>
      %jit3A_1605 = arith.constant -1 : i32
      %broadcast_in_dim3A_1606 = vector.broadcast %jit3A_1605 : i32 to vector<16xi32>
      %select_n3A_1607 = arith.select %and3A_1595, %sub3A_1604, %broadcast_in_dim3A_1606 : vector<16xi1>, vector<16xi32>
      %swap3A_1608 = arith.constant 16 : index
      %swap3A_1609 = tpu.vector_load %arg18[%swap3A_1608] {strides = array<i32>} : memref<112xi32, #tpu.memory_space<vmem>>, vector<16xi32>,
      %swap3A_1610 = vector.shape_cast %swap3A_1609 : vector<16xi32> to vector<16xi32>
      %swap3A_1611 = vector.shape_cast %select_n3A_1607 : vector<16xi32> to vector<16xi32>
      tpu.vector_store %arg18[%swap3A_1608], %swap3A_1611 {strides = array<i32>} : memref<112xi32, #tpu.memory_space<vmem>>, vector<16xi32>,
      %get3A_1612 = arith.constant 144 : index
      %get3A_1613 = tpu.vector_load %arg10[%get3A_1612] {strides = array<i32>} : memref<224xi32, #tpu.memory_space<vmem>>, vector<16xi32>,
      %get3A_1614 = vector.shape_cast %get3A_1613 : vector<16xi32> to vector<16xi32>
      %get3A_1615 = arith.constant 144 : index
      %get3A_1616 = tpu.vector_load %arg8[%get3A_1615] {strides = array<i32>} : memref<224xi32, #tpu.memory_space<vmem>>, vector<16xi32>,
      %get3A_1617 = vector.shape_cast %get3A_1616 : vector<16xi32> to vector<16xi32>
      %ge3A_1618 = vector.broadcast %mul3A_3 : i32 to vector<16xi32>
      %ge3A_1619 = arith.cmpi sge, %get3A_1614, %ge3A_1618 : vector<16xi32>
      %add3A_1620 = arith.constant 12544 : i32
      %add3A_1621 = arith.addi %mul3A_3, %add3A_1620 : i32
      %lt3A_1622 = vector.broadcast %add3A_1621 : i32 to vector<16xi32>
      %lt3A_1623 = arith.cmpi slt, %get3A_1614, %lt3A_1622 : vector<16xi32>
      %and3A_1624 = arith.andi %ge3A_1619, %lt3A_1623 : vector<16xi1>
      %jit3A_1625 = arith.constant -1 : i32
      %broadcast_in_dim3A_1626 = vector.broadcast %jit3A_1625 : i32 to vector<16xi32>
      %select_n3A_1627 = arith.select %and3A_1624, %get3A_1617, %broadcast_in_dim3A_1626 : vector<16xi1>, vector<16xi32>
      %swap3A_1628 = arith.constant 32 : index
      %swap3A_1629 = tpu.vector_load %arg14[%swap3A_1628] {strides = array<i32>} : memref<112xi32, #tpu.memory_space<vmem>>, vector<16xi32>,
      %swap3A_1630 = vector.shape_cast %swap3A_1629 : vector<16xi32> to vector<16xi32>
      %swap3A_1631 = vector.shape_cast %select_n3A_1627 : vector<16xi32> to vector<16xi32>
      tpu.vector_store %arg14[%swap3A_1628], %swap3A_1631 {strides = array<i32>} : memref<112xi32, #tpu.memory_space<vmem>>, vector<16xi32>,
      %sub3A_1632 = vector.broadcast %mul3A_3 : i32 to vector<16xi32>
      %sub3A_1633 = arith.subi %get3A_1614, %sub3A_1632 : vector<16xi32>
      %jit3A_1634 = arith.constant -1 : i32
      %broadcast_in_dim3A_1635 = vector.broadcast %jit3A_1634 : i32 to vector<16xi32>
      %select_n3A_1636 = arith.select %and3A_1624, %sub3A_1633, %broadcast_in_dim3A_1635 : vector<16xi1>, vector<16xi32>
      %swap3A_1637 = arith.constant 32 : index
      %swap3A_1638 = tpu.vector_load %arg18[%swap3A_1637] {strides = array<i32>} : memref<112xi32, #tpu.memory_space<vmem>>, vector<16xi32>,
      %swap3A_1639 = vector.shape_cast %swap3A_1638 : vector<16xi32> to vector<16xi32>
      %swap3A_1640 = vector.shape_cast %select_n3A_1636 : vector<16xi32> to vector<16xi32>
      tpu.vector_store %arg18[%swap3A_1637], %swap3A_1640 {strides = array<i32>} : memref<112xi32, #tpu.memory_space<vmem>>, vector<16xi32>,
      %get3A_1641 = arith.constant 160 : index
      %get3A_1642 = tpu.vector_load %arg10[%get3A_1641] {strides = array<i32>} : memref<224xi32, #tpu.memory_space<vmem>>, vector<16xi32>,
      %get3A_1643 = vector.shape_cast %get3A_1642 : vector<16xi32> to vector<16xi32>
      %get3A_1644 = arith.constant 160 : index
      %get3A_1645 = tpu.vector_load %arg8[%get3A_1644] {strides = array<i32>} : memref<224xi32, #tpu.memory_space<vmem>>, vector<16xi32>,
      %get3A_1646 = vector.shape_cast %get3A_1645 : vector<16xi32> to vector<16xi32>
      %ge3A_1647 = vector.broadcast %mul3A_3 : i32 to vector<16xi32>
      %ge3A_1648 = arith.cmpi sge, %get3A_1643, %ge3A_1647 : vector<16xi32>
      %add3A_1649 = arith.constant 12544 : i32
      %add3A_1650 = arith.addi %mul3A_3, %add3A_1649 : i32
      %lt3A_1651 = vector.broadcast %add3A_1650 : i32 to vector<16xi32>
      %lt3A_1652 = arith.cmpi slt, %get3A_1643, %lt3A_1651 : vector<16xi32>
      %and3A_1653 = arith.andi %ge3A_1648, %lt3A_1652 : vector<16xi1>
      %jit3A_1654 = arith.constant -1 : i32
      %broadcast_in_dim3A_1655 = vector.broadcast %jit3A_1654 : i32 to vector<16xi32>
      %select_n3A_1656 = arith.select %and3A_1653, %get3A_1646, %broadcast_in_dim3A_1655 : vector<16xi1>, vector<16xi32>
      %swap3A_1657 = arith.constant 48 : index
      %swap3A_1658 = tpu.vector_load %arg14[%swap3A_1657] {strides = array<i32>} : memref<112xi32, #tpu.memory_space<vmem>>, vector<16xi32>,
      %swap3A_1659 = vector.shape_cast %swap3A_1658 : vector<16xi32> to vector<16xi32>
      %swap3A_1660 = vector.shape_cast %select_n3A_1656 : vector<16xi32> to vector<16xi32>
      tpu.vector_store %arg14[%swap3A_1657], %swap3A_1660 {strides = array<i32>} : memref<112xi32, #tpu.memory_space<vmem>>, vector<16xi32>,
      %sub3A_1661 = vector.broadcast %mul3A_3 : i32 to vector<16xi32>
      %sub3A_1662 = arith.subi %get3A_1643, %sub3A_1661 : vector<16xi32>
      %jit3A_1663 = arith.constant -1 : i32
      %broadcast_in_dim3A_1664 = vector.broadcast %jit3A_1663 : i32 to vector<16xi32>
      %select_n3A_1665 = arith.select %and3A_1653, %sub3A_1662, %broadcast_in_dim3A_1664 : vector<16xi1>, vector<16xi32>
      %swap3A_1666 = arith.constant 48 : index
      %swap3A_1667 = tpu.vector_load %arg18[%swap3A_1666] {strides = array<i32>} : memref<112xi32, #tpu.memory_space<vmem>>, vector<16xi32>,
      %swap3A_1668 = vector.shape_cast %swap3A_1667 : vector<16xi32> to vector<16xi32>
      %swap3A_1669 = vector.shape_cast %select_n3A_1665 : vector<16xi32> to vector<16xi32>
      tpu.vector_store %arg18[%swap3A_1666], %swap3A_1669 {strides = array<i32>} : memref<112xi32, #tpu.memory_space<vmem>>, vector<16xi32>,
      %get3A_1670 = arith.constant 176 : index
      %get3A_1671 = tpu.vector_load %arg10[%get3A_1670] {strides = array<i32>} : memref<224xi32, #tpu.memory_space<vmem>>, vector<16xi32>,
      %get3A_1672 = vector.shape_cast %get3A_1671 : vector<16xi32> to vector<16xi32>
      %get3A_1673 = arith.constant 176 : index
      %get3A_1674 = tpu.vector_load %arg8[%get3A_1673] {strides = array<i32>} : memref<224xi32, #tpu.memory_space<vmem>>, vector<16xi32>,
      %get3A_1675 = vector.shape_cast %get3A_1674 : vector<16xi32> to vector<16xi32>
      %ge3A_1676 = vector.broadcast %mul3A_3 : i32 to vector<16xi32>
      %ge3A_1677 = arith.cmpi sge, %get3A_1672, %ge3A_1676 : vector<16xi32>
      %add3A_1678 = arith.constant 12544 : i32
      %add3A_1679 = arith.addi %mul3A_3, %add3A_1678 : i32
      %lt3A_1680 = vector.broadcast %add3A_1679 : i32 to vector<16xi32>
      %lt3A_1681 = arith.cmpi slt, %get3A_1672, %lt3A_1680 : vector<16xi32>
      %and3A_1682 = arith.andi %ge3A_1677, %lt3A_1681 : vector<16xi1>
      %jit3A_1683 = arith.constant -1 : i32
      %broadcast_in_dim3A_1684 = vector.broadcast %jit3A_1683 : i32 to vector<16xi32>
      %select_n3A_1685 = arith.select %and3A_1682, %get3A_1675, %broadcast_in_dim3A_1684 : vector<16xi1>, vector<16xi32>
      %swap3A_1686 = arith.constant 64 : index
      %swap3A_1687 = tpu.vector_load %arg14[%swap3A_1686] {strides = array<i32>} : memref<112xi32, #tpu.memory_space<vmem>>, vector<16xi32>,
      %swap3A_1688 = vector.shape_cast %swap3A_1687 : vector<16xi32> to vector<16xi32>
      %swap3A_1689 = vector.shape_cast %select_n3A_1685 : vector<16xi32> to vector<16xi32>
      tpu.vector_store %arg14[%swap3A_1686], %swap3A_1689 {strides = array<i32>} : memref<112xi32, #tpu.memory_space<vmem>>, vector<16xi32>,
      %sub3A_1690 = vector.broadcast %mul3A_3 : i32 to vector<16xi32>
      %sub3A_1691 = arith.subi %get3A_1672, %sub3A_1690 : vector<16xi32>
      %jit3A_1692 = arith.constant -1 : i32
      %broadcast_in_dim3A_1693 = vector.broadcast %jit3A_1692 : i32 to vector<16xi32>
      %select_n3A_1694 = arith.select %and3A_1682, %sub3A_1691, %broadcast_in_dim3A_1693 : vector<16xi1>, vector<16xi32>
      %swap3A_1695 = arith.constant 64 : index
      %swap3A_1696 = tpu.vector_load %arg18[%swap3A_1695] {strides = array<i32>} : memref<112xi32, #tpu.memory_space<vmem>>, vector<16xi32>,
      %swap3A_1697 = vector.shape_cast %swap3A_1696 : vector<16xi32> to vector<16xi32>
      %swap3A_1698 = vector.shape_cast %select_n3A_1694 : vector<16xi32> to vector<16xi32>
      tpu.vector_store %arg18[%swap3A_1695], %swap3A_1698 {strides = array<i32>} : memref<112xi32, #tpu.memory_space<vmem>>, vector<16xi32>,
      %get3A_1699 = arith.constant 192 : index
      %get3A_1700 = tpu.vector_load %arg10[%get3A_1699] {strides = array<i32>} : memref<224xi32, #tpu.memory_space<vmem>>, vector<16xi32>,
      %get3A_1701 = vector.shape_cast %get3A_1700 : vector<16xi32> to vector<16xi32>
      %get3A_1702 = arith.constant 192 : index
      %get3A_1703 = tpu.vector_load %arg8[%get3A_1702] {strides = array<i32>} : memref<224xi32, #tpu.memory_space<vmem>>, vector<16xi32>,
      %get3A_1704 = vector.shape_cast %get3A_1703 : vector<16xi32> to vector<16xi32>
      %ge3A_1705 = vector.broadcast %mul3A_3 : i32 to vector<16xi32>
      %ge3A_1706 = arith.cmpi sge, %get3A_1701, %ge3A_1705 : vector<16xi32>
      %add3A_1707 = arith.constant 12544 : i32
      %add3A_1708 = arith.addi %mul3A_3, %add3A_1707 : i32
      %lt3A_1709 = vector.broadcast %add3A_1708 : i32 to vector<16xi32>
      %lt3A_1710 = arith.cmpi slt, %get3A_1701, %lt3A_1709 : vector<16xi32>
      %and3A_1711 = arith.andi %ge3A_1706, %lt3A_1710 : vector<16xi1>
      %jit3A_1712 = arith.constant -1 : i32
      %broadcast_in_dim3A_1713 = vector.broadcast %jit3A_1712 : i32 to vector<16xi32>
      %select_n3A_1714 = arith.select %and3A_1711, %get3A_1704, %broadcast_in_dim3A_1713 : vector<16xi1>, vector<16xi32>
      %swap3A_1715 = arith.constant 80 : index
      %swap3A_1716 = tpu.vector_load %arg14[%swap3A_1715] {strides = array<i32>} : memref<112xi32, #tpu.memory_space<vmem>>, vector<16xi32>,
      %swap3A_1717 = vector.shape_cast %swap3A_1716 : vector<16xi32> to vector<16xi32>
      %swap3A_1718 = vector.shape_cast %select_n3A_1714 : vector<16xi32> to vector<16xi32>
      tpu.vector_store %arg14[%swap3A_1715], %swap3A_1718 {strides = array<i32>} : memref<112xi32, #tpu.memory_space<vmem>>, vector<16xi32>,
      %sub3A_1719 = vector.broadcast %mul3A_3 : i32 to vector<16xi32>
      %sub3A_1720 = arith.subi %get3A_1701, %sub3A_1719 : vector<16xi32>
      %jit3A_1721 = arith.constant -1 : i32
      %broadcast_in_dim3A_1722 = vector.broadcast %jit3A_1721 : i32 to vector<16xi32>
      %select_n3A_1723 = arith.select %and3A_1711, %sub3A_1720, %broadcast_in_dim3A_1722 : vector<16xi1>, vector<16xi32>
      %swap3A_1724 = arith.constant 80 : index
      %swap3A_1725 = tpu.vector_load %arg18[%swap3A_1724] {strides = array<i32>} : memref<112xi32, #tpu.memory_space<vmem>>, vector<16xi32>,
      %swap3A_1726 = vector.shape_cast %swap3A_1725 : vector<16xi32> to vector<16xi32>
      %swap3A_1727 = vector.shape_cast %select_n3A_1723 : vector<16xi32> to vector<16xi32>
      tpu.vector_store %arg18[%swap3A_1724], %swap3A_1727 {strides = array<i32>} : memref<112xi32, #tpu.memory_space<vmem>>, vector<16xi32>,
      %get3A_1728 = arith.constant 208 : index
      %get3A_1729 = tpu.vector_load %arg10[%get3A_1728] {strides = array<i32>} : memref<224xi32, #tpu.memory_space<vmem>>, vector<16xi32>,
      %get3A_1730 = vector.shape_cast %get3A_1729 : vector<16xi32> to vector<16xi32>
      %get3A_1731 = arith.constant 208 : index
      %get3A_1732 = tpu.vector_load %arg8[%get3A_1731] {strides = array<i32>} : memref<224xi32, #tpu.memory_space<vmem>>, vector<16xi32>,
      %get3A_1733 = vector.shape_cast %get3A_1732 : vector<16xi32> to vector<16xi32>
      %ge3A_1734 = vector.broadcast %mul3A_3 : i32 to vector<16xi32>
      %ge3A_1735 = arith.cmpi sge, %get3A_1730, %ge3A_1734 : vector<16xi32>
      %add3A_1736 = arith.constant 12544 : i32
      %add3A_1737 = arith.addi %mul3A_3, %add3A_1736 : i32
      %lt3A_1738 = vector.broadcast %add3A_1737 : i32 to vector<16xi32>
      %lt3A_1739 = arith.cmpi slt, %get3A_1730, %lt3A_1738 : vector<16xi32>
      %and3A_1740 = arith.andi %ge3A_1735, %lt3A_1739 : vector<16xi1>
      %jit3A_1741 = arith.constant -1 : i32
      %broadcast_in_dim3A_1742 = vector.broadcast %jit3A_1741 : i32 to vector<16xi32>
      %select_n3A_1743 = arith.select %and3A_1740, %get3A_1733, %broadcast_in_dim3A_1742 : vector<16xi1>, vector<16xi32>
      %swap3A_1744 = arith.constant 96 : index
      %swap3A_1745 = tpu.vector_load %arg14[%swap3A_1744] {strides = array<i32>} : memref<112xi32, #tpu.memory_space<vmem>>, vector<16xi32>,
      %swap3A_1746 = vector.shape_cast %swap3A_1745 : vector<16xi32> to vector<16xi32>
      %swap3A_1747 = vector.shape_cast %select_n3A_1743 : vector<16xi32> to vector<16xi32>
      tpu.vector_store %arg14[%swap3A_1744], %swap3A_1747 {strides = array<i32>} : memref<112xi32, #tpu.memory_space<vmem>>, vector<16xi32>,
      %sub3A_1748 = vector.broadcast %mul3A_3 : i32 to vector<16xi32>
      %sub3A_1749 = arith.subi %get3A_1730, %sub3A_1748 : vector<16xi32>
      %jit3A_1750 = arith.constant -1 : i32
      %broadcast_in_dim3A_1751 = vector.broadcast %jit3A_1750 : i32 to vector<16xi32>
      %select_n3A_1752 = arith.select %and3A_1740, %sub3A_1749, %broadcast_in_dim3A_1751 : vector<16xi1>, vector<16xi32>
      %swap3A_1753 = arith.constant 96 : index
      %swap3A_1754 = tpu.vector_load %arg18[%swap3A_1753] {strides = array<i32>} : memref<112xi32, #tpu.memory_space<vmem>>, vector<16xi32>,
      %swap3A_1755 = vector.shape_cast %swap3A_1754 : vector<16xi32> to vector<16xi32>
      %swap3A_1756 = vector.shape_cast %select_n3A_1752 : vector<16xi32> to vector<16xi32>
      tpu.vector_store %arg18[%swap3A_1753], %swap3A_1756 {strides = array<i32>} : memref<112xi32, #tpu.memory_space<vmem>>, vector<16xi32>,
      %dma_wait3A_1757 = arith.constant 0 : i32
      %dma_wait3A_1758 = arith.constant 0 : i32
      %dma_wait3A_1759 = arith.constant 0 : i32
      %dma_wait3A_1760 = tpu.memref_slice %arg19[%dma_wait3A_1757, %dma_wait3A_1758, %dma_wait3A_1759] : memref<2x112x128xf32, #tpu.memory_space<vmem>> -> memref<1x112x128xf32, #tpu.memory_space<vmem>>
      %dma_wait3A_1761 = tpu.memref_squeeze %dma_wait3A_1760 : memref<1x112x128xf32, #tpu.memory_space<vmem>> -> memref<112x128xf32, #tpu.memory_space<vmem>>
      %dma_wait3A_1762 = arith.constant 0 : i32
      %dma_wait3A_1763 = arith.constant 0 : i32
      %dma_wait3A_1764 = tpu.memref_slice %arg2[%dma_wait3A_1762, %dma_wait3A_1763] : memref<50176x128xf32, #tpu.memory_space<hbm>> -> memref<50176x128xf32, #tpu.memory_space<hbm>>
      tpu.wait_indirect_dma semaphore(%arg20 : memref<!tpu.dma_semaphore, #tpu.memory_space<semaphore_mem>>) src(%dma_wait3A_1764 : memref<50176x128xf32, #tpu.memory_space<hbm>>) dst(%dma_wait3A_1761 : memref<112x128xf32, #tpu.memory_space<vmem>>)
      %run_scoped3A_1765 = arith.constant 0 : i32
      "tpu.region"() ({
        %run_scoped3A_2264 = tpu.sem_alloc : memref<!tpu.dma_semaphore, #tpu.memory_space<semaphore_mem>>
        %dma_start3A_2265 = arith.constant 0 : i32
        %dma_start3A_2266 = arith.constant 0 : i32
        %dma_start3A_2267 = tpu.memref_slice %arg19[%run_scoped3A_1765, %dma_start3A_2265, %dma_start3A_2266] : memref<2x112x128xf32, #tpu.memory_space<vmem>> -> memref<1x112x128xf32, #tpu.memory_space<vmem>>
        %dma_start3A_2268 = tpu.memref_squeeze %dma_start3A_2267 : memref<1x112x128xf32, #tpu.memory_space<vmem>> -> memref<112x128xf32, #tpu.memory_space<vmem>>
        %dma_start3A_2269 = arith.constant 0 : i32
        %dma_start3A_2270 = arith.constant 0 : i32
        %dma_start3A_2271 = tpu.memref_slice %arg26[%dma_start3A_2269, %dma_start3A_2270] : memref<12544x128xf32, #tpu.memory_space<vmem_shared>> -> memref<12544x128xf32, #tpu.memory_space<vmem_shared>>
        %dma_start3A_2272 = arith.constant -1 : i32
        tpu.enqueue_indirect_dma source(%dma_start3A_2268 : memref<112x128xf32, #tpu.memory_space<vmem>>) target(%dma_start3A_2271 : memref<12544x128xf32, #tpu.memory_space<vmem_shared>>) offsets(%arg15 : memref<112xi32, #tpu.memory_space<vmem>>) offset_filter(%dma_start3A_2272) semaphore(%run_scoped3A_2264 : memref<!tpu.dma_semaphore, #tpu.memory_space<semaphore_mem>>) {add = true}
        %dma_wait3A_2273 = arith.constant 0 : i32
        %dma_wait3A_2274 = arith.constant 0 : i32
        %dma_wait3A_2275 = tpu.memref_slice %arg19[%run_scoped3A_1765, %dma_wait3A_2273, %dma_wait3A_2274] : memref<2x112x128xf32, #tpu.memory_space<vmem>> -> memref<1x112x128xf32, #tpu.memory_space<vmem>>
        %dma_wait3A_2276 = tpu.memref_squeeze %dma_wait3A_2275 : memref<1x112x128xf32, #tpu.memory_space<vmem>> -> memref<112x128xf32, #tpu.memory_space<vmem>>
        %dma_wait3A_2277 = arith.constant 0 : i32
        %dma_wait3A_2278 = arith.constant 0 : i32
        %dma_wait3A_2279 = tpu.memref_slice %arg26[%dma_wait3A_2277, %dma_wait3A_2278] : memref<12544x128xf32, #tpu.memory_space<vmem_shared>> -> memref<12544x128xf32, #tpu.memory_space<vmem_shared>>
        tpu.wait_indirect_dma semaphore(%run_scoped3A_2264 : memref<!tpu.dma_semaphore, #tpu.memory_space<semaphore_mem>>) src(%dma_wait3A_2276 : memref<112x128xf32, #tpu.memory_space<vmem>>) dst(%dma_wait3A_2279 : memref<12544x128xf32, #tpu.memory_space<vmem_shared>>)
        tpu.yield
      }) : () -> ()
      %dma_start3A_1766 = arith.constant 0 : i32
      %dma_start3A_1767 = arith.constant 0 : i32
      %dma_start3A_1768 = arith.constant 0 : i32
      %dma_start3A_1769 = tpu.memref_slice %arg19[%dma_start3A_1766, %dma_start3A_1767, %dma_start3A_1768] : memref<2x112x128xf32, #tpu.memory_space<vmem>> -> memref<1x112x128xf32, #tpu.memory_space<vmem>>
      %dma_start3A_1770 = tpu.memref_squeeze %dma_start3A_1769 : memref<1x112x128xf32, #tpu.memory_space<vmem>> -> memref<112x128xf32, #tpu.memory_space<vmem>>
      %dma_start3A_1771 = arith.constant 0 : i32
      %dma_start3A_1772 = arith.constant 0 : i32
      %dma_start3A_1773 = tpu.memref_slice %arg2[%dma_start3A_1771, %dma_start3A_1772] : memref<50176x128xf32, #tpu.memory_space<hbm>> -> memref<50176x128xf32, #tpu.memory_space<hbm>>
      %dma_start3A_1774 = arith.constant -1 : i32
      tpu.enqueue_indirect_dma source(%dma_start3A_1773 : memref<50176x128xf32, #tpu.memory_space<hbm>>) target(%dma_start3A_1770 : memref<112x128xf32, #tpu.memory_space<vmem>>) offsets(%arg13 : memref<112xi32, #tpu.memory_space<vmem>>) offset_filter(%dma_start3A_1774) semaphore(%arg20 : memref<!tpu.dma_semaphore, #tpu.memory_space<semaphore_mem>>)
      %dma_wait3A_1775 = arith.constant 1 : i32
      %dma_wait3A_1776 = arith.constant 0 : i32
      %dma_wait3A_1777 = arith.constant 0 : i32
      %dma_wait3A_1778 = tpu.memref_slice %arg19[%dma_wait3A_1775, %dma_wait3A_1776, %dma_wait3A_1777] : memref<2x112x128xf32, #tpu.memory_space<vmem>> -> memref<1x112x128xf32, #tpu.memory_space<vmem>>
      %dma_wait3A_1779 = tpu.memref_squeeze %dma_wait3A_1778 : memref<1x112x128xf32, #tpu.memory_space<vmem>> -> memref<112x128xf32, #tpu.memory_space<vmem>>
      %dma_wait3A_1780 = arith.constant 0 : i32
      %dma_wait3A_1781 = arith.constant 0 : i32
      %dma_wait3A_1782 = tpu.memref_slice %arg2[%dma_wait3A_1780, %dma_wait3A_1781] : memref<50176x128xf32, #tpu.memory_space<hbm>> -> memref<50176x128xf32, #tpu.memory_space<hbm>>
      tpu.wait_indirect_dma semaphore(%arg21 : memref<!tpu.dma_semaphore, #tpu.memory_space<semaphore_mem>>) src(%dma_wait3A_1782 : memref<50176x128xf32, #tpu.memory_space<hbm>>) dst(%dma_wait3A_1779 : memref<112x128xf32, #tpu.memory_space<vmem>>)
      %run_scoped3A_1783 = arith.constant 1 : i32
      "tpu.region"() ({
        %run_scoped3A_2264 = tpu.sem_alloc : memref<!tpu.dma_semaphore, #tpu.memory_space<semaphore_mem>>
        %dma_start3A_2265 = arith.constant 0 : i32
        %dma_start3A_2266 = arith.constant 0 : i32
        %dma_start3A_2267 = tpu.memref_slice %arg19[%run_scoped3A_1783, %dma_start3A_2265, %dma_start3A_2266] : memref<2x112x128xf32, #tpu.memory_space<vmem>> -> memref<1x112x128xf32, #tpu.memory_space<vmem>>
        %dma_start3A_2268 = tpu.memref_squeeze %dma_start3A_2267 : memref<1x112x128xf32, #tpu.memory_space<vmem>> -> memref<112x128xf32, #tpu.memory_space<vmem>>
        %dma_start3A_2269 = arith.constant 0 : i32
        %dma_start3A_2270 = arith.constant 0 : i32
        %dma_start3A_2271 = tpu.memref_slice %arg26[%dma_start3A_2269, %dma_start3A_2270] : memref<12544x128xf32, #tpu.memory_space<vmem_shared>> -> memref<12544x128xf32, #tpu.memory_space<vmem_shared>>
        %dma_start3A_2272 = arith.constant -1 : i32
        tpu.enqueue_indirect_dma source(%dma_start3A_2268 : memref<112x128xf32, #tpu.memory_space<vmem>>) target(%dma_start3A_2271 : memref<12544x128xf32, #tpu.memory_space<vmem_shared>>) offsets(%arg16 : memref<112xi32, #tpu.memory_space<vmem>>) offset_filter(%dma_start3A_2272) semaphore(%run_scoped3A_2264 : memref<!tpu.dma_semaphore, #tpu.memory_space<semaphore_mem>>) {add = true}
        %dma_wait3A_2273 = arith.constant 0 : i32
        %dma_wait3A_2274 = arith.constant 0 : i32
        %dma_wait3A_2275 = tpu.memref_slice %arg19[%run_scoped3A_1783, %dma_wait3A_2273, %dma_wait3A_2274] : memref<2x112x128xf32, #tpu.memory_space<vmem>> -> memref<1x112x128xf32, #tpu.memory_space<vmem>>
        %dma_wait3A_2276 = tpu.memref_squeeze %dma_wait3A_2275 : memref<1x112x128xf32, #tpu.memory_space<vmem>> -> memref<112x128xf32, #tpu.memory_space<vmem>>
        %dma_wait3A_2277 = arith.constant 0 : i32
        %dma_wait3A_2278 = arith.constant 0 : i32
        %dma_wait3A_2279 = tpu.memref_slice %arg26[%dma_wait3A_2277, %dma_wait3A_2278] : memref<12544x128xf32, #tpu.memory_space<vmem_shared>> -> memref<12544x128xf32, #tpu.memory_space<vmem_shared>>
        tpu.wait_indirect_dma semaphore(%run_scoped3A_2264 : memref<!tpu.dma_semaphore, #tpu.memory_space<semaphore_mem>>) src(%dma_wait3A_2276 : memref<112x128xf32, #tpu.memory_space<vmem>>) dst(%dma_wait3A_2279 : memref<12544x128xf32, #tpu.memory_space<vmem_shared>>)
        tpu.yield
      }) : () -> ()
      %dma_start3A_1784 = arith.constant 1 : i32
      %dma_start3A_1785 = arith.constant 0 : i32
      %dma_start3A_1786 = arith.constant 0 : i32
      %dma_start3A_1787 = tpu.memref_slice %arg19[%dma_start3A_1784, %dma_start3A_1785, %dma_start3A_1786] : memref<2x112x128xf32, #tpu.memory_space<vmem>> -> memref<1x112x128xf32, #tpu.memory_space<vmem>>
      %dma_start3A_1788 = tpu.memref_squeeze %dma_start3A_1787 : memref<1x112x128xf32, #tpu.memory_space<vmem>> -> memref<112x128xf32, #tpu.memory_space<vmem>>
      %dma_start3A_1789 = arith.constant 0 : i32
      %dma_start3A_1790 = arith.constant 0 : i32
      %dma_start3A_1791 = tpu.memref_slice %arg2[%dma_start3A_1789, %dma_start3A_1790] : memref<50176x128xf32, #tpu.memory_space<hbm>> -> memref<50176x128xf32, #tpu.memory_space<hbm>>
      %dma_start3A_1792 = arith.constant -1 : i32
      tpu.enqueue_indirect_dma source(%dma_start3A_1791 : memref<50176x128xf32, #tpu.memory_space<hbm>>) target(%dma_start3A_1788 : memref<112x128xf32, #tpu.memory_space<vmem>>) offsets(%arg14 : memref<112xi32, #tpu.memory_space<vmem>>) offset_filter(%dma_start3A_1792) semaphore(%arg21 : memref<!tpu.dma_semaphore, #tpu.memory_space<semaphore_mem>>)
      %add3A_1793 = arith.constant 1 : i32
      %add3A_1794 = arith.addi %add3A_1324, %add3A_1793 : i32
      %mul3A_1795 = arith.constant 224 : i32
      %mul3A_1796 = arith.muli %add3A_1794, %mul3A_1795 : i32
      %add3A_1797 = arith.addi %mul3A_0, %mul3A_1796 : i32
      %add3A_1798 = arith.constant 50000 : i32
      %add3A_1799 = arith.addi %mul3A_0, %add3A_1798 : i32
      %sub3A_1800 = arith.constant 224 : i32
      %sub3A_1801 = arith.subi %add3A_1799, %sub3A_1800 : i32
      %min3A_1802 = arith.minsi %add3A_1797, %sub3A_1801 : i32
      %dma_wait3A_1803 = tpu.memref_slice %arg3[%min3A_1802] : memref<800000xi32, #tpu.memory_space<hbm>> -> memref<224xi32, #tpu.memory_space<hbm>>
      %dma_wait3A_1804 = tpu.memref_slice %arg3[%min3A_1802] : memref<800000xi32, #tpu.memory_space<hbm>> -> memref<224xi32, #tpu.memory_space<hbm>>
      tpu.wait_dma2 semaphore(%arg22 : memref<!tpu.dma_semaphore, #tpu.memory_space<semaphore_mem>>) src(%dma_wait3A_1804 : memref<224xi32, #tpu.memory_space<hbm>>) dst(%arg7 : memref<224xi32, #tpu.memory_space<vmem>>)
      %dma_wait3A_1805 = tpu.memref_slice %arg4[%min3A_1802] : memref<800000xi32, #tpu.memory_space<hbm>> -> memref<224xi32, #tpu.memory_space<hbm>>
      %dma_wait3A_1806 = tpu.memref_slice %arg4[%min3A_1802] : memref<800000xi32, #tpu.memory_space<hbm>> -> memref<224xi32, #tpu.memory_space<hbm>>
      tpu.wait_dma2 semaphore(%arg23 : memref<!tpu.dma_semaphore, #tpu.memory_space<semaphore_mem>>) src(%dma_wait3A_1806 : memref<224xi32, #tpu.memory_space<hbm>>) dst(%arg9 : memref<224xi32, #tpu.memory_space<vmem>>)
      %add3A_1807 = arith.constant 1 : i32
      %add3A_1808 = arith.addi %add3A_1794, %add3A_1807 : i32
      %mul3A_1809 = arith.constant 224 : i32
      %mul3A_1810 = arith.muli %add3A_1808, %mul3A_1809 : i32
      %add3A_1811 = arith.addi %mul3A_0, %mul3A_1810 : i32
      %add3A_1812 = arith.constant 50000 : i32
      %add3A_1813 = arith.addi %mul3A_0, %add3A_1812 : i32
      %sub3A_1814 = arith.constant 224 : i32
      %sub3A_1815 = arith.subi %add3A_1813, %sub3A_1814 : i32
      %min3A_1816 = arith.minsi %add3A_1811, %sub3A_1815 : i32
      %dma_start3A_1817 = tpu.memref_slice %arg3[%min3A_1816] : memref<800000xi32, #tpu.memory_space<hbm>> -> memref<224xi32, #tpu.memory_space<hbm>>
      %dma_start3A_1818 = tpu.memref_slice %arg3[%min3A_1816] : memref<800000xi32, #tpu.memory_space<hbm>> -> memref<224xi32, #tpu.memory_space<hbm>>
      tpu.enqueue_dma source(%dma_start3A_1818 : memref<224xi32, #tpu.memory_space<hbm>>) target(%arg8 : memref<224xi32, #tpu.memory_space<vmem>>) target_semaphore(%arg24 : memref<!tpu.dma_semaphore, #tpu.memory_space<semaphore_mem>>)
      %dma_start3A_1819 = tpu.memref_slice %arg4[%min3A_1816] : memref<800000xi32, #tpu.memory_space<hbm>> -> memref<224xi32, #tpu.memory_space<hbm>>
      %dma_start3A_1820 = tpu.memref_slice %arg4[%min3A_1816] : memref<800000xi32, #tpu.memory_space<hbm>> -> memref<224xi32, #tpu.memory_space<hbm>>
      tpu.enqueue_dma source(%dma_start3A_1820 : memref<224xi32, #tpu.memory_space<hbm>>) target(%arg10 : memref<224xi32, #tpu.memory_space<vmem>>) target_semaphore(%arg25 : memref<!tpu.dma_semaphore, #tpu.memory_space<semaphore_mem>>)
      %get3A_1821 = arith.constant 0 : index
      %get3A_1822 = tpu.vector_load %arg9[%get3A_1821] {strides = array<i32>} : memref<224xi32, #tpu.memory_space<vmem>>, vector<16xi32>,
      %get3A_1823 = vector.shape_cast %get3A_1822 : vector<16xi32> to vector<16xi32>
      %get3A_1824 = arith.constant 0 : index
      %get3A_1825 = tpu.vector_load %arg7[%get3A_1824] {strides = array<i32>} : memref<224xi32, #tpu.memory_space<vmem>>, vector<16xi32>,
      %get3A_1826 = vector.shape_cast %get3A_1825 : vector<16xi32> to vector<16xi32>
      %ge3A_1827 = vector.broadcast %mul3A_3 : i32 to vector<16xi32>
      %ge3A_1828 = arith.cmpi sge, %get3A_1823, %ge3A_1827 : vector<16xi32>
      %add3A_1829 = arith.constant 12544 : i32
      %add3A_1830 = arith.addi %mul3A_3, %add3A_1829 : i32
      %lt3A_1831 = vector.broadcast %add3A_1830 : i32 to vector<16xi32>
      %lt3A_1832 = arith.cmpi slt, %get3A_1823, %lt3A_1831 : vector<16xi32>
      %and3A_1833 = arith.andi %ge3A_1828, %lt3A_1832 : vector<16xi1>
      %jit3A_1834 = arith.constant -1 : i32
      %broadcast_in_dim3A_1835 = vector.broadcast %jit3A_1834 : i32 to vector<16xi32>
      %select_n3A_1836 = arith.select %and3A_1833, %get3A_1826, %broadcast_in_dim3A_1835 : vector<16xi1>, vector<16xi32>
      %swap3A_1837 = arith.constant 0 : index
      %swap3A_1838 = tpu.vector_load %arg11[%swap3A_1837] {strides = array<i32>} : memref<112xi32, #tpu.memory_space<vmem>>, vector<16xi32>,
      %swap3A_1839 = vector.shape_cast %swap3A_1838 : vector<16xi32> to vector<16xi32>
      %swap3A_1840 = vector.shape_cast %select_n3A_1836 : vector<16xi32> to vector<16xi32>
      tpu.vector_store %arg11[%swap3A_1837], %swap3A_1840 {strides = array<i32>} : memref<112xi32, #tpu.memory_space<vmem>>, vector<16xi32>,
      %sub3A_1841 = vector.broadcast %mul3A_3 : i32 to vector<16xi32>
      %sub3A_1842 = arith.subi %get3A_1823, %sub3A_1841 : vector<16xi32>
      %jit3A_1843 = arith.constant -1 : i32
      %broadcast_in_dim3A_1844 = vector.broadcast %jit3A_1843 : i32 to vector<16xi32>
      %select_n3A_1845 = arith.select %and3A_1833, %sub3A_1842, %broadcast_in_dim3A_1844 : vector<16xi1>, vector<16xi32>
      %swap3A_1846 = arith.constant 0 : index
      %swap3A_1847 = tpu.vector_load %arg15[%swap3A_1846] {strides = array<i32>} : memref<112xi32, #tpu.memory_space<vmem>>, vector<16xi32>,
      %swap3A_1848 = vector.shape_cast %swap3A_1847 : vector<16xi32> to vector<16xi32>
      %swap3A_1849 = vector.shape_cast %select_n3A_1845 : vector<16xi32> to vector<16xi32>
      tpu.vector_store %arg15[%swap3A_1846], %swap3A_1849 {strides = array<i32>} : memref<112xi32, #tpu.memory_space<vmem>>, vector<16xi32>,
      %get3A_1850 = arith.constant 16 : index
      %get3A_1851 = tpu.vector_load %arg9[%get3A_1850] {strides = array<i32>} : memref<224xi32, #tpu.memory_space<vmem>>, vector<16xi32>,
      %get3A_1852 = vector.shape_cast %get3A_1851 : vector<16xi32> to vector<16xi32>
      %get3A_1853 = arith.constant 16 : index
      %get3A_1854 = tpu.vector_load %arg7[%get3A_1853] {strides = array<i32>} : memref<224xi32, #tpu.memory_space<vmem>>, vector<16xi32>,
      %get3A_1855 = vector.shape_cast %get3A_1854 : vector<16xi32> to vector<16xi32>
      %ge3A_1856 = vector.broadcast %mul3A_3 : i32 to vector<16xi32>
      %ge3A_1857 = arith.cmpi sge, %get3A_1852, %ge3A_1856 : vector<16xi32>
      %add3A_1858 = arith.constant 12544 : i32
      %add3A_1859 = arith.addi %mul3A_3, %add3A_1858 : i32
      %lt3A_1860 = vector.broadcast %add3A_1859 : i32 to vector<16xi32>
      %lt3A_1861 = arith.cmpi slt, %get3A_1852, %lt3A_1860 : vector<16xi32>
      %and3A_1862 = arith.andi %ge3A_1857, %lt3A_1861 : vector<16xi1>
      %jit3A_1863 = arith.constant -1 : i32
      %broadcast_in_dim3A_1864 = vector.broadcast %jit3A_1863 : i32 to vector<16xi32>
      %select_n3A_1865 = arith.select %and3A_1862, %get3A_1855, %broadcast_in_dim3A_1864 : vector<16xi1>, vector<16xi32>
      %swap3A_1866 = arith.constant 16 : index
      %swap3A_1867 = tpu.vector_load %arg11[%swap3A_1866] {strides = array<i32>} : memref<112xi32, #tpu.memory_space<vmem>>, vector<16xi32>,
      %swap3A_1868 = vector.shape_cast %swap3A_1867 : vector<16xi32> to vector<16xi32>
      %swap3A_1869 = vector.shape_cast %select_n3A_1865 : vector<16xi32> to vector<16xi32>
      tpu.vector_store %arg11[%swap3A_1866], %swap3A_1869 {strides = array<i32>} : memref<112xi32, #tpu.memory_space<vmem>>, vector<16xi32>,
      %sub3A_1870 = vector.broadcast %mul3A_3 : i32 to vector<16xi32>
      %sub3A_1871 = arith.subi %get3A_1852, %sub3A_1870 : vector<16xi32>
      %jit3A_1872 = arith.constant -1 : i32
      %broadcast_in_dim3A_1873 = vector.broadcast %jit3A_1872 : i32 to vector<16xi32>
      %select_n3A_1874 = arith.select %and3A_1862, %sub3A_1871, %broadcast_in_dim3A_1873 : vector<16xi1>, vector<16xi32>
      %swap3A_1875 = arith.constant 16 : index
      %swap3A_1876 = tpu.vector_load %arg15[%swap3A_1875] {strides = array<i32>} : memref<112xi32, #tpu.memory_space<vmem>>, vector<16xi32>,
      %swap3A_1877 = vector.shape_cast %swap3A_1876 : vector<16xi32> to vector<16xi32>
      %swap3A_1878 = vector.shape_cast %select_n3A_1874 : vector<16xi32> to vector<16xi32>
      tpu.vector_store %arg15[%swap3A_1875], %swap3A_1878 {strides = array<i32>} : memref<112xi32, #tpu.memory_space<vmem>>, vector<16xi32>,
      %get3A_1879 = arith.constant 32 : index
      %get3A_1880 = tpu.vector_load %arg9[%get3A_1879] {strides = array<i32>} : memref<224xi32, #tpu.memory_space<vmem>>, vector<16xi32>,
      %get3A_1881 = vector.shape_cast %get3A_1880 : vector<16xi32> to vector<16xi32>
      %get3A_1882 = arith.constant 32 : index
      %get3A_1883 = tpu.vector_load %arg7[%get3A_1882] {strides = array<i32>} : memref<224xi32, #tpu.memory_space<vmem>>, vector<16xi32>,
      %get3A_1884 = vector.shape_cast %get3A_1883 : vector<16xi32> to vector<16xi32>
      %ge3A_1885 = vector.broadcast %mul3A_3 : i32 to vector<16xi32>
      %ge3A_1886 = arith.cmpi sge, %get3A_1881, %ge3A_1885 : vector<16xi32>
      %add3A_1887 = arith.constant 12544 : i32
      %add3A_1888 = arith.addi %mul3A_3, %add3A_1887 : i32
      %lt3A_1889 = vector.broadcast %add3A_1888 : i32 to vector<16xi32>
      %lt3A_1890 = arith.cmpi slt, %get3A_1881, %lt3A_1889 : vector<16xi32>
      %and3A_1891 = arith.andi %ge3A_1886, %lt3A_1890 : vector<16xi1>
      %jit3A_1892 = arith.constant -1 : i32
      %broadcast_in_dim3A_1893 = vector.broadcast %jit3A_1892 : i32 to vector<16xi32>
      %select_n3A_1894 = arith.select %and3A_1891, %get3A_1884, %broadcast_in_dim3A_1893 : vector<16xi1>, vector<16xi32>
      %swap3A_1895 = arith.constant 32 : index
      %swap3A_1896 = tpu.vector_load %arg11[%swap3A_1895] {strides = array<i32>} : memref<112xi32, #tpu.memory_space<vmem>>, vector<16xi32>,
      %swap3A_1897 = vector.shape_cast %swap3A_1896 : vector<16xi32> to vector<16xi32>
      %swap3A_1898 = vector.shape_cast %select_n3A_1894 : vector<16xi32> to vector<16xi32>
      tpu.vector_store %arg11[%swap3A_1895], %swap3A_1898 {strides = array<i32>} : memref<112xi32, #tpu.memory_space<vmem>>, vector<16xi32>,
      %sub3A_1899 = vector.broadcast %mul3A_3 : i32 to vector<16xi32>
      %sub3A_1900 = arith.subi %get3A_1881, %sub3A_1899 : vector<16xi32>
      %jit3A_1901 = arith.constant -1 : i32
      %broadcast_in_dim3A_1902 = vector.broadcast %jit3A_1901 : i32 to vector<16xi32>
      %select_n3A_1903 = arith.select %and3A_1891, %sub3A_1900, %broadcast_in_dim3A_1902 : vector<16xi1>, vector<16xi32>
      %swap3A_1904 = arith.constant 32 : index
      %swap3A_1905 = tpu.vector_load %arg15[%swap3A_1904] {strides = array<i32>} : memref<112xi32, #tpu.memory_space<vmem>>, vector<16xi32>,
      %swap3A_1906 = vector.shape_cast %swap3A_1905 : vector<16xi32> to vector<16xi32>
      %swap3A_1907 = vector.shape_cast %select_n3A_1903 : vector<16xi32> to vector<16xi32>
      tpu.vector_store %arg15[%swap3A_1904], %swap3A_1907 {strides = array<i32>} : memref<112xi32, #tpu.memory_space<vmem>>, vector<16xi32>,
      %get3A_1908 = arith.constant 48 : index
      %get3A_1909 = tpu.vector_load %arg9[%get3A_1908] {strides = array<i32>} : memref<224xi32, #tpu.memory_space<vmem>>, vector<16xi32>,
      %get3A_1910 = vector.shape_cast %get3A_1909 : vector<16xi32> to vector<16xi32>
      %get3A_1911 = arith.constant 48 : index
      %get3A_1912 = tpu.vector_load %arg7[%get3A_1911] {strides = array<i32>} : memref<224xi32, #tpu.memory_space<vmem>>, vector<16xi32>,
      %get3A_1913 = vector.shape_cast %get3A_1912 : vector<16xi32> to vector<16xi32>
      %ge3A_1914 = vector.broadcast %mul3A_3 : i32 to vector<16xi32>
      %ge3A_1915 = arith.cmpi sge, %get3A_1910, %ge3A_1914 : vector<16xi32>
      %add3A_1916 = arith.constant 12544 : i32
      %add3A_1917 = arith.addi %mul3A_3, %add3A_1916 : i32
      %lt3A_1918 = vector.broadcast %add3A_1917 : i32 to vector<16xi32>
      %lt3A_1919 = arith.cmpi slt, %get3A_1910, %lt3A_1918 : vector<16xi32>
      %and3A_1920 = arith.andi %ge3A_1915, %lt3A_1919 : vector<16xi1>
      %jit3A_1921 = arith.constant -1 : i32
      %broadcast_in_dim3A_1922 = vector.broadcast %jit3A_1921 : i32 to vector<16xi32>
      %select_n3A_1923 = arith.select %and3A_1920, %get3A_1913, %broadcast_in_dim3A_1922 : vector<16xi1>, vector<16xi32>
      %swap3A_1924 = arith.constant 48 : index
      %swap3A_1925 = tpu.vector_load %arg11[%swap3A_1924] {strides = array<i32>} : memref<112xi32, #tpu.memory_space<vmem>>, vector<16xi32>,
      %swap3A_1926 = vector.shape_cast %swap3A_1925 : vector<16xi32> to vector<16xi32>
      %swap3A_1927 = vector.shape_cast %select_n3A_1923 : vector<16xi32> to vector<16xi32>
      tpu.vector_store %arg11[%swap3A_1924], %swap3A_1927 {strides = array<i32>} : memref<112xi32, #tpu.memory_space<vmem>>, vector<16xi32>,
      %sub3A_1928 = vector.broadcast %mul3A_3 : i32 to vector<16xi32>
      %sub3A_1929 = arith.subi %get3A_1910, %sub3A_1928 : vector<16xi32>
      %jit3A_1930 = arith.constant -1 : i32
      %broadcast_in_dim3A_1931 = vector.broadcast %jit3A_1930 : i32 to vector<16xi32>
      %select_n3A_1932 = arith.select %and3A_1920, %sub3A_1929, %broadcast_in_dim3A_1931 : vector<16xi1>, vector<16xi32>
      %swap3A_1933 = arith.constant 48 : index
      %swap3A_1934 = tpu.vector_load %arg15[%swap3A_1933] {strides = array<i32>} : memref<112xi32, #tpu.memory_space<vmem>>, vector<16xi32>,
      %swap3A_1935 = vector.shape_cast %swap3A_1934 : vector<16xi32> to vector<16xi32>
      %swap3A_1936 = vector.shape_cast %select_n3A_1932 : vector<16xi32> to vector<16xi32>
      tpu.vector_store %arg15[%swap3A_1933], %swap3A_1936 {strides = array<i32>} : memref<112xi32, #tpu.memory_space<vmem>>, vector<16xi32>,
      %get3A_1937 = arith.constant 64 : index
      %get3A_1938 = tpu.vector_load %arg9[%get3A_1937] {strides = array<i32>} : memref<224xi32, #tpu.memory_space<vmem>>, vector<16xi32>,
      %get3A_1939 = vector.shape_cast %get3A_1938 : vector<16xi32> to vector<16xi32>
      %get3A_1940 = arith.constant 64 : index
      %get3A_1941 = tpu.vector_load %arg7[%get3A_1940] {strides = array<i32>} : memref<224xi32, #tpu.memory_space<vmem>>, vector<16xi32>,
      %get3A_1942 = vector.shape_cast %get3A_1941 : vector<16xi32> to vector<16xi32>
      %ge3A_1943 = vector.broadcast %mul3A_3 : i32 to vector<16xi32>
      %ge3A_1944 = arith.cmpi sge, %get3A_1939, %ge3A_1943 : vector<16xi32>
      %add3A_1945 = arith.constant 12544 : i32
      %add3A_1946 = arith.addi %mul3A_3, %add3A_1945 : i32
      %lt3A_1947 = vector.broadcast %add3A_1946 : i32 to vector<16xi32>
      %lt3A_1948 = arith.cmpi slt, %get3A_1939, %lt3A_1947 : vector<16xi32>
      %and3A_1949 = arith.andi %ge3A_1944, %lt3A_1948 : vector<16xi1>
      %jit3A_1950 = arith.constant -1 : i32
      %broadcast_in_dim3A_1951 = vector.broadcast %jit3A_1950 : i32 to vector<16xi32>
      %select_n3A_1952 = arith.select %and3A_1949, %get3A_1942, %broadcast_in_dim3A_1951 : vector<16xi1>, vector<16xi32>
      %swap3A_1953 = arith.constant 64 : index
      %swap3A_1954 = tpu.vector_load %arg11[%swap3A_1953] {strides = array<i32>} : memref<112xi32, #tpu.memory_space<vmem>>, vector<16xi32>,
      %swap3A_1955 = vector.shape_cast %swap3A_1954 : vector<16xi32> to vector<16xi32>
      %swap3A_1956 = vector.shape_cast %select_n3A_1952 : vector<16xi32> to vector<16xi32>
      tpu.vector_store %arg11[%swap3A_1953], %swap3A_1956 {strides = array<i32>} : memref<112xi32, #tpu.memory_space<vmem>>, vector<16xi32>,
      %sub3A_1957 = vector.broadcast %mul3A_3 : i32 to vector<16xi32>
      %sub3A_1958 = arith.subi %get3A_1939, %sub3A_1957 : vector<16xi32>
      %jit3A_1959 = arith.constant -1 : i32
      %broadcast_in_dim3A_1960 = vector.broadcast %jit3A_1959 : i32 to vector<16xi32>
      %select_n3A_1961 = arith.select %and3A_1949, %sub3A_1958, %broadcast_in_dim3A_1960 : vector<16xi1>, vector<16xi32>
      %swap3A_1962 = arith.constant 64 : index
      %swap3A_1963 = tpu.vector_load %arg15[%swap3A_1962] {strides = array<i32>} : memref<112xi32, #tpu.memory_space<vmem>>, vector<16xi32>,
      %swap3A_1964 = vector.shape_cast %swap3A_1963 : vector<16xi32> to vector<16xi32>
      %swap3A_1965 = vector.shape_cast %select_n3A_1961 : vector<16xi32> to vector<16xi32>
      tpu.vector_store %arg15[%swap3A_1962], %swap3A_1965 {strides = array<i32>} : memref<112xi32, #tpu.memory_space<vmem>>, vector<16xi32>,
      %get3A_1966 = arith.constant 80 : index
      %get3A_1967 = tpu.vector_load %arg9[%get3A_1966] {strides = array<i32>} : memref<224xi32, #tpu.memory_space<vmem>>, vector<16xi32>,
      %get3A_1968 = vector.shape_cast %get3A_1967 : vector<16xi32> to vector<16xi32>
      %get3A_1969 = arith.constant 80 : index
      %get3A_1970 = tpu.vector_load %arg7[%get3A_1969] {strides = array<i32>} : memref<224xi32, #tpu.memory_space<vmem>>, vector<16xi32>,
      %get3A_1971 = vector.shape_cast %get3A_1970 : vector<16xi32> to vector<16xi32>
      %ge3A_1972 = vector.broadcast %mul3A_3 : i32 to vector<16xi32>
      %ge3A_1973 = arith.cmpi sge, %get3A_1968, %ge3A_1972 : vector<16xi32>
      %add3A_1974 = arith.constant 12544 : i32
      %add3A_1975 = arith.addi %mul3A_3, %add3A_1974 : i32
      %lt3A_1976 = vector.broadcast %add3A_1975 : i32 to vector<16xi32>
      %lt3A_1977 = arith.cmpi slt, %get3A_1968, %lt3A_1976 : vector<16xi32>
      %and3A_1978 = arith.andi %ge3A_1973, %lt3A_1977 : vector<16xi1>
      %jit3A_1979 = arith.constant -1 : i32
      %broadcast_in_dim3A_1980 = vector.broadcast %jit3A_1979 : i32 to vector<16xi32>
      %select_n3A_1981 = arith.select %and3A_1978, %get3A_1971, %broadcast_in_dim3A_1980 : vector<16xi1>, vector<16xi32>
      %swap3A_1982 = arith.constant 80 : index
      %swap3A_1983 = tpu.vector_load %arg11[%swap3A_1982] {strides = array<i32>} : memref<112xi32, #tpu.memory_space<vmem>>, vector<16xi32>,
      %swap3A_1984 = vector.shape_cast %swap3A_1983 : vector<16xi32> to vector<16xi32>
      %swap3A_1985 = vector.shape_cast %select_n3A_1981 : vector<16xi32> to vector<16xi32>
      tpu.vector_store %arg11[%swap3A_1982], %swap3A_1985 {strides = array<i32>} : memref<112xi32, #tpu.memory_space<vmem>>, vector<16xi32>,
      %sub3A_1986 = vector.broadcast %mul3A_3 : i32 to vector<16xi32>
      %sub3A_1987 = arith.subi %get3A_1968, %sub3A_1986 : vector<16xi32>
      %jit3A_1988 = arith.constant -1 : i32
      %broadcast_in_dim3A_1989 = vector.broadcast %jit3A_1988 : i32 to vector<16xi32>
      %select_n3A_1990 = arith.select %and3A_1978, %sub3A_1987, %broadcast_in_dim3A_1989 : vector<16xi1>, vector<16xi32>
      %swap3A_1991 = arith.constant 80 : index
      %swap3A_1992 = tpu.vector_load %arg15[%swap3A_1991] {strides = array<i32>} : memref<112xi32, #tpu.memory_space<vmem>>, vector<16xi32>,
      %swap3A_1993 = vector.shape_cast %swap3A_1992 : vector<16xi32> to vector<16xi32>
      %swap3A_1994 = vector.shape_cast %select_n3A_1990 : vector<16xi32> to vector<16xi32>
      tpu.vector_store %arg15[%swap3A_1991], %swap3A_1994 {strides = array<i32>} : memref<112xi32, #tpu.memory_space<vmem>>, vector<16xi32>,
      %get3A_1995 = arith.constant 96 : index
      %get3A_1996 = tpu.vector_load %arg9[%get3A_1995] {strides = array<i32>} : memref<224xi32, #tpu.memory_space<vmem>>, vector<16xi32>,
      %get3A_1997 = vector.shape_cast %get3A_1996 : vector<16xi32> to vector<16xi32>
      %get3A_1998 = arith.constant 96 : index
      %get3A_1999 = tpu.vector_load %arg7[%get3A_1998] {strides = array<i32>} : memref<224xi32, #tpu.memory_space<vmem>>, vector<16xi32>,
      %get3A_2000 = vector.shape_cast %get3A_1999 : vector<16xi32> to vector<16xi32>
      %ge3A_2001 = vector.broadcast %mul3A_3 : i32 to vector<16xi32>
      %ge3A_2002 = arith.cmpi sge, %get3A_1997, %ge3A_2001 : vector<16xi32>
      %add3A_2003 = arith.constant 12544 : i32
      %add3A_2004 = arith.addi %mul3A_3, %add3A_2003 : i32
      %lt3A_2005 = vector.broadcast %add3A_2004 : i32 to vector<16xi32>
      %lt3A_2006 = arith.cmpi slt, %get3A_1997, %lt3A_2005 : vector<16xi32>
      %and3A_2007 = arith.andi %ge3A_2002, %lt3A_2006 : vector<16xi1>
      %jit3A_2008 = arith.constant -1 : i32
      %broadcast_in_dim3A_2009 = vector.broadcast %jit3A_2008 : i32 to vector<16xi32>
      %select_n3A_2010 = arith.select %and3A_2007, %get3A_2000, %broadcast_in_dim3A_2009 : vector<16xi1>, vector<16xi32>
      %swap3A_2011 = arith.constant 96 : index
      %swap3A_2012 = tpu.vector_load %arg11[%swap3A_2011] {strides = array<i32>} : memref<112xi32, #tpu.memory_space<vmem>>, vector<16xi32>,
      %swap3A_2013 = vector.shape_cast %swap3A_2012 : vector<16xi32> to vector<16xi32>
      %swap3A_2014 = vector.shape_cast %select_n3A_2010 : vector<16xi32> to vector<16xi32>
      tpu.vector_store %arg11[%swap3A_2011], %swap3A_2014 {strides = array<i32>} : memref<112xi32, #tpu.memory_space<vmem>>, vector<16xi32>,
      %sub3A_2015 = vector.broadcast %mul3A_3 : i32 to vector<16xi32>
      %sub3A_2016 = arith.subi %get3A_1997, %sub3A_2015 : vector<16xi32>
      %jit3A_2017 = arith.constant -1 : i32
      %broadcast_in_dim3A_2018 = vector.broadcast %jit3A_2017 : i32 to vector<16xi32>
      %select_n3A_2019 = arith.select %and3A_2007, %sub3A_2016, %broadcast_in_dim3A_2018 : vector<16xi1>, vector<16xi32>
      %swap3A_2020 = arith.constant 96 : index
      %swap3A_2021 = tpu.vector_load %arg15[%swap3A_2020] {strides = array<i32>} : memref<112xi32, #tpu.memory_space<vmem>>, vector<16xi32>,
      %swap3A_2022 = vector.shape_cast %swap3A_2021 : vector<16xi32> to vector<16xi32>
      %swap3A_2023 = vector.shape_cast %select_n3A_2019 : vector<16xi32> to vector<16xi32>
      tpu.vector_store %arg15[%swap3A_2020], %swap3A_2023 {strides = array<i32>} : memref<112xi32, #tpu.memory_space<vmem>>, vector<16xi32>,
      %get3A_2024 = arith.constant 112 : index
      %get3A_2025 = tpu.vector_load %arg9[%get3A_2024] {strides = array<i32>} : memref<224xi32, #tpu.memory_space<vmem>>, vector<16xi32>,
      %get3A_2026 = vector.shape_cast %get3A_2025 : vector<16xi32> to vector<16xi32>
      %get3A_2027 = arith.constant 112 : index
      %get3A_2028 = tpu.vector_load %arg7[%get3A_2027] {strides = array<i32>} : memref<224xi32, #tpu.memory_space<vmem>>, vector<16xi32>,
      %get3A_2029 = vector.shape_cast %get3A_2028 : vector<16xi32> to vector<16xi32>
      %ge3A_2030 = vector.broadcast %mul3A_3 : i32 to vector<16xi32>
      %ge3A_2031 = arith.cmpi sge, %get3A_2026, %ge3A_2030 : vector<16xi32>
      %add3A_2032 = arith.constant 12544 : i32
      %add3A_2033 = arith.addi %mul3A_3, %add3A_2032 : i32
      %lt3A_2034 = vector.broadcast %add3A_2033 : i32 to vector<16xi32>
      %lt3A_2035 = arith.cmpi slt, %get3A_2026, %lt3A_2034 : vector<16xi32>
      %and3A_2036 = arith.andi %ge3A_2031, %lt3A_2035 : vector<16xi1>
      %jit3A_2037 = arith.constant -1 : i32
      %broadcast_in_dim3A_2038 = vector.broadcast %jit3A_2037 : i32 to vector<16xi32>
      %select_n3A_2039 = arith.select %and3A_2036, %get3A_2029, %broadcast_in_dim3A_2038 : vector<16xi1>, vector<16xi32>
      %swap3A_2040 = arith.constant 0 : index
      %swap3A_2041 = tpu.vector_load %arg12[%swap3A_2040] {strides = array<i32>} : memref<112xi32, #tpu.memory_space<vmem>>, vector<16xi32>,
      %swap3A_2042 = vector.shape_cast %swap3A_2041 : vector<16xi32> to vector<16xi32>
      %swap3A_2043 = vector.shape_cast %select_n3A_2039 : vector<16xi32> to vector<16xi32>
      tpu.vector_store %arg12[%swap3A_2040], %swap3A_2043 {strides = array<i32>} : memref<112xi32, #tpu.memory_space<vmem>>, vector<16xi32>,
      %sub3A_2044 = vector.broadcast %mul3A_3 : i32 to vector<16xi32>
      %sub3A_2045 = arith.subi %get3A_2026, %sub3A_2044 : vector<16xi32>
      %jit3A_2046 = arith.constant -1 : i32
      %broadcast_in_dim3A_2047 = vector.broadcast %jit3A_2046 : i32 to vector<16xi32>
      %select_n3A_2048 = arith.select %and3A_2036, %sub3A_2045, %broadcast_in_dim3A_2047 : vector<16xi1>, vector<16xi32>
      %swap3A_2049 = arith.constant 0 : index
      %swap3A_2050 = tpu.vector_load %arg16[%swap3A_2049] {strides = array<i32>} : memref<112xi32, #tpu.memory_space<vmem>>, vector<16xi32>,
      %swap3A_2051 = vector.shape_cast %swap3A_2050 : vector<16xi32> to vector<16xi32>
      %swap3A_2052 = vector.shape_cast %select_n3A_2048 : vector<16xi32> to vector<16xi32>
      tpu.vector_store %arg16[%swap3A_2049], %swap3A_2052 {strides = array<i32>} : memref<112xi32, #tpu.memory_space<vmem>>, vector<16xi32>,
      %get3A_2053 = arith.constant 128 : index
      %get3A_2054 = tpu.vector_load %arg9[%get3A_2053] {strides = array<i32>} : memref<224xi32, #tpu.memory_space<vmem>>, vector<16xi32>,
      %get3A_2055 = vector.shape_cast %get3A_2054 : vector<16xi32> to vector<16xi32>
      %get3A_2056 = arith.constant 128 : index
      %get3A_2057 = tpu.vector_load %arg7[%get3A_2056] {strides = array<i32>} : memref<224xi32, #tpu.memory_space<vmem>>, vector<16xi32>,
      %get3A_2058 = vector.shape_cast %get3A_2057 : vector<16xi32> to vector<16xi32>
      %ge3A_2059 = vector.broadcast %mul3A_3 : i32 to vector<16xi32>
      %ge3A_2060 = arith.cmpi sge, %get3A_2055, %ge3A_2059 : vector<16xi32>
      %add3A_2061 = arith.constant 12544 : i32
      %add3A_2062 = arith.addi %mul3A_3, %add3A_2061 : i32
      %lt3A_2063 = vector.broadcast %add3A_2062 : i32 to vector<16xi32>
      %lt3A_2064 = arith.cmpi slt, %get3A_2055, %lt3A_2063 : vector<16xi32>
      %and3A_2065 = arith.andi %ge3A_2060, %lt3A_2064 : vector<16xi1>
      %jit3A_2066 = arith.constant -1 : i32
      %broadcast_in_dim3A_2067 = vector.broadcast %jit3A_2066 : i32 to vector<16xi32>
      %select_n3A_2068 = arith.select %and3A_2065, %get3A_2058, %broadcast_in_dim3A_2067 : vector<16xi1>, vector<16xi32>
      %swap3A_2069 = arith.constant 16 : index
      %swap3A_2070 = tpu.vector_load %arg12[%swap3A_2069] {strides = array<i32>} : memref<112xi32, #tpu.memory_space<vmem>>, vector<16xi32>,
      %swap3A_2071 = vector.shape_cast %swap3A_2070 : vector<16xi32> to vector<16xi32>
      %swap3A_2072 = vector.shape_cast %select_n3A_2068 : vector<16xi32> to vector<16xi32>
      tpu.vector_store %arg12[%swap3A_2069], %swap3A_2072 {strides = array<i32>} : memref<112xi32, #tpu.memory_space<vmem>>, vector<16xi32>,
      %sub3A_2073 = vector.broadcast %mul3A_3 : i32 to vector<16xi32>
      %sub3A_2074 = arith.subi %get3A_2055, %sub3A_2073 : vector<16xi32>
      %jit3A_2075 = arith.constant -1 : i32
      %broadcast_in_dim3A_2076 = vector.broadcast %jit3A_2075 : i32 to vector<16xi32>
      %select_n3A_2077 = arith.select %and3A_2065, %sub3A_2074, %broadcast_in_dim3A_2076 : vector<16xi1>, vector<16xi32>
      %swap3A_2078 = arith.constant 16 : index
      %swap3A_2079 = tpu.vector_load %arg16[%swap3A_2078] {strides = array<i32>} : memref<112xi32, #tpu.memory_space<vmem>>, vector<16xi32>,
      %swap3A_2080 = vector.shape_cast %swap3A_2079 : vector<16xi32> to vector<16xi32>
      %swap3A_2081 = vector.shape_cast %select_n3A_2077 : vector<16xi32> to vector<16xi32>
      tpu.vector_store %arg16[%swap3A_2078], %swap3A_2081 {strides = array<i32>} : memref<112xi32, #tpu.memory_space<vmem>>, vector<16xi32>,
      %get3A_2082 = arith.constant 144 : index
      %get3A_2083 = tpu.vector_load %arg9[%get3A_2082] {strides = array<i32>} : memref<224xi32, #tpu.memory_space<vmem>>, vector<16xi32>,
      %get3A_2084 = vector.shape_cast %get3A_2083 : vector<16xi32> to vector<16xi32>
      %get3A_2085 = arith.constant 144 : index
      %get3A_2086 = tpu.vector_load %arg7[%get3A_2085] {strides = array<i32>} : memref<224xi32, #tpu.memory_space<vmem>>, vector<16xi32>,
      %get3A_2087 = vector.shape_cast %get3A_2086 : vector<16xi32> to vector<16xi32>
      %ge3A_2088 = vector.broadcast %mul3A_3 : i32 to vector<16xi32>
      %ge3A_2089 = arith.cmpi sge, %get3A_2084, %ge3A_2088 : vector<16xi32>
      %add3A_2090 = arith.constant 12544 : i32
      %add3A_2091 = arith.addi %mul3A_3, %add3A_2090 : i32
      %lt3A_2092 = vector.broadcast %add3A_2091 : i32 to vector<16xi32>
      %lt3A_2093 = arith.cmpi slt, %get3A_2084, %lt3A_2092 : vector<16xi32>
      %and3A_2094 = arith.andi %ge3A_2089, %lt3A_2093 : vector<16xi1>
      %jit3A_2095 = arith.constant -1 : i32
      %broadcast_in_dim3A_2096 = vector.broadcast %jit3A_2095 : i32 to vector<16xi32>
      %select_n3A_2097 = arith.select %and3A_2094, %get3A_2087, %broadcast_in_dim3A_2096 : vector<16xi1>, vector<16xi32>
      %swap3A_2098 = arith.constant 32 : index
      %swap3A_2099 = tpu.vector_load %arg12[%swap3A_2098] {strides = array<i32>} : memref<112xi32, #tpu.memory_space<vmem>>, vector<16xi32>,
      %swap3A_2100 = vector.shape_cast %swap3A_2099 : vector<16xi32> to vector<16xi32>
      %swap3A_2101 = vector.shape_cast %select_n3A_2097 : vector<16xi32> to vector<16xi32>
      tpu.vector_store %arg12[%swap3A_2098], %swap3A_2101 {strides = array<i32>} : memref<112xi32, #tpu.memory_space<vmem>>, vector<16xi32>,
      %sub3A_2102 = vector.broadcast %mul3A_3 : i32 to vector<16xi32>
      %sub3A_2103 = arith.subi %get3A_2084, %sub3A_2102 : vector<16xi32>
      %jit3A_2104 = arith.constant -1 : i32
      %broadcast_in_dim3A_2105 = vector.broadcast %jit3A_2104 : i32 to vector<16xi32>
      %select_n3A_2106 = arith.select %and3A_2094, %sub3A_2103, %broadcast_in_dim3A_2105 : vector<16xi1>, vector<16xi32>
      %swap3A_2107 = arith.constant 32 : index
      %swap3A_2108 = tpu.vector_load %arg16[%swap3A_2107] {strides = array<i32>} : memref<112xi32, #tpu.memory_space<vmem>>, vector<16xi32>,
      %swap3A_2109 = vector.shape_cast %swap3A_2108 : vector<16xi32> to vector<16xi32>
      %swap3A_2110 = vector.shape_cast %select_n3A_2106 : vector<16xi32> to vector<16xi32>
      tpu.vector_store %arg16[%swap3A_2107], %swap3A_2110 {strides = array<i32>} : memref<112xi32, #tpu.memory_space<vmem>>, vector<16xi32>,
      %get3A_2111 = arith.constant 160 : index
      %get3A_2112 = tpu.vector_load %arg9[%get3A_2111] {strides = array<i32>} : memref<224xi32, #tpu.memory_space<vmem>>, vector<16xi32>,
      %get3A_2113 = vector.shape_cast %get3A_2112 : vector<16xi32> to vector<16xi32>
      %get3A_2114 = arith.constant 160 : index
      %get3A_2115 = tpu.vector_load %arg7[%get3A_2114] {strides = array<i32>} : memref<224xi32, #tpu.memory_space<vmem>>, vector<16xi32>,
      %get3A_2116 = vector.shape_cast %get3A_2115 : vector<16xi32> to vector<16xi32>
      %ge3A_2117 = vector.broadcast %mul3A_3 : i32 to vector<16xi32>
      %ge3A_2118 = arith.cmpi sge, %get3A_2113, %ge3A_2117 : vector<16xi32>
      %add3A_2119 = arith.constant 12544 : i32
      %add3A_2120 = arith.addi %mul3A_3, %add3A_2119 : i32
      %lt3A_2121 = vector.broadcast %add3A_2120 : i32 to vector<16xi32>
      %lt3A_2122 = arith.cmpi slt, %get3A_2113, %lt3A_2121 : vector<16xi32>
      %and3A_2123 = arith.andi %ge3A_2118, %lt3A_2122 : vector<16xi1>
      %jit3A_2124 = arith.constant -1 : i32
      %broadcast_in_dim3A_2125 = vector.broadcast %jit3A_2124 : i32 to vector<16xi32>
      %select_n3A_2126 = arith.select %and3A_2123, %get3A_2116, %broadcast_in_dim3A_2125 : vector<16xi1>, vector<16xi32>
      %swap3A_2127 = arith.constant 48 : index
      %swap3A_2128 = tpu.vector_load %arg12[%swap3A_2127] {strides = array<i32>} : memref<112xi32, #tpu.memory_space<vmem>>, vector<16xi32>,
      %swap3A_2129 = vector.shape_cast %swap3A_2128 : vector<16xi32> to vector<16xi32>
      %swap3A_2130 = vector.shape_cast %select_n3A_2126 : vector<16xi32> to vector<16xi32>
      tpu.vector_store %arg12[%swap3A_2127], %swap3A_2130 {strides = array<i32>} : memref<112xi32, #tpu.memory_space<vmem>>, vector<16xi32>,
      %sub3A_2131 = vector.broadcast %mul3A_3 : i32 to vector<16xi32>
      %sub3A_2132 = arith.subi %get3A_2113, %sub3A_2131 : vector<16xi32>
      %jit3A_2133 = arith.constant -1 : i32
      %broadcast_in_dim3A_2134 = vector.broadcast %jit3A_2133 : i32 to vector<16xi32>
      %select_n3A_2135 = arith.select %and3A_2123, %sub3A_2132, %broadcast_in_dim3A_2134 : vector<16xi1>, vector<16xi32>
      %swap3A_2136 = arith.constant 48 : index
      %swap3A_2137 = tpu.vector_load %arg16[%swap3A_2136] {strides = array<i32>} : memref<112xi32, #tpu.memory_space<vmem>>, vector<16xi32>,
      %swap3A_2138 = vector.shape_cast %swap3A_2137 : vector<16xi32> to vector<16xi32>
      %swap3A_2139 = vector.shape_cast %select_n3A_2135 : vector<16xi32> to vector<16xi32>
      tpu.vector_store %arg16[%swap3A_2136], %swap3A_2139 {strides = array<i32>} : memref<112xi32, #tpu.memory_space<vmem>>, vector<16xi32>,
      %get3A_2140 = arith.constant 176 : index
      %get3A_2141 = tpu.vector_load %arg9[%get3A_2140] {strides = array<i32>} : memref<224xi32, #tpu.memory_space<vmem>>, vector<16xi32>,
      %get3A_2142 = vector.shape_cast %get3A_2141 : vector<16xi32> to vector<16xi32>
      %get3A_2143 = arith.constant 176 : index
      %get3A_2144 = tpu.vector_load %arg7[%get3A_2143] {strides = array<i32>} : memref<224xi32, #tpu.memory_space<vmem>>, vector<16xi32>,
      %get3A_2145 = vector.shape_cast %get3A_2144 : vector<16xi32> to vector<16xi32>
      %ge3A_2146 = vector.broadcast %mul3A_3 : i32 to vector<16xi32>
      %ge3A_2147 = arith.cmpi sge, %get3A_2142, %ge3A_2146 : vector<16xi32>
      %add3A_2148 = arith.constant 12544 : i32
      %add3A_2149 = arith.addi %mul3A_3, %add3A_2148 : i32
      %lt3A_2150 = vector.broadcast %add3A_2149 : i32 to vector<16xi32>
      %lt3A_2151 = arith.cmpi slt, %get3A_2142, %lt3A_2150 : vector<16xi32>
      %and3A_2152 = arith.andi %ge3A_2147, %lt3A_2151 : vector<16xi1>
      %jit3A_2153 = arith.constant -1 : i32
      %broadcast_in_dim3A_2154 = vector.broadcast %jit3A_2153 : i32 to vector<16xi32>
      %select_n3A_2155 = arith.select %and3A_2152, %get3A_2145, %broadcast_in_dim3A_2154 : vector<16xi1>, vector<16xi32>
      %swap3A_2156 = arith.constant 64 : index
      %swap3A_2157 = tpu.vector_load %arg12[%swap3A_2156] {strides = array<i32>} : memref<112xi32, #tpu.memory_space<vmem>>, vector<16xi32>,
      %swap3A_2158 = vector.shape_cast %swap3A_2157 : vector<16xi32> to vector<16xi32>
      %swap3A_2159 = vector.shape_cast %select_n3A_2155 : vector<16xi32> to vector<16xi32>
      tpu.vector_store %arg12[%swap3A_2156], %swap3A_2159 {strides = array<i32>} : memref<112xi32, #tpu.memory_space<vmem>>, vector<16xi32>,
      %sub3A_2160 = vector.broadcast %mul3A_3 : i32 to vector<16xi32>
      %sub3A_2161 = arith.subi %get3A_2142, %sub3A_2160 : vector<16xi32>
      %jit3A_2162 = arith.constant -1 : i32
      %broadcast_in_dim3A_2163 = vector.broadcast %jit3A_2162 : i32 to vector<16xi32>
      %select_n3A_2164 = arith.select %and3A_2152, %sub3A_2161, %broadcast_in_dim3A_2163 : vector<16xi1>, vector<16xi32>
      %swap3A_2165 = arith.constant 64 : index
      %swap3A_2166 = tpu.vector_load %arg16[%swap3A_2165] {strides = array<i32>} : memref<112xi32, #tpu.memory_space<vmem>>, vector<16xi32>,
      %swap3A_2167 = vector.shape_cast %swap3A_2166 : vector<16xi32> to vector<16xi32>
      %swap3A_2168 = vector.shape_cast %select_n3A_2164 : vector<16xi32> to vector<16xi32>
      tpu.vector_store %arg16[%swap3A_2165], %swap3A_2168 {strides = array<i32>} : memref<112xi32, #tpu.memory_space<vmem>>, vector<16xi32>,
      %get3A_2169 = arith.constant 192 : index
      %get3A_2170 = tpu.vector_load %arg9[%get3A_2169] {strides = array<i32>} : memref<224xi32, #tpu.memory_space<vmem>>, vector<16xi32>,
      %get3A_2171 = vector.shape_cast %get3A_2170 : vector<16xi32> to vector<16xi32>
      %get3A_2172 = arith.constant 192 : index
      %get3A_2173 = tpu.vector_load %arg7[%get3A_2172] {strides = array<i32>} : memref<224xi32, #tpu.memory_space<vmem>>, vector<16xi32>,
      %get3A_2174 = vector.shape_cast %get3A_2173 : vector<16xi32> to vector<16xi32>
      %ge3A_2175 = vector.broadcast %mul3A_3 : i32 to vector<16xi32>
      %ge3A_2176 = arith.cmpi sge, %get3A_2171, %ge3A_2175 : vector<16xi32>
      %add3A_2177 = arith.constant 12544 : i32
      %add3A_2178 = arith.addi %mul3A_3, %add3A_2177 : i32
      %lt3A_2179 = vector.broadcast %add3A_2178 : i32 to vector<16xi32>
      %lt3A_2180 = arith.cmpi slt, %get3A_2171, %lt3A_2179 : vector<16xi32>
      %and3A_2181 = arith.andi %ge3A_2176, %lt3A_2180 : vector<16xi1>
      %jit3A_2182 = arith.constant -1 : i32
      %broadcast_in_dim3A_2183 = vector.broadcast %jit3A_2182 : i32 to vector<16xi32>
      %select_n3A_2184 = arith.select %and3A_2181, %get3A_2174, %broadcast_in_dim3A_2183 : vector<16xi1>, vector<16xi32>
      %swap3A_2185 = arith.constant 80 : index
      %swap3A_2186 = tpu.vector_load %arg12[%swap3A_2185] {strides = array<i32>} : memref<112xi32, #tpu.memory_space<vmem>>, vector<16xi32>,
      %swap3A_2187 = vector.shape_cast %swap3A_2186 : vector<16xi32> to vector<16xi32>
      %swap3A_2188 = vector.shape_cast %select_n3A_2184 : vector<16xi32> to vector<16xi32>
      tpu.vector_store %arg12[%swap3A_2185], %swap3A_2188 {strides = array<i32>} : memref<112xi32, #tpu.memory_space<vmem>>, vector<16xi32>,
      %sub3A_2189 = vector.broadcast %mul3A_3 : i32 to vector<16xi32>
      %sub3A_2190 = arith.subi %get3A_2171, %sub3A_2189 : vector<16xi32>
      %jit3A_2191 = arith.constant -1 : i32
      %broadcast_in_dim3A_2192 = vector.broadcast %jit3A_2191 : i32 to vector<16xi32>
      %select_n3A_2193 = arith.select %and3A_2181, %sub3A_2190, %broadcast_in_dim3A_2192 : vector<16xi1>, vector<16xi32>
      %swap3A_2194 = arith.constant 80 : index
      %swap3A_2195 = tpu.vector_load %arg16[%swap3A_2194] {strides = array<i32>} : memref<112xi32, #tpu.memory_space<vmem>>, vector<16xi32>,
      %swap3A_2196 = vector.shape_cast %swap3A_2195 : vector<16xi32> to vector<16xi32>
      %swap3A_2197 = vector.shape_cast %select_n3A_2193 : vector<16xi32> to vector<16xi32>
      tpu.vector_store %arg16[%swap3A_2194], %swap3A_2197 {strides = array<i32>} : memref<112xi32, #tpu.memory_space<vmem>>, vector<16xi32>,
      %get3A_2198 = arith.constant 208 : index
      %get3A_2199 = tpu.vector_load %arg9[%get3A_2198] {strides = array<i32>} : memref<224xi32, #tpu.memory_space<vmem>>, vector<16xi32>,
      %get3A_2200 = vector.shape_cast %get3A_2199 : vector<16xi32> to vector<16xi32>
      %get3A_2201 = arith.constant 208 : index
      %get3A_2202 = tpu.vector_load %arg7[%get3A_2201] {strides = array<i32>} : memref<224xi32, #tpu.memory_space<vmem>>, vector<16xi32>,
      %get3A_2203 = vector.shape_cast %get3A_2202 : vector<16xi32> to vector<16xi32>
      %ge3A_2204 = vector.broadcast %mul3A_3 : i32 to vector<16xi32>
      %ge3A_2205 = arith.cmpi sge, %get3A_2200, %ge3A_2204 : vector<16xi32>
      %add3A_2206 = arith.constant 12544 : i32
      %add3A_2207 = arith.addi %mul3A_3, %add3A_2206 : i32
      %lt3A_2208 = vector.broadcast %add3A_2207 : i32 to vector<16xi32>
      %lt3A_2209 = arith.cmpi slt, %get3A_2200, %lt3A_2208 : vector<16xi32>
      %and3A_2210 = arith.andi %ge3A_2205, %lt3A_2209 : vector<16xi1>
      %jit3A_2211 = arith.constant -1 : i32
      %broadcast_in_dim3A_2212 = vector.broadcast %jit3A_2211 : i32 to vector<16xi32>
      %select_n3A_2213 = arith.select %and3A_2210, %get3A_2203, %broadcast_in_dim3A_2212 : vector<16xi1>, vector<16xi32>
      %swap3A_2214 = arith.constant 96 : index
      %swap3A_2215 = tpu.vector_load %arg12[%swap3A_2214] {strides = array<i32>} : memref<112xi32, #tpu.memory_space<vmem>>, vector<16xi32>,
      %swap3A_2216 = vector.shape_cast %swap3A_2215 : vector<16xi32> to vector<16xi32>
      %swap3A_2217 = vector.shape_cast %select_n3A_2213 : vector<16xi32> to vector<16xi32>
      tpu.vector_store %arg12[%swap3A_2214], %swap3A_2217 {strides = array<i32>} : memref<112xi32, #tpu.memory_space<vmem>>, vector<16xi32>,
      %sub3A_2218 = vector.broadcast %mul3A_3 : i32 to vector<16xi32>
      %sub3A_2219 = arith.subi %get3A_2200, %sub3A_2218 : vector<16xi32>
      %jit3A_2220 = arith.constant -1 : i32
      %broadcast_in_dim3A_2221 = vector.broadcast %jit3A_2220 : i32 to vector<16xi32>
      %select_n3A_2222 = arith.select %and3A_2210, %sub3A_2219, %broadcast_in_dim3A_2221 : vector<16xi1>, vector<16xi32>
      %swap3A_2223 = arith.constant 96 : index
      %swap3A_2224 = tpu.vector_load %arg16[%swap3A_2223] {strides = array<i32>} : memref<112xi32, #tpu.memory_space<vmem>>, vector<16xi32>,
      %swap3A_2225 = vector.shape_cast %swap3A_2224 : vector<16xi32> to vector<16xi32>
      %swap3A_2226 = vector.shape_cast %select_n3A_2222 : vector<16xi32> to vector<16xi32>
      tpu.vector_store %arg16[%swap3A_2223], %swap3A_2226 {strides = array<i32>} : memref<112xi32, #tpu.memory_space<vmem>>, vector<16xi32>,
      %dma_wait3A_2227 = arith.constant 0 : i32
      %dma_wait3A_2228 = arith.constant 0 : i32
      %dma_wait3A_2229 = arith.constant 0 : i32
      %dma_wait3A_2230 = tpu.memref_slice %arg19[%dma_wait3A_2227, %dma_wait3A_2228, %dma_wait3A_2229] : memref<2x112x128xf32, #tpu.memory_space<vmem>> -> memref<1x112x128xf32, #tpu.memory_space<vmem>>
      %dma_wait3A_2231 = tpu.memref_squeeze %dma_wait3A_2230 : memref<1x112x128xf32, #tpu.memory_space<vmem>> -> memref<112x128xf32, #tpu.memory_space<vmem>>
      %dma_wait3A_2232 = arith.constant 0 : i32
      %dma_wait3A_2233 = arith.constant 0 : i32
      %dma_wait3A_2234 = tpu.memref_slice %arg2[%dma_wait3A_2232, %dma_wait3A_2233] : memref<50176x128xf32, #tpu.memory_space<hbm>> -> memref<50176x128xf32, #tpu.memory_space<hbm>>
      tpu.wait_indirect_dma semaphore(%arg20 : memref<!tpu.dma_semaphore, #tpu.memory_space<semaphore_mem>>) src(%dma_wait3A_2234 : memref<50176x128xf32, #tpu.memory_space<hbm>>) dst(%dma_wait3A_2231 : memref<112x128xf32, #tpu.memory_space<vmem>>)
      %run_scoped3A_2235 = arith.constant 0 : i32
      "tpu.region"() ({
        %run_scoped3A_2264 = tpu.sem_alloc : memref<!tpu.dma_semaphore, #tpu.memory_space<semaphore_mem>>
        %dma_start3A_2265 = arith.constant 0 : i32
        %dma_start3A_2266 = arith.constant 0 : i32
        %dma_start3A_2267 = tpu.memref_slice %arg19[%run_scoped3A_2235, %dma_start3A_2265, %dma_start3A_2266] : memref<2x112x128xf32, #tpu.memory_space<vmem>> -> memref<1x112x128xf32, #tpu.memory_space<vmem>>
        %dma_start3A_2268 = tpu.memref_squeeze %dma_start3A_2267 : memref<1x112x128xf32, #tpu.memory_space<vmem>> -> memref<112x128xf32, #tpu.memory_space<vmem>>
        %dma_start3A_2269 = arith.constant 0 : i32
        %dma_start3A_2270 = arith.constant 0 : i32
        %dma_start3A_2271 = tpu.memref_slice %arg26[%dma_start3A_2269, %dma_start3A_2270] : memref<12544x128xf32, #tpu.memory_space<vmem_shared>> -> memref<12544x128xf32, #tpu.memory_space<vmem_shared>>
        %dma_start3A_2272 = arith.constant -1 : i32
        tpu.enqueue_indirect_dma source(%dma_start3A_2268 : memref<112x128xf32, #tpu.memory_space<vmem>>) target(%dma_start3A_2271 : memref<12544x128xf32, #tpu.memory_space<vmem_shared>>) offsets(%arg17 : memref<112xi32, #tpu.memory_space<vmem>>) offset_filter(%dma_start3A_2272) semaphore(%run_scoped3A_2264 : memref<!tpu.dma_semaphore, #tpu.memory_space<semaphore_mem>>) {add = true}
        %dma_wait3A_2273 = arith.constant 0 : i32
        %dma_wait3A_2274 = arith.constant 0 : i32
        %dma_wait3A_2275 = tpu.memref_slice %arg19[%run_scoped3A_2235, %dma_wait3A_2273, %dma_wait3A_2274] : memref<2x112x128xf32, #tpu.memory_space<vmem>> -> memref<1x112x128xf32, #tpu.memory_space<vmem>>
        %dma_wait3A_2276 = tpu.memref_squeeze %dma_wait3A_2275 : memref<1x112x128xf32, #tpu.memory_space<vmem>> -> memref<112x128xf32, #tpu.memory_space<vmem>>
        %dma_wait3A_2277 = arith.constant 0 : i32
        %dma_wait3A_2278 = arith.constant 0 : i32
        %dma_wait3A_2279 = tpu.memref_slice %arg26[%dma_wait3A_2277, %dma_wait3A_2278] : memref<12544x128xf32, #tpu.memory_space<vmem_shared>> -> memref<12544x128xf32, #tpu.memory_space<vmem_shared>>
        tpu.wait_indirect_dma semaphore(%run_scoped3A_2264 : memref<!tpu.dma_semaphore, #tpu.memory_space<semaphore_mem>>) src(%dma_wait3A_2276 : memref<112x128xf32, #tpu.memory_space<vmem>>) dst(%dma_wait3A_2279 : memref<12544x128xf32, #tpu.memory_space<vmem_shared>>)
        tpu.yield
      }) : () -> ()
      %dma_start3A_2236 = arith.constant 0 : i32
      %dma_start3A_2237 = arith.constant 0 : i32
      %dma_start3A_2238 = arith.constant 0 : i32
      %dma_start3A_2239 = tpu.memref_slice %arg19[%dma_start3A_2236, %dma_start3A_2237, %dma_start3A_2238] : memref<2x112x128xf32, #tpu.memory_space<vmem>> -> memref<1x112x128xf32, #tpu.memory_space<vmem>>
      %dma_start3A_2240 = tpu.memref_squeeze %dma_start3A_2239 : memref<1x112x128xf32, #tpu.memory_space<vmem>> -> memref<112x128xf32, #tpu.memory_space<vmem>>
      %dma_start3A_2241 = arith.constant 0 : i32
      %dma_start3A_2242 = arith.constant 0 : i32
      %dma_start3A_2243 = tpu.memref_slice %arg2[%dma_start3A_2241, %dma_start3A_2242] : memref<50176x128xf32, #tpu.memory_space<hbm>> -> memref<50176x128xf32, #tpu.memory_space<hbm>>
      %dma_start3A_2244 = arith.constant -1 : i32
      tpu.enqueue_indirect_dma source(%dma_start3A_2243 : memref<50176x128xf32, #tpu.memory_space<hbm>>) target(%dma_start3A_2240 : memref<112x128xf32, #tpu.memory_space<vmem>>) offsets(%arg11 : memref<112xi32, #tpu.memory_space<vmem>>) offset_filter(%dma_start3A_2244) semaphore(%arg20 : memref<!tpu.dma_semaphore, #tpu.memory_space<semaphore_mem>>)
      %dma_wait3A_2245 = arith.constant 1 : i32
      %dma_wait3A_2246 = arith.constant 0 : i32
      %dma_wait3A_2247 = arith.constant 0 : i32
      %dma_wait3A_2248 = tpu.memref_slice %arg19[%dma_wait3A_2245, %dma_wait3A_2246, %dma_wait3A_2247] : memref<2x112x128xf32, #tpu.memory_space<vmem>> -> memref<1x112x128xf32, #tpu.memory_space<vmem>>
      %dma_wait3A_2249 = tpu.memref_squeeze %dma_wait3A_2248 : memref<1x112x128xf32, #tpu.memory_space<vmem>> -> memref<112x128xf32, #tpu.memory_space<vmem>>
      %dma_wait3A_2250 = arith.constant 0 : i32
      %dma_wait3A_2251 = arith.constant 0 : i32
      %dma_wait3A_2252 = tpu.memref_slice %arg2[%dma_wait3A_2250, %dma_wait3A_2251] : memref<50176x128xf32, #tpu.memory_space<hbm>> -> memref<50176x128xf32, #tpu.memory_space<hbm>>
      tpu.wait_indirect_dma semaphore(%arg21 : memref<!tpu.dma_semaphore, #tpu.memory_space<semaphore_mem>>) src(%dma_wait3A_2252 : memref<50176x128xf32, #tpu.memory_space<hbm>>) dst(%dma_wait3A_2249 : memref<112x128xf32, #tpu.memory_space<vmem>>)
      %run_scoped3A_2253 = arith.constant 1 : i32
      "tpu.region"() ({
        %run_scoped3A_2264 = tpu.sem_alloc : memref<!tpu.dma_semaphore, #tpu.memory_space<semaphore_mem>>
        %dma_start3A_2265 = arith.constant 0 : i32
        %dma_start3A_2266 = arith.constant 0 : i32
        %dma_start3A_2267 = tpu.memref_slice %arg19[%run_scoped3A_2253, %dma_start3A_2265, %dma_start3A_2266] : memref<2x112x128xf32, #tpu.memory_space<vmem>> -> memref<1x112x128xf32, #tpu.memory_space<vmem>>
        %dma_start3A_2268 = tpu.memref_squeeze %dma_start3A_2267 : memref<1x112x128xf32, #tpu.memory_space<vmem>> -> memref<112x128xf32, #tpu.memory_space<vmem>>
        %dma_start3A_2269 = arith.constant 0 : i32
        %dma_start3A_2270 = arith.constant 0 : i32
        %dma_start3A_2271 = tpu.memref_slice %arg26[%dma_start3A_2269, %dma_start3A_2270] : memref<12544x128xf32, #tpu.memory_space<vmem_shared>> -> memref<12544x128xf32, #tpu.memory_space<vmem_shared>>
        %dma_start3A_2272 = arith.constant -1 : i32
        tpu.enqueue_indirect_dma source(%dma_start3A_2268 : memref<112x128xf32, #tpu.memory_space<vmem>>) target(%dma_start3A_2271 : memref<12544x128xf32, #tpu.memory_space<vmem_shared>>) offsets(%arg18 : memref<112xi32, #tpu.memory_space<vmem>>) offset_filter(%dma_start3A_2272) semaphore(%run_scoped3A_2264 : memref<!tpu.dma_semaphore, #tpu.memory_space<semaphore_mem>>) {add = true}
        %dma_wait3A_2273 = arith.constant 0 : i32
        %dma_wait3A_2274 = arith.constant 0 : i32
        %dma_wait3A_2275 = tpu.memref_slice %arg19[%run_scoped3A_2253, %dma_wait3A_2273, %dma_wait3A_2274] : memref<2x112x128xf32, #tpu.memory_space<vmem>> -> memref<1x112x128xf32, #tpu.memory_space<vmem>>
        %dma_wait3A_2276 = tpu.memref_squeeze %dma_wait3A_2275 : memref<1x112x128xf32, #tpu.memory_space<vmem>> -> memref<112x128xf32, #tpu.memory_space<vmem>>
        %dma_wait3A_2277 = arith.constant 0 : i32
        %dma_wait3A_2278 = arith.constant 0 : i32
        %dma_wait3A_2279 = tpu.memref_slice %arg26[%dma_wait3A_2277, %dma_wait3A_2278] : memref<12544x128xf32, #tpu.memory_space<vmem_shared>> -> memref<12544x128xf32, #tpu.memory_space<vmem_shared>>
        tpu.wait_indirect_dma semaphore(%run_scoped3A_2264 : memref<!tpu.dma_semaphore, #tpu.memory_space<semaphore_mem>>) src(%dma_wait3A_2276 : memref<112x128xf32, #tpu.memory_space<vmem>>) dst(%dma_wait3A_2279 : memref<12544x128xf32, #tpu.memory_space<vmem_shared>>)
        tpu.yield
      }) : () -> ()
      %dma_start3A_2254 = arith.constant 1 : i32
      %dma_start3A_2255 = arith.constant 0 : i32
      %dma_start3A_2256 = arith.constant 0 : i32
      %dma_start3A_2257 = tpu.memref_slice %arg19[%dma_start3A_2254, %dma_start3A_2255, %dma_start3A_2256] : memref<2x112x128xf32, #tpu.memory_space<vmem>> -> memref<1x112x128xf32, #tpu.memory_space<vmem>>
      %dma_start3A_2258 = tpu.memref_squeeze %dma_start3A_2257 : memref<1x112x128xf32, #tpu.memory_space<vmem>> -> memref<112x128xf32, #tpu.memory_space<vmem>>
      %dma_start3A_2259 = arith.constant 0 : i32
      %dma_start3A_2260 = arith.constant 0 : i32
      %dma_start3A_2261 = tpu.memref_slice %arg2[%dma_start3A_2259, %dma_start3A_2260] : memref<50176x128xf32, #tpu.memory_space<hbm>> -> memref<50176x128xf32, #tpu.memory_space<hbm>>
      %dma_start3A_2262 = arith.constant -1 : i32
      tpu.enqueue_indirect_dma source(%dma_start3A_2261 : memref<50176x128xf32, #tpu.memory_space<hbm>>) target(%dma_start3A_2258 : memref<112x128xf32, #tpu.memory_space<vmem>>) offsets(%arg12 : memref<112xi32, #tpu.memory_space<vmem>>) offset_filter(%dma_start3A_2262) semaphore(%arg21 : memref<!tpu.dma_semaphore, #tpu.memory_space<semaphore_mem>>)
      %scan3A_2263 = arith.constant 0 : i32
      scf.yield %scan3A_2263 : i32
    }
    %scan3A_461 = arith.constant 111 : i32
    %dma_wait3A_462 = arith.constant 0 : i32
    %dma_wait3A_463 = arith.constant 0 : i32
    %dma_wait3A_464 = arith.constant 0 : i32
    %dma_wait3A_465 = tpu.memref_slice %arg19[%dma_wait3A_462, %dma_wait3A_463, %dma_wait3A_464] : memref<2x112x128xf32, #tpu.memory_space<vmem>> -> memref<1x112x128xf32, #tpu.memory_space<vmem>>
    %dma_wait3A_466 = tpu.memref_squeeze %dma_wait3A_465 : memref<1x112x128xf32, #tpu.memory_space<vmem>> -> memref<112x128xf32, #tpu.memory_space<vmem>>
    %dma_wait3A_467 = arith.constant 0 : i32
    %dma_wait3A_468 = arith.constant 0 : i32
    %dma_wait3A_469 = tpu.memref_slice %arg2[%dma_wait3A_467, %dma_wait3A_468] : memref<50176x128xf32, #tpu.memory_space<hbm>> -> memref<50176x128xf32, #tpu.memory_space<hbm>>
    tpu.wait_indirect_dma semaphore(%arg20 : memref<!tpu.dma_semaphore, #tpu.memory_space<semaphore_mem>>) src(%dma_wait3A_469 : memref<50176x128xf32, #tpu.memory_space<hbm>>) dst(%dma_wait3A_466 : memref<112x128xf32, #tpu.memory_space<vmem>>)
    %run_scoped3A = arith.constant 0 : i32
    "tpu.region"() ({
      %run_scoped3A_1319 = tpu.sem_alloc : memref<!tpu.dma_semaphore, #tpu.memory_space<semaphore_mem>>
      %dma_start3A_1320 = arith.constant 0 : i32
      %dma_start3A_1321 = arith.constant 0 : i32
      %dma_start3A_1322 = tpu.memref_slice %arg19[%run_scoped3A, %dma_start3A_1320, %dma_start3A_1321] : memref<2x112x128xf32, #tpu.memory_space<vmem>> -> memref<1x112x128xf32, #tpu.memory_space<vmem>>
      %dma_start3A_1323 = tpu.memref_squeeze %dma_start3A_1322 : memref<1x112x128xf32, #tpu.memory_space<vmem>> -> memref<112x128xf32, #tpu.memory_space<vmem>>
      %dma_start3A_1324 = arith.constant 0 : i32
      %dma_start3A_1325 = arith.constant 0 : i32
      %dma_start3A_1326 = tpu.memref_slice %arg26[%dma_start3A_1324, %dma_start3A_1325] : memref<12544x128xf32, #tpu.memory_space<vmem_shared>> -> memref<12544x128xf32, #tpu.memory_space<vmem_shared>>
      %dma_start3A_1327 = arith.constant -1 : i32
      tpu.enqueue_indirect_dma source(%dma_start3A_1323 : memref<112x128xf32, #tpu.memory_space<vmem>>) target(%dma_start3A_1326 : memref<12544x128xf32, #tpu.memory_space<vmem_shared>>) offsets(%arg15 : memref<112xi32, #tpu.memory_space<vmem>>) offset_filter(%dma_start3A_1327) semaphore(%run_scoped3A_1319 : memref<!tpu.dma_semaphore, #tpu.memory_space<semaphore_mem>>) {add = true}
      %dma_wait3A_1328 = arith.constant 0 : i32
      %dma_wait3A_1329 = arith.constant 0 : i32
      %dma_wait3A_1330 = tpu.memref_slice %arg19[%run_scoped3A, %dma_wait3A_1328, %dma_wait3A_1329] : memref<2x112x128xf32, #tpu.memory_space<vmem>> -> memref<1x112x128xf32, #tpu.memory_space<vmem>>
      %dma_wait3A_1331 = tpu.memref_squeeze %dma_wait3A_1330 : memref<1x112x128xf32, #tpu.memory_space<vmem>> -> memref<112x128xf32, #tpu.memory_space<vmem>>
      %dma_wait3A_1332 = arith.constant 0 : i32
      %dma_wait3A_1333 = arith.constant 0 : i32
      %dma_wait3A_1334 = tpu.memref_slice %arg26[%dma_wait3A_1332, %dma_wait3A_1333] : memref<12544x128xf32, #tpu.memory_space<vmem_shared>> -> memref<12544x128xf32, #tpu.memory_space<vmem_shared>>
      tpu.wait_indirect_dma semaphore(%run_scoped3A_1319 : memref<!tpu.dma_semaphore, #tpu.memory_space<semaphore_mem>>) src(%dma_wait3A_1331 : memref<112x128xf32, #tpu.memory_space<vmem>>) dst(%dma_wait3A_1334 : memref<12544x128xf32, #tpu.memory_space<vmem_shared>>)
      tpu.yield
    }) : () -> ()
    %dma_wait3A_470 = arith.constant 1 : i32
    %dma_wait3A_471 = arith.constant 0 : i32
    %dma_wait3A_472 = arith.constant 0 : i32
    %dma_wait3A_473 = tpu.memref_slice %arg19[%dma_wait3A_470, %dma_wait3A_471, %dma_wait3A_472] : memref<2x112x128xf32, #tpu.memory_space<vmem>> -> memref<1x112x128xf32, #tpu.memory_space<vmem>>
    %dma_wait3A_474 = tpu.memref_squeeze %dma_wait3A_473 : memref<1x112x128xf32, #tpu.memory_space<vmem>> -> memref<112x128xf32, #tpu.memory_space<vmem>>
    %dma_wait3A_475 = arith.constant 0 : i32
    %dma_wait3A_476 = arith.constant 0 : i32
    %dma_wait3A_477 = tpu.memref_slice %arg2[%dma_wait3A_475, %dma_wait3A_476] : memref<50176x128xf32, #tpu.memory_space<hbm>> -> memref<50176x128xf32, #tpu.memory_space<hbm>>
    tpu.wait_indirect_dma semaphore(%arg21 : memref<!tpu.dma_semaphore, #tpu.memory_space<semaphore_mem>>) src(%dma_wait3A_477 : memref<50176x128xf32, #tpu.memory_space<hbm>>) dst(%dma_wait3A_474 : memref<112x128xf32, #tpu.memory_space<vmem>>)
    %run_scoped3A_478 = arith.constant 1 : i32
    "tpu.region"() ({
      %run_scoped3A_1319 = tpu.sem_alloc : memref<!tpu.dma_semaphore, #tpu.memory_space<semaphore_mem>>
      %dma_start3A_1320 = arith.constant 0 : i32
      %dma_start3A_1321 = arith.constant 0 : i32
      %dma_start3A_1322 = tpu.memref_slice %arg19[%run_scoped3A_478, %dma_start3A_1320, %dma_start3A_1321] : memref<2x112x128xf32, #tpu.memory_space<vmem>> -> memref<1x112x128xf32, #tpu.memory_space<vmem>>
      %dma_start3A_1323 = tpu.memref_squeeze %dma_start3A_1322 : memref<1x112x128xf32, #tpu.memory_space<vmem>> -> memref<112x128xf32, #tpu.memory_space<vmem>>
      %dma_start3A_1324 = arith.constant 0 : i32
      %dma_start3A_1325 = arith.constant 0 : i32
      %dma_start3A_1326 = tpu.memref_slice %arg26[%dma_start3A_1324, %dma_start3A_1325] : memref<12544x128xf32, #tpu.memory_space<vmem_shared>> -> memref<12544x128xf32, #tpu.memory_space<vmem_shared>>
      %dma_start3A_1327 = arith.constant -1 : i32
      tpu.enqueue_indirect_dma source(%dma_start3A_1323 : memref<112x128xf32, #tpu.memory_space<vmem>>) target(%dma_start3A_1326 : memref<12544x128xf32, #tpu.memory_space<vmem_shared>>) offsets(%arg16 : memref<112xi32, #tpu.memory_space<vmem>>) offset_filter(%dma_start3A_1327) semaphore(%run_scoped3A_1319 : memref<!tpu.dma_semaphore, #tpu.memory_space<semaphore_mem>>) {add = true}
      %dma_wait3A_1328 = arith.constant 0 : i32
      %dma_wait3A_1329 = arith.constant 0 : i32
      %dma_wait3A_1330 = tpu.memref_slice %arg19[%run_scoped3A_478, %dma_wait3A_1328, %dma_wait3A_1329] : memref<2x112x128xf32, #tpu.memory_space<vmem>> -> memref<1x112x128xf32, #tpu.memory_space<vmem>>
      %dma_wait3A_1331 = tpu.memref_squeeze %dma_wait3A_1330 : memref<1x112x128xf32, #tpu.memory_space<vmem>> -> memref<112x128xf32, #tpu.memory_space<vmem>>
      %dma_wait3A_1332 = arith.constant 0 : i32
      %dma_wait3A_1333 = arith.constant 0 : i32
      %dma_wait3A_1334 = tpu.memref_slice %arg26[%dma_wait3A_1332, %dma_wait3A_1333] : memref<12544x128xf32, #tpu.memory_space<vmem_shared>> -> memref<12544x128xf32, #tpu.memory_space<vmem_shared>>
      tpu.wait_indirect_dma semaphore(%run_scoped3A_1319 : memref<!tpu.dma_semaphore, #tpu.memory_space<semaphore_mem>>) src(%dma_wait3A_1331 : memref<112x128xf32, #tpu.memory_space<vmem>>) dst(%dma_wait3A_1334 : memref<12544x128xf32, #tpu.memory_space<vmem_shared>>)
      tpu.yield
    }) : () -> ()
    %add3A_479 = arith.constant 49952 : i32
    %add3A_480 = arith.addi %mul3A_0, %add3A_479 : i32
    %add3A_481 = arith.constant 50000 : i32
    %add3A_482 = arith.addi %mul3A_0, %add3A_481 : i32
    %sub3A_483 = arith.constant 224 : i32
    %sub3A_484 = arith.subi %add3A_482, %sub3A_483 : i32
    %min3A_485 = arith.minsi %add3A_480, %sub3A_484 : i32
    %dma_wait3A_486 = tpu.memref_slice %arg3[%min3A_485] : memref<800000xi32, #tpu.memory_space<hbm>> -> memref<224xi32, #tpu.memory_space<hbm>>
    %dma_wait3A_487 = tpu.memref_slice %arg3[%min3A_485] : memref<800000xi32, #tpu.memory_space<hbm>> -> memref<224xi32, #tpu.memory_space<hbm>>
    tpu.wait_dma2 semaphore(%arg24 : memref<!tpu.dma_semaphore, #tpu.memory_space<semaphore_mem>>) src(%dma_wait3A_487 : memref<224xi32, #tpu.memory_space<hbm>>) dst(%arg8 : memref<224xi32, #tpu.memory_space<vmem>>)
    %dma_wait3A_488 = tpu.memref_slice %arg4[%min3A_485] : memref<800000xi32, #tpu.memory_space<hbm>> -> memref<224xi32, #tpu.memory_space<hbm>>
    %dma_wait3A_489 = tpu.memref_slice %arg4[%min3A_485] : memref<800000xi32, #tpu.memory_space<hbm>> -> memref<224xi32, #tpu.memory_space<hbm>>
    tpu.wait_dma2 semaphore(%arg25 : memref<!tpu.dma_semaphore, #tpu.memory_space<semaphore_mem>>) src(%dma_wait3A_489 : memref<224xi32, #tpu.memory_space<hbm>>) dst(%arg10 : memref<224xi32, #tpu.memory_space<vmem>>)
    %add3A_490 = arith.constant 49952 : i32
    %add3A_491 = arith.addi %mul3A_0, %add3A_490 : i32
    "tpu.region"() ({
      %run_scoped3A_1319 = tpu.sem_alloc : memref<!tpu.dma_semaphore, #tpu.memory_space<semaphore_mem>>
      %dma_start3A_1320 = arith.constant 0 : i32
      %dma_start3A_1321 = tpu.memref_slice %arg7[%dma_start3A_1320] : memref<224xi32, #tpu.memory_space<vmem>> -> memref<48xi32, #tpu.memory_space<vmem>>
      %dma_start3A_1322 = tpu.memref_slice %arg3[%add3A_491] : memref<800000xi32, #tpu.memory_space<hbm>> -> memref<48xi32, #tpu.memory_space<hbm>>
      %dma_start3A_1323 = arith.constant 0 : i32
      %dma_start3A_1324 = tpu.memref_slice %arg7[%dma_start3A_1323] : memref<224xi32, #tpu.memory_space<vmem>> -> memref<48xi32, #tpu.memory_space<vmem>>
      %dma_start3A_1325 = tpu.memref_slice %arg3[%add3A_491] : memref<800000xi32, #tpu.memory_space<hbm>> -> memref<48xi32, #tpu.memory_space<hbm>>
      tpu.enqueue_dma source(%dma_start3A_1325 : memref<48xi32, #tpu.memory_space<hbm>>) target(%dma_start3A_1324 : memref<48xi32, #tpu.memory_space<vmem>>) target_semaphore(%run_scoped3A_1319 : memref<!tpu.dma_semaphore, #tpu.memory_space<semaphore_mem>>)
      %dma_wait3A_1326 = arith.constant 0 : i32
      %dma_wait3A_1327 = tpu.memref_slice %arg7[%dma_wait3A_1326] : memref<224xi32, #tpu.memory_space<vmem>> -> memref<48xi32, #tpu.memory_space<vmem>>
      %dma_wait3A_1328 = tpu.memref_slice %arg3[%add3A_491] : memref<800000xi32, #tpu.memory_space<hbm>> -> memref<48xi32, #tpu.memory_space<hbm>>
      %dma_wait3A_1329 = arith.constant 0 : i32
      %dma_wait3A_1330 = tpu.memref_slice %arg7[%dma_wait3A_1329] : memref<224xi32, #tpu.memory_space<vmem>> -> memref<48xi32, #tpu.memory_space<vmem>>
      %dma_wait3A_1331 = tpu.memref_slice %arg3[%add3A_491] : memref<800000xi32, #tpu.memory_space<hbm>> -> memref<48xi32, #tpu.memory_space<hbm>>
      tpu.wait_dma2 semaphore(%run_scoped3A_1319 : memref<!tpu.dma_semaphore, #tpu.memory_space<semaphore_mem>>) src(%dma_wait3A_1331 : memref<48xi32, #tpu.memory_space<hbm>>) dst(%dma_wait3A_1330 : memref<48xi32, #tpu.memory_space<vmem>>)
      tpu.yield
    }) : () -> ()
    "tpu.region"() ({
      %run_scoped3A_1319 = tpu.sem_alloc : memref<!tpu.dma_semaphore, #tpu.memory_space<semaphore_mem>>
      %dma_start3A_1320 = arith.constant 0 : i32
      %dma_start3A_1321 = tpu.memref_slice %arg9[%dma_start3A_1320] : memref<224xi32, #tpu.memory_space<vmem>> -> memref<48xi32, #tpu.memory_space<vmem>>
      %dma_start3A_1322 = tpu.memref_slice %arg4[%add3A_491] : memref<800000xi32, #tpu.memory_space<hbm>> -> memref<48xi32, #tpu.memory_space<hbm>>
      %dma_start3A_1323 = arith.constant 0 : i32
      %dma_start3A_1324 = tpu.memref_slice %arg9[%dma_start3A_1323] : memref<224xi32, #tpu.memory_space<vmem>> -> memref<48xi32, #tpu.memory_space<vmem>>
      %dma_start3A_1325 = tpu.memref_slice %arg4[%add3A_491] : memref<800000xi32, #tpu.memory_space<hbm>> -> memref<48xi32, #tpu.memory_space<hbm>>
      tpu.enqueue_dma source(%dma_start3A_1325 : memref<48xi32, #tpu.memory_space<hbm>>) target(%dma_start3A_1324 : memref<48xi32, #tpu.memory_space<vmem>>) target_semaphore(%run_scoped3A_1319 : memref<!tpu.dma_semaphore, #tpu.memory_space<semaphore_mem>>)
      %dma_wait3A_1326 = arith.constant 0 : i32
      %dma_wait3A_1327 = tpu.memref_slice %arg9[%dma_wait3A_1326] : memref<224xi32, #tpu.memory_space<vmem>> -> memref<48xi32, #tpu.memory_space<vmem>>
      %dma_wait3A_1328 = tpu.memref_slice %arg4[%add3A_491] : memref<800000xi32, #tpu.memory_space<hbm>> -> memref<48xi32, #tpu.memory_space<hbm>>
      %dma_wait3A_1329 = arith.constant 0 : i32
      %dma_wait3A_1330 = tpu.memref_slice %arg9[%dma_wait3A_1329] : memref<224xi32, #tpu.memory_space<vmem>> -> memref<48xi32, #tpu.memory_space<vmem>>
      %dma_wait3A_1331 = tpu.memref_slice %arg4[%add3A_491] : memref<800000xi32, #tpu.memory_space<hbm>> -> memref<48xi32, #tpu.memory_space<hbm>>
      tpu.wait_dma2 semaphore(%run_scoped3A_1319 : memref<!tpu.dma_semaphore, #tpu.memory_space<semaphore_mem>>) src(%dma_wait3A_1331 : memref<48xi32, #tpu.memory_space<hbm>>) dst(%dma_wait3A_1330 : memref<48xi32, #tpu.memory_space<vmem>>)
      tpu.yield
    }) : () -> ()
    %get3A_492 = arith.constant 0 : index
    %get3A_493 = tpu.vector_load %arg9[%get3A_492] {strides = array<i32>} : memref<224xi32, #tpu.memory_space<vmem>>, vector<16xi32>,
    %get3A_494 = vector.shape_cast %get3A_493 : vector<16xi32> to vector<16xi32>
    %get3A_495 = arith.constant 0 : index
    %get3A_496 = tpu.vector_load %arg7[%get3A_495] {strides = array<i32>} : memref<224xi32, #tpu.memory_space<vmem>>, vector<16xi32>,
    %get3A_497 = vector.shape_cast %get3A_496 : vector<16xi32> to vector<16xi32>
    %ge3A_498 = vector.broadcast %mul3A_3 : i32 to vector<16xi32>
    %ge3A_499 = arith.cmpi sge, %get3A_494, %ge3A_498 : vector<16xi32>
    %add3A_500 = arith.constant 12544 : i32
    %add3A_501 = arith.addi %mul3A_3, %add3A_500 : i32
    %lt3A_502 = vector.broadcast %add3A_501 : i32 to vector<16xi32>
    %lt3A_503 = arith.cmpi slt, %get3A_494, %lt3A_502 : vector<16xi32>
    %and3A_504 = arith.andi %ge3A_499, %lt3A_503 : vector<16xi1>
    %jit3A_505 = arith.constant -1 : i32
    %broadcast_in_dim3A_506 = vector.broadcast %jit3A_505 : i32 to vector<16xi32>
    %select_n3A_507 = arith.select %and3A_504, %get3A_497, %broadcast_in_dim3A_506 : vector<16xi1>, vector<16xi32>
    %swap3A_508 = arith.constant 0 : index
    %swap3A_509 = tpu.vector_load %arg11[%swap3A_508] {strides = array<i32>} : memref<112xi32, #tpu.memory_space<vmem>>, vector<16xi32>,
    %swap3A_510 = vector.shape_cast %swap3A_509 : vector<16xi32> to vector<16xi32>
    %swap3A_511 = vector.shape_cast %select_n3A_507 : vector<16xi32> to vector<16xi32>
    tpu.vector_store %arg11[%swap3A_508], %swap3A_511 {strides = array<i32>} : memref<112xi32, #tpu.memory_space<vmem>>, vector<16xi32>,
    %sub3A_512 = vector.broadcast %mul3A_3 : i32 to vector<16xi32>
    %sub3A_513 = arith.subi %get3A_494, %sub3A_512 : vector<16xi32>
    %jit3A_514 = arith.constant -1 : i32
    %broadcast_in_dim3A_515 = vector.broadcast %jit3A_514 : i32 to vector<16xi32>
    %select_n3A_516 = arith.select %and3A_504, %sub3A_513, %broadcast_in_dim3A_515 : vector<16xi1>, vector<16xi32>
    %swap3A_517 = arith.constant 0 : index
    %swap3A_518 = tpu.vector_load %arg15[%swap3A_517] {strides = array<i32>} : memref<112xi32, #tpu.memory_space<vmem>>, vector<16xi32>,
    %swap3A_519 = vector.shape_cast %swap3A_518 : vector<16xi32> to vector<16xi32>
    %swap3A_520 = vector.shape_cast %select_n3A_516 : vector<16xi32> to vector<16xi32>
    tpu.vector_store %arg15[%swap3A_517], %swap3A_520 {strides = array<i32>} : memref<112xi32, #tpu.memory_space<vmem>>, vector<16xi32>,
    %get3A_521 = arith.constant 16 : index
    %get3A_522 = tpu.vector_load %arg9[%get3A_521] {strides = array<i32>} : memref<224xi32, #tpu.memory_space<vmem>>, vector<16xi32>,
    %get3A_523 = vector.shape_cast %get3A_522 : vector<16xi32> to vector<16xi32>
    %get3A_524 = arith.constant 16 : index
    %get3A_525 = tpu.vector_load %arg7[%get3A_524] {strides = array<i32>} : memref<224xi32, #tpu.memory_space<vmem>>, vector<16xi32>,
    %get3A_526 = vector.shape_cast %get3A_525 : vector<16xi32> to vector<16xi32>
    %ge3A_527 = vector.broadcast %mul3A_3 : i32 to vector<16xi32>
    %ge3A_528 = arith.cmpi sge, %get3A_523, %ge3A_527 : vector<16xi32>
    %add3A_529 = arith.constant 12544 : i32
    %add3A_530 = arith.addi %mul3A_3, %add3A_529 : i32
    %lt3A_531 = vector.broadcast %add3A_530 : i32 to vector<16xi32>
    %lt3A_532 = arith.cmpi slt, %get3A_523, %lt3A_531 : vector<16xi32>
    %and3A_533 = arith.andi %ge3A_528, %lt3A_532 : vector<16xi1>
    %jit3A_534 = arith.constant -1 : i32
    %broadcast_in_dim3A_535 = vector.broadcast %jit3A_534 : i32 to vector<16xi32>
    %select_n3A_536 = arith.select %and3A_533, %get3A_526, %broadcast_in_dim3A_535 : vector<16xi1>, vector<16xi32>
    %swap3A_537 = arith.constant 16 : index
    %swap3A_538 = tpu.vector_load %arg11[%swap3A_537] {strides = array<i32>} : memref<112xi32, #tpu.memory_space<vmem>>, vector<16xi32>,
    %swap3A_539 = vector.shape_cast %swap3A_538 : vector<16xi32> to vector<16xi32>
    %swap3A_540 = vector.shape_cast %select_n3A_536 : vector<16xi32> to vector<16xi32>
    tpu.vector_store %arg11[%swap3A_537], %swap3A_540 {strides = array<i32>} : memref<112xi32, #tpu.memory_space<vmem>>, vector<16xi32>,
    %sub3A_541 = vector.broadcast %mul3A_3 : i32 to vector<16xi32>
    %sub3A_542 = arith.subi %get3A_523, %sub3A_541 : vector<16xi32>
    %jit3A_543 = arith.constant -1 : i32
    %broadcast_in_dim3A_544 = vector.broadcast %jit3A_543 : i32 to vector<16xi32>
    %select_n3A_545 = arith.select %and3A_533, %sub3A_542, %broadcast_in_dim3A_544 : vector<16xi1>, vector<16xi32>
    %swap3A_546 = arith.constant 16 : index
    %swap3A_547 = tpu.vector_load %arg15[%swap3A_546] {strides = array<i32>} : memref<112xi32, #tpu.memory_space<vmem>>, vector<16xi32>,
    %swap3A_548 = vector.shape_cast %swap3A_547 : vector<16xi32> to vector<16xi32>
    %swap3A_549 = vector.shape_cast %select_n3A_545 : vector<16xi32> to vector<16xi32>
    tpu.vector_store %arg15[%swap3A_546], %swap3A_549 {strides = array<i32>} : memref<112xi32, #tpu.memory_space<vmem>>, vector<16xi32>,
    %get3A_550 = arith.constant 32 : index
    %get3A_551 = tpu.vector_load %arg9[%get3A_550] {strides = array<i32>} : memref<224xi32, #tpu.memory_space<vmem>>, vector<16xi32>,
    %get3A_552 = vector.shape_cast %get3A_551 : vector<16xi32> to vector<16xi32>
    %get3A_553 = arith.constant 32 : index
    %get3A_554 = tpu.vector_load %arg7[%get3A_553] {strides = array<i32>} : memref<224xi32, #tpu.memory_space<vmem>>, vector<16xi32>,
    %get3A_555 = vector.shape_cast %get3A_554 : vector<16xi32> to vector<16xi32>
    %ge3A_556 = vector.broadcast %mul3A_3 : i32 to vector<16xi32>
    %ge3A_557 = arith.cmpi sge, %get3A_552, %ge3A_556 : vector<16xi32>
    %add3A_558 = arith.constant 12544 : i32
    %add3A_559 = arith.addi %mul3A_3, %add3A_558 : i32
    %lt3A_560 = vector.broadcast %add3A_559 : i32 to vector<16xi32>
    %lt3A_561 = arith.cmpi slt, %get3A_552, %lt3A_560 : vector<16xi32>
    %and3A_562 = arith.andi %ge3A_557, %lt3A_561 : vector<16xi1>
    %jit3A_563 = arith.constant -1 : i32
    %broadcast_in_dim3A_564 = vector.broadcast %jit3A_563 : i32 to vector<16xi32>
    %select_n3A_565 = arith.select %and3A_562, %get3A_555, %broadcast_in_dim3A_564 : vector<16xi1>, vector<16xi32>
    %swap3A_566 = arith.constant 32 : index
    %swap3A_567 = tpu.vector_load %arg11[%swap3A_566] {strides = array<i32>} : memref<112xi32, #tpu.memory_space<vmem>>, vector<16xi32>,
    %swap3A_568 = vector.shape_cast %swap3A_567 : vector<16xi32> to vector<16xi32>
    %swap3A_569 = vector.shape_cast %select_n3A_565 : vector<16xi32> to vector<16xi32>
    tpu.vector_store %arg11[%swap3A_566], %swap3A_569 {strides = array<i32>} : memref<112xi32, #tpu.memory_space<vmem>>, vector<16xi32>,
    %sub3A_570 = vector.broadcast %mul3A_3 : i32 to vector<16xi32>
    %sub3A_571 = arith.subi %get3A_552, %sub3A_570 : vector<16xi32>
    %jit3A_572 = arith.constant -1 : i32
    %broadcast_in_dim3A_573 = vector.broadcast %jit3A_572 : i32 to vector<16xi32>
    %select_n3A_574 = arith.select %and3A_562, %sub3A_571, %broadcast_in_dim3A_573 : vector<16xi1>, vector<16xi32>
    %swap3A_575 = arith.constant 32 : index
    %swap3A_576 = tpu.vector_load %arg15[%swap3A_575] {strides = array<i32>} : memref<112xi32, #tpu.memory_space<vmem>>, vector<16xi32>,
    %swap3A_577 = vector.shape_cast %swap3A_576 : vector<16xi32> to vector<16xi32>
    %swap3A_578 = vector.shape_cast %select_n3A_574 : vector<16xi32> to vector<16xi32>
    tpu.vector_store %arg15[%swap3A_575], %swap3A_578 {strides = array<i32>} : memref<112xi32, #tpu.memory_space<vmem>>, vector<16xi32>,
    %broadcast_in_dim3A_579 = arith.constant -1 : i32
    %broadcast_in_dim3A_580 = vector.broadcast %broadcast_in_dim3A_579 : i32 to vector<16xi32>
    %swap3A_581 = arith.constant 48 : index
    %swap3A_582 = tpu.vector_load %arg11[%swap3A_581] {strides = array<i32>} : memref<112xi32, #tpu.memory_space<vmem>>, vector<16xi32>,
    %swap3A_583 = vector.shape_cast %swap3A_582 : vector<16xi32> to vector<16xi32>
    %swap3A_584 = vector.shape_cast %broadcast_in_dim3A_580 : vector<16xi32> to vector<16xi32>
    tpu.vector_store %arg11[%swap3A_581], %swap3A_584 {strides = array<i32>} : memref<112xi32, #tpu.memory_space<vmem>>, vector<16xi32>,
    %broadcast_in_dim3A_585 = arith.constant -1 : i32
    %broadcast_in_dim3A_586 = vector.broadcast %broadcast_in_dim3A_585 : i32 to vector<16xi32>
    %swap3A_587 = arith.constant 48 : index
    %swap3A_588 = tpu.vector_load %arg15[%swap3A_587] {strides = array<i32>} : memref<112xi32, #tpu.memory_space<vmem>>, vector<16xi32>,
    %swap3A_589 = vector.shape_cast %swap3A_588 : vector<16xi32> to vector<16xi32>
    %swap3A_590 = vector.shape_cast %broadcast_in_dim3A_586 : vector<16xi32> to vector<16xi32>
    tpu.vector_store %arg15[%swap3A_587], %swap3A_590 {strides = array<i32>} : memref<112xi32, #tpu.memory_space<vmem>>, vector<16xi32>,
    %broadcast_in_dim3A_591 = arith.constant -1 : i32
    %broadcast_in_dim3A_592 = vector.broadcast %broadcast_in_dim3A_591 : i32 to vector<16xi32>
    %swap3A_593 = arith.constant 64 : index
    %swap3A_594 = tpu.vector_load %arg11[%swap3A_593] {strides = array<i32>} : memref<112xi32, #tpu.memory_space<vmem>>, vector<16xi32>,
    %swap3A_595 = vector.shape_cast %swap3A_594 : vector<16xi32> to vector<16xi32>
    %swap3A_596 = vector.shape_cast %broadcast_in_dim3A_592 : vector<16xi32> to vector<16xi32>
    tpu.vector_store %arg11[%swap3A_593], %swap3A_596 {strides = array<i32>} : memref<112xi32, #tpu.memory_space<vmem>>, vector<16xi32>,
    %broadcast_in_dim3A_597 = arith.constant -1 : i32
    %broadcast_in_dim3A_598 = vector.broadcast %broadcast_in_dim3A_597 : i32 to vector<16xi32>
    %swap3A_599 = arith.constant 64 : index
    %swap3A_600 = tpu.vector_load %arg15[%swap3A_599] {strides = array<i32>} : memref<112xi32, #tpu.memory_space<vmem>>, vector<16xi32>,
    %swap3A_601 = vector.shape_cast %swap3A_600 : vector<16xi32> to vector<16xi32>
    %swap3A_602 = vector.shape_cast %broadcast_in_dim3A_598 : vector<16xi32> to vector<16xi32>
    tpu.vector_store %arg15[%swap3A_599], %swap3A_602 {strides = array<i32>} : memref<112xi32, #tpu.memory_space<vmem>>, vector<16xi32>,
    %broadcast_in_dim3A_603 = arith.constant -1 : i32
    %broadcast_in_dim3A_604 = vector.broadcast %broadcast_in_dim3A_603 : i32 to vector<16xi32>
    %swap3A_605 = arith.constant 80 : index
    %swap3A_606 = tpu.vector_load %arg11[%swap3A_605] {strides = array<i32>} : memref<112xi32, #tpu.memory_space<vmem>>, vector<16xi32>,
    %swap3A_607 = vector.shape_cast %swap3A_606 : vector<16xi32> to vector<16xi32>
    %swap3A_608 = vector.shape_cast %broadcast_in_dim3A_604 : vector<16xi32> to vector<16xi32>
    tpu.vector_store %arg11[%swap3A_605], %swap3A_608 {strides = array<i32>} : memref<112xi32, #tpu.memory_space<vmem>>, vector<16xi32>,
    %broadcast_in_dim3A_609 = arith.constant -1 : i32
    %broadcast_in_dim3A_610 = vector.broadcast %broadcast_in_dim3A_609 : i32 to vector<16xi32>
    %swap3A_611 = arith.constant 80 : index
    %swap3A_612 = tpu.vector_load %arg15[%swap3A_611] {strides = array<i32>} : memref<112xi32, #tpu.memory_space<vmem>>, vector<16xi32>,
    %swap3A_613 = vector.shape_cast %swap3A_612 : vector<16xi32> to vector<16xi32>
    %swap3A_614 = vector.shape_cast %broadcast_in_dim3A_610 : vector<16xi32> to vector<16xi32>
    tpu.vector_store %arg15[%swap3A_611], %swap3A_614 {strides = array<i32>} : memref<112xi32, #tpu.memory_space<vmem>>, vector<16xi32>,
    %broadcast_in_dim3A_615 = arith.constant -1 : i32
    %broadcast_in_dim3A_616 = vector.broadcast %broadcast_in_dim3A_615 : i32 to vector<16xi32>
    %swap3A_617 = arith.constant 96 : index
    %swap3A_618 = tpu.vector_load %arg11[%swap3A_617] {strides = array<i32>} : memref<112xi32, #tpu.memory_space<vmem>>, vector<16xi32>,
    %swap3A_619 = vector.shape_cast %swap3A_618 : vector<16xi32> to vector<16xi32>
    %swap3A_620 = vector.shape_cast %broadcast_in_dim3A_616 : vector<16xi32> to vector<16xi32>
    tpu.vector_store %arg11[%swap3A_617], %swap3A_620 {strides = array<i32>} : memref<112xi32, #tpu.memory_space<vmem>>, vector<16xi32>,
    %broadcast_in_dim3A_621 = arith.constant -1 : i32
    %broadcast_in_dim3A_622 = vector.broadcast %broadcast_in_dim3A_621 : i32 to vector<16xi32>
    %swap3A_623 = arith.constant 96 : index
    %swap3A_624 = tpu.vector_load %arg15[%swap3A_623] {strides = array<i32>} : memref<112xi32, #tpu.memory_space<vmem>>, vector<16xi32>,
    %swap3A_625 = vector.shape_cast %swap3A_624 : vector<16xi32> to vector<16xi32>
    %swap3A_626 = vector.shape_cast %broadcast_in_dim3A_622 : vector<16xi32> to vector<16xi32>
    tpu.vector_store %arg15[%swap3A_623], %swap3A_626 {strides = array<i32>} : memref<112xi32, #tpu.memory_space<vmem>>, vector<16xi32>,
    %dma_start3A_627 = arith.constant 0 : i32
    %dma_start3A_628 = arith.constant 0 : i32
    %dma_start3A_629 = arith.constant 0 : i32
    %dma_start3A_630 = tpu.memref_slice %arg19[%dma_start3A_627, %dma_start3A_628, %dma_start3A_629] : memref<2x112x128xf32, #tpu.memory_space<vmem>> -> memref<1x112x128xf32, #tpu.memory_space<vmem>>
    %dma_start3A_631 = tpu.memref_squeeze %dma_start3A_630 : memref<1x112x128xf32, #tpu.memory_space<vmem>> -> memref<112x128xf32, #tpu.memory_space<vmem>>
    %dma_start3A_632 = arith.constant 0 : i32
    %dma_start3A_633 = arith.constant 0 : i32
    %dma_start3A_634 = tpu.memref_slice %arg2[%dma_start3A_632, %dma_start3A_633] : memref<50176x128xf32, #tpu.memory_space<hbm>> -> memref<50176x128xf32, #tpu.memory_space<hbm>>
    %dma_start3A_635 = arith.constant -1 : i32
    tpu.enqueue_indirect_dma source(%dma_start3A_634 : memref<50176x128xf32, #tpu.memory_space<hbm>>) target(%dma_start3A_631 : memref<112x128xf32, #tpu.memory_space<vmem>>) offsets(%arg11 : memref<112xi32, #tpu.memory_space<vmem>>) offset_filter(%dma_start3A_635) semaphore(%arg20 : memref<!tpu.dma_semaphore, #tpu.memory_space<semaphore_mem>>)
    %dma_wait3A_636 = arith.constant 0 : i32
    %dma_wait3A_637 = arith.constant 0 : i32
    %dma_wait3A_638 = arith.constant 0 : i32
    %dma_wait3A_639 = tpu.memref_slice %arg19[%dma_wait3A_636, %dma_wait3A_637, %dma_wait3A_638] : memref<2x112x128xf32, #tpu.memory_space<vmem>> -> memref<1x112x128xf32, #tpu.memory_space<vmem>>
    %dma_wait3A_640 = tpu.memref_squeeze %dma_wait3A_639 : memref<1x112x128xf32, #tpu.memory_space<vmem>> -> memref<112x128xf32, #tpu.memory_space<vmem>>
    %dma_wait3A_641 = arith.constant 0 : i32
    %dma_wait3A_642 = arith.constant 0 : i32
    %dma_wait3A_643 = tpu.memref_slice %arg2[%dma_wait3A_641, %dma_wait3A_642] : memref<50176x128xf32, #tpu.memory_space<hbm>> -> memref<50176x128xf32, #tpu.memory_space<hbm>>
    tpu.wait_indirect_dma semaphore(%arg20 : memref<!tpu.dma_semaphore, #tpu.memory_space<semaphore_mem>>) src(%dma_wait3A_643 : memref<50176x128xf32, #tpu.memory_space<hbm>>) dst(%dma_wait3A_640 : memref<112x128xf32, #tpu.memory_space<vmem>>)
    %run_scoped3A_644 = arith.constant 0 : i32
    "tpu.region"() ({
      %run_scoped3A_1319 = tpu.sem_alloc : memref<!tpu.dma_semaphore, #tpu.memory_space<semaphore_mem>>
      %dma_start3A_1320 = arith.constant 0 : i32
      %dma_start3A_1321 = arith.constant 0 : i32
      %dma_start3A_1322 = tpu.memref_slice %arg19[%run_scoped3A_644, %dma_start3A_1320, %dma_start3A_1321] : memref<2x112x128xf32, #tpu.memory_space<vmem>> -> memref<1x112x128xf32, #tpu.memory_space<vmem>>
      %dma_start3A_1323 = tpu.memref_squeeze %dma_start3A_1322 : memref<1x112x128xf32, #tpu.memory_space<vmem>> -> memref<112x128xf32, #tpu.memory_space<vmem>>
      %dma_start3A_1324 = arith.constant 0 : i32
      %dma_start3A_1325 = arith.constant 0 : i32
      %dma_start3A_1326 = tpu.memref_slice %arg26[%dma_start3A_1324, %dma_start3A_1325] : memref<12544x128xf32, #tpu.memory_space<vmem_shared>> -> memref<12544x128xf32, #tpu.memory_space<vmem_shared>>
      %dma_start3A_1327 = arith.constant -1 : i32
      tpu.enqueue_indirect_dma source(%dma_start3A_1323 : memref<112x128xf32, #tpu.memory_space<vmem>>) target(%dma_start3A_1326 : memref<12544x128xf32, #tpu.memory_space<vmem_shared>>) offsets(%arg15 : memref<112xi32, #tpu.memory_space<vmem>>) offset_filter(%dma_start3A_1327) semaphore(%run_scoped3A_1319 : memref<!tpu.dma_semaphore, #tpu.memory_space<semaphore_mem>>) {add = true}
      %dma_wait3A_1328 = arith.constant 0 : i32
      %dma_wait3A_1329 = arith.constant 0 : i32
      %dma_wait3A_1330 = tpu.memref_slice %arg19[%run_scoped3A_644, %dma_wait3A_1328, %dma_wait3A_1329] : memref<2x112x128xf32, #tpu.memory_space<vmem>> -> memref<1x112x128xf32, #tpu.memory_space<vmem>>
      %dma_wait3A_1331 = tpu.memref_squeeze %dma_wait3A_1330 : memref<1x112x128xf32, #tpu.memory_space<vmem>> -> memref<112x128xf32, #tpu.memory_space<vmem>>
      %dma_wait3A_1332 = arith.constant 0 : i32
      %dma_wait3A_1333 = arith.constant 0 : i32
      %dma_wait3A_1334 = tpu.memref_slice %arg26[%dma_wait3A_1332, %dma_wait3A_1333] : memref<12544x128xf32, #tpu.memory_space<vmem_shared>> -> memref<12544x128xf32, #tpu.memory_space<vmem_shared>>
      tpu.wait_indirect_dma semaphore(%run_scoped3A_1319 : memref<!tpu.dma_semaphore, #tpu.memory_space<semaphore_mem>>) src(%dma_wait3A_1331 : memref<112x128xf32, #tpu.memory_space<vmem>>) dst(%dma_wait3A_1334 : memref<12544x128xf32, #tpu.memory_space<vmem_shared>>)
      tpu.yield
    }) : () -> ()
    %barrier3A_645 = arith.constant 0 : index
    tpu.barrier barrier_id(%barrier3A_645)
    %mul3A_646 = arith.constant 784 : i32
    %mul3A_647 = arith.muli %arg1, %mul3A_646 : i32
    %mul3A_648 = arith.constant 784 : i32
    %mul3A_649 = arith.muli %arg1, %mul3A_648 : i32
    %add3A_650 = arith.addi %mul3A_3, %mul3A_649 : i32
    "tpu.region"() ({
      %run_scoped3A_1319 = tpu.sem_alloc : memref<!tpu.dma_semaphore, #tpu.memory_space<semaphore_mem>>
      %dma_start3A_1320 = arith.constant 0 : i32
      %dma_start3A_1321 = tpu.memref_slice %arg6[%add3A_650, %dma_start3A_1320] : memref<50176x128xf32, #tpu.memory_space<hbm>> -> memref<784x128xf32, #tpu.memory_space<hbm>>
      %dma_start3A_1322 = arith.constant 0 : i32
      %dma_start3A_1323 = tpu.memref_slice %arg26[%mul3A_647, %dma_start3A_1322] : memref<12544x128xf32, #tpu.memory_space<vmem_shared>> -> memref<784x128xf32, #tpu.memory_space<vmem_shared>>
      tpu.enqueue_dma source(%dma_start3A_1323 : memref<784x128xf32, #tpu.memory_space<vmem_shared>>) target(%dma_start3A_1321 : memref<784x128xf32, #tpu.memory_space<hbm>>) target_semaphore(%run_scoped3A_1319 : memref<!tpu.dma_semaphore, #tpu.memory_space<semaphore_mem>>)
      %dma_wait3A_1324 = arith.constant 0 : i32
      %dma_wait3A_1325 = tpu.memref_slice %arg6[%add3A_650, %dma_wait3A_1324] : memref<50176x128xf32, #tpu.memory_space<hbm>> -> memref<784x128xf32, #tpu.memory_space<hbm>>
      %dma_wait3A_1326 = arith.constant 0 : i32
      %dma_wait3A_1327 = tpu.memref_slice %arg26[%mul3A_647, %dma_wait3A_1326] : memref<12544x128xf32, #tpu.memory_space<vmem_shared>> -> memref<784x128xf32, #tpu.memory_space<vmem_shared>>
      tpu.wait_dma2 semaphore(%run_scoped3A_1319 : memref<!tpu.dma_semaphore, #tpu.memory_space<semaphore_mem>>) src(%dma_wait3A_1327 : memref<784x128xf32, #tpu.memory_space<vmem_shared>>) dst(%dma_wait3A_1325 : memref<784x128xf32, #tpu.memory_space<hbm>>)
      tpu.yield
    }) : () -> ()
    %barrier3A_651 = arith.constant 0 : index
    tpu.barrier barrier_id(%barrier3A_651)
    %add3A_652 = arith.constant 2 : i32
    %add3A_653 = arith.addi %add3A_652, %arg0 : i32
    %mul3A_654 = arith.constant 12544 : i32
    %mul3A_655 = arith.muli %add3A_653, %mul3A_654 : i32
    %scan3A_656 = arith.constant 0 : i32
    %scan3A_657 = arith.constant 0 : i32
    %scan3A_658 = arith.constant 7 : i32
    %scan3A_659 = arith.addi %scan3A_657, %scan3A_658 : i32
    %scan3A_660 = arith.constant 1 : i32
    %scan3A_661 = scf.for %scan3A_1319 = %scan3A_657 to %scan3A_659 step %scan3A_660 iter_args(%scan3A_1320 = %scan3A_656) -> (i32)  : i32 {
      %mul3A_1321 = arith.constant 784 : i32
      %mul3A_1322 = arith.muli %arg1, %mul3A_1321 : i32
      %mul3A_1323 = arith.constant 112 : i32
      %mul3A_1324 = arith.muli %scan3A_1319, %mul3A_1323 : i32
      %add3A_1325 = arith.addi %mul3A_1322, %mul3A_1324 : i32
      "tpu.region"() ({
        %run_scoped3A_1327 = tpu.sem_alloc : memref<!tpu.dma_semaphore, #tpu.memory_space<semaphore_mem>>
        %dma_start3A_1328 = arith.constant 0 : i32
        %dma_start3A_1329 = tpu.memref_slice %arg26[%add3A_1325, %dma_start3A_1328] : memref<12544x128xf32, #tpu.memory_space<vmem_shared>> -> memref<112x128xf32, #tpu.memory_space<vmem_shared>>
        %dma_start3A_1330 = arith.constant 0 : i32
        %dma_start3A_1331 = arith.constant 0 : i32
        %dma_start3A_1332 = tpu.memref_slice %arg5[%dma_start3A_1330, %dma_start3A_1331] : memref<112x128xf32, #tpu.memory_space<hbm>> -> memref<112x128xf32, #tpu.memory_space<hbm>>
        tpu.enqueue_dma source(%dma_start3A_1332 : memref<112x128xf32, #tpu.memory_space<hbm>>) target(%dma_start3A_1329 : memref<112x128xf32, #tpu.memory_space<vmem_shared>>) target_semaphore(%run_scoped3A_1327 : memref<!tpu.dma_semaphore, #tpu.memory_space<semaphore_mem>>)
        %dma_wait3A_1333 = arith.constant 0 : i32
        %dma_wait3A_1334 = tpu.memref_slice %arg26[%add3A_1325, %dma_wait3A_1333] : memref<12544x128xf32, #tpu.memory_space<vmem_shared>> -> memref<112x128xf32, #tpu.memory_space<vmem_shared>>
        %dma_wait3A_1335 = arith.constant 0 : i32
        %dma_wait3A_1336 = arith.constant 0 : i32
        %dma_wait3A_1337 = tpu.memref_slice %arg5[%dma_wait3A_1335, %dma_wait3A_1336] : memref<112x128xf32, #tpu.memory_space<hbm>> -> memref<112x128xf32, #tpu.memory_space<hbm>>
        tpu.wait_dma2 semaphore(%run_scoped3A_1327 : memref<!tpu.dma_semaphore, #tpu.memory_space<semaphore_mem>>) src(%dma_wait3A_1337 : memref<112x128xf32, #tpu.memory_space<hbm>>) dst(%dma_wait3A_1334 : memref<112x128xf32, #tpu.memory_space<vmem_shared>>)
        tpu.yield
      }) : () -> ()
      %scan3A_1326 = arith.constant 0 : i32
      scf.yield %scan3A_1326 : i32
    }
    %scan3A_662 = arith.constant 7 : i32
    %barrier3A_663 = arith.constant 0 : index
    tpu.barrier barrier_id(%barrier3A_663)
    %add3A_664 = arith.constant 0 : i32
    %add3A_665 = arith.addi %mul3A_0, %add3A_664 : i32
    %add3A_666 = arith.constant 50000 : i32
    %add3A_667 = arith.addi %mul3A_0, %add3A_666 : i32
    %sub3A_668 = arith.constant 224 : i32
    %sub3A_669 = arith.subi %add3A_667, %sub3A_668 : i32
    %min3A_670 = arith.minsi %add3A_665, %sub3A_669 : i32
    %dma_start3A_671 = tpu.memref_slice %arg3[%min3A_670] : memref<800000xi32, #tpu.memory_space<hbm>> -> memref<224xi32, #tpu.memory_space<hbm>>
    %dma_start3A_672 = tpu.memref_slice %arg3[%min3A_670] : memref<800000xi32, #tpu.memory_space<hbm>> -> memref<224xi32, #tpu.memory_space<hbm>>
    tpu.enqueue_dma source(%dma_start3A_672 : memref<224xi32, #tpu.memory_space<hbm>>) target(%arg7 : memref<224xi32, #tpu.memory_space<vmem>>) target_semaphore(%arg22 : memref<!tpu.dma_semaphore, #tpu.memory_space<semaphore_mem>>)
    %dma_start3A_673 = tpu.memref_slice %arg4[%min3A_670] : memref<800000xi32, #tpu.memory_space<hbm>> -> memref<224xi32, #tpu.memory_space<hbm>>
    %dma_start3A_674 = tpu.memref_slice %arg4[%min3A_670] : memref<800000xi32, #tpu.memory_space<hbm>> -> memref<224xi32, #tpu.memory_space<hbm>>
    tpu.enqueue_dma source(%dma_start3A_674 : memref<224xi32, #tpu.memory_space<hbm>>) target(%arg9 : memref<224xi32, #tpu.memory_space<vmem>>) target_semaphore(%arg23 : memref<!tpu.dma_semaphore, #tpu.memory_space<semaphore_mem>>)
    %add3A_675 = arith.constant 0 : i32
    %add3A_676 = arith.addi %mul3A_0, %add3A_675 : i32
    %add3A_677 = arith.constant 50000 : i32
    %add3A_678 = arith.addi %mul3A_0, %add3A_677 : i32
    %sub3A_679 = arith.constant 224 : i32
    %sub3A_680 = arith.subi %add3A_678, %sub3A_679 : i32
    %min3A_681 = arith.minsi %add3A_676, %sub3A_680 : i32
    %dma_wait3A_682 = tpu.memref_slice %arg3[%min3A_681] : memref<800000xi32, #tpu.memory_space<hbm>> -> memref<224xi32, #tpu.memory_space<hbm>>
    %dma_wait3A_683 = tpu.memref_slice %arg3[%min3A_681] : memref<800000xi32, #tpu.memory_space<hbm>> -> memref<224xi32, #tpu.memory_space<hbm>>
    tpu.wait_dma2 semaphore(%arg22 : memref<!tpu.dma_semaphore, #tpu.memory_space<semaphore_mem>>) src(%dma_wait3A_683 : memref<224xi32, #tpu.memory_space<hbm>>) dst(%arg7 : memref<224xi32, #tpu.memory_space<vmem>>)
    %dma_wait3A_684 = tpu.memref_slice %arg4[%min3A_681] : memref<800000xi32, #tpu.memory_space<hbm>> -> memref<224xi32, #tpu.memory_space<hbm>>
    %dma_wait3A_685 = tpu.memref_slice %arg4[%min3A_681] : memref<800000xi32, #tpu.memory_space<hbm>> -> memref<224xi32, #tpu.memory_space<hbm>>
    tpu.wait_dma2 semaphore(%arg23 : memref<!tpu.dma_semaphore, #tpu.memory_space<semaphore_mem>>) src(%dma_wait3A_685 : memref<224xi32, #tpu.memory_space<hbm>>) dst(%arg9 : memref<224xi32, #tpu.memory_space<vmem>>)
    %add3A_686 = arith.constant 224 : i32
    %add3A_687 = arith.addi %mul3A_0, %add3A_686 : i32
    %add3A_688 = arith.constant 50000 : i32
    %add3A_689 = arith.addi %mul3A_0, %add3A_688 : i32
    %sub3A_690 = arith.constant 224 : i32
    %sub3A_691 = arith.subi %add3A_689, %sub3A_690 : i32
    %min3A_692 = arith.minsi %add3A_687, %sub3A_691 : i32
    %dma_start3A_693 = tpu.memref_slice %arg3[%min3A_692] : memref<800000xi32, #tpu.memory_space<hbm>> -> memref<224xi32, #tpu.memory_space<hbm>>
    %dma_start3A_694 = tpu.memref_slice %arg3[%min3A_692] : memref<800000xi32, #tpu.memory_space<hbm>> -> memref<224xi32, #tpu.memory_space<hbm>>
    tpu.enqueue_dma source(%dma_start3A_694 : memref<224xi32, #tpu.memory_space<hbm>>) target(%arg8 : memref<224xi32, #tpu.memory_space<vmem>>) target_semaphore(%arg24 : memref<!tpu.dma_semaphore, #tpu.memory_space<semaphore_mem>>)
    %dma_start3A_695 = tpu.memref_slice %arg4[%min3A_692] : memref<800000xi32, #tpu.memory_space<hbm>> -> memref<224xi32, #tpu.memory_space<hbm>>
    %dma_start3A_696 = tpu.memref_slice %arg4[%min3A_692] : memref<800000xi32, #tpu.memory_space<hbm>> -> memref<224xi32, #tpu.memory_space<hbm>>
    tpu.enqueue_dma source(%dma_start3A_696 : memref<224xi32, #tpu.memory_space<hbm>>) target(%arg10 : memref<224xi32, #tpu.memory_space<vmem>>) target_semaphore(%arg25 : memref<!tpu.dma_semaphore, #tpu.memory_space<semaphore_mem>>)
    %get3A_697 = arith.constant 0 : index
    %get3A_698 = tpu.vector_load %arg9[%get3A_697] {strides = array<i32>} : memref<224xi32, #tpu.memory_space<vmem>>, vector<16xi32>,
    %get3A_699 = vector.shape_cast %get3A_698 : vector<16xi32> to vector<16xi32>
    %get3A_700 = arith.constant 0 : index
    %get3A_701 = tpu.vector_load %arg7[%get3A_700] {strides = array<i32>} : memref<224xi32, #tpu.memory_space<vmem>>, vector<16xi32>,
    %get3A_702 = vector.shape_cast %get3A_701 : vector<16xi32> to vector<16xi32>
    %ge3A_703 = vector.broadcast %mul3A_655 : i32 to vector<16xi32>
    %ge3A_704 = arith.cmpi sge, %get3A_699, %ge3A_703 : vector<16xi32>
    %add3A_705 = arith.constant 12544 : i32
    %add3A_706 = arith.addi %mul3A_655, %add3A_705 : i32
    %lt3A_707 = vector.broadcast %add3A_706 : i32 to vector<16xi32>
    %lt3A_708 = arith.cmpi slt, %get3A_699, %lt3A_707 : vector<16xi32>
    %and3A_709 = arith.andi %ge3A_704, %lt3A_708 : vector<16xi1>
    %jit3A_710 = arith.constant -1 : i32
    %broadcast_in_dim3A_711 = vector.broadcast %jit3A_710 : i32 to vector<16xi32>
    %select_n3A_712 = arith.select %and3A_709, %get3A_702, %broadcast_in_dim3A_711 : vector<16xi1>, vector<16xi32>
    %swap3A_713 = arith.constant 0 : index
    %swap3A_714 = tpu.vector_load %arg11[%swap3A_713] {strides = array<i32>} : memref<112xi32, #tpu.memory_space<vmem>>, vector<16xi32>,
    %swap3A_715 = vector.shape_cast %swap3A_714 : vector<16xi32> to vector<16xi32>
    %swap3A_716 = vector.shape_cast %select_n3A_712 : vector<16xi32> to vector<16xi32>
    tpu.vector_store %arg11[%swap3A_713], %swap3A_716 {strides = array<i32>} : memref<112xi32, #tpu.memory_space<vmem>>, vector<16xi32>,
    %sub3A_717 = vector.broadcast %mul3A_655 : i32 to vector<16xi32>
    %sub3A_718 = arith.subi %get3A_699, %sub3A_717 : vector<16xi32>
    %jit3A_719 = arith.constant -1 : i32
    %broadcast_in_dim3A_720 = vector.broadcast %jit3A_719 : i32 to vector<16xi32>
    %select_n3A_721 = arith.select %and3A_709, %sub3A_718, %broadcast_in_dim3A_720 : vector<16xi1>, vector<16xi32>
    %swap3A_722 = arith.constant 0 : index
    %swap3A_723 = tpu.vector_load %arg15[%swap3A_722] {strides = array<i32>} : memref<112xi32, #tpu.memory_space<vmem>>, vector<16xi32>,
    %swap3A_724 = vector.shape_cast %swap3A_723 : vector<16xi32> to vector<16xi32>
    %swap3A_725 = vector.shape_cast %select_n3A_721 : vector<16xi32> to vector<16xi32>
    tpu.vector_store %arg15[%swap3A_722], %swap3A_725 {strides = array<i32>} : memref<112xi32, #tpu.memory_space<vmem>>, vector<16xi32>,
    %get3A_726 = arith.constant 16 : index
    %get3A_727 = tpu.vector_load %arg9[%get3A_726] {strides = array<i32>} : memref<224xi32, #tpu.memory_space<vmem>>, vector<16xi32>,
    %get3A_728 = vector.shape_cast %get3A_727 : vector<16xi32> to vector<16xi32>
    %get3A_729 = arith.constant 16 : index
    %get3A_730 = tpu.vector_load %arg7[%get3A_729] {strides = array<i32>} : memref<224xi32, #tpu.memory_space<vmem>>, vector<16xi32>,
    %get3A_731 = vector.shape_cast %get3A_730 : vector<16xi32> to vector<16xi32>
    %ge3A_732 = vector.broadcast %mul3A_655 : i32 to vector<16xi32>
    %ge3A_733 = arith.cmpi sge, %get3A_728, %ge3A_732 : vector<16xi32>
    %add3A_734 = arith.constant 12544 : i32
    %add3A_735 = arith.addi %mul3A_655, %add3A_734 : i32
    %lt3A_736 = vector.broadcast %add3A_735 : i32 to vector<16xi32>
    %lt3A_737 = arith.cmpi slt, %get3A_728, %lt3A_736 : vector<16xi32>
    %and3A_738 = arith.andi %ge3A_733, %lt3A_737 : vector<16xi1>
    %jit3A_739 = arith.constant -1 : i32
    %broadcast_in_dim3A_740 = vector.broadcast %jit3A_739 : i32 to vector<16xi32>
    %select_n3A_741 = arith.select %and3A_738, %get3A_731, %broadcast_in_dim3A_740 : vector<16xi1>, vector<16xi32>
    %swap3A_742 = arith.constant 16 : index
    %swap3A_743 = tpu.vector_load %arg11[%swap3A_742] {strides = array<i32>} : memref<112xi32, #tpu.memory_space<vmem>>, vector<16xi32>,
    %swap3A_744 = vector.shape_cast %swap3A_743 : vector<16xi32> to vector<16xi32>
    %swap3A_745 = vector.shape_cast %select_n3A_741 : vector<16xi32> to vector<16xi32>
    tpu.vector_store %arg11[%swap3A_742], %swap3A_745 {strides = array<i32>} : memref<112xi32, #tpu.memory_space<vmem>>, vector<16xi32>,
    %sub3A_746 = vector.broadcast %mul3A_655 : i32 to vector<16xi32>
    %sub3A_747 = arith.subi %get3A_728, %sub3A_746 : vector<16xi32>
    %jit3A_748 = arith.constant -1 : i32
    %broadcast_in_dim3A_749 = vector.broadcast %jit3A_748 : i32 to vector<16xi32>
    %select_n3A_750 = arith.select %and3A_738, %sub3A_747, %broadcast_in_dim3A_749 : vector<16xi1>, vector<16xi32>
    %swap3A_751 = arith.constant 16 : index
    %swap3A_752 = tpu.vector_load %arg15[%swap3A_751] {strides = array<i32>} : memref<112xi32, #tpu.memory_space<vmem>>, vector<16xi32>,
    %swap3A_753 = vector.shape_cast %swap3A_752 : vector<16xi32> to vector<16xi32>
    %swap3A_754 = vector.shape_cast %select_n3A_750 : vector<16xi32> to vector<16xi32>
    tpu.vector_store %arg15[%swap3A_751], %swap3A_754 {strides = array<i32>} : memref<112xi32, #tpu.memory_space<vmem>>, vector<16xi32>,
    %get3A_755 = arith.constant 32 : index
    %get3A_756 = tpu.vector_load %arg9[%get3A_755] {strides = array<i32>} : memref<224xi32, #tpu.memory_space<vmem>>, vector<16xi32>,
    %get3A_757 = vector.shape_cast %get3A_756 : vector<16xi32> to vector<16xi32>
    %get3A_758 = arith.constant 32 : index
    %get3A_759 = tpu.vector_load %arg7[%get3A_758] {strides = array<i32>} : memref<224xi32, #tpu.memory_space<vmem>>, vector<16xi32>,
    %get3A_760 = vector.shape_cast %get3A_759 : vector<16xi32> to vector<16xi32>
    %ge3A_761 = vector.broadcast %mul3A_655 : i32 to vector<16xi32>
    %ge3A_762 = arith.cmpi sge, %get3A_757, %ge3A_761 : vector<16xi32>
    %add3A_763 = arith.constant 12544 : i32
    %add3A_764 = arith.addi %mul3A_655, %add3A_763 : i32
    %lt3A_765 = vector.broadcast %add3A_764 : i32 to vector<16xi32>
    %lt3A_766 = arith.cmpi slt, %get3A_757, %lt3A_765 : vector<16xi32>
    %and3A_767 = arith.andi %ge3A_762, %lt3A_766 : vector<16xi1>
    %jit3A_768 = arith.constant -1 : i32
    %broadcast_in_dim3A_769 = vector.broadcast %jit3A_768 : i32 to vector<16xi32>
    %select_n3A_770 = arith.select %and3A_767, %get3A_760, %broadcast_in_dim3A_769 : vector<16xi1>, vector<16xi32>
    %swap3A_771 = arith.constant 32 : index
    %swap3A_772 = tpu.vector_load %arg11[%swap3A_771] {strides = array<i32>} : memref<112xi32, #tpu.memory_space<vmem>>, vector<16xi32>,
    %swap3A_773 = vector.shape_cast %swap3A_772 : vector<16xi32> to vector<16xi32>
    %swap3A_774 = vector.shape_cast %select_n3A_770 : vector<16xi32> to vector<16xi32>
    tpu.vector_store %arg11[%swap3A_771], %swap3A_774 {strides = array<i32>} : memref<112xi32, #tpu.memory_space<vmem>>, vector<16xi32>,
    %sub3A_775 = vector.broadcast %mul3A_655 : i32 to vector<16xi32>
    %sub3A_776 = arith.subi %get3A_757, %sub3A_775 : vector<16xi32>
    %jit3A_777 = arith.constant -1 : i32
    %broadcast_in_dim3A_778 = vector.broadcast %jit3A_777 : i32 to vector<16xi32>
    %select_n3A_779 = arith.select %and3A_767, %sub3A_776, %broadcast_in_dim3A_778 : vector<16xi1>, vector<16xi32>
    %swap3A_780 = arith.constant 32 : index
    %swap3A_781 = tpu.vector_load %arg15[%swap3A_780] {strides = array<i32>} : memref<112xi32, #tpu.memory_space<vmem>>, vector<16xi32>,
    %swap3A_782 = vector.shape_cast %swap3A_781 : vector<16xi32> to vector<16xi32>
    %swap3A_783 = vector.shape_cast %select_n3A_779 : vector<16xi32> to vector<16xi32>
    tpu.vector_store %arg15[%swap3A_780], %swap3A_783 {strides = array<i32>} : memref<112xi32, #tpu.memory_space<vmem>>, vector<16xi32>,
    %get3A_784 = arith.constant 48 : index
    %get3A_785 = tpu.vector_load %arg9[%get3A_784] {strides = array<i32>} : memref<224xi32, #tpu.memory_space<vmem>>, vector<16xi32>,
    %get3A_786 = vector.shape_cast %get3A_785 : vector<16xi32> to vector<16xi32>
    %get3A_787 = arith.constant 48 : index
    %get3A_788 = tpu.vector_load %arg7[%get3A_787] {strides = array<i32>} : memref<224xi32, #tpu.memory_space<vmem>>, vector<16xi32>,
    %get3A_789 = vector.shape_cast %get3A_788 : vector<16xi32> to vector<16xi32>
    %ge3A_790 = vector.broadcast %mul3A_655 : i32 to vector<16xi32>
    %ge3A_791 = arith.cmpi sge, %get3A_786, %ge3A_790 : vector<16xi32>
    %add3A_792 = arith.constant 12544 : i32
    %add3A_793 = arith.addi %mul3A_655, %add3A_792 : i32
    %lt3A_794 = vector.broadcast %add3A_793 : i32 to vector<16xi32>
    %lt3A_795 = arith.cmpi slt, %get3A_786, %lt3A_794 : vector<16xi32>
    %and3A_796 = arith.andi %ge3A_791, %lt3A_795 : vector<16xi1>
    %jit3A_797 = arith.constant -1 : i32
    %broadcast_in_dim3A_798 = vector.broadcast %jit3A_797 : i32 to vector<16xi32>
    %select_n3A_799 = arith.select %and3A_796, %get3A_789, %broadcast_in_dim3A_798 : vector<16xi1>, vector<16xi32>
    %swap3A_800 = arith.constant 48 : index
    %swap3A_801 = tpu.vector_load %arg11[%swap3A_800] {strides = array<i32>} : memref<112xi32, #tpu.memory_space<vmem>>, vector<16xi32>,
    %swap3A_802 = vector.shape_cast %swap3A_801 : vector<16xi32> to vector<16xi32>
    %swap3A_803 = vector.shape_cast %select_n3A_799 : vector<16xi32> to vector<16xi32>
    tpu.vector_store %arg11[%swap3A_800], %swap3A_803 {strides = array<i32>} : memref<112xi32, #tpu.memory_space<vmem>>, vector<16xi32>,
    %sub3A_804 = vector.broadcast %mul3A_655 : i32 to vector<16xi32>
    %sub3A_805 = arith.subi %get3A_786, %sub3A_804 : vector<16xi32>
    %jit3A_806 = arith.constant -1 : i32
    %broadcast_in_dim3A_807 = vector.broadcast %jit3A_806 : i32 to vector<16xi32>
    %select_n3A_808 = arith.select %and3A_796, %sub3A_805, %broadcast_in_dim3A_807 : vector<16xi1>, vector<16xi32>
    %swap3A_809 = arith.constant 48 : index
    %swap3A_810 = tpu.vector_load %arg15[%swap3A_809] {strides = array<i32>} : memref<112xi32, #tpu.memory_space<vmem>>, vector<16xi32>,
    %swap3A_811 = vector.shape_cast %swap3A_810 : vector<16xi32> to vector<16xi32>
    %swap3A_812 = vector.shape_cast %select_n3A_808 : vector<16xi32> to vector<16xi32>
    tpu.vector_store %arg15[%swap3A_809], %swap3A_812 {strides = array<i32>} : memref<112xi32, #tpu.memory_space<vmem>>, vector<16xi32>,
    %get3A_813 = arith.constant 64 : index
    %get3A_814 = tpu.vector_load %arg9[%get3A_813] {strides = array<i32>} : memref<224xi32, #tpu.memory_space<vmem>>, vector<16xi32>,
    %get3A_815 = vector.shape_cast %get3A_814 : vector<16xi32> to vector<16xi32>
    %get3A_816 = arith.constant 64 : index
    %get3A_817 = tpu.vector_load %arg7[%get3A_816] {strides = array<i32>} : memref<224xi32, #tpu.memory_space<vmem>>, vector<16xi32>,
    %get3A_818 = vector.shape_cast %get3A_817 : vector<16xi32> to vector<16xi32>
    %ge3A_819 = vector.broadcast %mul3A_655 : i32 to vector<16xi32>
    %ge3A_820 = arith.cmpi sge, %get3A_815, %ge3A_819 : vector<16xi32>
    %add3A_821 = arith.constant 12544 : i32
    %add3A_822 = arith.addi %mul3A_655, %add3A_821 : i32
    %lt3A_823 = vector.broadcast %add3A_822 : i32 to vector<16xi32>
    %lt3A_824 = arith.cmpi slt, %get3A_815, %lt3A_823 : vector<16xi32>
    %and3A_825 = arith.andi %ge3A_820, %lt3A_824 : vector<16xi1>
    %jit3A_826 = arith.constant -1 : i32
    %broadcast_in_dim3A_827 = vector.broadcast %jit3A_826 : i32 to vector<16xi32>
    %select_n3A_828 = arith.select %and3A_825, %get3A_818, %broadcast_in_dim3A_827 : vector<16xi1>, vector<16xi32>
    %swap3A_829 = arith.constant 64 : index
    %swap3A_830 = tpu.vector_load %arg11[%swap3A_829] {strides = array<i32>} : memref<112xi32, #tpu.memory_space<vmem>>, vector<16xi32>,
    %swap3A_831 = vector.shape_cast %swap3A_830 : vector<16xi32> to vector<16xi32>
    %swap3A_832 = vector.shape_cast %select_n3A_828 : vector<16xi32> to vector<16xi32>
    tpu.vector_store %arg11[%swap3A_829], %swap3A_832 {strides = array<i32>} : memref<112xi32, #tpu.memory_space<vmem>>, vector<16xi32>,
    %sub3A_833 = vector.broadcast %mul3A_655 : i32 to vector<16xi32>
    %sub3A_834 = arith.subi %get3A_815, %sub3A_833 : vector<16xi32>
    %jit3A_835 = arith.constant -1 : i32
    %broadcast_in_dim3A_836 = vector.broadcast %jit3A_835 : i32 to vector<16xi32>
    %select_n3A_837 = arith.select %and3A_825, %sub3A_834, %broadcast_in_dim3A_836 : vector<16xi1>, vector<16xi32>
    %swap3A_838 = arith.constant 64 : index
    %swap3A_839 = tpu.vector_load %arg15[%swap3A_838] {strides = array<i32>} : memref<112xi32, #tpu.memory_space<vmem>>, vector<16xi32>,
    %swap3A_840 = vector.shape_cast %swap3A_839 : vector<16xi32> to vector<16xi32>
    %swap3A_841 = vector.shape_cast %select_n3A_837 : vector<16xi32> to vector<16xi32>
    tpu.vector_store %arg15[%swap3A_838], %swap3A_841 {strides = array<i32>} : memref<112xi32, #tpu.memory_space<vmem>>, vector<16xi32>,
    %get3A_842 = arith.constant 80 : index
    %get3A_843 = tpu.vector_load %arg9[%get3A_842] {strides = array<i32>} : memref<224xi32, #tpu.memory_space<vmem>>, vector<16xi32>,
    %get3A_844 = vector.shape_cast %get3A_843 : vector<16xi32> to vector<16xi32>
    %get3A_845 = arith.constant 80 : index
    %get3A_846 = tpu.vector_load %arg7[%get3A_845] {strides = array<i32>} : memref<224xi32, #tpu.memory_space<vmem>>, vector<16xi32>,
    %get3A_847 = vector.shape_cast %get3A_846 : vector<16xi32> to vector<16xi32>
    %ge3A_848 = vector.broadcast %mul3A_655 : i32 to vector<16xi32>
    %ge3A_849 = arith.cmpi sge, %get3A_844, %ge3A_848 : vector<16xi32>
    %add3A_850 = arith.constant 12544 : i32
    %add3A_851 = arith.addi %mul3A_655, %add3A_850 : i32
    %lt3A_852 = vector.broadcast %add3A_851 : i32 to vector<16xi32>
    %lt3A_853 = arith.cmpi slt, %get3A_844, %lt3A_852 : vector<16xi32>
    %and3A_854 = arith.andi %ge3A_849, %lt3A_853 : vector<16xi1>
    %jit3A_855 = arith.constant -1 : i32
    %broadcast_in_dim3A_856 = vector.broadcast %jit3A_855 : i32 to vector<16xi32>
    %select_n3A_857 = arith.select %and3A_854, %get3A_847, %broadcast_in_dim3A_856 : vector<16xi1>, vector<16xi32>
    %swap3A_858 = arith.constant 80 : index
    %swap3A_859 = tpu.vector_load %arg11[%swap3A_858] {strides = array<i32>} : memref<112xi32, #tpu.memory_space<vmem>>, vector<16xi32>,
    %swap3A_860 = vector.shape_cast %swap3A_859 : vector<16xi32> to vector<16xi32>
    %swap3A_861 = vector.shape_cast %select_n3A_857 : vector<16xi32> to vector<16xi32>
    tpu.vector_store %arg11[%swap3A_858], %swap3A_861 {strides = array<i32>} : memref<112xi32, #tpu.memory_space<vmem>>, vector<16xi32>,
    %sub3A_862 = vector.broadcast %mul3A_655 : i32 to vector<16xi32>
    %sub3A_863 = arith.subi %get3A_844, %sub3A_862 : vector<16xi32>
    %jit3A_864 = arith.constant -1 : i32
    %broadcast_in_dim3A_865 = vector.broadcast %jit3A_864 : i32 to vector<16xi32>
    %select_n3A_866 = arith.select %and3A_854, %sub3A_863, %broadcast_in_dim3A_865 : vector<16xi1>, vector<16xi32>
    %swap3A_867 = arith.constant 80 : index
    %swap3A_868 = tpu.vector_load %arg15[%swap3A_867] {strides = array<i32>} : memref<112xi32, #tpu.memory_space<vmem>>, vector<16xi32>,
    %swap3A_869 = vector.shape_cast %swap3A_868 : vector<16xi32> to vector<16xi32>
    %swap3A_870 = vector.shape_cast %select_n3A_866 : vector<16xi32> to vector<16xi32>
    tpu.vector_store %arg15[%swap3A_867], %swap3A_870 {strides = array<i32>} : memref<112xi32, #tpu.memory_space<vmem>>, vector<16xi32>,
    %get3A_871 = arith.constant 96 : index
    %get3A_872 = tpu.vector_load %arg9[%get3A_871] {strides = array<i32>} : memref<224xi32, #tpu.memory_space<vmem>>, vector<16xi32>,
    %get3A_873 = vector.shape_cast %get3A_872 : vector<16xi32> to vector<16xi32>
    %get3A_874 = arith.constant 96 : index
    %get3A_875 = tpu.vector_load %arg7[%get3A_874] {strides = array<i32>} : memref<224xi32, #tpu.memory_space<vmem>>, vector<16xi32>,
    %get3A_876 = vector.shape_cast %get3A_875 : vector<16xi32> to vector<16xi32>
    %ge3A_877 = vector.broadcast %mul3A_655 : i32 to vector<16xi32>
    %ge3A_878 = arith.cmpi sge, %get3A_873, %ge3A_877 : vector<16xi32>
    %add3A_879 = arith.constant 12544 : i32
    %add3A_880 = arith.addi %mul3A_655, %add3A_879 : i32
    %lt3A_881 = vector.broadcast %add3A_880 : i32 to vector<16xi32>
    %lt3A_882 = arith.cmpi slt, %get3A_873, %lt3A_881 : vector<16xi32>
    %and3A_883 = arith.andi %ge3A_878, %lt3A_882 : vector<16xi1>
    %jit3A_884 = arith.constant -1 : i32
    %broadcast_in_dim3A_885 = vector.broadcast %jit3A_884 : i32 to vector<16xi32>
    %select_n3A_886 = arith.select %and3A_883, %get3A_876, %broadcast_in_dim3A_885 : vector<16xi1>, vector<16xi32>
    %swap3A_887 = arith.constant 96 : index
    %swap3A_888 = tpu.vector_load %arg11[%swap3A_887] {strides = array<i32>} : memref<112xi32, #tpu.memory_space<vmem>>, vector<16xi32>,
    %swap3A_889 = vector.shape_cast %swap3A_888 : vector<16xi32> to vector<16xi32>
    %swap3A_890 = vector.shape_cast %select_n3A_886 : vector<16xi32> to vector<16xi32>
    tpu.vector_store %arg11[%swap3A_887], %swap3A_890 {strides = array<i32>} : memref<112xi32, #tpu.memory_space<vmem>>, vector<16xi32>,
    %sub3A_891 = vector.broadcast %mul3A_655 : i32 to vector<16xi32>
    %sub3A_892 = arith.subi %get3A_873, %sub3A_891 : vector<16xi32>
    %jit3A_893 = arith.constant -1 : i32
    %broadcast_in_dim3A_894 = vector.broadcast %jit3A_893 : i32 to vector<16xi32>
    %select_n3A_895 = arith.select %and3A_883, %sub3A_892, %broadcast_in_dim3A_894 : vector<16xi1>, vector<16xi32>
    %swap3A_896 = arith.constant 96 : index
    %swap3A_897 = tpu.vector_load %arg15[%swap3A_896] {strides = array<i32>} : memref<112xi32, #tpu.memory_space<vmem>>, vector<16xi32>,
    %swap3A_898 = vector.shape_cast %swap3A_897 : vector<16xi32> to vector<16xi32>
    %swap3A_899 = vector.shape_cast %select_n3A_895 : vector<16xi32> to vector<16xi32>
    tpu.vector_store %arg15[%swap3A_896], %swap3A_899 {strides = array<i32>} : memref<112xi32, #tpu.memory_space<vmem>>, vector<16xi32>,
    %dma_start3A_900 = arith.constant 0 : i32
    %dma_start3A_901 = arith.constant 0 : i32
    %dma_start3A_902 = arith.constant 0 : i32
    %dma_start3A_903 = tpu.memref_slice %arg19[%dma_start3A_900, %dma_start3A_901, %dma_start3A_902] : memref<2x112x128xf32, #tpu.memory_space<vmem>> -> memref<1x112x128xf32, #tpu.memory_space<vmem>>
    %dma_start3A_904 = tpu.memref_squeeze %dma_start3A_903 : memref<1x112x128xf32, #tpu.memory_space<vmem>> -> memref<112x128xf32, #tpu.memory_space<vmem>>
    %dma_start3A_905 = arith.constant 0 : i32
    %dma_start3A_906 = arith.constant 0 : i32
    %dma_start3A_907 = tpu.memref_slice %arg2[%dma_start3A_905, %dma_start3A_906] : memref<50176x128xf32, #tpu.memory_space<hbm>> -> memref<50176x128xf32, #tpu.memory_space<hbm>>
    %dma_start3A_908 = arith.constant -1 : i32
    tpu.enqueue_indirect_dma source(%dma_start3A_907 : memref<50176x128xf32, #tpu.memory_space<hbm>>) target(%dma_start3A_904 : memref<112x128xf32, #tpu.memory_space<vmem>>) offsets(%arg11 : memref<112xi32, #tpu.memory_space<vmem>>) offset_filter(%dma_start3A_908) semaphore(%arg20 : memref<!tpu.dma_semaphore, #tpu.memory_space<semaphore_mem>>)
    %get3A_909 = arith.constant 112 : index
    %get3A_910 = tpu.vector_load %arg9[%get3A_909] {strides = array<i32>} : memref<224xi32, #tpu.memory_space<vmem>>, vector<16xi32>,
    %get3A_911 = vector.shape_cast %get3A_910 : vector<16xi32> to vector<16xi32>
    %get3A_912 = arith.constant 112 : index
    %get3A_913 = tpu.vector_load %arg7[%get3A_912] {strides = array<i32>} : memref<224xi32, #tpu.memory_space<vmem>>, vector<16xi32>,
    %get3A_914 = vector.shape_cast %get3A_913 : vector<16xi32> to vector<16xi32>
    %ge3A_915 = vector.broadcast %mul3A_655 : i32 to vector<16xi32>
    %ge3A_916 = arith.cmpi sge, %get3A_911, %ge3A_915 : vector<16xi32>
    %add3A_917 = arith.constant 12544 : i32
    %add3A_918 = arith.addi %mul3A_655, %add3A_917 : i32
    %lt3A_919 = vector.broadcast %add3A_918 : i32 to vector<16xi32>
    %lt3A_920 = arith.cmpi slt, %get3A_911, %lt3A_919 : vector<16xi32>
    %and3A_921 = arith.andi %ge3A_916, %lt3A_920 : vector<16xi1>
    %jit3A_922 = arith.constant -1 : i32
    %broadcast_in_dim3A_923 = vector.broadcast %jit3A_922 : i32 to vector<16xi32>
    %select_n3A_924 = arith.select %and3A_921, %get3A_914, %broadcast_in_dim3A_923 : vector<16xi1>, vector<16xi32>
    %swap3A_925 = arith.constant 0 : index
    %swap3A_926 = tpu.vector_load %arg12[%swap3A_925] {strides = array<i32>} : memref<112xi32, #tpu.memory_space<vmem>>, vector<16xi32>,
    %swap3A_927 = vector.shape_cast %swap3A_926 : vector<16xi32> to vector<16xi32>
    %swap3A_928 = vector.shape_cast %select_n3A_924 : vector<16xi32> to vector<16xi32>
    tpu.vector_store %arg12[%swap3A_925], %swap3A_928 {strides = array<i32>} : memref<112xi32, #tpu.memory_space<vmem>>, vector<16xi32>,
    %sub3A_929 = vector.broadcast %mul3A_655 : i32 to vector<16xi32>
    %sub3A_930 = arith.subi %get3A_911, %sub3A_929 : vector<16xi32>
    %jit3A_931 = arith.constant -1 : i32
    %broadcast_in_dim3A_932 = vector.broadcast %jit3A_931 : i32 to vector<16xi32>
    %select_n3A_933 = arith.select %and3A_921, %sub3A_930, %broadcast_in_dim3A_932 : vector<16xi1>, vector<16xi32>
    %swap3A_934 = arith.constant 0 : index
    %swap3A_935 = tpu.vector_load %arg16[%swap3A_934] {strides = array<i32>} : memref<112xi32, #tpu.memory_space<vmem>>, vector<16xi32>,
    %swap3A_936 = vector.shape_cast %swap3A_935 : vector<16xi32> to vector<16xi32>
    %swap3A_937 = vector.shape_cast %select_n3A_933 : vector<16xi32> to vector<16xi32>
    tpu.vector_store %arg16[%swap3A_934], %swap3A_937 {strides = array<i32>} : memref<112xi32, #tpu.memory_space<vmem>>, vector<16xi32>,
    %get3A_938 = arith.constant 128 : index
    %get3A_939 = tpu.vector_load %arg9[%get3A_938] {strides = array<i32>} : memref<224xi32, #tpu.memory_space<vmem>>, vector<16xi32>,
    %get3A_940 = vector.shape_cast %get3A_939 : vector<16xi32> to vector<16xi32>
    %get3A_941 = arith.constant 128 : index
    %get3A_942 = tpu.vector_load %arg7[%get3A_941] {strides = array<i32>} : memref<224xi32, #tpu.memory_space<vmem>>, vector<16xi32>,
    %get3A_943 = vector.shape_cast %get3A_942 : vector<16xi32> to vector<16xi32>
    %ge3A_944 = vector.broadcast %mul3A_655 : i32 to vector<16xi32>
    %ge3A_945 = arith.cmpi sge, %get3A_940, %ge3A_944 : vector<16xi32>
    %add3A_946 = arith.constant 12544 : i32
    %add3A_947 = arith.addi %mul3A_655, %add3A_946 : i32
    %lt3A_948 = vector.broadcast %add3A_947 : i32 to vector<16xi32>
    %lt3A_949 = arith.cmpi slt, %get3A_940, %lt3A_948 : vector<16xi32>
    %and3A_950 = arith.andi %ge3A_945, %lt3A_949 : vector<16xi1>
    %jit3A_951 = arith.constant -1 : i32
    %broadcast_in_dim3A_952 = vector.broadcast %jit3A_951 : i32 to vector<16xi32>
    %select_n3A_953 = arith.select %and3A_950, %get3A_943, %broadcast_in_dim3A_952 : vector<16xi1>, vector<16xi32>
    %swap3A_954 = arith.constant 16 : index
    %swap3A_955 = tpu.vector_load %arg12[%swap3A_954] {strides = array<i32>} : memref<112xi32, #tpu.memory_space<vmem>>, vector<16xi32>,
    %swap3A_956 = vector.shape_cast %swap3A_955 : vector<16xi32> to vector<16xi32>
    %swap3A_957 = vector.shape_cast %select_n3A_953 : vector<16xi32> to vector<16xi32>
    tpu.vector_store %arg12[%swap3A_954], %swap3A_957 {strides = array<i32>} : memref<112xi32, #tpu.memory_space<vmem>>, vector<16xi32>,
    %sub3A_958 = vector.broadcast %mul3A_655 : i32 to vector<16xi32>
    %sub3A_959 = arith.subi %get3A_940, %sub3A_958 : vector<16xi32>
    %jit3A_960 = arith.constant -1 : i32
    %broadcast_in_dim3A_961 = vector.broadcast %jit3A_960 : i32 to vector<16xi32>
    %select_n3A_962 = arith.select %and3A_950, %sub3A_959, %broadcast_in_dim3A_961 : vector<16xi1>, vector<16xi32>
    %swap3A_963 = arith.constant 16 : index
    %swap3A_964 = tpu.vector_load %arg16[%swap3A_963] {strides = array<i32>} : memref<112xi32, #tpu.memory_space<vmem>>, vector<16xi32>,
    %swap3A_965 = vector.shape_cast %swap3A_964 : vector<16xi32> to vector<16xi32>
    %swap3A_966 = vector.shape_cast %select_n3A_962 : vector<16xi32> to vector<16xi32>
    tpu.vector_store %arg16[%swap3A_963], %swap3A_966 {strides = array<i32>} : memref<112xi32, #tpu.memory_space<vmem>>, vector<16xi32>,
    %get3A_967 = arith.constant 144 : index
    %get3A_968 = tpu.vector_load %arg9[%get3A_967] {strides = array<i32>} : memref<224xi32, #tpu.memory_space<vmem>>, vector<16xi32>,
    %get3A_969 = vector.shape_cast %get3A_968 : vector<16xi32> to vector<16xi32>
    %get3A_970 = arith.constant 144 : index
    %get3A_971 = tpu.vector_load %arg7[%get3A_970] {strides = array<i32>} : memref<224xi32, #tpu.memory_space<vmem>>, vector<16xi32>,
    %get3A_972 = vector.shape_cast %get3A_971 : vector<16xi32> to vector<16xi32>
    %ge3A_973 = vector.broadcast %mul3A_655 : i32 to vector<16xi32>
    %ge3A_974 = arith.cmpi sge, %get3A_969, %ge3A_973 : vector<16xi32>
    %add3A_975 = arith.constant 12544 : i32
    %add3A_976 = arith.addi %mul3A_655, %add3A_975 : i32
    %lt3A_977 = vector.broadcast %add3A_976 : i32 to vector<16xi32>
    %lt3A_978 = arith.cmpi slt, %get3A_969, %lt3A_977 : vector<16xi32>
    %and3A_979 = arith.andi %ge3A_974, %lt3A_978 : vector<16xi1>
    %jit3A_980 = arith.constant -1 : i32
    %broadcast_in_dim3A_981 = vector.broadcast %jit3A_980 : i32 to vector<16xi32>
    %select_n3A_982 = arith.select %and3A_979, %get3A_972, %broadcast_in_dim3A_981 : vector<16xi1>, vector<16xi32>
    %swap3A_983 = arith.constant 32 : index
    %swap3A_984 = tpu.vector_load %arg12[%swap3A_983] {strides = array<i32>} : memref<112xi32, #tpu.memory_space<vmem>>, vector<16xi32>,
    %swap3A_985 = vector.shape_cast %swap3A_984 : vector<16xi32> to vector<16xi32>
    %swap3A_986 = vector.shape_cast %select_n3A_982 : vector<16xi32> to vector<16xi32>
    tpu.vector_store %arg12[%swap3A_983], %swap3A_986 {strides = array<i32>} : memref<112xi32, #tpu.memory_space<vmem>>, vector<16xi32>,
    %sub3A_987 = vector.broadcast %mul3A_655 : i32 to vector<16xi32>
    %sub3A_988 = arith.subi %get3A_969, %sub3A_987 : vector<16xi32>
    %jit3A_989 = arith.constant -1 : i32
    %broadcast_in_dim3A_990 = vector.broadcast %jit3A_989 : i32 to vector<16xi32>
    %select_n3A_991 = arith.select %and3A_979, %sub3A_988, %broadcast_in_dim3A_990 : vector<16xi1>, vector<16xi32>
    %swap3A_992 = arith.constant 32 : index
    %swap3A_993 = tpu.vector_load %arg16[%swap3A_992] {strides = array<i32>} : memref<112xi32, #tpu.memory_space<vmem>>, vector<16xi32>,
    %swap3A_994 = vector.shape_cast %swap3A_993 : vector<16xi32> to vector<16xi32>
    %swap3A_995 = vector.shape_cast %select_n3A_991 : vector<16xi32> to vector<16xi32>
    tpu.vector_store %arg16[%swap3A_992], %swap3A_995 {strides = array<i32>} : memref<112xi32, #tpu.memory_space<vmem>>, vector<16xi32>,
    %get3A_996 = arith.constant 160 : index
    %get3A_997 = tpu.vector_load %arg9[%get3A_996] {strides = array<i32>} : memref<224xi32, #tpu.memory_space<vmem>>, vector<16xi32>,
    %get3A_998 = vector.shape_cast %get3A_997 : vector<16xi32> to vector<16xi32>
    %get3A_999 = arith.constant 160 : index
    %get3A_1000 = tpu.vector_load %arg7[%get3A_999] {strides = array<i32>} : memref<224xi32, #tpu.memory_space<vmem>>, vector<16xi32>,
    %get3A_1001 = vector.shape_cast %get3A_1000 : vector<16xi32> to vector<16xi32>
    %ge3A_1002 = vector.broadcast %mul3A_655 : i32 to vector<16xi32>
    %ge3A_1003 = arith.cmpi sge, %get3A_998, %ge3A_1002 : vector<16xi32>
    %add3A_1004 = arith.constant 12544 : i32
    %add3A_1005 = arith.addi %mul3A_655, %add3A_1004 : i32
    %lt3A_1006 = vector.broadcast %add3A_1005 : i32 to vector<16xi32>
    %lt3A_1007 = arith.cmpi slt, %get3A_998, %lt3A_1006 : vector<16xi32>
    %and3A_1008 = arith.andi %ge3A_1003, %lt3A_1007 : vector<16xi1>
    %jit3A_1009 = arith.constant -1 : i32
    %broadcast_in_dim3A_1010 = vector.broadcast %jit3A_1009 : i32 to vector<16xi32>
    %select_n3A_1011 = arith.select %and3A_1008, %get3A_1001, %broadcast_in_dim3A_1010 : vector<16xi1>, vector<16xi32>
    %swap3A_1012 = arith.constant 48 : index
    %swap3A_1013 = tpu.vector_load %arg12[%swap3A_1012] {strides = array<i32>} : memref<112xi32, #tpu.memory_space<vmem>>, vector<16xi32>,
    %swap3A_1014 = vector.shape_cast %swap3A_1013 : vector<16xi32> to vector<16xi32>
    %swap3A_1015 = vector.shape_cast %select_n3A_1011 : vector<16xi32> to vector<16xi32>
    tpu.vector_store %arg12[%swap3A_1012], %swap3A_1015 {strides = array<i32>} : memref<112xi32, #tpu.memory_space<vmem>>, vector<16xi32>,
    %sub3A_1016 = vector.broadcast %mul3A_655 : i32 to vector<16xi32>
    %sub3A_1017 = arith.subi %get3A_998, %sub3A_1016 : vector<16xi32>
    %jit3A_1018 = arith.constant -1 : i32
    %broadcast_in_dim3A_1019 = vector.broadcast %jit3A_1018 : i32 to vector<16xi32>
    %select_n3A_1020 = arith.select %and3A_1008, %sub3A_1017, %broadcast_in_dim3A_1019 : vector<16xi1>, vector<16xi32>
    %swap3A_1021 = arith.constant 48 : index
    %swap3A_1022 = tpu.vector_load %arg16[%swap3A_1021] {strides = array<i32>} : memref<112xi32, #tpu.memory_space<vmem>>, vector<16xi32>,
    %swap3A_1023 = vector.shape_cast %swap3A_1022 : vector<16xi32> to vector<16xi32>
    %swap3A_1024 = vector.shape_cast %select_n3A_1020 : vector<16xi32> to vector<16xi32>
    tpu.vector_store %arg16[%swap3A_1021], %swap3A_1024 {strides = array<i32>} : memref<112xi32, #tpu.memory_space<vmem>>, vector<16xi32>,
    %get3A_1025 = arith.constant 176 : index
    %get3A_1026 = tpu.vector_load %arg9[%get3A_1025] {strides = array<i32>} : memref<224xi32, #tpu.memory_space<vmem>>, vector<16xi32>,
    %get3A_1027 = vector.shape_cast %get3A_1026 : vector<16xi32> to vector<16xi32>
    %get3A_1028 = arith.constant 176 : index
    %get3A_1029 = tpu.vector_load %arg7[%get3A_1028] {strides = array<i32>} : memref<224xi32, #tpu.memory_space<vmem>>, vector<16xi32>,
    %get3A_1030 = vector.shape_cast %get3A_1029 : vector<16xi32> to vector<16xi32>
    %ge3A_1031 = vector.broadcast %mul3A_655 : i32 to vector<16xi32>
    %ge3A_1032 = arith.cmpi sge, %get3A_1027, %ge3A_1031 : vector<16xi32>
    %add3A_1033 = arith.constant 12544 : i32
    %add3A_1034 = arith.addi %mul3A_655, %add3A_1033 : i32
    %lt3A_1035 = vector.broadcast %add3A_1034 : i32 to vector<16xi32>
    %lt3A_1036 = arith.cmpi slt, %get3A_1027, %lt3A_1035 : vector<16xi32>
    %and3A_1037 = arith.andi %ge3A_1032, %lt3A_1036 : vector<16xi1>
    %jit3A_1038 = arith.constant -1 : i32
    %broadcast_in_dim3A_1039 = vector.broadcast %jit3A_1038 : i32 to vector<16xi32>
    %select_n3A_1040 = arith.select %and3A_1037, %get3A_1030, %broadcast_in_dim3A_1039 : vector<16xi1>, vector<16xi32>
    %swap3A_1041 = arith.constant 64 : index
    %swap3A_1042 = tpu.vector_load %arg12[%swap3A_1041] {strides = array<i32>} : memref<112xi32, #tpu.memory_space<vmem>>, vector<16xi32>,
    %swap3A_1043 = vector.shape_cast %swap3A_1042 : vector<16xi32> to vector<16xi32>
    %swap3A_1044 = vector.shape_cast %select_n3A_1040 : vector<16xi32> to vector<16xi32>
    tpu.vector_store %arg12[%swap3A_1041], %swap3A_1044 {strides = array<i32>} : memref<112xi32, #tpu.memory_space<vmem>>, vector<16xi32>,
    %sub3A_1045 = vector.broadcast %mul3A_655 : i32 to vector<16xi32>
    %sub3A_1046 = arith.subi %get3A_1027, %sub3A_1045 : vector<16xi32>
    %jit3A_1047 = arith.constant -1 : i32
    %broadcast_in_dim3A_1048 = vector.broadcast %jit3A_1047 : i32 to vector<16xi32>
    %select_n3A_1049 = arith.select %and3A_1037, %sub3A_1046, %broadcast_in_dim3A_1048 : vector<16xi1>, vector<16xi32>
    %swap3A_1050 = arith.constant 64 : index
    %swap3A_1051 = tpu.vector_load %arg16[%swap3A_1050] {strides = array<i32>} : memref<112xi32, #tpu.memory_space<vmem>>, vector<16xi32>,
    %swap3A_1052 = vector.shape_cast %swap3A_1051 : vector<16xi32> to vector<16xi32>
    %swap3A_1053 = vector.shape_cast %select_n3A_1049 : vector<16xi32> to vector<16xi32>
    tpu.vector_store %arg16[%swap3A_1050], %swap3A_1053 {strides = array<i32>} : memref<112xi32, #tpu.memory_space<vmem>>, vector<16xi32>,
    %get3A_1054 = arith.constant 192 : index
    %get3A_1055 = tpu.vector_load %arg9[%get3A_1054] {strides = array<i32>} : memref<224xi32, #tpu.memory_space<vmem>>, vector<16xi32>,
    %get3A_1056 = vector.shape_cast %get3A_1055 : vector<16xi32> to vector<16xi32>
    %get3A_1057 = arith.constant 192 : index
    %get3A_1058 = tpu.vector_load %arg7[%get3A_1057] {strides = array<i32>} : memref<224xi32, #tpu.memory_space<vmem>>, vector<16xi32>,
    %get3A_1059 = vector.shape_cast %get3A_1058 : vector<16xi32> to vector<16xi32>
    %ge3A_1060 = vector.broadcast %mul3A_655 : i32 to vector<16xi32>
    %ge3A_1061 = arith.cmpi sge, %get3A_1056, %ge3A_1060 : vector<16xi32>
    %add3A_1062 = arith.constant 12544 : i32
    %add3A_1063 = arith.addi %mul3A_655, %add3A_1062 : i32
    %lt3A_1064 = vector.broadcast %add3A_1063 : i32 to vector<16xi32>
    %lt3A_1065 = arith.cmpi slt, %get3A_1056, %lt3A_1064 : vector<16xi32>
    %and3A_1066 = arith.andi %ge3A_1061, %lt3A_1065 : vector<16xi1>
    %jit3A_1067 = arith.constant -1 : i32
    %broadcast_in_dim3A_1068 = vector.broadcast %jit3A_1067 : i32 to vector<16xi32>
    %select_n3A_1069 = arith.select %and3A_1066, %get3A_1059, %broadcast_in_dim3A_1068 : vector<16xi1>, vector<16xi32>
    %swap3A_1070 = arith.constant 80 : index
    %swap3A_1071 = tpu.vector_load %arg12[%swap3A_1070] {strides = array<i32>} : memref<112xi32, #tpu.memory_space<vmem>>, vector<16xi32>,
    %swap3A_1072 = vector.shape_cast %swap3A_1071 : vector<16xi32> to vector<16xi32>
    %swap3A_1073 = vector.shape_cast %select_n3A_1069 : vector<16xi32> to vector<16xi32>
    tpu.vector_store %arg12[%swap3A_1070], %swap3A_1073 {strides = array<i32>} : memref<112xi32, #tpu.memory_space<vmem>>, vector<16xi32>,
    %sub3A_1074 = vector.broadcast %mul3A_655 : i32 to vector<16xi32>
    %sub3A_1075 = arith.subi %get3A_1056, %sub3A_1074 : vector<16xi32>
    %jit3A_1076 = arith.constant -1 : i32
    %broadcast_in_dim3A_1077 = vector.broadcast %jit3A_1076 : i32 to vector<16xi32>
    %select_n3A_1078 = arith.select %and3A_1066, %sub3A_1075, %broadcast_in_dim3A_1077 : vector<16xi1>, vector<16xi32>
    %swap3A_1079 = arith.constant 80 : index
    %swap3A_1080 = tpu.vector_load %arg16[%swap3A_1079] {strides = array<i32>} : memref<112xi32, #tpu.memory_space<vmem>>, vector<16xi32>,
    %swap3A_1081 = vector.shape_cast %swap3A_1080 : vector<16xi32> to vector<16xi32>
    %swap3A_1082 = vector.shape_cast %select_n3A_1078 : vector<16xi32> to vector<16xi32>
    tpu.vector_store %arg16[%swap3A_1079], %swap3A_1082 {strides = array<i32>} : memref<112xi32, #tpu.memory_space<vmem>>, vector<16xi32>,
    %get3A_1083 = arith.constant 208 : index
    %get3A_1084 = tpu.vector_load %arg9[%get3A_1083] {strides = array<i32>} : memref<224xi32, #tpu.memory_space<vmem>>, vector<16xi32>,
    %get3A_1085 = vector.shape_cast %get3A_1084 : vector<16xi32> to vector<16xi32>
    %get3A_1086 = arith.constant 208 : index
    %get3A_1087 = tpu.vector_load %arg7[%get3A_1086] {strides = array<i32>} : memref<224xi32, #tpu.memory_space<vmem>>, vector<16xi32>,
    %get3A_1088 = vector.shape_cast %get3A_1087 : vector<16xi32> to vector<16xi32>
    %ge3A_1089 = vector.broadcast %mul3A_655 : i32 to vector<16xi32>
    %ge3A_1090 = arith.cmpi sge, %get3A_1085, %ge3A_1089 : vector<16xi32>
    %add3A_1091 = arith.constant 12544 : i32
    %add3A_1092 = arith.addi %mul3A_655, %add3A_1091 : i32
    %lt3A_1093 = vector.broadcast %add3A_1092 : i32 to vector<16xi32>
    %lt3A_1094 = arith.cmpi slt, %get3A_1085, %lt3A_1093 : vector<16xi32>
    %and3A_1095 = arith.andi %ge3A_1090, %lt3A_1094 : vector<16xi1>
    %jit3A_1096 = arith.constant -1 : i32
    %broadcast_in_dim3A_1097 = vector.broadcast %jit3A_1096 : i32 to vector<16xi32>
    %select_n3A_1098 = arith.select %and3A_1095, %get3A_1088, %broadcast_in_dim3A_1097 : vector<16xi1>, vector<16xi32>
    %swap3A_1099 = arith.constant 96 : index
    %swap3A_1100 = tpu.vector_load %arg12[%swap3A_1099] {strides = array<i32>} : memref<112xi32, #tpu.memory_space<vmem>>, vector<16xi32>,
    %swap3A_1101 = vector.shape_cast %swap3A_1100 : vector<16xi32> to vector<16xi32>
    %swap3A_1102 = vector.shape_cast %select_n3A_1098 : vector<16xi32> to vector<16xi32>
    tpu.vector_store %arg12[%swap3A_1099], %swap3A_1102 {strides = array<i32>} : memref<112xi32, #tpu.memory_space<vmem>>, vector<16xi32>,
    %sub3A_1103 = vector.broadcast %mul3A_655 : i32 to vector<16xi32>
    %sub3A_1104 = arith.subi %get3A_1085, %sub3A_1103 : vector<16xi32>
    %jit3A_1105 = arith.constant -1 : i32
    %broadcast_in_dim3A_1106 = vector.broadcast %jit3A_1105 : i32 to vector<16xi32>
    %select_n3A_1107 = arith.select %and3A_1095, %sub3A_1104, %broadcast_in_dim3A_1106 : vector<16xi1>, vector<16xi32>
    %swap3A_1108 = arith.constant 96 : index
    %swap3A_1109 = tpu.vector_load %arg16[%swap3A_1108] {strides = array<i32>} : memref<112xi32, #tpu.memory_space<vmem>>, vector<16xi32>,
    %swap3A_1110 = vector.shape_cast %swap3A_1109 : vector<16xi32> to vector<16xi32>
    %swap3A_1111 = vector.shape_cast %select_n3A_1107 : vector<16xi32> to vector<16xi32>
    tpu.vector_store %arg16[%swap3A_1108], %swap3A_1111 {strides = array<i32>} : memref<112xi32, #tpu.memory_space<vmem>>, vector<16xi32>,
    %dma_start3A_1112 = arith.constant 1 : i32
    %dma_start3A_1113 = arith.constant 0 : i32
    %dma_start3A_1114 = arith.constant 0 : i32
    %dma_start3A_1115 = tpu.memref_slice %arg19[%dma_start3A_1112, %dma_start3A_1113, %dma_start3A_1114] : memref<2x112x128xf32, #tpu.memory_space<vmem>> -> memref<1x112x128xf32, #tpu.memory_space<vmem>>
    %dma_start3A_1116 = tpu.memref_squeeze %dma_start3A_1115 : memref<1x112x128xf32, #tpu.memory_space<vmem>> -> memref<112x128xf32, #tpu.memory_space<vmem>>
    %dma_start3A_1117 = arith.constant 0 : i32
    %dma_start3A_1118 = arith.constant 0 : i32
    %dma_start3A_1119 = tpu.memref_slice %arg2[%dma_start3A_1117, %dma_start3A_1118] : memref<50176x128xf32, #tpu.memory_space<hbm>> -> memref<50176x128xf32, #tpu.memory_space<hbm>>
    %dma_start3A_1120 = arith.constant -1 : i32
    tpu.enqueue_indirect_dma source(%dma_start3A_1119 : memref<50176x128xf32, #tpu.memory_space<hbm>>) target(%dma_start3A_1116 : memref<112x128xf32, #tpu.memory_space<vmem>>) offsets(%arg12 : memref<112xi32, #tpu.memory_space<vmem>>) offset_filter(%dma_start3A_1120) semaphore(%arg21 : memref<!tpu.dma_semaphore, #tpu.memory_space<semaphore_mem>>)
    %scan3A_1121 = arith.constant 0 : i32
    %scan3A_1122 = arith.constant 0 : i32
    %scan3A_1123 = arith.constant 111 : i32
    %scan3A_1124 = arith.addi %scan3A_1122, %scan3A_1123 : i32
    %scan3A_1125 = arith.constant 1 : i32
    %scan3A_1126 = scf.for %scan3A_1319 = %scan3A_1122 to %scan3A_1124 step %scan3A_1125 iter_args(%scan3A_1320 = %scan3A_1121) -> (i32)  : i32 {
      %mul3A_1321 = arith.constant 2 : i32
      %mul3A_1322 = arith.muli %mul3A_1321, %scan3A_1319 : i32
      %add3A_1323 = arith.constant 1 : i32
      %add3A_1324 = arith.addi %add3A_1323, %mul3A_1322 : i32
      %mul3A_1325 = arith.constant 224 : i32
      %mul3A_1326 = arith.muli %add3A_1324, %mul3A_1325 : i32
      %add3A_1327 = arith.addi %mul3A_0, %mul3A_1326 : i32
      %add3A_1328 = arith.constant 50000 : i32
      %add3A_1329 = arith.addi %mul3A_0, %add3A_1328 : i32
      %sub3A_1330 = arith.constant 224 : i32
      %sub3A_1331 = arith.subi %add3A_1329, %sub3A_1330 : i32
      %min3A_1332 = arith.minsi %add3A_1327, %sub3A_1331 : i32
      %dma_wait3A_1333 = tpu.memref_slice %arg3[%min3A_1332] : memref<800000xi32, #tpu.memory_space<hbm>> -> memref<224xi32, #tpu.memory_space<hbm>>
      %dma_wait3A_1334 = tpu.memref_slice %arg3[%min3A_1332] : memref<800000xi32, #tpu.memory_space<hbm>> -> memref<224xi32, #tpu.memory_space<hbm>>
      tpu.wait_dma2 semaphore(%arg24 : memref<!tpu.dma_semaphore, #tpu.memory_space<semaphore_mem>>) src(%dma_wait3A_1334 : memref<224xi32, #tpu.memory_space<hbm>>) dst(%arg8 : memref<224xi32, #tpu.memory_space<vmem>>)
      %dma_wait3A_1335 = tpu.memref_slice %arg4[%min3A_1332] : memref<800000xi32, #tpu.memory_space<hbm>> -> memref<224xi32, #tpu.memory_space<hbm>>
      %dma_wait3A_1336 = tpu.memref_slice %arg4[%min3A_1332] : memref<800000xi32, #tpu.memory_space<hbm>> -> memref<224xi32, #tpu.memory_space<hbm>>
      tpu.wait_dma2 semaphore(%arg25 : memref<!tpu.dma_semaphore, #tpu.memory_space<semaphore_mem>>) src(%dma_wait3A_1336 : memref<224xi32, #tpu.memory_space<hbm>>) dst(%arg10 : memref<224xi32, #tpu.memory_space<vmem>>)
      %add3A_1337 = arith.constant 1 : i32
      %add3A_1338 = arith.addi %add3A_1324, %add3A_1337 : i32
      %mul3A_1339 = arith.constant 224 : i32
      %mul3A_1340 = arith.muli %add3A_1338, %mul3A_1339 : i32
      %add3A_1341 = arith.addi %mul3A_0, %mul3A_1340 : i32
      %add3A_1342 = arith.constant 50000 : i32
      %add3A_1343 = arith.addi %mul3A_0, %add3A_1342 : i32
      %sub3A_1344 = arith.constant 224 : i32
      %sub3A_1345 = arith.subi %add3A_1343, %sub3A_1344 : i32
      %min3A_1346 = arith.minsi %add3A_1341, %sub3A_1345 : i32
      %dma_start3A_1347 = tpu.memref_slice %arg3[%min3A_1346] : memref<800000xi32, #tpu.memory_space<hbm>> -> memref<224xi32, #tpu.memory_space<hbm>>
      %dma_start3A_1348 = tpu.memref_slice %arg3[%min3A_1346] : memref<800000xi32, #tpu.memory_space<hbm>> -> memref<224xi32, #tpu.memory_space<hbm>>
      tpu.enqueue_dma source(%dma_start3A_1348 : memref<224xi32, #tpu.memory_space<hbm>>) target(%arg7 : memref<224xi32, #tpu.memory_space<vmem>>) target_semaphore(%arg22 : memref<!tpu.dma_semaphore, #tpu.memory_space<semaphore_mem>>)
      %dma_start3A_1349 = tpu.memref_slice %arg4[%min3A_1346] : memref<800000xi32, #tpu.memory_space<hbm>> -> memref<224xi32, #tpu.memory_space<hbm>>
      %dma_start3A_1350 = tpu.memref_slice %arg4[%min3A_1346] : memref<800000xi32, #tpu.memory_space<hbm>> -> memref<224xi32, #tpu.memory_space<hbm>>
      tpu.enqueue_dma source(%dma_start3A_1350 : memref<224xi32, #tpu.memory_space<hbm>>) target(%arg9 : memref<224xi32, #tpu.memory_space<vmem>>) target_semaphore(%arg23 : memref<!tpu.dma_semaphore, #tpu.memory_space<semaphore_mem>>)
      %get3A_1351 = arith.constant 0 : index
      %get3A_1352 = tpu.vector_load %arg10[%get3A_1351] {strides = array<i32>} : memref<224xi32, #tpu.memory_space<vmem>>, vector<16xi32>,
      %get3A_1353 = vector.shape_cast %get3A_1352 : vector<16xi32> to vector<16xi32>
      %get3A_1354 = arith.constant 0 : index
      %get3A_1355 = tpu.vector_load %arg8[%get3A_1354] {strides = array<i32>} : memref<224xi32, #tpu.memory_space<vmem>>, vector<16xi32>,
      %get3A_1356 = vector.shape_cast %get3A_1355 : vector<16xi32> to vector<16xi32>
      %ge3A_1357 = vector.broadcast %mul3A_655 : i32 to vector<16xi32>
      %ge3A_1358 = arith.cmpi sge, %get3A_1353, %ge3A_1357 : vector<16xi32>
      %add3A_1359 = arith.constant 12544 : i32
      %add3A_1360 = arith.addi %mul3A_655, %add3A_1359 : i32
      %lt3A_1361 = vector.broadcast %add3A_1360 : i32 to vector<16xi32>
      %lt3A_1362 = arith.cmpi slt, %get3A_1353, %lt3A_1361 : vector<16xi32>
      %and3A_1363 = arith.andi %ge3A_1358, %lt3A_1362 : vector<16xi1>
      %jit3A_1364 = arith.constant -1 : i32
      %broadcast_in_dim3A_1365 = vector.broadcast %jit3A_1364 : i32 to vector<16xi32>
      %select_n3A_1366 = arith.select %and3A_1363, %get3A_1356, %broadcast_in_dim3A_1365 : vector<16xi1>, vector<16xi32>
      %swap3A_1367 = arith.constant 0 : index
      %swap3A_1368 = tpu.vector_load %arg13[%swap3A_1367] {strides = array<i32>} : memref<112xi32, #tpu.memory_space<vmem>>, vector<16xi32>,
      %swap3A_1369 = vector.shape_cast %swap3A_1368 : vector<16xi32> to vector<16xi32>
      %swap3A_1370 = vector.shape_cast %select_n3A_1366 : vector<16xi32> to vector<16xi32>
      tpu.vector_store %arg13[%swap3A_1367], %swap3A_1370 {strides = array<i32>} : memref<112xi32, #tpu.memory_space<vmem>>, vector<16xi32>,
      %sub3A_1371 = vector.broadcast %mul3A_655 : i32 to vector<16xi32>
      %sub3A_1372 = arith.subi %get3A_1353, %sub3A_1371 : vector<16xi32>
      %jit3A_1373 = arith.constant -1 : i32
      %broadcast_in_dim3A_1374 = vector.broadcast %jit3A_1373 : i32 to vector<16xi32>
      %select_n3A_1375 = arith.select %and3A_1363, %sub3A_1372, %broadcast_in_dim3A_1374 : vector<16xi1>, vector<16xi32>
      %swap3A_1376 = arith.constant 0 : index
      %swap3A_1377 = tpu.vector_load %arg17[%swap3A_1376] {strides = array<i32>} : memref<112xi32, #tpu.memory_space<vmem>>, vector<16xi32>,
      %swap3A_1378 = vector.shape_cast %swap3A_1377 : vector<16xi32> to vector<16xi32>
      %swap3A_1379 = vector.shape_cast %select_n3A_1375 : vector<16xi32> to vector<16xi32>
      tpu.vector_store %arg17[%swap3A_1376], %swap3A_1379 {strides = array<i32>} : memref<112xi32, #tpu.memory_space<vmem>>, vector<16xi32>,
      %get3A_1380 = arith.constant 16 : index
      %get3A_1381 = tpu.vector_load %arg10[%get3A_1380] {strides = array<i32>} : memref<224xi32, #tpu.memory_space<vmem>>, vector<16xi32>,
      %get3A_1382 = vector.shape_cast %get3A_1381 : vector<16xi32> to vector<16xi32>
      %get3A_1383 = arith.constant 16 : index
      %get3A_1384 = tpu.vector_load %arg8[%get3A_1383] {strides = array<i32>} : memref<224xi32, #tpu.memory_space<vmem>>, vector<16xi32>,
      %get3A_1385 = vector.shape_cast %get3A_1384 : vector<16xi32> to vector<16xi32>
      %ge3A_1386 = vector.broadcast %mul3A_655 : i32 to vector<16xi32>
      %ge3A_1387 = arith.cmpi sge, %get3A_1382, %ge3A_1386 : vector<16xi32>
      %add3A_1388 = arith.constant 12544 : i32
      %add3A_1389 = arith.addi %mul3A_655, %add3A_1388 : i32
      %lt3A_1390 = vector.broadcast %add3A_1389 : i32 to vector<16xi32>
      %lt3A_1391 = arith.cmpi slt, %get3A_1382, %lt3A_1390 : vector<16xi32>
      %and3A_1392 = arith.andi %ge3A_1387, %lt3A_1391 : vector<16xi1>
      %jit3A_1393 = arith.constant -1 : i32
      %broadcast_in_dim3A_1394 = vector.broadcast %jit3A_1393 : i32 to vector<16xi32>
      %select_n3A_1395 = arith.select %and3A_1392, %get3A_1385, %broadcast_in_dim3A_1394 : vector<16xi1>, vector<16xi32>
      %swap3A_1396 = arith.constant 16 : index
      %swap3A_1397 = tpu.vector_load %arg13[%swap3A_1396] {strides = array<i32>} : memref<112xi32, #tpu.memory_space<vmem>>, vector<16xi32>,
      %swap3A_1398 = vector.shape_cast %swap3A_1397 : vector<16xi32> to vector<16xi32>
      %swap3A_1399 = vector.shape_cast %select_n3A_1395 : vector<16xi32> to vector<16xi32>
      tpu.vector_store %arg13[%swap3A_1396], %swap3A_1399 {strides = array<i32>} : memref<112xi32, #tpu.memory_space<vmem>>, vector<16xi32>,
      %sub3A_1400 = vector.broadcast %mul3A_655 : i32 to vector<16xi32>
      %sub3A_1401 = arith.subi %get3A_1382, %sub3A_1400 : vector<16xi32>
      %jit3A_1402 = arith.constant -1 : i32
      %broadcast_in_dim3A_1403 = vector.broadcast %jit3A_1402 : i32 to vector<16xi32>
      %select_n3A_1404 = arith.select %and3A_1392, %sub3A_1401, %broadcast_in_dim3A_1403 : vector<16xi1>, vector<16xi32>
      %swap3A_1405 = arith.constant 16 : index
      %swap3A_1406 = tpu.vector_load %arg17[%swap3A_1405] {strides = array<i32>} : memref<112xi32, #tpu.memory_space<vmem>>, vector<16xi32>,
      %swap3A_1407 = vector.shape_cast %swap3A_1406 : vector<16xi32> to vector<16xi32>
      %swap3A_1408 = vector.shape_cast %select_n3A_1404 : vector<16xi32> to vector<16xi32>
      tpu.vector_store %arg17[%swap3A_1405], %swap3A_1408 {strides = array<i32>} : memref<112xi32, #tpu.memory_space<vmem>>, vector<16xi32>,
      %get3A_1409 = arith.constant 32 : index
      %get3A_1410 = tpu.vector_load %arg10[%get3A_1409] {strides = array<i32>} : memref<224xi32, #tpu.memory_space<vmem>>, vector<16xi32>,
      %get3A_1411 = vector.shape_cast %get3A_1410 : vector<16xi32> to vector<16xi32>
      %get3A_1412 = arith.constant 32 : index
      %get3A_1413 = tpu.vector_load %arg8[%get3A_1412] {strides = array<i32>} : memref<224xi32, #tpu.memory_space<vmem>>, vector<16xi32>,
      %get3A_1414 = vector.shape_cast %get3A_1413 : vector<16xi32> to vector<16xi32>
      %ge3A_1415 = vector.broadcast %mul3A_655 : i32 to vector<16xi32>
      %ge3A_1416 = arith.cmpi sge, %get3A_1411, %ge3A_1415 : vector<16xi32>
      %add3A_1417 = arith.constant 12544 : i32
      %add3A_1418 = arith.addi %mul3A_655, %add3A_1417 : i32
      %lt3A_1419 = vector.broadcast %add3A_1418 : i32 to vector<16xi32>
      %lt3A_1420 = arith.cmpi slt, %get3A_1411, %lt3A_1419 : vector<16xi32>
      %and3A_1421 = arith.andi %ge3A_1416, %lt3A_1420 : vector<16xi1>
      %jit3A_1422 = arith.constant -1 : i32
      %broadcast_in_dim3A_1423 = vector.broadcast %jit3A_1422 : i32 to vector<16xi32>
      %select_n3A_1424 = arith.select %and3A_1421, %get3A_1414, %broadcast_in_dim3A_1423 : vector<16xi1>, vector<16xi32>
      %swap3A_1425 = arith.constant 32 : index
      %swap3A_1426 = tpu.vector_load %arg13[%swap3A_1425] {strides = array<i32>} : memref<112xi32, #tpu.memory_space<vmem>>, vector<16xi32>,
      %swap3A_1427 = vector.shape_cast %swap3A_1426 : vector<16xi32> to vector<16xi32>
      %swap3A_1428 = vector.shape_cast %select_n3A_1424 : vector<16xi32> to vector<16xi32>
      tpu.vector_store %arg13[%swap3A_1425], %swap3A_1428 {strides = array<i32>} : memref<112xi32, #tpu.memory_space<vmem>>, vector<16xi32>,
      %sub3A_1429 = vector.broadcast %mul3A_655 : i32 to vector<16xi32>
      %sub3A_1430 = arith.subi %get3A_1411, %sub3A_1429 : vector<16xi32>
      %jit3A_1431 = arith.constant -1 : i32
      %broadcast_in_dim3A_1432 = vector.broadcast %jit3A_1431 : i32 to vector<16xi32>
      %select_n3A_1433 = arith.select %and3A_1421, %sub3A_1430, %broadcast_in_dim3A_1432 : vector<16xi1>, vector<16xi32>
      %swap3A_1434 = arith.constant 32 : index
      %swap3A_1435 = tpu.vector_load %arg17[%swap3A_1434] {strides = array<i32>} : memref<112xi32, #tpu.memory_space<vmem>>, vector<16xi32>,
      %swap3A_1436 = vector.shape_cast %swap3A_1435 : vector<16xi32> to vector<16xi32>
      %swap3A_1437 = vector.shape_cast %select_n3A_1433 : vector<16xi32> to vector<16xi32>
      tpu.vector_store %arg17[%swap3A_1434], %swap3A_1437 {strides = array<i32>} : memref<112xi32, #tpu.memory_space<vmem>>, vector<16xi32>,
      %get3A_1438 = arith.constant 48 : index
      %get3A_1439 = tpu.vector_load %arg10[%get3A_1438] {strides = array<i32>} : memref<224xi32, #tpu.memory_space<vmem>>, vector<16xi32>,
      %get3A_1440 = vector.shape_cast %get3A_1439 : vector<16xi32> to vector<16xi32>
      %get3A_1441 = arith.constant 48 : index
      %get3A_1442 = tpu.vector_load %arg8[%get3A_1441] {strides = array<i32>} : memref<224xi32, #tpu.memory_space<vmem>>, vector<16xi32>,
      %get3A_1443 = vector.shape_cast %get3A_1442 : vector<16xi32> to vector<16xi32>
      %ge3A_1444 = vector.broadcast %mul3A_655 : i32 to vector<16xi32>
      %ge3A_1445 = arith.cmpi sge, %get3A_1440, %ge3A_1444 : vector<16xi32>
      %add3A_1446 = arith.constant 12544 : i32
      %add3A_1447 = arith.addi %mul3A_655, %add3A_1446 : i32
      %lt3A_1448 = vector.broadcast %add3A_1447 : i32 to vector<16xi32>
      %lt3A_1449 = arith.cmpi slt, %get3A_1440, %lt3A_1448 : vector<16xi32>
      %and3A_1450 = arith.andi %ge3A_1445, %lt3A_1449 : vector<16xi1>
      %jit3A_1451 = arith.constant -1 : i32
      %broadcast_in_dim3A_1452 = vector.broadcast %jit3A_1451 : i32 to vector<16xi32>
      %select_n3A_1453 = arith.select %and3A_1450, %get3A_1443, %broadcast_in_dim3A_1452 : vector<16xi1>, vector<16xi32>
      %swap3A_1454 = arith.constant 48 : index
      %swap3A_1455 = tpu.vector_load %arg13[%swap3A_1454] {strides = array<i32>} : memref<112xi32, #tpu.memory_space<vmem>>, vector<16xi32>,
      %swap3A_1456 = vector.shape_cast %swap3A_1455 : vector<16xi32> to vector<16xi32>
      %swap3A_1457 = vector.shape_cast %select_n3A_1453 : vector<16xi32> to vector<16xi32>
      tpu.vector_store %arg13[%swap3A_1454], %swap3A_1457 {strides = array<i32>} : memref<112xi32, #tpu.memory_space<vmem>>, vector<16xi32>,
      %sub3A_1458 = vector.broadcast %mul3A_655 : i32 to vector<16xi32>
      %sub3A_1459 = arith.subi %get3A_1440, %sub3A_1458 : vector<16xi32>
      %jit3A_1460 = arith.constant -1 : i32
      %broadcast_in_dim3A_1461 = vector.broadcast %jit3A_1460 : i32 to vector<16xi32>
      %select_n3A_1462 = arith.select %and3A_1450, %sub3A_1459, %broadcast_in_dim3A_1461 : vector<16xi1>, vector<16xi32>
      %swap3A_1463 = arith.constant 48 : index
      %swap3A_1464 = tpu.vector_load %arg17[%swap3A_1463] {strides = array<i32>} : memref<112xi32, #tpu.memory_space<vmem>>, vector<16xi32>,
      %swap3A_1465 = vector.shape_cast %swap3A_1464 : vector<16xi32> to vector<16xi32>
      %swap3A_1466 = vector.shape_cast %select_n3A_1462 : vector<16xi32> to vector<16xi32>
      tpu.vector_store %arg17[%swap3A_1463], %swap3A_1466 {strides = array<i32>} : memref<112xi32, #tpu.memory_space<vmem>>, vector<16xi32>,
      %get3A_1467 = arith.constant 64 : index
      %get3A_1468 = tpu.vector_load %arg10[%get3A_1467] {strides = array<i32>} : memref<224xi32, #tpu.memory_space<vmem>>, vector<16xi32>,
      %get3A_1469 = vector.shape_cast %get3A_1468 : vector<16xi32> to vector<16xi32>
      %get3A_1470 = arith.constant 64 : index
      %get3A_1471 = tpu.vector_load %arg8[%get3A_1470] {strides = array<i32>} : memref<224xi32, #tpu.memory_space<vmem>>, vector<16xi32>,
      %get3A_1472 = vector.shape_cast %get3A_1471 : vector<16xi32> to vector<16xi32>
      %ge3A_1473 = vector.broadcast %mul3A_655 : i32 to vector<16xi32>
      %ge3A_1474 = arith.cmpi sge, %get3A_1469, %ge3A_1473 : vector<16xi32>
      %add3A_1475 = arith.constant 12544 : i32
      %add3A_1476 = arith.addi %mul3A_655, %add3A_1475 : i32
      %lt3A_1477 = vector.broadcast %add3A_1476 : i32 to vector<16xi32>
      %lt3A_1478 = arith.cmpi slt, %get3A_1469, %lt3A_1477 : vector<16xi32>
      %and3A_1479 = arith.andi %ge3A_1474, %lt3A_1478 : vector<16xi1>
      %jit3A_1480 = arith.constant -1 : i32
      %broadcast_in_dim3A_1481 = vector.broadcast %jit3A_1480 : i32 to vector<16xi32>
      %select_n3A_1482 = arith.select %and3A_1479, %get3A_1472, %broadcast_in_dim3A_1481 : vector<16xi1>, vector<16xi32>
      %swap3A_1483 = arith.constant 64 : index
      %swap3A_1484 = tpu.vector_load %arg13[%swap3A_1483] {strides = array<i32>} : memref<112xi32, #tpu.memory_space<vmem>>, vector<16xi32>,
      %swap3A_1485 = vector.shape_cast %swap3A_1484 : vector<16xi32> to vector<16xi32>
      %swap3A_1486 = vector.shape_cast %select_n3A_1482 : vector<16xi32> to vector<16xi32>
      tpu.vector_store %arg13[%swap3A_1483], %swap3A_1486 {strides = array<i32>} : memref<112xi32, #tpu.memory_space<vmem>>, vector<16xi32>,
      %sub3A_1487 = vector.broadcast %mul3A_655 : i32 to vector<16xi32>
      %sub3A_1488 = arith.subi %get3A_1469, %sub3A_1487 : vector<16xi32>
      %jit3A_1489 = arith.constant -1 : i32
      %broadcast_in_dim3A_1490 = vector.broadcast %jit3A_1489 : i32 to vector<16xi32>
      %select_n3A_1491 = arith.select %and3A_1479, %sub3A_1488, %broadcast_in_dim3A_1490 : vector<16xi1>, vector<16xi32>
      %swap3A_1492 = arith.constant 64 : index
      %swap3A_1493 = tpu.vector_load %arg17[%swap3A_1492] {strides = array<i32>} : memref<112xi32, #tpu.memory_space<vmem>>, vector<16xi32>,
      %swap3A_1494 = vector.shape_cast %swap3A_1493 : vector<16xi32> to vector<16xi32>
      %swap3A_1495 = vector.shape_cast %select_n3A_1491 : vector<16xi32> to vector<16xi32>
      tpu.vector_store %arg17[%swap3A_1492], %swap3A_1495 {strides = array<i32>} : memref<112xi32, #tpu.memory_space<vmem>>, vector<16xi32>,
      %get3A_1496 = arith.constant 80 : index
      %get3A_1497 = tpu.vector_load %arg10[%get3A_1496] {strides = array<i32>} : memref<224xi32, #tpu.memory_space<vmem>>, vector<16xi32>,
      %get3A_1498 = vector.shape_cast %get3A_1497 : vector<16xi32> to vector<16xi32>
      %get3A_1499 = arith.constant 80 : index
      %get3A_1500 = tpu.vector_load %arg8[%get3A_1499] {strides = array<i32>} : memref<224xi32, #tpu.memory_space<vmem>>, vector<16xi32>,
      %get3A_1501 = vector.shape_cast %get3A_1500 : vector<16xi32> to vector<16xi32>
      %ge3A_1502 = vector.broadcast %mul3A_655 : i32 to vector<16xi32>
      %ge3A_1503 = arith.cmpi sge, %get3A_1498, %ge3A_1502 : vector<16xi32>
      %add3A_1504 = arith.constant 12544 : i32
      %add3A_1505 = arith.addi %mul3A_655, %add3A_1504 : i32
      %lt3A_1506 = vector.broadcast %add3A_1505 : i32 to vector<16xi32>
      %lt3A_1507 = arith.cmpi slt, %get3A_1498, %lt3A_1506 : vector<16xi32>
      %and3A_1508 = arith.andi %ge3A_1503, %lt3A_1507 : vector<16xi1>
      %jit3A_1509 = arith.constant -1 : i32
      %broadcast_in_dim3A_1510 = vector.broadcast %jit3A_1509 : i32 to vector<16xi32>
      %select_n3A_1511 = arith.select %and3A_1508, %get3A_1501, %broadcast_in_dim3A_1510 : vector<16xi1>, vector<16xi32>
      %swap3A_1512 = arith.constant 80 : index
      %swap3A_1513 = tpu.vector_load %arg13[%swap3A_1512] {strides = array<i32>} : memref<112xi32, #tpu.memory_space<vmem>>, vector<16xi32>,
      %swap3A_1514 = vector.shape_cast %swap3A_1513 : vector<16xi32> to vector<16xi32>
      %swap3A_1515 = vector.shape_cast %select_n3A_1511 : vector<16xi32> to vector<16xi32>
      tpu.vector_store %arg13[%swap3A_1512], %swap3A_1515 {strides = array<i32>} : memref<112xi32, #tpu.memory_space<vmem>>, vector<16xi32>,
      %sub3A_1516 = vector.broadcast %mul3A_655 : i32 to vector<16xi32>
      %sub3A_1517 = arith.subi %get3A_1498, %sub3A_1516 : vector<16xi32>
      %jit3A_1518 = arith.constant -1 : i32
      %broadcast_in_dim3A_1519 = vector.broadcast %jit3A_1518 : i32 to vector<16xi32>
      %select_n3A_1520 = arith.select %and3A_1508, %sub3A_1517, %broadcast_in_dim3A_1519 : vector<16xi1>, vector<16xi32>
      %swap3A_1521 = arith.constant 80 : index
      %swap3A_1522 = tpu.vector_load %arg17[%swap3A_1521] {strides = array<i32>} : memref<112xi32, #tpu.memory_space<vmem>>, vector<16xi32>,
      %swap3A_1523 = vector.shape_cast %swap3A_1522 : vector<16xi32> to vector<16xi32>
      %swap3A_1524 = vector.shape_cast %select_n3A_1520 : vector<16xi32> to vector<16xi32>
      tpu.vector_store %arg17[%swap3A_1521], %swap3A_1524 {strides = array<i32>} : memref<112xi32, #tpu.memory_space<vmem>>, vector<16xi32>,
      %get3A_1525 = arith.constant 96 : index
      %get3A_1526 = tpu.vector_load %arg10[%get3A_1525] {strides = array<i32>} : memref<224xi32, #tpu.memory_space<vmem>>, vector<16xi32>,
      %get3A_1527 = vector.shape_cast %get3A_1526 : vector<16xi32> to vector<16xi32>
      %get3A_1528 = arith.constant 96 : index
      %get3A_1529 = tpu.vector_load %arg8[%get3A_1528] {strides = array<i32>} : memref<224xi32, #tpu.memory_space<vmem>>, vector<16xi32>,
      %get3A_1530 = vector.shape_cast %get3A_1529 : vector<16xi32> to vector<16xi32>
      %ge3A_1531 = vector.broadcast %mul3A_655 : i32 to vector<16xi32>
      %ge3A_1532 = arith.cmpi sge, %get3A_1527, %ge3A_1531 : vector<16xi32>
      %add3A_1533 = arith.constant 12544 : i32
      %add3A_1534 = arith.addi %mul3A_655, %add3A_1533 : i32
      %lt3A_1535 = vector.broadcast %add3A_1534 : i32 to vector<16xi32>
      %lt3A_1536 = arith.cmpi slt, %get3A_1527, %lt3A_1535 : vector<16xi32>
      %and3A_1537 = arith.andi %ge3A_1532, %lt3A_1536 : vector<16xi1>
      %jit3A_1538 = arith.constant -1 : i32
      %broadcast_in_dim3A_1539 = vector.broadcast %jit3A_1538 : i32 to vector<16xi32>
      %select_n3A_1540 = arith.select %and3A_1537, %get3A_1530, %broadcast_in_dim3A_1539 : vector<16xi1>, vector<16xi32>
      %swap3A_1541 = arith.constant 96 : index
      %swap3A_1542 = tpu.vector_load %arg13[%swap3A_1541] {strides = array<i32>} : memref<112xi32, #tpu.memory_space<vmem>>, vector<16xi32>,
      %swap3A_1543 = vector.shape_cast %swap3A_1542 : vector<16xi32> to vector<16xi32>
      %swap3A_1544 = vector.shape_cast %select_n3A_1540 : vector<16xi32> to vector<16xi32>
      tpu.vector_store %arg13[%swap3A_1541], %swap3A_1544 {strides = array<i32>} : memref<112xi32, #tpu.memory_space<vmem>>, vector<16xi32>,
      %sub3A_1545 = vector.broadcast %mul3A_655 : i32 to vector<16xi32>
      %sub3A_1546 = arith.subi %get3A_1527, %sub3A_1545 : vector<16xi32>
      %jit3A_1547 = arith.constant -1 : i32
      %broadcast_in_dim3A_1548 = vector.broadcast %jit3A_1547 : i32 to vector<16xi32>
      %select_n3A_1549 = arith.select %and3A_1537, %sub3A_1546, %broadcast_in_dim3A_1548 : vector<16xi1>, vector<16xi32>
      %swap3A_1550 = arith.constant 96 : index
      %swap3A_1551 = tpu.vector_load %arg17[%swap3A_1550] {strides = array<i32>} : memref<112xi32, #tpu.memory_space<vmem>>, vector<16xi32>,
      %swap3A_1552 = vector.shape_cast %swap3A_1551 : vector<16xi32> to vector<16xi32>
      %swap3A_1553 = vector.shape_cast %select_n3A_1549 : vector<16xi32> to vector<16xi32>
      tpu.vector_store %arg17[%swap3A_1550], %swap3A_1553 {strides = array<i32>} : memref<112xi32, #tpu.memory_space<vmem>>, vector<16xi32>,
      %get3A_1554 = arith.constant 112 : index
      %get3A_1555 = tpu.vector_load %arg10[%get3A_1554] {strides = array<i32>} : memref<224xi32, #tpu.memory_space<vmem>>, vector<16xi32>,
      %get3A_1556 = vector.shape_cast %get3A_1555 : vector<16xi32> to vector<16xi32>
      %get3A_1557 = arith.constant 112 : index
      %get3A_1558 = tpu.vector_load %arg8[%get3A_1557] {strides = array<i32>} : memref<224xi32, #tpu.memory_space<vmem>>, vector<16xi32>,
      %get3A_1559 = vector.shape_cast %get3A_1558 : vector<16xi32> to vector<16xi32>
      %ge3A_1560 = vector.broadcast %mul3A_655 : i32 to vector<16xi32>
      %ge3A_1561 = arith.cmpi sge, %get3A_1556, %ge3A_1560 : vector<16xi32>
      %add3A_1562 = arith.constant 12544 : i32
      %add3A_1563 = arith.addi %mul3A_655, %add3A_1562 : i32
      %lt3A_1564 = vector.broadcast %add3A_1563 : i32 to vector<16xi32>
      %lt3A_1565 = arith.cmpi slt, %get3A_1556, %lt3A_1564 : vector<16xi32>
      %and3A_1566 = arith.andi %ge3A_1561, %lt3A_1565 : vector<16xi1>
      %jit3A_1567 = arith.constant -1 : i32
      %broadcast_in_dim3A_1568 = vector.broadcast %jit3A_1567 : i32 to vector<16xi32>
      %select_n3A_1569 = arith.select %and3A_1566, %get3A_1559, %broadcast_in_dim3A_1568 : vector<16xi1>, vector<16xi32>
      %swap3A_1570 = arith.constant 0 : index
      %swap3A_1571 = tpu.vector_load %arg14[%swap3A_1570] {strides = array<i32>} : memref<112xi32, #tpu.memory_space<vmem>>, vector<16xi32>,
      %swap3A_1572 = vector.shape_cast %swap3A_1571 : vector<16xi32> to vector<16xi32>
      %swap3A_1573 = vector.shape_cast %select_n3A_1569 : vector<16xi32> to vector<16xi32>
      tpu.vector_store %arg14[%swap3A_1570], %swap3A_1573 {strides = array<i32>} : memref<112xi32, #tpu.memory_space<vmem>>, vector<16xi32>,
      %sub3A_1574 = vector.broadcast %mul3A_655 : i32 to vector<16xi32>
      %sub3A_1575 = arith.subi %get3A_1556, %sub3A_1574 : vector<16xi32>
      %jit3A_1576 = arith.constant -1 : i32
      %broadcast_in_dim3A_1577 = vector.broadcast %jit3A_1576 : i32 to vector<16xi32>
      %select_n3A_1578 = arith.select %and3A_1566, %sub3A_1575, %broadcast_in_dim3A_1577 : vector<16xi1>, vector<16xi32>
      %swap3A_1579 = arith.constant 0 : index
      %swap3A_1580 = tpu.vector_load %arg18[%swap3A_1579] {strides = array<i32>} : memref<112xi32, #tpu.memory_space<vmem>>, vector<16xi32>,
      %swap3A_1581 = vector.shape_cast %swap3A_1580 : vector<16xi32> to vector<16xi32>
      %swap3A_1582 = vector.shape_cast %select_n3A_1578 : vector<16xi32> to vector<16xi32>
      tpu.vector_store %arg18[%swap3A_1579], %swap3A_1582 {strides = array<i32>} : memref<112xi32, #tpu.memory_space<vmem>>, vector<16xi32>,
      %get3A_1583 = arith.constant 128 : index
      %get3A_1584 = tpu.vector_load %arg10[%get3A_1583] {strides = array<i32>} : memref<224xi32, #tpu.memory_space<vmem>>, vector<16xi32>,
      %get3A_1585 = vector.shape_cast %get3A_1584 : vector<16xi32> to vector<16xi32>
      %get3A_1586 = arith.constant 128 : index
      %get3A_1587 = tpu.vector_load %arg8[%get3A_1586] {strides = array<i32>} : memref<224xi32, #tpu.memory_space<vmem>>, vector<16xi32>,
      %get3A_1588 = vector.shape_cast %get3A_1587 : vector<16xi32> to vector<16xi32>
      %ge3A_1589 = vector.broadcast %mul3A_655 : i32 to vector<16xi32>
      %ge3A_1590 = arith.cmpi sge, %get3A_1585, %ge3A_1589 : vector<16xi32>
      %add3A_1591 = arith.constant 12544 : i32
      %add3A_1592 = arith.addi %mul3A_655, %add3A_1591 : i32
      %lt3A_1593 = vector.broadcast %add3A_1592 : i32 to vector<16xi32>
      %lt3A_1594 = arith.cmpi slt, %get3A_1585, %lt3A_1593 : vector<16xi32>
      %and3A_1595 = arith.andi %ge3A_1590, %lt3A_1594 : vector<16xi1>
      %jit3A_1596 = arith.constant -1 : i32
      %broadcast_in_dim3A_1597 = vector.broadcast %jit3A_1596 : i32 to vector<16xi32>
      %select_n3A_1598 = arith.select %and3A_1595, %get3A_1588, %broadcast_in_dim3A_1597 : vector<16xi1>, vector<16xi32>
      %swap3A_1599 = arith.constant 16 : index
      %swap3A_1600 = tpu.vector_load %arg14[%swap3A_1599] {strides = array<i32>} : memref<112xi32, #tpu.memory_space<vmem>>, vector<16xi32>,
      %swap3A_1601 = vector.shape_cast %swap3A_1600 : vector<16xi32> to vector<16xi32>
      %swap3A_1602 = vector.shape_cast %select_n3A_1598 : vector<16xi32> to vector<16xi32>
      tpu.vector_store %arg14[%swap3A_1599], %swap3A_1602 {strides = array<i32>} : memref<112xi32, #tpu.memory_space<vmem>>, vector<16xi32>,
      %sub3A_1603 = vector.broadcast %mul3A_655 : i32 to vector<16xi32>
      %sub3A_1604 = arith.subi %get3A_1585, %sub3A_1603 : vector<16xi32>
      %jit3A_1605 = arith.constant -1 : i32
      %broadcast_in_dim3A_1606 = vector.broadcast %jit3A_1605 : i32 to vector<16xi32>
      %select_n3A_1607 = arith.select %and3A_1595, %sub3A_1604, %broadcast_in_dim3A_1606 : vector<16xi1>, vector<16xi32>
      %swap3A_1608 = arith.constant 16 : index
      %swap3A_1609 = tpu.vector_load %arg18[%swap3A_1608] {strides = array<i32>} : memref<112xi32, #tpu.memory_space<vmem>>, vector<16xi32>,
      %swap3A_1610 = vector.shape_cast %swap3A_1609 : vector<16xi32> to vector<16xi32>
      %swap3A_1611 = vector.shape_cast %select_n3A_1607 : vector<16xi32> to vector<16xi32>
      tpu.vector_store %arg18[%swap3A_1608], %swap3A_1611 {strides = array<i32>} : memref<112xi32, #tpu.memory_space<vmem>>, vector<16xi32>,
      %get3A_1612 = arith.constant 144 : index
      %get3A_1613 = tpu.vector_load %arg10[%get3A_1612] {strides = array<i32>} : memref<224xi32, #tpu.memory_space<vmem>>, vector<16xi32>,
      %get3A_1614 = vector.shape_cast %get3A_1613 : vector<16xi32> to vector<16xi32>
      %get3A_1615 = arith.constant 144 : index
      %get3A_1616 = tpu.vector_load %arg8[%get3A_1615] {strides = array<i32>} : memref<224xi32, #tpu.memory_space<vmem>>, vector<16xi32>,
      %get3A_1617 = vector.shape_cast %get3A_1616 : vector<16xi32> to vector<16xi32>
      %ge3A_1618 = vector.broadcast %mul3A_655 : i32 to vector<16xi32>
      %ge3A_1619 = arith.cmpi sge, %get3A_1614, %ge3A_1618 : vector<16xi32>
      %add3A_1620 = arith.constant 12544 : i32
      %add3A_1621 = arith.addi %mul3A_655, %add3A_1620 : i32
      %lt3A_1622 = vector.broadcast %add3A_1621 : i32 to vector<16xi32>
      %lt3A_1623 = arith.cmpi slt, %get3A_1614, %lt3A_1622 : vector<16xi32>
      %and3A_1624 = arith.andi %ge3A_1619, %lt3A_1623 : vector<16xi1>
      %jit3A_1625 = arith.constant -1 : i32
      %broadcast_in_dim3A_1626 = vector.broadcast %jit3A_1625 : i32 to vector<16xi32>
      %select_n3A_1627 = arith.select %and3A_1624, %get3A_1617, %broadcast_in_dim3A_1626 : vector<16xi1>, vector<16xi32>
      %swap3A_1628 = arith.constant 32 : index
      %swap3A_1629 = tpu.vector_load %arg14[%swap3A_1628] {strides = array<i32>} : memref<112xi32, #tpu.memory_space<vmem>>, vector<16xi32>,
      %swap3A_1630 = vector.shape_cast %swap3A_1629 : vector<16xi32> to vector<16xi32>
      %swap3A_1631 = vector.shape_cast %select_n3A_1627 : vector<16xi32> to vector<16xi32>
      tpu.vector_store %arg14[%swap3A_1628], %swap3A_1631 {strides = array<i32>} : memref<112xi32, #tpu.memory_space<vmem>>, vector<16xi32>,
      %sub3A_1632 = vector.broadcast %mul3A_655 : i32 to vector<16xi32>
      %sub3A_1633 = arith.subi %get3A_1614, %sub3A_1632 : vector<16xi32>
      %jit3A_1634 = arith.constant -1 : i32
      %broadcast_in_dim3A_1635 = vector.broadcast %jit3A_1634 : i32 to vector<16xi32>
      %select_n3A_1636 = arith.select %and3A_1624, %sub3A_1633, %broadcast_in_dim3A_1635 : vector<16xi1>, vector<16xi32>
      %swap3A_1637 = arith.constant 32 : index
      %swap3A_1638 = tpu.vector_load %arg18[%swap3A_1637] {strides = array<i32>} : memref<112xi32, #tpu.memory_space<vmem>>, vector<16xi32>,
      %swap3A_1639 = vector.shape_cast %swap3A_1638 : vector<16xi32> to vector<16xi32>
      %swap3A_1640 = vector.shape_cast %select_n3A_1636 : vector<16xi32> to vector<16xi32>
      tpu.vector_store %arg18[%swap3A_1637], %swap3A_1640 {strides = array<i32>} : memref<112xi32, #tpu.memory_space<vmem>>, vector<16xi32>,
      %get3A_1641 = arith.constant 160 : index
      %get3A_1642 = tpu.vector_load %arg10[%get3A_1641] {strides = array<i32>} : memref<224xi32, #tpu.memory_space<vmem>>, vector<16xi32>,
      %get3A_1643 = vector.shape_cast %get3A_1642 : vector<16xi32> to vector<16xi32>
      %get3A_1644 = arith.constant 160 : index
      %get3A_1645 = tpu.vector_load %arg8[%get3A_1644] {strides = array<i32>} : memref<224xi32, #tpu.memory_space<vmem>>, vector<16xi32>,
      %get3A_1646 = vector.shape_cast %get3A_1645 : vector<16xi32> to vector<16xi32>
      %ge3A_1647 = vector.broadcast %mul3A_655 : i32 to vector<16xi32>
      %ge3A_1648 = arith.cmpi sge, %get3A_1643, %ge3A_1647 : vector<16xi32>
      %add3A_1649 = arith.constant 12544 : i32
      %add3A_1650 = arith.addi %mul3A_655, %add3A_1649 : i32
      %lt3A_1651 = vector.broadcast %add3A_1650 : i32 to vector<16xi32>
      %lt3A_1652 = arith.cmpi slt, %get3A_1643, %lt3A_1651 : vector<16xi32>
      %and3A_1653 = arith.andi %ge3A_1648, %lt3A_1652 : vector<16xi1>
      %jit3A_1654 = arith.constant -1 : i32
      %broadcast_in_dim3A_1655 = vector.broadcast %jit3A_1654 : i32 to vector<16xi32>
      %select_n3A_1656 = arith.select %and3A_1653, %get3A_1646, %broadcast_in_dim3A_1655 : vector<16xi1>, vector<16xi32>
      %swap3A_1657 = arith.constant 48 : index
      %swap3A_1658 = tpu.vector_load %arg14[%swap3A_1657] {strides = array<i32>} : memref<112xi32, #tpu.memory_space<vmem>>, vector<16xi32>,
      %swap3A_1659 = vector.shape_cast %swap3A_1658 : vector<16xi32> to vector<16xi32>
      %swap3A_1660 = vector.shape_cast %select_n3A_1656 : vector<16xi32> to vector<16xi32>
      tpu.vector_store %arg14[%swap3A_1657], %swap3A_1660 {strides = array<i32>} : memref<112xi32, #tpu.memory_space<vmem>>, vector<16xi32>,
      %sub3A_1661 = vector.broadcast %mul3A_655 : i32 to vector<16xi32>
      %sub3A_1662 = arith.subi %get3A_1643, %sub3A_1661 : vector<16xi32>
      %jit3A_1663 = arith.constant -1 : i32
      %broadcast_in_dim3A_1664 = vector.broadcast %jit3A_1663 : i32 to vector<16xi32>
      %select_n3A_1665 = arith.select %and3A_1653, %sub3A_1662, %broadcast_in_dim3A_1664 : vector<16xi1>, vector<16xi32>
      %swap3A_1666 = arith.constant 48 : index
      %swap3A_1667 = tpu.vector_load %arg18[%swap3A_1666] {strides = array<i32>} : memref<112xi32, #tpu.memory_space<vmem>>, vector<16xi32>,
      %swap3A_1668 = vector.shape_cast %swap3A_1667 : vector<16xi32> to vector<16xi32>
      %swap3A_1669 = vector.shape_cast %select_n3A_1665 : vector<16xi32> to vector<16xi32>
      tpu.vector_store %arg18[%swap3A_1666], %swap3A_1669 {strides = array<i32>} : memref<112xi32, #tpu.memory_space<vmem>>, vector<16xi32>,
      %get3A_1670 = arith.constant 176 : index
      %get3A_1671 = tpu.vector_load %arg10[%get3A_1670] {strides = array<i32>} : memref<224xi32, #tpu.memory_space<vmem>>, vector<16xi32>,
      %get3A_1672 = vector.shape_cast %get3A_1671 : vector<16xi32> to vector<16xi32>
      %get3A_1673 = arith.constant 176 : index
      %get3A_1674 = tpu.vector_load %arg8[%get3A_1673] {strides = array<i32>} : memref<224xi32, #tpu.memory_space<vmem>>, vector<16xi32>,
      %get3A_1675 = vector.shape_cast %get3A_1674 : vector<16xi32> to vector<16xi32>
      %ge3A_1676 = vector.broadcast %mul3A_655 : i32 to vector<16xi32>
      %ge3A_1677 = arith.cmpi sge, %get3A_1672, %ge3A_1676 : vector<16xi32>
      %add3A_1678 = arith.constant 12544 : i32
      %add3A_1679 = arith.addi %mul3A_655, %add3A_1678 : i32
      %lt3A_1680 = vector.broadcast %add3A_1679 : i32 to vector<16xi32>
      %lt3A_1681 = arith.cmpi slt, %get3A_1672, %lt3A_1680 : vector<16xi32>
      %and3A_1682 = arith.andi %ge3A_1677, %lt3A_1681 : vector<16xi1>
      %jit3A_1683 = arith.constant -1 : i32
      %broadcast_in_dim3A_1684 = vector.broadcast %jit3A_1683 : i32 to vector<16xi32>
      %select_n3A_1685 = arith.select %and3A_1682, %get3A_1675, %broadcast_in_dim3A_1684 : vector<16xi1>, vector<16xi32>
      %swap3A_1686 = arith.constant 64 : index
      %swap3A_1687 = tpu.vector_load %arg14[%swap3A_1686] {strides = array<i32>} : memref<112xi32, #tpu.memory_space<vmem>>, vector<16xi32>,
      %swap3A_1688 = vector.shape_cast %swap3A_1687 : vector<16xi32> to vector<16xi32>
      %swap3A_1689 = vector.shape_cast %select_n3A_1685 : vector<16xi32> to vector<16xi32>
      tpu.vector_store %arg14[%swap3A_1686], %swap3A_1689 {strides = array<i32>} : memref<112xi32, #tpu.memory_space<vmem>>, vector<16xi32>,
      %sub3A_1690 = vector.broadcast %mul3A_655 : i32 to vector<16xi32>
      %sub3A_1691 = arith.subi %get3A_1672, %sub3A_1690 : vector<16xi32>
      %jit3A_1692 = arith.constant -1 : i32
      %broadcast_in_dim3A_1693 = vector.broadcast %jit3A_1692 : i32 to vector<16xi32>
      %select_n3A_1694 = arith.select %and3A_1682, %sub3A_1691, %broadcast_in_dim3A_1693 : vector<16xi1>, vector<16xi32>
      %swap3A_1695 = arith.constant 64 : index
      %swap3A_1696 = tpu.vector_load %arg18[%swap3A_1695] {strides = array<i32>} : memref<112xi32, #tpu.memory_space<vmem>>, vector<16xi32>,
      %swap3A_1697 = vector.shape_cast %swap3A_1696 : vector<16xi32> to vector<16xi32>
      %swap3A_1698 = vector.shape_cast %select_n3A_1694 : vector<16xi32> to vector<16xi32>
      tpu.vector_store %arg18[%swap3A_1695], %swap3A_1698 {strides = array<i32>} : memref<112xi32, #tpu.memory_space<vmem>>, vector<16xi32>,
      %get3A_1699 = arith.constant 192 : index
      %get3A_1700 = tpu.vector_load %arg10[%get3A_1699] {strides = array<i32>} : memref<224xi32, #tpu.memory_space<vmem>>, vector<16xi32>,
      %get3A_1701 = vector.shape_cast %get3A_1700 : vector<16xi32> to vector<16xi32>
      %get3A_1702 = arith.constant 192 : index
      %get3A_1703 = tpu.vector_load %arg8[%get3A_1702] {strides = array<i32>} : memref<224xi32, #tpu.memory_space<vmem>>, vector<16xi32>,
      %get3A_1704 = vector.shape_cast %get3A_1703 : vector<16xi32> to vector<16xi32>
      %ge3A_1705 = vector.broadcast %mul3A_655 : i32 to vector<16xi32>
      %ge3A_1706 = arith.cmpi sge, %get3A_1701, %ge3A_1705 : vector<16xi32>
      %add3A_1707 = arith.constant 12544 : i32
      %add3A_1708 = arith.addi %mul3A_655, %add3A_1707 : i32
      %lt3A_1709 = vector.broadcast %add3A_1708 : i32 to vector<16xi32>
      %lt3A_1710 = arith.cmpi slt, %get3A_1701, %lt3A_1709 : vector<16xi32>
      %and3A_1711 = arith.andi %ge3A_1706, %lt3A_1710 : vector<16xi1>
      %jit3A_1712 = arith.constant -1 : i32
      %broadcast_in_dim3A_1713 = vector.broadcast %jit3A_1712 : i32 to vector<16xi32>
      %select_n3A_1714 = arith.select %and3A_1711, %get3A_1704, %broadcast_in_dim3A_1713 : vector<16xi1>, vector<16xi32>
      %swap3A_1715 = arith.constant 80 : index
      %swap3A_1716 = tpu.vector_load %arg14[%swap3A_1715] {strides = array<i32>} : memref<112xi32, #tpu.memory_space<vmem>>, vector<16xi32>,
      %swap3A_1717 = vector.shape_cast %swap3A_1716 : vector<16xi32> to vector<16xi32>
      %swap3A_1718 = vector.shape_cast %select_n3A_1714 : vector<16xi32> to vector<16xi32>
      tpu.vector_store %arg14[%swap3A_1715], %swap3A_1718 {strides = array<i32>} : memref<112xi32, #tpu.memory_space<vmem>>, vector<16xi32>,
      %sub3A_1719 = vector.broadcast %mul3A_655 : i32 to vector<16xi32>
      %sub3A_1720 = arith.subi %get3A_1701, %sub3A_1719 : vector<16xi32>
      %jit3A_1721 = arith.constant -1 : i32
      %broadcast_in_dim3A_1722 = vector.broadcast %jit3A_1721 : i32 to vector<16xi32>
      %select_n3A_1723 = arith.select %and3A_1711, %sub3A_1720, %broadcast_in_dim3A_1722 : vector<16xi1>, vector<16xi32>
      %swap3A_1724 = arith.constant 80 : index
      %swap3A_1725 = tpu.vector_load %arg18[%swap3A_1724] {strides = array<i32>} : memref<112xi32, #tpu.memory_space<vmem>>, vector<16xi32>,
      %swap3A_1726 = vector.shape_cast %swap3A_1725 : vector<16xi32> to vector<16xi32>
      %swap3A_1727 = vector.shape_cast %select_n3A_1723 : vector<16xi32> to vector<16xi32>
      tpu.vector_store %arg18[%swap3A_1724], %swap3A_1727 {strides = array<i32>} : memref<112xi32, #tpu.memory_space<vmem>>, vector<16xi32>,
      %get3A_1728 = arith.constant 208 : index
      %get3A_1729 = tpu.vector_load %arg10[%get3A_1728] {strides = array<i32>} : memref<224xi32, #tpu.memory_space<vmem>>, vector<16xi32>,
      %get3A_1730 = vector.shape_cast %get3A_1729 : vector<16xi32> to vector<16xi32>
      %get3A_1731 = arith.constant 208 : index
      %get3A_1732 = tpu.vector_load %arg8[%get3A_1731] {strides = array<i32>} : memref<224xi32, #tpu.memory_space<vmem>>, vector<16xi32>,
      %get3A_1733 = vector.shape_cast %get3A_1732 : vector<16xi32> to vector<16xi32>
      %ge3A_1734 = vector.broadcast %mul3A_655 : i32 to vector<16xi32>
      %ge3A_1735 = arith.cmpi sge, %get3A_1730, %ge3A_1734 : vector<16xi32>
      %add3A_1736 = arith.constant 12544 : i32
      %add3A_1737 = arith.addi %mul3A_655, %add3A_1736 : i32
      %lt3A_1738 = vector.broadcast %add3A_1737 : i32 to vector<16xi32>
      %lt3A_1739 = arith.cmpi slt, %get3A_1730, %lt3A_1738 : vector<16xi32>
      %and3A_1740 = arith.andi %ge3A_1735, %lt3A_1739 : vector<16xi1>
      %jit3A_1741 = arith.constant -1 : i32
      %broadcast_in_dim3A_1742 = vector.broadcast %jit3A_1741 : i32 to vector<16xi32>
      %select_n3A_1743 = arith.select %and3A_1740, %get3A_1733, %broadcast_in_dim3A_1742 : vector<16xi1>, vector<16xi32>
      %swap3A_1744 = arith.constant 96 : index
      %swap3A_1745 = tpu.vector_load %arg14[%swap3A_1744] {strides = array<i32>} : memref<112xi32, #tpu.memory_space<vmem>>, vector<16xi32>,
      %swap3A_1746 = vector.shape_cast %swap3A_1745 : vector<16xi32> to vector<16xi32>
      %swap3A_1747 = vector.shape_cast %select_n3A_1743 : vector<16xi32> to vector<16xi32>
      tpu.vector_store %arg14[%swap3A_1744], %swap3A_1747 {strides = array<i32>} : memref<112xi32, #tpu.memory_space<vmem>>, vector<16xi32>,
      %sub3A_1748 = vector.broadcast %mul3A_655 : i32 to vector<16xi32>
      %sub3A_1749 = arith.subi %get3A_1730, %sub3A_1748 : vector<16xi32>
      %jit3A_1750 = arith.constant -1 : i32
      %broadcast_in_dim3A_1751 = vector.broadcast %jit3A_1750 : i32 to vector<16xi32>
      %select_n3A_1752 = arith.select %and3A_1740, %sub3A_1749, %broadcast_in_dim3A_1751 : vector<16xi1>, vector<16xi32>
      %swap3A_1753 = arith.constant 96 : index
      %swap3A_1754 = tpu.vector_load %arg18[%swap3A_1753] {strides = array<i32>} : memref<112xi32, #tpu.memory_space<vmem>>, vector<16xi32>,
      %swap3A_1755 = vector.shape_cast %swap3A_1754 : vector<16xi32> to vector<16xi32>
      %swap3A_1756 = vector.shape_cast %select_n3A_1752 : vector<16xi32> to vector<16xi32>
      tpu.vector_store %arg18[%swap3A_1753], %swap3A_1756 {strides = array<i32>} : memref<112xi32, #tpu.memory_space<vmem>>, vector<16xi32>,
      %dma_wait3A_1757 = arith.constant 0 : i32
      %dma_wait3A_1758 = arith.constant 0 : i32
      %dma_wait3A_1759 = arith.constant 0 : i32
      %dma_wait3A_1760 = tpu.memref_slice %arg19[%dma_wait3A_1757, %dma_wait3A_1758, %dma_wait3A_1759] : memref<2x112x128xf32, #tpu.memory_space<vmem>> -> memref<1x112x128xf32, #tpu.memory_space<vmem>>
      %dma_wait3A_1761 = tpu.memref_squeeze %dma_wait3A_1760 : memref<1x112x128xf32, #tpu.memory_space<vmem>> -> memref<112x128xf32, #tpu.memory_space<vmem>>
      %dma_wait3A_1762 = arith.constant 0 : i32
      %dma_wait3A_1763 = arith.constant 0 : i32
      %dma_wait3A_1764 = tpu.memref_slice %arg2[%dma_wait3A_1762, %dma_wait3A_1763] : memref<50176x128xf32, #tpu.memory_space<hbm>> -> memref<50176x128xf32, #tpu.memory_space<hbm>>
      tpu.wait_indirect_dma semaphore(%arg20 : memref<!tpu.dma_semaphore, #tpu.memory_space<semaphore_mem>>) src(%dma_wait3A_1764 : memref<50176x128xf32, #tpu.memory_space<hbm>>) dst(%dma_wait3A_1761 : memref<112x128xf32, #tpu.memory_space<vmem>>)
      %run_scoped3A_1765 = arith.constant 0 : i32
      "tpu.region"() ({
        %run_scoped3A_2264 = tpu.sem_alloc : memref<!tpu.dma_semaphore, #tpu.memory_space<semaphore_mem>>
        %dma_start3A_2265 = arith.constant 0 : i32
        %dma_start3A_2266 = arith.constant 0 : i32
        %dma_start3A_2267 = tpu.memref_slice %arg19[%run_scoped3A_1765, %dma_start3A_2265, %dma_start3A_2266] : memref<2x112x128xf32, #tpu.memory_space<vmem>> -> memref<1x112x128xf32, #tpu.memory_space<vmem>>
        %dma_start3A_2268 = tpu.memref_squeeze %dma_start3A_2267 : memref<1x112x128xf32, #tpu.memory_space<vmem>> -> memref<112x128xf32, #tpu.memory_space<vmem>>
        %dma_start3A_2269 = arith.constant 0 : i32
        %dma_start3A_2270 = arith.constant 0 : i32
        %dma_start3A_2271 = tpu.memref_slice %arg26[%dma_start3A_2269, %dma_start3A_2270] : memref<12544x128xf32, #tpu.memory_space<vmem_shared>> -> memref<12544x128xf32, #tpu.memory_space<vmem_shared>>
        %dma_start3A_2272 = arith.constant -1 : i32
        tpu.enqueue_indirect_dma source(%dma_start3A_2268 : memref<112x128xf32, #tpu.memory_space<vmem>>) target(%dma_start3A_2271 : memref<12544x128xf32, #tpu.memory_space<vmem_shared>>) offsets(%arg15 : memref<112xi32, #tpu.memory_space<vmem>>) offset_filter(%dma_start3A_2272) semaphore(%run_scoped3A_2264 : memref<!tpu.dma_semaphore, #tpu.memory_space<semaphore_mem>>) {add = true}
        %dma_wait3A_2273 = arith.constant 0 : i32
        %dma_wait3A_2274 = arith.constant 0 : i32
        %dma_wait3A_2275 = tpu.memref_slice %arg19[%run_scoped3A_1765, %dma_wait3A_2273, %dma_wait3A_2274] : memref<2x112x128xf32, #tpu.memory_space<vmem>> -> memref<1x112x128xf32, #tpu.memory_space<vmem>>
        %dma_wait3A_2276 = tpu.memref_squeeze %dma_wait3A_2275 : memref<1x112x128xf32, #tpu.memory_space<vmem>> -> memref<112x128xf32, #tpu.memory_space<vmem>>
        %dma_wait3A_2277 = arith.constant 0 : i32
        %dma_wait3A_2278 = arith.constant 0 : i32
        %dma_wait3A_2279 = tpu.memref_slice %arg26[%dma_wait3A_2277, %dma_wait3A_2278] : memref<12544x128xf32, #tpu.memory_space<vmem_shared>> -> memref<12544x128xf32, #tpu.memory_space<vmem_shared>>
        tpu.wait_indirect_dma semaphore(%run_scoped3A_2264 : memref<!tpu.dma_semaphore, #tpu.memory_space<semaphore_mem>>) src(%dma_wait3A_2276 : memref<112x128xf32, #tpu.memory_space<vmem>>) dst(%dma_wait3A_2279 : memref<12544x128xf32, #tpu.memory_space<vmem_shared>>)
        tpu.yield
      }) : () -> ()
      %dma_start3A_1766 = arith.constant 0 : i32
      %dma_start3A_1767 = arith.constant 0 : i32
      %dma_start3A_1768 = arith.constant 0 : i32
      %dma_start3A_1769 = tpu.memref_slice %arg19[%dma_start3A_1766, %dma_start3A_1767, %dma_start3A_1768] : memref<2x112x128xf32, #tpu.memory_space<vmem>> -> memref<1x112x128xf32, #tpu.memory_space<vmem>>
      %dma_start3A_1770 = tpu.memref_squeeze %dma_start3A_1769 : memref<1x112x128xf32, #tpu.memory_space<vmem>> -> memref<112x128xf32, #tpu.memory_space<vmem>>
      %dma_start3A_1771 = arith.constant 0 : i32
      %dma_start3A_1772 = arith.constant 0 : i32
      %dma_start3A_1773 = tpu.memref_slice %arg2[%dma_start3A_1771, %dma_start3A_1772] : memref<50176x128xf32, #tpu.memory_space<hbm>> -> memref<50176x128xf32, #tpu.memory_space<hbm>>
      %dma_start3A_1774 = arith.constant -1 : i32
      tpu.enqueue_indirect_dma source(%dma_start3A_1773 : memref<50176x128xf32, #tpu.memory_space<hbm>>) target(%dma_start3A_1770 : memref<112x128xf32, #tpu.memory_space<vmem>>) offsets(%arg13 : memref<112xi32, #tpu.memory_space<vmem>>) offset_filter(%dma_start3A_1774) semaphore(%arg20 : memref<!tpu.dma_semaphore, #tpu.memory_space<semaphore_mem>>)
      %dma_wait3A_1775 = arith.constant 1 : i32
      %dma_wait3A_1776 = arith.constant 0 : i32
      %dma_wait3A_1777 = arith.constant 0 : i32
      %dma_wait3A_1778 = tpu.memref_slice %arg19[%dma_wait3A_1775, %dma_wait3A_1776, %dma_wait3A_1777] : memref<2x112x128xf32, #tpu.memory_space<vmem>> -> memref<1x112x128xf32, #tpu.memory_space<vmem>>
      %dma_wait3A_1779 = tpu.memref_squeeze %dma_wait3A_1778 : memref<1x112x128xf32, #tpu.memory_space<vmem>> -> memref<112x128xf32, #tpu.memory_space<vmem>>
      %dma_wait3A_1780 = arith.constant 0 : i32
      %dma_wait3A_1781 = arith.constant 0 : i32
      %dma_wait3A_1782 = tpu.memref_slice %arg2[%dma_wait3A_1780, %dma_wait3A_1781] : memref<50176x128xf32, #tpu.memory_space<hbm>> -> memref<50176x128xf32, #tpu.memory_space<hbm>>
      tpu.wait_indirect_dma semaphore(%arg21 : memref<!tpu.dma_semaphore, #tpu.memory_space<semaphore_mem>>) src(%dma_wait3A_1782 : memref<50176x128xf32, #tpu.memory_space<hbm>>) dst(%dma_wait3A_1779 : memref<112x128xf32, #tpu.memory_space<vmem>>)
      %run_scoped3A_1783 = arith.constant 1 : i32
      "tpu.region"() ({
        %run_scoped3A_2264 = tpu.sem_alloc : memref<!tpu.dma_semaphore, #tpu.memory_space<semaphore_mem>>
        %dma_start3A_2265 = arith.constant 0 : i32
        %dma_start3A_2266 = arith.constant 0 : i32
        %dma_start3A_2267 = tpu.memref_slice %arg19[%run_scoped3A_1783, %dma_start3A_2265, %dma_start3A_2266] : memref<2x112x128xf32, #tpu.memory_space<vmem>> -> memref<1x112x128xf32, #tpu.memory_space<vmem>>
        %dma_start3A_2268 = tpu.memref_squeeze %dma_start3A_2267 : memref<1x112x128xf32, #tpu.memory_space<vmem>> -> memref<112x128xf32, #tpu.memory_space<vmem>>
        %dma_start3A_2269 = arith.constant 0 : i32
        %dma_start3A_2270 = arith.constant 0 : i32
        %dma_start3A_2271 = tpu.memref_slice %arg26[%dma_start3A_2269, %dma_start3A_2270] : memref<12544x128xf32, #tpu.memory_space<vmem_shared>> -> memref<12544x128xf32, #tpu.memory_space<vmem_shared>>
        %dma_start3A_2272 = arith.constant -1 : i32
        tpu.enqueue_indirect_dma source(%dma_start3A_2268 : memref<112x128xf32, #tpu.memory_space<vmem>>) target(%dma_start3A_2271 : memref<12544x128xf32, #tpu.memory_space<vmem_shared>>) offsets(%arg16 : memref<112xi32, #tpu.memory_space<vmem>>) offset_filter(%dma_start3A_2272) semaphore(%run_scoped3A_2264 : memref<!tpu.dma_semaphore, #tpu.memory_space<semaphore_mem>>) {add = true}
        %dma_wait3A_2273 = arith.constant 0 : i32
        %dma_wait3A_2274 = arith.constant 0 : i32
        %dma_wait3A_2275 = tpu.memref_slice %arg19[%run_scoped3A_1783, %dma_wait3A_2273, %dma_wait3A_2274] : memref<2x112x128xf32, #tpu.memory_space<vmem>> -> memref<1x112x128xf32, #tpu.memory_space<vmem>>
        %dma_wait3A_2276 = tpu.memref_squeeze %dma_wait3A_2275 : memref<1x112x128xf32, #tpu.memory_space<vmem>> -> memref<112x128xf32, #tpu.memory_space<vmem>>
        %dma_wait3A_2277 = arith.constant 0 : i32
        %dma_wait3A_2278 = arith.constant 0 : i32
        %dma_wait3A_2279 = tpu.memref_slice %arg26[%dma_wait3A_2277, %dma_wait3A_2278] : memref<12544x128xf32, #tpu.memory_space<vmem_shared>> -> memref<12544x128xf32, #tpu.memory_space<vmem_shared>>
        tpu.wait_indirect_dma semaphore(%run_scoped3A_2264 : memref<!tpu.dma_semaphore, #tpu.memory_space<semaphore_mem>>) src(%dma_wait3A_2276 : memref<112x128xf32, #tpu.memory_space<vmem>>) dst(%dma_wait3A_2279 : memref<12544x128xf32, #tpu.memory_space<vmem_shared>>)
        tpu.yield
      }) : () -> ()
      %dma_start3A_1784 = arith.constant 1 : i32
      %dma_start3A_1785 = arith.constant 0 : i32
      %dma_start3A_1786 = arith.constant 0 : i32
      %dma_start3A_1787 = tpu.memref_slice %arg19[%dma_start3A_1784, %dma_start3A_1785, %dma_start3A_1786] : memref<2x112x128xf32, #tpu.memory_space<vmem>> -> memref<1x112x128xf32, #tpu.memory_space<vmem>>
      %dma_start3A_1788 = tpu.memref_squeeze %dma_start3A_1787 : memref<1x112x128xf32, #tpu.memory_space<vmem>> -> memref<112x128xf32, #tpu.memory_space<vmem>>
      %dma_start3A_1789 = arith.constant 0 : i32
      %dma_start3A_1790 = arith.constant 0 : i32
      %dma_start3A_1791 = tpu.memref_slice %arg2[%dma_start3A_1789, %dma_start3A_1790] : memref<50176x128xf32, #tpu.memory_space<hbm>> -> memref<50176x128xf32, #tpu.memory_space<hbm>>
      %dma_start3A_1792 = arith.constant -1 : i32
      tpu.enqueue_indirect_dma source(%dma_start3A_1791 : memref<50176x128xf32, #tpu.memory_space<hbm>>) target(%dma_start3A_1788 : memref<112x128xf32, #tpu.memory_space<vmem>>) offsets(%arg14 : memref<112xi32, #tpu.memory_space<vmem>>) offset_filter(%dma_start3A_1792) semaphore(%arg21 : memref<!tpu.dma_semaphore, #tpu.memory_space<semaphore_mem>>)
      %add3A_1793 = arith.constant 1 : i32
      %add3A_1794 = arith.addi %add3A_1324, %add3A_1793 : i32
      %mul3A_1795 = arith.constant 224 : i32
      %mul3A_1796 = arith.muli %add3A_1794, %mul3A_1795 : i32
      %add3A_1797 = arith.addi %mul3A_0, %mul3A_1796 : i32
      %add3A_1798 = arith.constant 50000 : i32
      %add3A_1799 = arith.addi %mul3A_0, %add3A_1798 : i32
      %sub3A_1800 = arith.constant 224 : i32
      %sub3A_1801 = arith.subi %add3A_1799, %sub3A_1800 : i32
      %min3A_1802 = arith.minsi %add3A_1797, %sub3A_1801 : i32
      %dma_wait3A_1803 = tpu.memref_slice %arg3[%min3A_1802] : memref<800000xi32, #tpu.memory_space<hbm>> -> memref<224xi32, #tpu.memory_space<hbm>>
      %dma_wait3A_1804 = tpu.memref_slice %arg3[%min3A_1802] : memref<800000xi32, #tpu.memory_space<hbm>> -> memref<224xi32, #tpu.memory_space<hbm>>
      tpu.wait_dma2 semaphore(%arg22 : memref<!tpu.dma_semaphore, #tpu.memory_space<semaphore_mem>>) src(%dma_wait3A_1804 : memref<224xi32, #tpu.memory_space<hbm>>) dst(%arg7 : memref<224xi32, #tpu.memory_space<vmem>>)
      %dma_wait3A_1805 = tpu.memref_slice %arg4[%min3A_1802] : memref<800000xi32, #tpu.memory_space<hbm>> -> memref<224xi32, #tpu.memory_space<hbm>>
      %dma_wait3A_1806 = tpu.memref_slice %arg4[%min3A_1802] : memref<800000xi32, #tpu.memory_space<hbm>> -> memref<224xi32, #tpu.memory_space<hbm>>
      tpu.wait_dma2 semaphore(%arg23 : memref<!tpu.dma_semaphore, #tpu.memory_space<semaphore_mem>>) src(%dma_wait3A_1806 : memref<224xi32, #tpu.memory_space<hbm>>) dst(%arg9 : memref<224xi32, #tpu.memory_space<vmem>>)
      %add3A_1807 = arith.constant 1 : i32
      %add3A_1808 = arith.addi %add3A_1794, %add3A_1807 : i32
      %mul3A_1809 = arith.constant 224 : i32
      %mul3A_1810 = arith.muli %add3A_1808, %mul3A_1809 : i32
      %add3A_1811 = arith.addi %mul3A_0, %mul3A_1810 : i32
      %add3A_1812 = arith.constant 50000 : i32
      %add3A_1813 = arith.addi %mul3A_0, %add3A_1812 : i32
      %sub3A_1814 = arith.constant 224 : i32
      %sub3A_1815 = arith.subi %add3A_1813, %sub3A_1814 : i32
      %min3A_1816 = arith.minsi %add3A_1811, %sub3A_1815 : i32
      %dma_start3A_1817 = tpu.memref_slice %arg3[%min3A_1816] : memref<800000xi32, #tpu.memory_space<hbm>> -> memref<224xi32, #tpu.memory_space<hbm>>
      %dma_start3A_1818 = tpu.memref_slice %arg3[%min3A_1816] : memref<800000xi32, #tpu.memory_space<hbm>> -> memref<224xi32, #tpu.memory_space<hbm>>
      tpu.enqueue_dma source(%dma_start3A_1818 : memref<224xi32, #tpu.memory_space<hbm>>) target(%arg8 : memref<224xi32, #tpu.memory_space<vmem>>) target_semaphore(%arg24 : memref<!tpu.dma_semaphore, #tpu.memory_space<semaphore_mem>>)
      %dma_start3A_1819 = tpu.memref_slice %arg4[%min3A_1816] : memref<800000xi32, #tpu.memory_space<hbm>> -> memref<224xi32, #tpu.memory_space<hbm>>
      %dma_start3A_1820 = tpu.memref_slice %arg4[%min3A_1816] : memref<800000xi32, #tpu.memory_space<hbm>> -> memref<224xi32, #tpu.memory_space<hbm>>
      tpu.enqueue_dma source(%dma_start3A_1820 : memref<224xi32, #tpu.memory_space<hbm>>) target(%arg10 : memref<224xi32, #tpu.memory_space<vmem>>) target_semaphore(%arg25 : memref<!tpu.dma_semaphore, #tpu.memory_space<semaphore_mem>>)
      %get3A_1821 = arith.constant 0 : index
      %get3A_1822 = tpu.vector_load %arg9[%get3A_1821] {strides = array<i32>} : memref<224xi32, #tpu.memory_space<vmem>>, vector<16xi32>,
      %get3A_1823 = vector.shape_cast %get3A_1822 : vector<16xi32> to vector<16xi32>
      %get3A_1824 = arith.constant 0 : index
      %get3A_1825 = tpu.vector_load %arg7[%get3A_1824] {strides = array<i32>} : memref<224xi32, #tpu.memory_space<vmem>>, vector<16xi32>,
      %get3A_1826 = vector.shape_cast %get3A_1825 : vector<16xi32> to vector<16xi32>
      %ge3A_1827 = vector.broadcast %mul3A_655 : i32 to vector<16xi32>
      %ge3A_1828 = arith.cmpi sge, %get3A_1823, %ge3A_1827 : vector<16xi32>
      %add3A_1829 = arith.constant 12544 : i32
      %add3A_1830 = arith.addi %mul3A_655, %add3A_1829 : i32
      %lt3A_1831 = vector.broadcast %add3A_1830 : i32 to vector<16xi32>
      %lt3A_1832 = arith.cmpi slt, %get3A_1823, %lt3A_1831 : vector<16xi32>
      %and3A_1833 = arith.andi %ge3A_1828, %lt3A_1832 : vector<16xi1>
      %jit3A_1834 = arith.constant -1 : i32
      %broadcast_in_dim3A_1835 = vector.broadcast %jit3A_1834 : i32 to vector<16xi32>
      %select_n3A_1836 = arith.select %and3A_1833, %get3A_1826, %broadcast_in_dim3A_1835 : vector<16xi1>, vector<16xi32>
      %swap3A_1837 = arith.constant 0 : index
      %swap3A_1838 = tpu.vector_load %arg11[%swap3A_1837] {strides = array<i32>} : memref<112xi32, #tpu.memory_space<vmem>>, vector<16xi32>,
      %swap3A_1839 = vector.shape_cast %swap3A_1838 : vector<16xi32> to vector<16xi32>
      %swap3A_1840 = vector.shape_cast %select_n3A_1836 : vector<16xi32> to vector<16xi32>
      tpu.vector_store %arg11[%swap3A_1837], %swap3A_1840 {strides = array<i32>} : memref<112xi32, #tpu.memory_space<vmem>>, vector<16xi32>,
      %sub3A_1841 = vector.broadcast %mul3A_655 : i32 to vector<16xi32>
      %sub3A_1842 = arith.subi %get3A_1823, %sub3A_1841 : vector<16xi32>
      %jit3A_1843 = arith.constant -1 : i32
      %broadcast_in_dim3A_1844 = vector.broadcast %jit3A_1843 : i32 to vector<16xi32>
      %select_n3A_1845 = arith.select %and3A_1833, %sub3A_1842, %broadcast_in_dim3A_1844 : vector<16xi1>, vector<16xi32>
      %swap3A_1846 = arith.constant 0 : index
      %swap3A_1847 = tpu.vector_load %arg15[%swap3A_1846] {strides = array<i32>} : memref<112xi32, #tpu.memory_space<vmem>>, vector<16xi32>,
      %swap3A_1848 = vector.shape_cast %swap3A_1847 : vector<16xi32> to vector<16xi32>
      %swap3A_1849 = vector.shape_cast %select_n3A_1845 : vector<16xi32> to vector<16xi32>
      tpu.vector_store %arg15[%swap3A_1846], %swap3A_1849 {strides = array<i32>} : memref<112xi32, #tpu.memory_space<vmem>>, vector<16xi32>,
      %get3A_1850 = arith.constant 16 : index
      %get3A_1851 = tpu.vector_load %arg9[%get3A_1850] {strides = array<i32>} : memref<224xi32, #tpu.memory_space<vmem>>, vector<16xi32>,
      %get3A_1852 = vector.shape_cast %get3A_1851 : vector<16xi32> to vector<16xi32>
      %get3A_1853 = arith.constant 16 : index
      %get3A_1854 = tpu.vector_load %arg7[%get3A_1853] {strides = array<i32>} : memref<224xi32, #tpu.memory_space<vmem>>, vector<16xi32>,
      %get3A_1855 = vector.shape_cast %get3A_1854 : vector<16xi32> to vector<16xi32>
      %ge3A_1856 = vector.broadcast %mul3A_655 : i32 to vector<16xi32>
      %ge3A_1857 = arith.cmpi sge, %get3A_1852, %ge3A_1856 : vector<16xi32>
      %add3A_1858 = arith.constant 12544 : i32
      %add3A_1859 = arith.addi %mul3A_655, %add3A_1858 : i32
      %lt3A_1860 = vector.broadcast %add3A_1859 : i32 to vector<16xi32>
      %lt3A_1861 = arith.cmpi slt, %get3A_1852, %lt3A_1860 : vector<16xi32>
      %and3A_1862 = arith.andi %ge3A_1857, %lt3A_1861 : vector<16xi1>
      %jit3A_1863 = arith.constant -1 : i32
      %broadcast_in_dim3A_1864 = vector.broadcast %jit3A_1863 : i32 to vector<16xi32>
      %select_n3A_1865 = arith.select %and3A_1862, %get3A_1855, %broadcast_in_dim3A_1864 : vector<16xi1>, vector<16xi32>
      %swap3A_1866 = arith.constant 16 : index
      %swap3A_1867 = tpu.vector_load %arg11[%swap3A_1866] {strides = array<i32>} : memref<112xi32, #tpu.memory_space<vmem>>, vector<16xi32>,
      %swap3A_1868 = vector.shape_cast %swap3A_1867 : vector<16xi32> to vector<16xi32>
      %swap3A_1869 = vector.shape_cast %select_n3A_1865 : vector<16xi32> to vector<16xi32>
      tpu.vector_store %arg11[%swap3A_1866], %swap3A_1869 {strides = array<i32>} : memref<112xi32, #tpu.memory_space<vmem>>, vector<16xi32>,
      %sub3A_1870 = vector.broadcast %mul3A_655 : i32 to vector<16xi32>
      %sub3A_1871 = arith.subi %get3A_1852, %sub3A_1870 : vector<16xi32>
      %jit3A_1872 = arith.constant -1 : i32
      %broadcast_in_dim3A_1873 = vector.broadcast %jit3A_1872 : i32 to vector<16xi32>
      %select_n3A_1874 = arith.select %and3A_1862, %sub3A_1871, %broadcast_in_dim3A_1873 : vector<16xi1>, vector<16xi32>
      %swap3A_1875 = arith.constant 16 : index
      %swap3A_1876 = tpu.vector_load %arg15[%swap3A_1875] {strides = array<i32>} : memref<112xi32, #tpu.memory_space<vmem>>, vector<16xi32>,
      %swap3A_1877 = vector.shape_cast %swap3A_1876 : vector<16xi32> to vector<16xi32>
      %swap3A_1878 = vector.shape_cast %select_n3A_1874 : vector<16xi32> to vector<16xi32>
      tpu.vector_store %arg15[%swap3A_1875], %swap3A_1878 {strides = array<i32>} : memref<112xi32, #tpu.memory_space<vmem>>, vector<16xi32>,
      %get3A_1879 = arith.constant 32 : index
      %get3A_1880 = tpu.vector_load %arg9[%get3A_1879] {strides = array<i32>} : memref<224xi32, #tpu.memory_space<vmem>>, vector<16xi32>,
      %get3A_1881 = vector.shape_cast %get3A_1880 : vector<16xi32> to vector<16xi32>
      %get3A_1882 = arith.constant 32 : index
      %get3A_1883 = tpu.vector_load %arg7[%get3A_1882] {strides = array<i32>} : memref<224xi32, #tpu.memory_space<vmem>>, vector<16xi32>,
      %get3A_1884 = vector.shape_cast %get3A_1883 : vector<16xi32> to vector<16xi32>
      %ge3A_1885 = vector.broadcast %mul3A_655 : i32 to vector<16xi32>
      %ge3A_1886 = arith.cmpi sge, %get3A_1881, %ge3A_1885 : vector<16xi32>
      %add3A_1887 = arith.constant 12544 : i32
      %add3A_1888 = arith.addi %mul3A_655, %add3A_1887 : i32
      %lt3A_1889 = vector.broadcast %add3A_1888 : i32 to vector<16xi32>
      %lt3A_1890 = arith.cmpi slt, %get3A_1881, %lt3A_1889 : vector<16xi32>
      %and3A_1891 = arith.andi %ge3A_1886, %lt3A_1890 : vector<16xi1>
      %jit3A_1892 = arith.constant -1 : i32
      %broadcast_in_dim3A_1893 = vector.broadcast %jit3A_1892 : i32 to vector<16xi32>
      %select_n3A_1894 = arith.select %and3A_1891, %get3A_1884, %broadcast_in_dim3A_1893 : vector<16xi1>, vector<16xi32>
      %swap3A_1895 = arith.constant 32 : index
      %swap3A_1896 = tpu.vector_load %arg11[%swap3A_1895] {strides = array<i32>} : memref<112xi32, #tpu.memory_space<vmem>>, vector<16xi32>,
      %swap3A_1897 = vector.shape_cast %swap3A_1896 : vector<16xi32> to vector<16xi32>
      %swap3A_1898 = vector.shape_cast %select_n3A_1894 : vector<16xi32> to vector<16xi32>
      tpu.vector_store %arg11[%swap3A_1895], %swap3A_1898 {strides = array<i32>} : memref<112xi32, #tpu.memory_space<vmem>>, vector<16xi32>,
      %sub3A_1899 = vector.broadcast %mul3A_655 : i32 to vector<16xi32>
      %sub3A_1900 = arith.subi %get3A_1881, %sub3A_1899 : vector<16xi32>
      %jit3A_1901 = arith.constant -1 : i32
      %broadcast_in_dim3A_1902 = vector.broadcast %jit3A_1901 : i32 to vector<16xi32>
      %select_n3A_1903 = arith.select %and3A_1891, %sub3A_1900, %broadcast_in_dim3A_1902 : vector<16xi1>, vector<16xi32>
      %swap3A_1904 = arith.constant 32 : index
      %swap3A_1905 = tpu.vector_load %arg15[%swap3A_1904] {strides = array<i32>} : memref<112xi32, #tpu.memory_space<vmem>>, vector<16xi32>,
      %swap3A_1906 = vector.shape_cast %swap3A_1905 : vector<16xi32> to vector<16xi32>
      %swap3A_1907 = vector.shape_cast %select_n3A_1903 : vector<16xi32> to vector<16xi32>
      tpu.vector_store %arg15[%swap3A_1904], %swap3A_1907 {strides = array<i32>} : memref<112xi32, #tpu.memory_space<vmem>>, vector<16xi32>,
      %get3A_1908 = arith.constant 48 : index
      %get3A_1909 = tpu.vector_load %arg9[%get3A_1908] {strides = array<i32>} : memref<224xi32, #tpu.memory_space<vmem>>, vector<16xi32>,
      %get3A_1910 = vector.shape_cast %get3A_1909 : vector<16xi32> to vector<16xi32>
      %get3A_1911 = arith.constant 48 : index
      %get3A_1912 = tpu.vector_load %arg7[%get3A_1911] {strides = array<i32>} : memref<224xi32, #tpu.memory_space<vmem>>, vector<16xi32>,
      %get3A_1913 = vector.shape_cast %get3A_1912 : vector<16xi32> to vector<16xi32>
      %ge3A_1914 = vector.broadcast %mul3A_655 : i32 to vector<16xi32>
      %ge3A_1915 = arith.cmpi sge, %get3A_1910, %ge3A_1914 : vector<16xi32>
      %add3A_1916 = arith.constant 12544 : i32
      %add3A_1917 = arith.addi %mul3A_655, %add3A_1916 : i32
      %lt3A_1918 = vector.broadcast %add3A_1917 : i32 to vector<16xi32>
      %lt3A_1919 = arith.cmpi slt, %get3A_1910, %lt3A_1918 : vector<16xi32>
      %and3A_1920 = arith.andi %ge3A_1915, %lt3A_1919 : vector<16xi1>
      %jit3A_1921 = arith.constant -1 : i32
      %broadcast_in_dim3A_1922 = vector.broadcast %jit3A_1921 : i32 to vector<16xi32>
      %select_n3A_1923 = arith.select %and3A_1920, %get3A_1913, %broadcast_in_dim3A_1922 : vector<16xi1>, vector<16xi32>
      %swap3A_1924 = arith.constant 48 : index
      %swap3A_1925 = tpu.vector_load %arg11[%swap3A_1924] {strides = array<i32>} : memref<112xi32, #tpu.memory_space<vmem>>, vector<16xi32>,
      %swap3A_1926 = vector.shape_cast %swap3A_1925 : vector<16xi32> to vector<16xi32>
      %swap3A_1927 = vector.shape_cast %select_n3A_1923 : vector<16xi32> to vector<16xi32>
      tpu.vector_store %arg11[%swap3A_1924], %swap3A_1927 {strides = array<i32>} : memref<112xi32, #tpu.memory_space<vmem>>, vector<16xi32>,
      %sub3A_1928 = vector.broadcast %mul3A_655 : i32 to vector<16xi32>
      %sub3A_1929 = arith.subi %get3A_1910, %sub3A_1928 : vector<16xi32>
      %jit3A_1930 = arith.constant -1 : i32
      %broadcast_in_dim3A_1931 = vector.broadcast %jit3A_1930 : i32 to vector<16xi32>
      %select_n3A_1932 = arith.select %and3A_1920, %sub3A_1929, %broadcast_in_dim3A_1931 : vector<16xi1>, vector<16xi32>
      %swap3A_1933 = arith.constant 48 : index
      %swap3A_1934 = tpu.vector_load %arg15[%swap3A_1933] {strides = array<i32>} : memref<112xi32, #tpu.memory_space<vmem>>, vector<16xi32>,
      %swap3A_1935 = vector.shape_cast %swap3A_1934 : vector<16xi32> to vector<16xi32>
      %swap3A_1936 = vector.shape_cast %select_n3A_1932 : vector<16xi32> to vector<16xi32>
      tpu.vector_store %arg15[%swap3A_1933], %swap3A_1936 {strides = array<i32>} : memref<112xi32, #tpu.memory_space<vmem>>, vector<16xi32>,
      %get3A_1937 = arith.constant 64 : index
      %get3A_1938 = tpu.vector_load %arg9[%get3A_1937] {strides = array<i32>} : memref<224xi32, #tpu.memory_space<vmem>>, vector<16xi32>,
      %get3A_1939 = vector.shape_cast %get3A_1938 : vector<16xi32> to vector<16xi32>
      %get3A_1940 = arith.constant 64 : index
      %get3A_1941 = tpu.vector_load %arg7[%get3A_1940] {strides = array<i32>} : memref<224xi32, #tpu.memory_space<vmem>>, vector<16xi32>,
      %get3A_1942 = vector.shape_cast %get3A_1941 : vector<16xi32> to vector<16xi32>
      %ge3A_1943 = vector.broadcast %mul3A_655 : i32 to vector<16xi32>
      %ge3A_1944 = arith.cmpi sge, %get3A_1939, %ge3A_1943 : vector<16xi32>
      %add3A_1945 = arith.constant 12544 : i32
      %add3A_1946 = arith.addi %mul3A_655, %add3A_1945 : i32
      %lt3A_1947 = vector.broadcast %add3A_1946 : i32 to vector<16xi32>
      %lt3A_1948 = arith.cmpi slt, %get3A_1939, %lt3A_1947 : vector<16xi32>
      %and3A_1949 = arith.andi %ge3A_1944, %lt3A_1948 : vector<16xi1>
      %jit3A_1950 = arith.constant -1 : i32
      %broadcast_in_dim3A_1951 = vector.broadcast %jit3A_1950 : i32 to vector<16xi32>
      %select_n3A_1952 = arith.select %and3A_1949, %get3A_1942, %broadcast_in_dim3A_1951 : vector<16xi1>, vector<16xi32>
      %swap3A_1953 = arith.constant 64 : index
      %swap3A_1954 = tpu.vector_load %arg11[%swap3A_1953] {strides = array<i32>} : memref<112xi32, #tpu.memory_space<vmem>>, vector<16xi32>,
      %swap3A_1955 = vector.shape_cast %swap3A_1954 : vector<16xi32> to vector<16xi32>
      %swap3A_1956 = vector.shape_cast %select_n3A_1952 : vector<16xi32> to vector<16xi32>
      tpu.vector_store %arg11[%swap3A_1953], %swap3A_1956 {strides = array<i32>} : memref<112xi32, #tpu.memory_space<vmem>>, vector<16xi32>,
      %sub3A_1957 = vector.broadcast %mul3A_655 : i32 to vector<16xi32>
      %sub3A_1958 = arith.subi %get3A_1939, %sub3A_1957 : vector<16xi32>
      %jit3A_1959 = arith.constant -1 : i32
      %broadcast_in_dim3A_1960 = vector.broadcast %jit3A_1959 : i32 to vector<16xi32>
      %select_n3A_1961 = arith.select %and3A_1949, %sub3A_1958, %broadcast_in_dim3A_1960 : vector<16xi1>, vector<16xi32>
      %swap3A_1962 = arith.constant 64 : index
      %swap3A_1963 = tpu.vector_load %arg15[%swap3A_1962] {strides = array<i32>} : memref<112xi32, #tpu.memory_space<vmem>>, vector<16xi32>,
      %swap3A_1964 = vector.shape_cast %swap3A_1963 : vector<16xi32> to vector<16xi32>
      %swap3A_1965 = vector.shape_cast %select_n3A_1961 : vector<16xi32> to vector<16xi32>
      tpu.vector_store %arg15[%swap3A_1962], %swap3A_1965 {strides = array<i32>} : memref<112xi32, #tpu.memory_space<vmem>>, vector<16xi32>,
      %get3A_1966 = arith.constant 80 : index
      %get3A_1967 = tpu.vector_load %arg9[%get3A_1966] {strides = array<i32>} : memref<224xi32, #tpu.memory_space<vmem>>, vector<16xi32>,
      %get3A_1968 = vector.shape_cast %get3A_1967 : vector<16xi32> to vector<16xi32>
      %get3A_1969 = arith.constant 80 : index
      %get3A_1970 = tpu.vector_load %arg7[%get3A_1969] {strides = array<i32>} : memref<224xi32, #tpu.memory_space<vmem>>, vector<16xi32>,
      %get3A_1971 = vector.shape_cast %get3A_1970 : vector<16xi32> to vector<16xi32>
      %ge3A_1972 = vector.broadcast %mul3A_655 : i32 to vector<16xi32>
      %ge3A_1973 = arith.cmpi sge, %get3A_1968, %ge3A_1972 : vector<16xi32>
      %add3A_1974 = arith.constant 12544 : i32
      %add3A_1975 = arith.addi %mul3A_655, %add3A_1974 : i32
      %lt3A_1976 = vector.broadcast %add3A_1975 : i32 to vector<16xi32>
      %lt3A_1977 = arith.cmpi slt, %get3A_1968, %lt3A_1976 : vector<16xi32>
      %and3A_1978 = arith.andi %ge3A_1973, %lt3A_1977 : vector<16xi1>
      %jit3A_1979 = arith.constant -1 : i32
      %broadcast_in_dim3A_1980 = vector.broadcast %jit3A_1979 : i32 to vector<16xi32>
      %select_n3A_1981 = arith.select %and3A_1978, %get3A_1971, %broadcast_in_dim3A_1980 : vector<16xi1>, vector<16xi32>
      %swap3A_1982 = arith.constant 80 : index
      %swap3A_1983 = tpu.vector_load %arg11[%swap3A_1982] {strides = array<i32>} : memref<112xi32, #tpu.memory_space<vmem>>, vector<16xi32>,
      %swap3A_1984 = vector.shape_cast %swap3A_1983 : vector<16xi32> to vector<16xi32>
      %swap3A_1985 = vector.shape_cast %select_n3A_1981 : vector<16xi32> to vector<16xi32>
      tpu.vector_store %arg11[%swap3A_1982], %swap3A_1985 {strides = array<i32>} : memref<112xi32, #tpu.memory_space<vmem>>, vector<16xi32>,
      %sub3A_1986 = vector.broadcast %mul3A_655 : i32 to vector<16xi32>
      %sub3A_1987 = arith.subi %get3A_1968, %sub3A_1986 : vector<16xi32>
      %jit3A_1988 = arith.constant -1 : i32
      %broadcast_in_dim3A_1989 = vector.broadcast %jit3A_1988 : i32 to vector<16xi32>
      %select_n3A_1990 = arith.select %and3A_1978, %sub3A_1987, %broadcast_in_dim3A_1989 : vector<16xi1>, vector<16xi32>
      %swap3A_1991 = arith.constant 80 : index
      %swap3A_1992 = tpu.vector_load %arg15[%swap3A_1991] {strides = array<i32>} : memref<112xi32, #tpu.memory_space<vmem>>, vector<16xi32>,
      %swap3A_1993 = vector.shape_cast %swap3A_1992 : vector<16xi32> to vector<16xi32>
      %swap3A_1994 = vector.shape_cast %select_n3A_1990 : vector<16xi32> to vector<16xi32>
      tpu.vector_store %arg15[%swap3A_1991], %swap3A_1994 {strides = array<i32>} : memref<112xi32, #tpu.memory_space<vmem>>, vector<16xi32>,
      %get3A_1995 = arith.constant 96 : index
      %get3A_1996 = tpu.vector_load %arg9[%get3A_1995] {strides = array<i32>} : memref<224xi32, #tpu.memory_space<vmem>>, vector<16xi32>,
      %get3A_1997 = vector.shape_cast %get3A_1996 : vector<16xi32> to vector<16xi32>
      %get3A_1998 = arith.constant 96 : index
      %get3A_1999 = tpu.vector_load %arg7[%get3A_1998] {strides = array<i32>} : memref<224xi32, #tpu.memory_space<vmem>>, vector<16xi32>,
      %get3A_2000 = vector.shape_cast %get3A_1999 : vector<16xi32> to vector<16xi32>
      %ge3A_2001 = vector.broadcast %mul3A_655 : i32 to vector<16xi32>
      %ge3A_2002 = arith.cmpi sge, %get3A_1997, %ge3A_2001 : vector<16xi32>
      %add3A_2003 = arith.constant 12544 : i32
      %add3A_2004 = arith.addi %mul3A_655, %add3A_2003 : i32
      %lt3A_2005 = vector.broadcast %add3A_2004 : i32 to vector<16xi32>
      %lt3A_2006 = arith.cmpi slt, %get3A_1997, %lt3A_2005 : vector<16xi32>
      %and3A_2007 = arith.andi %ge3A_2002, %lt3A_2006 : vector<16xi1>
      %jit3A_2008 = arith.constant -1 : i32
      %broadcast_in_dim3A_2009 = vector.broadcast %jit3A_2008 : i32 to vector<16xi32>
      %select_n3A_2010 = arith.select %and3A_2007, %get3A_2000, %broadcast_in_dim3A_2009 : vector<16xi1>, vector<16xi32>
      %swap3A_2011 = arith.constant 96 : index
      %swap3A_2012 = tpu.vector_load %arg11[%swap3A_2011] {strides = array<i32>} : memref<112xi32, #tpu.memory_space<vmem>>, vector<16xi32>,
      %swap3A_2013 = vector.shape_cast %swap3A_2012 : vector<16xi32> to vector<16xi32>
      %swap3A_2014 = vector.shape_cast %select_n3A_2010 : vector<16xi32> to vector<16xi32>
      tpu.vector_store %arg11[%swap3A_2011], %swap3A_2014 {strides = array<i32>} : memref<112xi32, #tpu.memory_space<vmem>>, vector<16xi32>,
      %sub3A_2015 = vector.broadcast %mul3A_655 : i32 to vector<16xi32>
      %sub3A_2016 = arith.subi %get3A_1997, %sub3A_2015 : vector<16xi32>
      %jit3A_2017 = arith.constant -1 : i32
      %broadcast_in_dim3A_2018 = vector.broadcast %jit3A_2017 : i32 to vector<16xi32>
      %select_n3A_2019 = arith.select %and3A_2007, %sub3A_2016, %broadcast_in_dim3A_2018 : vector<16xi1>, vector<16xi32>
      %swap3A_2020 = arith.constant 96 : index
      %swap3A_2021 = tpu.vector_load %arg15[%swap3A_2020] {strides = array<i32>} : memref<112xi32, #tpu.memory_space<vmem>>, vector<16xi32>,
      %swap3A_2022 = vector.shape_cast %swap3A_2021 : vector<16xi32> to vector<16xi32>
      %swap3A_2023 = vector.shape_cast %select_n3A_2019 : vector<16xi32> to vector<16xi32>
      tpu.vector_store %arg15[%swap3A_2020], %swap3A_2023 {strides = array<i32>} : memref<112xi32, #tpu.memory_space<vmem>>, vector<16xi32>,
      %get3A_2024 = arith.constant 112 : index
      %get3A_2025 = tpu.vector_load %arg9[%get3A_2024] {strides = array<i32>} : memref<224xi32, #tpu.memory_space<vmem>>, vector<16xi32>,
      %get3A_2026 = vector.shape_cast %get3A_2025 : vector<16xi32> to vector<16xi32>
      %get3A_2027 = arith.constant 112 : index
      %get3A_2028 = tpu.vector_load %arg7[%get3A_2027] {strides = array<i32>} : memref<224xi32, #tpu.memory_space<vmem>>, vector<16xi32>,
      %get3A_2029 = vector.shape_cast %get3A_2028 : vector<16xi32> to vector<16xi32>
      %ge3A_2030 = vector.broadcast %mul3A_655 : i32 to vector<16xi32>
      %ge3A_2031 = arith.cmpi sge, %get3A_2026, %ge3A_2030 : vector<16xi32>
      %add3A_2032 = arith.constant 12544 : i32
      %add3A_2033 = arith.addi %mul3A_655, %add3A_2032 : i32
      %lt3A_2034 = vector.broadcast %add3A_2033 : i32 to vector<16xi32>
      %lt3A_2035 = arith.cmpi slt, %get3A_2026, %lt3A_2034 : vector<16xi32>
      %and3A_2036 = arith.andi %ge3A_2031, %lt3A_2035 : vector<16xi1>
      %jit3A_2037 = arith.constant -1 : i32
      %broadcast_in_dim3A_2038 = vector.broadcast %jit3A_2037 : i32 to vector<16xi32>
      %select_n3A_2039 = arith.select %and3A_2036, %get3A_2029, %broadcast_in_dim3A_2038 : vector<16xi1>, vector<16xi32>
      %swap3A_2040 = arith.constant 0 : index
      %swap3A_2041 = tpu.vector_load %arg12[%swap3A_2040] {strides = array<i32>} : memref<112xi32, #tpu.memory_space<vmem>>, vector<16xi32>,
      %swap3A_2042 = vector.shape_cast %swap3A_2041 : vector<16xi32> to vector<16xi32>
      %swap3A_2043 = vector.shape_cast %select_n3A_2039 : vector<16xi32> to vector<16xi32>
      tpu.vector_store %arg12[%swap3A_2040], %swap3A_2043 {strides = array<i32>} : memref<112xi32, #tpu.memory_space<vmem>>, vector<16xi32>,
      %sub3A_2044 = vector.broadcast %mul3A_655 : i32 to vector<16xi32>
      %sub3A_2045 = arith.subi %get3A_2026, %sub3A_2044 : vector<16xi32>
      %jit3A_2046 = arith.constant -1 : i32
      %broadcast_in_dim3A_2047 = vector.broadcast %jit3A_2046 : i32 to vector<16xi32>
      %select_n3A_2048 = arith.select %and3A_2036, %sub3A_2045, %broadcast_in_dim3A_2047 : vector<16xi1>, vector<16xi32>
      %swap3A_2049 = arith.constant 0 : index
      %swap3A_2050 = tpu.vector_load %arg16[%swap3A_2049] {strides = array<i32>} : memref<112xi32, #tpu.memory_space<vmem>>, vector<16xi32>,
      %swap3A_2051 = vector.shape_cast %swap3A_2050 : vector<16xi32> to vector<16xi32>
      %swap3A_2052 = vector.shape_cast %select_n3A_2048 : vector<16xi32> to vector<16xi32>
      tpu.vector_store %arg16[%swap3A_2049], %swap3A_2052 {strides = array<i32>} : memref<112xi32, #tpu.memory_space<vmem>>, vector<16xi32>,
      %get3A_2053 = arith.constant 128 : index
      %get3A_2054 = tpu.vector_load %arg9[%get3A_2053] {strides = array<i32>} : memref<224xi32, #tpu.memory_space<vmem>>, vector<16xi32>,
      %get3A_2055 = vector.shape_cast %get3A_2054 : vector<16xi32> to vector<16xi32>
      %get3A_2056 = arith.constant 128 : index
      %get3A_2057 = tpu.vector_load %arg7[%get3A_2056] {strides = array<i32>} : memref<224xi32, #tpu.memory_space<vmem>>, vector<16xi32>,
      %get3A_2058 = vector.shape_cast %get3A_2057 : vector<16xi32> to vector<16xi32>
      %ge3A_2059 = vector.broadcast %mul3A_655 : i32 to vector<16xi32>
      %ge3A_2060 = arith.cmpi sge, %get3A_2055, %ge3A_2059 : vector<16xi32>
      %add3A_2061 = arith.constant 12544 : i32
      %add3A_2062 = arith.addi %mul3A_655, %add3A_2061 : i32
      %lt3A_2063 = vector.broadcast %add3A_2062 : i32 to vector<16xi32>
      %lt3A_2064 = arith.cmpi slt, %get3A_2055, %lt3A_2063 : vector<16xi32>
      %and3A_2065 = arith.andi %ge3A_2060, %lt3A_2064 : vector<16xi1>
      %jit3A_2066 = arith.constant -1 : i32
      %broadcast_in_dim3A_2067 = vector.broadcast %jit3A_2066 : i32 to vector<16xi32>
      %select_n3A_2068 = arith.select %and3A_2065, %get3A_2058, %broadcast_in_dim3A_2067 : vector<16xi1>, vector<16xi32>
      %swap3A_2069 = arith.constant 16 : index
      %swap3A_2070 = tpu.vector_load %arg12[%swap3A_2069] {strides = array<i32>} : memref<112xi32, #tpu.memory_space<vmem>>, vector<16xi32>,
      %swap3A_2071 = vector.shape_cast %swap3A_2070 : vector<16xi32> to vector<16xi32>
      %swap3A_2072 = vector.shape_cast %select_n3A_2068 : vector<16xi32> to vector<16xi32>
      tpu.vector_store %arg12[%swap3A_2069], %swap3A_2072 {strides = array<i32>} : memref<112xi32, #tpu.memory_space<vmem>>, vector<16xi32>,
      %sub3A_2073 = vector.broadcast %mul3A_655 : i32 to vector<16xi32>
      %sub3A_2074 = arith.subi %get3A_2055, %sub3A_2073 : vector<16xi32>
      %jit3A_2075 = arith.constant -1 : i32
      %broadcast_in_dim3A_2076 = vector.broadcast %jit3A_2075 : i32 to vector<16xi32>
      %select_n3A_2077 = arith.select %and3A_2065, %sub3A_2074, %broadcast_in_dim3A_2076 : vector<16xi1>, vector<16xi32>
      %swap3A_2078 = arith.constant 16 : index
      %swap3A_2079 = tpu.vector_load %arg16[%swap3A_2078] {strides = array<i32>} : memref<112xi32, #tpu.memory_space<vmem>>, vector<16xi32>,
      %swap3A_2080 = vector.shape_cast %swap3A_2079 : vector<16xi32> to vector<16xi32>
      %swap3A_2081 = vector.shape_cast %select_n3A_2077 : vector<16xi32> to vector<16xi32>
      tpu.vector_store %arg16[%swap3A_2078], %swap3A_2081 {strides = array<i32>} : memref<112xi32, #tpu.memory_space<vmem>>, vector<16xi32>,
      %get3A_2082 = arith.constant 144 : index
      %get3A_2083 = tpu.vector_load %arg9[%get3A_2082] {strides = array<i32>} : memref<224xi32, #tpu.memory_space<vmem>>, vector<16xi32>,
      %get3A_2084 = vector.shape_cast %get3A_2083 : vector<16xi32> to vector<16xi32>
      %get3A_2085 = arith.constant 144 : index
      %get3A_2086 = tpu.vector_load %arg7[%get3A_2085] {strides = array<i32>} : memref<224xi32, #tpu.memory_space<vmem>>, vector<16xi32>,
      %get3A_2087 = vector.shape_cast %get3A_2086 : vector<16xi32> to vector<16xi32>
      %ge3A_2088 = vector.broadcast %mul3A_655 : i32 to vector<16xi32>
      %ge3A_2089 = arith.cmpi sge, %get3A_2084, %ge3A_2088 : vector<16xi32>
      %add3A_2090 = arith.constant 12544 : i32
      %add3A_2091 = arith.addi %mul3A_655, %add3A_2090 : i32
      %lt3A_2092 = vector.broadcast %add3A_2091 : i32 to vector<16xi32>
      %lt3A_2093 = arith.cmpi slt, %get3A_2084, %lt3A_2092 : vector<16xi32>
      %and3A_2094 = arith.andi %ge3A_2089, %lt3A_2093 : vector<16xi1>
      %jit3A_2095 = arith.constant -1 : i32
      %broadcast_in_dim3A_2096 = vector.broadcast %jit3A_2095 : i32 to vector<16xi32>
      %select_n3A_2097 = arith.select %and3A_2094, %get3A_2087, %broadcast_in_dim3A_2096 : vector<16xi1>, vector<16xi32>
      %swap3A_2098 = arith.constant 32 : index
      %swap3A_2099 = tpu.vector_load %arg12[%swap3A_2098] {strides = array<i32>} : memref<112xi32, #tpu.memory_space<vmem>>, vector<16xi32>,
      %swap3A_2100 = vector.shape_cast %swap3A_2099 : vector<16xi32> to vector<16xi32>
      %swap3A_2101 = vector.shape_cast %select_n3A_2097 : vector<16xi32> to vector<16xi32>
      tpu.vector_store %arg12[%swap3A_2098], %swap3A_2101 {strides = array<i32>} : memref<112xi32, #tpu.memory_space<vmem>>, vector<16xi32>,
      %sub3A_2102 = vector.broadcast %mul3A_655 : i32 to vector<16xi32>
      %sub3A_2103 = arith.subi %get3A_2084, %sub3A_2102 : vector<16xi32>
      %jit3A_2104 = arith.constant -1 : i32
      %broadcast_in_dim3A_2105 = vector.broadcast %jit3A_2104 : i32 to vector<16xi32>
      %select_n3A_2106 = arith.select %and3A_2094, %sub3A_2103, %broadcast_in_dim3A_2105 : vector<16xi1>, vector<16xi32>
      %swap3A_2107 = arith.constant 32 : index
      %swap3A_2108 = tpu.vector_load %arg16[%swap3A_2107] {strides = array<i32>} : memref<112xi32, #tpu.memory_space<vmem>>, vector<16xi32>,
      %swap3A_2109 = vector.shape_cast %swap3A_2108 : vector<16xi32> to vector<16xi32>
      %swap3A_2110 = vector.shape_cast %select_n3A_2106 : vector<16xi32> to vector<16xi32>
      tpu.vector_store %arg16[%swap3A_2107], %swap3A_2110 {strides = array<i32>} : memref<112xi32, #tpu.memory_space<vmem>>, vector<16xi32>,
      %get3A_2111 = arith.constant 160 : index
      %get3A_2112 = tpu.vector_load %arg9[%get3A_2111] {strides = array<i32>} : memref<224xi32, #tpu.memory_space<vmem>>, vector<16xi32>,
      %get3A_2113 = vector.shape_cast %get3A_2112 : vector<16xi32> to vector<16xi32>
      %get3A_2114 = arith.constant 160 : index
      %get3A_2115 = tpu.vector_load %arg7[%get3A_2114] {strides = array<i32>} : memref<224xi32, #tpu.memory_space<vmem>>, vector<16xi32>,
      %get3A_2116 = vector.shape_cast %get3A_2115 : vector<16xi32> to vector<16xi32>
      %ge3A_2117 = vector.broadcast %mul3A_655 : i32 to vector<16xi32>
      %ge3A_2118 = arith.cmpi sge, %get3A_2113, %ge3A_2117 : vector<16xi32>
      %add3A_2119 = arith.constant 12544 : i32
      %add3A_2120 = arith.addi %mul3A_655, %add3A_2119 : i32
      %lt3A_2121 = vector.broadcast %add3A_2120 : i32 to vector<16xi32>
      %lt3A_2122 = arith.cmpi slt, %get3A_2113, %lt3A_2121 : vector<16xi32>
      %and3A_2123 = arith.andi %ge3A_2118, %lt3A_2122 : vector<16xi1>
      %jit3A_2124 = arith.constant -1 : i32
      %broadcast_in_dim3A_2125 = vector.broadcast %jit3A_2124 : i32 to vector<16xi32>
      %select_n3A_2126 = arith.select %and3A_2123, %get3A_2116, %broadcast_in_dim3A_2125 : vector<16xi1>, vector<16xi32>
      %swap3A_2127 = arith.constant 48 : index
      %swap3A_2128 = tpu.vector_load %arg12[%swap3A_2127] {strides = array<i32>} : memref<112xi32, #tpu.memory_space<vmem>>, vector<16xi32>,
      %swap3A_2129 = vector.shape_cast %swap3A_2128 : vector<16xi32> to vector<16xi32>
      %swap3A_2130 = vector.shape_cast %select_n3A_2126 : vector<16xi32> to vector<16xi32>
      tpu.vector_store %arg12[%swap3A_2127], %swap3A_2130 {strides = array<i32>} : memref<112xi32, #tpu.memory_space<vmem>>, vector<16xi32>,
      %sub3A_2131 = vector.broadcast %mul3A_655 : i32 to vector<16xi32>
      %sub3A_2132 = arith.subi %get3A_2113, %sub3A_2131 : vector<16xi32>
      %jit3A_2133 = arith.constant -1 : i32
      %broadcast_in_dim3A_2134 = vector.broadcast %jit3A_2133 : i32 to vector<16xi32>
      %select_n3A_2135 = arith.select %and3A_2123, %sub3A_2132, %broadcast_in_dim3A_2134 : vector<16xi1>, vector<16xi32>
      %swap3A_2136 = arith.constant 48 : index
      %swap3A_2137 = tpu.vector_load %arg16[%swap3A_2136] {strides = array<i32>} : memref<112xi32, #tpu.memory_space<vmem>>, vector<16xi32>,
      %swap3A_2138 = vector.shape_cast %swap3A_2137 : vector<16xi32> to vector<16xi32>
      %swap3A_2139 = vector.shape_cast %select_n3A_2135 : vector<16xi32> to vector<16xi32>
      tpu.vector_store %arg16[%swap3A_2136], %swap3A_2139 {strides = array<i32>} : memref<112xi32, #tpu.memory_space<vmem>>, vector<16xi32>,
      %get3A_2140 = arith.constant 176 : index
      %get3A_2141 = tpu.vector_load %arg9[%get3A_2140] {strides = array<i32>} : memref<224xi32, #tpu.memory_space<vmem>>, vector<16xi32>,
      %get3A_2142 = vector.shape_cast %get3A_2141 : vector<16xi32> to vector<16xi32>
      %get3A_2143 = arith.constant 176 : index
      %get3A_2144 = tpu.vector_load %arg7[%get3A_2143] {strides = array<i32>} : memref<224xi32, #tpu.memory_space<vmem>>, vector<16xi32>,
      %get3A_2145 = vector.shape_cast %get3A_2144 : vector<16xi32> to vector<16xi32>
      %ge3A_2146 = vector.broadcast %mul3A_655 : i32 to vector<16xi32>
      %ge3A_2147 = arith.cmpi sge, %get3A_2142, %ge3A_2146 : vector<16xi32>
      %add3A_2148 = arith.constant 12544 : i32
      %add3A_2149 = arith.addi %mul3A_655, %add3A_2148 : i32
      %lt3A_2150 = vector.broadcast %add3A_2149 : i32 to vector<16xi32>
      %lt3A_2151 = arith.cmpi slt, %get3A_2142, %lt3A_2150 : vector<16xi32>
      %and3A_2152 = arith.andi %ge3A_2147, %lt3A_2151 : vector<16xi1>
      %jit3A_2153 = arith.constant -1 : i32
      %broadcast_in_dim3A_2154 = vector.broadcast %jit3A_2153 : i32 to vector<16xi32>
      %select_n3A_2155 = arith.select %and3A_2152, %get3A_2145, %broadcast_in_dim3A_2154 : vector<16xi1>, vector<16xi32>
      %swap3A_2156 = arith.constant 64 : index
      %swap3A_2157 = tpu.vector_load %arg12[%swap3A_2156] {strides = array<i32>} : memref<112xi32, #tpu.memory_space<vmem>>, vector<16xi32>,
      %swap3A_2158 = vector.shape_cast %swap3A_2157 : vector<16xi32> to vector<16xi32>
      %swap3A_2159 = vector.shape_cast %select_n3A_2155 : vector<16xi32> to vector<16xi32>
      tpu.vector_store %arg12[%swap3A_2156], %swap3A_2159 {strides = array<i32>} : memref<112xi32, #tpu.memory_space<vmem>>, vector<16xi32>,
      %sub3A_2160 = vector.broadcast %mul3A_655 : i32 to vector<16xi32>
      %sub3A_2161 = arith.subi %get3A_2142, %sub3A_2160 : vector<16xi32>
      %jit3A_2162 = arith.constant -1 : i32
      %broadcast_in_dim3A_2163 = vector.broadcast %jit3A_2162 : i32 to vector<16xi32>
      %select_n3A_2164 = arith.select %and3A_2152, %sub3A_2161, %broadcast_in_dim3A_2163 : vector<16xi1>, vector<16xi32>
      %swap3A_2165 = arith.constant 64 : index
      %swap3A_2166 = tpu.vector_load %arg16[%swap3A_2165] {strides = array<i32>} : memref<112xi32, #tpu.memory_space<vmem>>, vector<16xi32>,
      %swap3A_2167 = vector.shape_cast %swap3A_2166 : vector<16xi32> to vector<16xi32>
      %swap3A_2168 = vector.shape_cast %select_n3A_2164 : vector<16xi32> to vector<16xi32>
      tpu.vector_store %arg16[%swap3A_2165], %swap3A_2168 {strides = array<i32>} : memref<112xi32, #tpu.memory_space<vmem>>, vector<16xi32>,
      %get3A_2169 = arith.constant 192 : index
      %get3A_2170 = tpu.vector_load %arg9[%get3A_2169] {strides = array<i32>} : memref<224xi32, #tpu.memory_space<vmem>>, vector<16xi32>,
      %get3A_2171 = vector.shape_cast %get3A_2170 : vector<16xi32> to vector<16xi32>
      %get3A_2172 = arith.constant 192 : index
      %get3A_2173 = tpu.vector_load %arg7[%get3A_2172] {strides = array<i32>} : memref<224xi32, #tpu.memory_space<vmem>>, vector<16xi32>,
      %get3A_2174 = vector.shape_cast %get3A_2173 : vector<16xi32> to vector<16xi32>
      %ge3A_2175 = vector.broadcast %mul3A_655 : i32 to vector<16xi32>
      %ge3A_2176 = arith.cmpi sge, %get3A_2171, %ge3A_2175 : vector<16xi32>
      %add3A_2177 = arith.constant 12544 : i32
      %add3A_2178 = arith.addi %mul3A_655, %add3A_2177 : i32
      %lt3A_2179 = vector.broadcast %add3A_2178 : i32 to vector<16xi32>
      %lt3A_2180 = arith.cmpi slt, %get3A_2171, %lt3A_2179 : vector<16xi32>
      %and3A_2181 = arith.andi %ge3A_2176, %lt3A_2180 : vector<16xi1>
      %jit3A_2182 = arith.constant -1 : i32
      %broadcast_in_dim3A_2183 = vector.broadcast %jit3A_2182 : i32 to vector<16xi32>
      %select_n3A_2184 = arith.select %and3A_2181, %get3A_2174, %broadcast_in_dim3A_2183 : vector<16xi1>, vector<16xi32>
      %swap3A_2185 = arith.constant 80 : index
      %swap3A_2186 = tpu.vector_load %arg12[%swap3A_2185] {strides = array<i32>} : memref<112xi32, #tpu.memory_space<vmem>>, vector<16xi32>,
      %swap3A_2187 = vector.shape_cast %swap3A_2186 : vector<16xi32> to vector<16xi32>
      %swap3A_2188 = vector.shape_cast %select_n3A_2184 : vector<16xi32> to vector<16xi32>
      tpu.vector_store %arg12[%swap3A_2185], %swap3A_2188 {strides = array<i32>} : memref<112xi32, #tpu.memory_space<vmem>>, vector<16xi32>,
      %sub3A_2189 = vector.broadcast %mul3A_655 : i32 to vector<16xi32>
      %sub3A_2190 = arith.subi %get3A_2171, %sub3A_2189 : vector<16xi32>
      %jit3A_2191 = arith.constant -1 : i32
      %broadcast_in_dim3A_2192 = vector.broadcast %jit3A_2191 : i32 to vector<16xi32>
      %select_n3A_2193 = arith.select %and3A_2181, %sub3A_2190, %broadcast_in_dim3A_2192 : vector<16xi1>, vector<16xi32>
      %swap3A_2194 = arith.constant 80 : index
      %swap3A_2195 = tpu.vector_load %arg16[%swap3A_2194] {strides = array<i32>} : memref<112xi32, #tpu.memory_space<vmem>>, vector<16xi32>,
      %swap3A_2196 = vector.shape_cast %swap3A_2195 : vector<16xi32> to vector<16xi32>
      %swap3A_2197 = vector.shape_cast %select_n3A_2193 : vector<16xi32> to vector<16xi32>
      tpu.vector_store %arg16[%swap3A_2194], %swap3A_2197 {strides = array<i32>} : memref<112xi32, #tpu.memory_space<vmem>>, vector<16xi32>,
      %get3A_2198 = arith.constant 208 : index
      %get3A_2199 = tpu.vector_load %arg9[%get3A_2198] {strides = array<i32>} : memref<224xi32, #tpu.memory_space<vmem>>, vector<16xi32>,
      %get3A_2200 = vector.shape_cast %get3A_2199 : vector<16xi32> to vector<16xi32>
      %get3A_2201 = arith.constant 208 : index
      %get3A_2202 = tpu.vector_load %arg7[%get3A_2201] {strides = array<i32>} : memref<224xi32, #tpu.memory_space<vmem>>, vector<16xi32>,
      %get3A_2203 = vector.shape_cast %get3A_2202 : vector<16xi32> to vector<16xi32>
      %ge3A_2204 = vector.broadcast %mul3A_655 : i32 to vector<16xi32>
      %ge3A_2205 = arith.cmpi sge, %get3A_2200, %ge3A_2204 : vector<16xi32>
      %add3A_2206 = arith.constant 12544 : i32
      %add3A_2207 = arith.addi %mul3A_655, %add3A_2206 : i32
      %lt3A_2208 = vector.broadcast %add3A_2207 : i32 to vector<16xi32>
      %lt3A_2209 = arith.cmpi slt, %get3A_2200, %lt3A_2208 : vector<16xi32>
      %and3A_2210 = arith.andi %ge3A_2205, %lt3A_2209 : vector<16xi1>
      %jit3A_2211 = arith.constant -1 : i32
      %broadcast_in_dim3A_2212 = vector.broadcast %jit3A_2211 : i32 to vector<16xi32>
      %select_n3A_2213 = arith.select %and3A_2210, %get3A_2203, %broadcast_in_dim3A_2212 : vector<16xi1>, vector<16xi32>
      %swap3A_2214 = arith.constant 96 : index
      %swap3A_2215 = tpu.vector_load %arg12[%swap3A_2214] {strides = array<i32>} : memref<112xi32, #tpu.memory_space<vmem>>, vector<16xi32>,
      %swap3A_2216 = vector.shape_cast %swap3A_2215 : vector<16xi32> to vector<16xi32>
      %swap3A_2217 = vector.shape_cast %select_n3A_2213 : vector<16xi32> to vector<16xi32>
      tpu.vector_store %arg12[%swap3A_2214], %swap3A_2217 {strides = array<i32>} : memref<112xi32, #tpu.memory_space<vmem>>, vector<16xi32>,
      %sub3A_2218 = vector.broadcast %mul3A_655 : i32 to vector<16xi32>
      %sub3A_2219 = arith.subi %get3A_2200, %sub3A_2218 : vector<16xi32>
      %jit3A_2220 = arith.constant -1 : i32
      %broadcast_in_dim3A_2221 = vector.broadcast %jit3A_2220 : i32 to vector<16xi32>
      %select_n3A_2222 = arith.select %and3A_2210, %sub3A_2219, %broadcast_in_dim3A_2221 : vector<16xi1>, vector<16xi32>
      %swap3A_2223 = arith.constant 96 : index
      %swap3A_2224 = tpu.vector_load %arg16[%swap3A_2223] {strides = array<i32>} : memref<112xi32, #tpu.memory_space<vmem>>, vector<16xi32>,
      %swap3A_2225 = vector.shape_cast %swap3A_2224 : vector<16xi32> to vector<16xi32>
      %swap3A_2226 = vector.shape_cast %select_n3A_2222 : vector<16xi32> to vector<16xi32>
      tpu.vector_store %arg16[%swap3A_2223], %swap3A_2226 {strides = array<i32>} : memref<112xi32, #tpu.memory_space<vmem>>, vector<16xi32>,
      %dma_wait3A_2227 = arith.constant 0 : i32
      %dma_wait3A_2228 = arith.constant 0 : i32
      %dma_wait3A_2229 = arith.constant 0 : i32
      %dma_wait3A_2230 = tpu.memref_slice %arg19[%dma_wait3A_2227, %dma_wait3A_2228, %dma_wait3A_2229] : memref<2x112x128xf32, #tpu.memory_space<vmem>> -> memref<1x112x128xf32, #tpu.memory_space<vmem>>
      %dma_wait3A_2231 = tpu.memref_squeeze %dma_wait3A_2230 : memref<1x112x128xf32, #tpu.memory_space<vmem>> -> memref<112x128xf32, #tpu.memory_space<vmem>>
      %dma_wait3A_2232 = arith.constant 0 : i32
      %dma_wait3A_2233 = arith.constant 0 : i32
      %dma_wait3A_2234 = tpu.memref_slice %arg2[%dma_wait3A_2232, %dma_wait3A_2233] : memref<50176x128xf32, #tpu.memory_space<hbm>> -> memref<50176x128xf32, #tpu.memory_space<hbm>>
      tpu.wait_indirect_dma semaphore(%arg20 : memref<!tpu.dma_semaphore, #tpu.memory_space<semaphore_mem>>) src(%dma_wait3A_2234 : memref<50176x128xf32, #tpu.memory_space<hbm>>) dst(%dma_wait3A_2231 : memref<112x128xf32, #tpu.memory_space<vmem>>)
      %run_scoped3A_2235 = arith.constant 0 : i32
      "tpu.region"() ({
        %run_scoped3A_2264 = tpu.sem_alloc : memref<!tpu.dma_semaphore, #tpu.memory_space<semaphore_mem>>
        %dma_start3A_2265 = arith.constant 0 : i32
        %dma_start3A_2266 = arith.constant 0 : i32
        %dma_start3A_2267 = tpu.memref_slice %arg19[%run_scoped3A_2235, %dma_start3A_2265, %dma_start3A_2266] : memref<2x112x128xf32, #tpu.memory_space<vmem>> -> memref<1x112x128xf32, #tpu.memory_space<vmem>>
        %dma_start3A_2268 = tpu.memref_squeeze %dma_start3A_2267 : memref<1x112x128xf32, #tpu.memory_space<vmem>> -> memref<112x128xf32, #tpu.memory_space<vmem>>
        %dma_start3A_2269 = arith.constant 0 : i32
        %dma_start3A_2270 = arith.constant 0 : i32
        %dma_start3A_2271 = tpu.memref_slice %arg26[%dma_start3A_2269, %dma_start3A_2270] : memref<12544x128xf32, #tpu.memory_space<vmem_shared>> -> memref<12544x128xf32, #tpu.memory_space<vmem_shared>>
        %dma_start3A_2272 = arith.constant -1 : i32
        tpu.enqueue_indirect_dma source(%dma_start3A_2268 : memref<112x128xf32, #tpu.memory_space<vmem>>) target(%dma_start3A_2271 : memref<12544x128xf32, #tpu.memory_space<vmem_shared>>) offsets(%arg17 : memref<112xi32, #tpu.memory_space<vmem>>) offset_filter(%dma_start3A_2272) semaphore(%run_scoped3A_2264 : memref<!tpu.dma_semaphore, #tpu.memory_space<semaphore_mem>>) {add = true}
        %dma_wait3A_2273 = arith.constant 0 : i32
        %dma_wait3A_2274 = arith.constant 0 : i32
        %dma_wait3A_2275 = tpu.memref_slice %arg19[%run_scoped3A_2235, %dma_wait3A_2273, %dma_wait3A_2274] : memref<2x112x128xf32, #tpu.memory_space<vmem>> -> memref<1x112x128xf32, #tpu.memory_space<vmem>>
        %dma_wait3A_2276 = tpu.memref_squeeze %dma_wait3A_2275 : memref<1x112x128xf32, #tpu.memory_space<vmem>> -> memref<112x128xf32, #tpu.memory_space<vmem>>
        %dma_wait3A_2277 = arith.constant 0 : i32
        %dma_wait3A_2278 = arith.constant 0 : i32
        %dma_wait3A_2279 = tpu.memref_slice %arg26[%dma_wait3A_2277, %dma_wait3A_2278] : memref<12544x128xf32, #tpu.memory_space<vmem_shared>> -> memref<12544x128xf32, #tpu.memory_space<vmem_shared>>
        tpu.wait_indirect_dma semaphore(%run_scoped3A_2264 : memref<!tpu.dma_semaphore, #tpu.memory_space<semaphore_mem>>) src(%dma_wait3A_2276 : memref<112x128xf32, #tpu.memory_space<vmem>>) dst(%dma_wait3A_2279 : memref<12544x128xf32, #tpu.memory_space<vmem_shared>>)
        tpu.yield
      }) : () -> ()
      %dma_start3A_2236 = arith.constant 0 : i32
      %dma_start3A_2237 = arith.constant 0 : i32
      %dma_start3A_2238 = arith.constant 0 : i32
      %dma_start3A_2239 = tpu.memref_slice %arg19[%dma_start3A_2236, %dma_start3A_2237, %dma_start3A_2238] : memref<2x112x128xf32, #tpu.memory_space<vmem>> -> memref<1x112x128xf32, #tpu.memory_space<vmem>>
      %dma_start3A_2240 = tpu.memref_squeeze %dma_start3A_2239 : memref<1x112x128xf32, #tpu.memory_space<vmem>> -> memref<112x128xf32, #tpu.memory_space<vmem>>
      %dma_start3A_2241 = arith.constant 0 : i32
      %dma_start3A_2242 = arith.constant 0 : i32
      %dma_start3A_2243 = tpu.memref_slice %arg2[%dma_start3A_2241, %dma_start3A_2242] : memref<50176x128xf32, #tpu.memory_space<hbm>> -> memref<50176x128xf32, #tpu.memory_space<hbm>>
      %dma_start3A_2244 = arith.constant -1 : i32
      tpu.enqueue_indirect_dma source(%dma_start3A_2243 : memref<50176x128xf32, #tpu.memory_space<hbm>>) target(%dma_start3A_2240 : memref<112x128xf32, #tpu.memory_space<vmem>>) offsets(%arg11 : memref<112xi32, #tpu.memory_space<vmem>>) offset_filter(%dma_start3A_2244) semaphore(%arg20 : memref<!tpu.dma_semaphore, #tpu.memory_space<semaphore_mem>>)
      %dma_wait3A_2245 = arith.constant 1 : i32
      %dma_wait3A_2246 = arith.constant 0 : i32
      %dma_wait3A_2247 = arith.constant 0 : i32
      %dma_wait3A_2248 = tpu.memref_slice %arg19[%dma_wait3A_2245, %dma_wait3A_2246, %dma_wait3A_2247] : memref<2x112x128xf32, #tpu.memory_space<vmem>> -> memref<1x112x128xf32, #tpu.memory_space<vmem>>
      %dma_wait3A_2249 = tpu.memref_squeeze %dma_wait3A_2248 : memref<1x112x128xf32, #tpu.memory_space<vmem>> -> memref<112x128xf32, #tpu.memory_space<vmem>>
      %dma_wait3A_2250 = arith.constant 0 : i32
      %dma_wait3A_2251 = arith.constant 0 : i32
      %dma_wait3A_2252 = tpu.memref_slice %arg2[%dma_wait3A_2250, %dma_wait3A_2251] : memref<50176x128xf32, #tpu.memory_space<hbm>> -> memref<50176x128xf32, #tpu.memory_space<hbm>>
      tpu.wait_indirect_dma semaphore(%arg21 : memref<!tpu.dma_semaphore, #tpu.memory_space<semaphore_mem>>) src(%dma_wait3A_2252 : memref<50176x128xf32, #tpu.memory_space<hbm>>) dst(%dma_wait3A_2249 : memref<112x128xf32, #tpu.memory_space<vmem>>)
      %run_scoped3A_2253 = arith.constant 1 : i32
      "tpu.region"() ({
        %run_scoped3A_2264 = tpu.sem_alloc : memref<!tpu.dma_semaphore, #tpu.memory_space<semaphore_mem>>
        %dma_start3A_2265 = arith.constant 0 : i32
        %dma_start3A_2266 = arith.constant 0 : i32
        %dma_start3A_2267 = tpu.memref_slice %arg19[%run_scoped3A_2253, %dma_start3A_2265, %dma_start3A_2266] : memref<2x112x128xf32, #tpu.memory_space<vmem>> -> memref<1x112x128xf32, #tpu.memory_space<vmem>>
        %dma_start3A_2268 = tpu.memref_squeeze %dma_start3A_2267 : memref<1x112x128xf32, #tpu.memory_space<vmem>> -> memref<112x128xf32, #tpu.memory_space<vmem>>
        %dma_start3A_2269 = arith.constant 0 : i32
        %dma_start3A_2270 = arith.constant 0 : i32
        %dma_start3A_2271 = tpu.memref_slice %arg26[%dma_start3A_2269, %dma_start3A_2270] : memref<12544x128xf32, #tpu.memory_space<vmem_shared>> -> memref<12544x128xf32, #tpu.memory_space<vmem_shared>>
        %dma_start3A_2272 = arith.constant -1 : i32
        tpu.enqueue_indirect_dma source(%dma_start3A_2268 : memref<112x128xf32, #tpu.memory_space<vmem>>) target(%dma_start3A_2271 : memref<12544x128xf32, #tpu.memory_space<vmem_shared>>) offsets(%arg18 : memref<112xi32, #tpu.memory_space<vmem>>) offset_filter(%dma_start3A_2272) semaphore(%run_scoped3A_2264 : memref<!tpu.dma_semaphore, #tpu.memory_space<semaphore_mem>>) {add = true}
        %dma_wait3A_2273 = arith.constant 0 : i32
        %dma_wait3A_2274 = arith.constant 0 : i32
        %dma_wait3A_2275 = tpu.memref_slice %arg19[%run_scoped3A_2253, %dma_wait3A_2273, %dma_wait3A_2274] : memref<2x112x128xf32, #tpu.memory_space<vmem>> -> memref<1x112x128xf32, #tpu.memory_space<vmem>>
        %dma_wait3A_2276 = tpu.memref_squeeze %dma_wait3A_2275 : memref<1x112x128xf32, #tpu.memory_space<vmem>> -> memref<112x128xf32, #tpu.memory_space<vmem>>
        %dma_wait3A_2277 = arith.constant 0 : i32
        %dma_wait3A_2278 = arith.constant 0 : i32
        %dma_wait3A_2279 = tpu.memref_slice %arg26[%dma_wait3A_2277, %dma_wait3A_2278] : memref<12544x128xf32, #tpu.memory_space<vmem_shared>> -> memref<12544x128xf32, #tpu.memory_space<vmem_shared>>
        tpu.wait_indirect_dma semaphore(%run_scoped3A_2264 : memref<!tpu.dma_semaphore, #tpu.memory_space<semaphore_mem>>) src(%dma_wait3A_2276 : memref<112x128xf32, #tpu.memory_space<vmem>>) dst(%dma_wait3A_2279 : memref<12544x128xf32, #tpu.memory_space<vmem_shared>>)
        tpu.yield
      }) : () -> ()
      %dma_start3A_2254 = arith.constant 1 : i32
      %dma_start3A_2255 = arith.constant 0 : i32
      %dma_start3A_2256 = arith.constant 0 : i32
      %dma_start3A_2257 = tpu.memref_slice %arg19[%dma_start3A_2254, %dma_start3A_2255, %dma_start3A_2256] : memref<2x112x128xf32, #tpu.memory_space<vmem>> -> memref<1x112x128xf32, #tpu.memory_space<vmem>>
      %dma_start3A_2258 = tpu.memref_squeeze %dma_start3A_2257 : memref<1x112x128xf32, #tpu.memory_space<vmem>> -> memref<112x128xf32, #tpu.memory_space<vmem>>
      %dma_start3A_2259 = arith.constant 0 : i32
      %dma_start3A_2260 = arith.constant 0 : i32
      %dma_start3A_2261 = tpu.memref_slice %arg2[%dma_start3A_2259, %dma_start3A_2260] : memref<50176x128xf32, #tpu.memory_space<hbm>> -> memref<50176x128xf32, #tpu.memory_space<hbm>>
      %dma_start3A_2262 = arith.constant -1 : i32
      tpu.enqueue_indirect_dma source(%dma_start3A_2261 : memref<50176x128xf32, #tpu.memory_space<hbm>>) target(%dma_start3A_2258 : memref<112x128xf32, #tpu.memory_space<vmem>>) offsets(%arg12 : memref<112xi32, #tpu.memory_space<vmem>>) offset_filter(%dma_start3A_2262) semaphore(%arg21 : memref<!tpu.dma_semaphore, #tpu.memory_space<semaphore_mem>>)
      %scan3A_2263 = arith.constant 0 : i32
      scf.yield %scan3A_2263 : i32
    }
    %scan3A_1127 = arith.constant 111 : i32
    %dma_wait3A_1128 = arith.constant 0 : i32
    %dma_wait3A_1129 = arith.constant 0 : i32
    %dma_wait3A_1130 = arith.constant 0 : i32
    %dma_wait3A_1131 = tpu.memref_slice %arg19[%dma_wait3A_1128, %dma_wait3A_1129, %dma_wait3A_1130] : memref<2x112x128xf32, #tpu.memory_space<vmem>> -> memref<1x112x128xf32, #tpu.memory_space<vmem>>
    %dma_wait3A_1132 = tpu.memref_squeeze %dma_wait3A_1131 : memref<1x112x128xf32, #tpu.memory_space<vmem>> -> memref<112x128xf32, #tpu.memory_space<vmem>>
    %dma_wait3A_1133 = arith.constant 0 : i32
    %dma_wait3A_1134 = arith.constant 0 : i32
    %dma_wait3A_1135 = tpu.memref_slice %arg2[%dma_wait3A_1133, %dma_wait3A_1134] : memref<50176x128xf32, #tpu.memory_space<hbm>> -> memref<50176x128xf32, #tpu.memory_space<hbm>>
    tpu.wait_indirect_dma semaphore(%arg20 : memref<!tpu.dma_semaphore, #tpu.memory_space<semaphore_mem>>) src(%dma_wait3A_1135 : memref<50176x128xf32, #tpu.memory_space<hbm>>) dst(%dma_wait3A_1132 : memref<112x128xf32, #tpu.memory_space<vmem>>)
    %run_scoped3A_1136 = arith.constant 0 : i32
    "tpu.region"() ({
      %run_scoped3A_1319 = tpu.sem_alloc : memref<!tpu.dma_semaphore, #tpu.memory_space<semaphore_mem>>
      %dma_start3A_1320 = arith.constant 0 : i32
      %dma_start3A_1321 = arith.constant 0 : i32
      %dma_start3A_1322 = tpu.memref_slice %arg19[%run_scoped3A_1136, %dma_start3A_1320, %dma_start3A_1321] : memref<2x112x128xf32, #tpu.memory_space<vmem>> -> memref<1x112x128xf32, #tpu.memory_space<vmem>>
      %dma_start3A_1323 = tpu.memref_squeeze %dma_start3A_1322 : memref<1x112x128xf32, #tpu.memory_space<vmem>> -> memref<112x128xf32, #tpu.memory_space<vmem>>
      %dma_start3A_1324 = arith.constant 0 : i32
      %dma_start3A_1325 = arith.constant 0 : i32
      %dma_start3A_1326 = tpu.memref_slice %arg26[%dma_start3A_1324, %dma_start3A_1325] : memref<12544x128xf32, #tpu.memory_space<vmem_shared>> -> memref<12544x128xf32, #tpu.memory_space<vmem_shared>>
      %dma_start3A_1327 = arith.constant -1 : i32
      tpu.enqueue_indirect_dma source(%dma_start3A_1323 : memref<112x128xf32, #tpu.memory_space<vmem>>) target(%dma_start3A_1326 : memref<12544x128xf32, #tpu.memory_space<vmem_shared>>) offsets(%arg15 : memref<112xi32, #tpu.memory_space<vmem>>) offset_filter(%dma_start3A_1327) semaphore(%run_scoped3A_1319 : memref<!tpu.dma_semaphore, #tpu.memory_space<semaphore_mem>>) {add = true}
      %dma_wait3A_1328 = arith.constant 0 : i32
      %dma_wait3A_1329 = arith.constant 0 : i32
      %dma_wait3A_1330 = tpu.memref_slice %arg19[%run_scoped3A_1136, %dma_wait3A_1328, %dma_wait3A_1329] : memref<2x112x128xf32, #tpu.memory_space<vmem>> -> memref<1x112x128xf32, #tpu.memory_space<vmem>>
      %dma_wait3A_1331 = tpu.memref_squeeze %dma_wait3A_1330 : memref<1x112x128xf32, #tpu.memory_space<vmem>> -> memref<112x128xf32, #tpu.memory_space<vmem>>
      %dma_wait3A_1332 = arith.constant 0 : i32
      %dma_wait3A_1333 = arith.constant 0 : i32
      %dma_wait3A_1334 = tpu.memref_slice %arg26[%dma_wait3A_1332, %dma_wait3A_1333] : memref<12544x128xf32, #tpu.memory_space<vmem_shared>> -> memref<12544x128xf32, #tpu.memory_space<vmem_shared>>
      tpu.wait_indirect_dma semaphore(%run_scoped3A_1319 : memref<!tpu.dma_semaphore, #tpu.memory_space<semaphore_mem>>) src(%dma_wait3A_1331 : memref<112x128xf32, #tpu.memory_space<vmem>>) dst(%dma_wait3A_1334 : memref<12544x128xf32, #tpu.memory_space<vmem_shared>>)
      tpu.yield
    }) : () -> ()
    %dma_wait3A_1137 = arith.constant 1 : i32
    %dma_wait3A_1138 = arith.constant 0 : i32
    %dma_wait3A_1139 = arith.constant 0 : i32
    %dma_wait3A_1140 = tpu.memref_slice %arg19[%dma_wait3A_1137, %dma_wait3A_1138, %dma_wait3A_1139] : memref<2x112x128xf32, #tpu.memory_space<vmem>> -> memref<1x112x128xf32, #tpu.memory_space<vmem>>
    %dma_wait3A_1141 = tpu.memref_squeeze %dma_wait3A_1140 : memref<1x112x128xf32, #tpu.memory_space<vmem>> -> memref<112x128xf32, #tpu.memory_space<vmem>>
    %dma_wait3A_1142 = arith.constant 0 : i32
    %dma_wait3A_1143 = arith.constant 0 : i32
    %dma_wait3A_1144 = tpu.memref_slice %arg2[%dma_wait3A_1142, %dma_wait3A_1143] : memref<50176x128xf32, #tpu.memory_space<hbm>> -> memref<50176x128xf32, #tpu.memory_space<hbm>>
    tpu.wait_indirect_dma semaphore(%arg21 : memref<!tpu.dma_semaphore, #tpu.memory_space<semaphore_mem>>) src(%dma_wait3A_1144 : memref<50176x128xf32, #tpu.memory_space<hbm>>) dst(%dma_wait3A_1141 : memref<112x128xf32, #tpu.memory_space<vmem>>)
    %run_scoped3A_1145 = arith.constant 1 : i32
    "tpu.region"() ({
      %run_scoped3A_1319 = tpu.sem_alloc : memref<!tpu.dma_semaphore, #tpu.memory_space<semaphore_mem>>
      %dma_start3A_1320 = arith.constant 0 : i32
      %dma_start3A_1321 = arith.constant 0 : i32
      %dma_start3A_1322 = tpu.memref_slice %arg19[%run_scoped3A_1145, %dma_start3A_1320, %dma_start3A_1321] : memref<2x112x128xf32, #tpu.memory_space<vmem>> -> memref<1x112x128xf32, #tpu.memory_space<vmem>>
      %dma_start3A_1323 = tpu.memref_squeeze %dma_start3A_1322 : memref<1x112x128xf32, #tpu.memory_space<vmem>> -> memref<112x128xf32, #tpu.memory_space<vmem>>
      %dma_start3A_1324 = arith.constant 0 : i32
      %dma_start3A_1325 = arith.constant 0 : i32
      %dma_start3A_1326 = tpu.memref_slice %arg26[%dma_start3A_1324, %dma_start3A_1325] : memref<12544x128xf32, #tpu.memory_space<vmem_shared>> -> memref<12544x128xf32, #tpu.memory_space<vmem_shared>>
      %dma_start3A_1327 = arith.constant -1 : i32
      tpu.enqueue_indirect_dma source(%dma_start3A_1323 : memref<112x128xf32, #tpu.memory_space<vmem>>) target(%dma_start3A_1326 : memref<12544x128xf32, #tpu.memory_space<vmem_shared>>) offsets(%arg16 : memref<112xi32, #tpu.memory_space<vmem>>) offset_filter(%dma_start3A_1327) semaphore(%run_scoped3A_1319 : memref<!tpu.dma_semaphore, #tpu.memory_space<semaphore_mem>>) {add = true}
      %dma_wait3A_1328 = arith.constant 0 : i32
      %dma_wait3A_1329 = arith.constant 0 : i32
      %dma_wait3A_1330 = tpu.memref_slice %arg19[%run_scoped3A_1145, %dma_wait3A_1328, %dma_wait3A_1329] : memref<2x112x128xf32, #tpu.memory_space<vmem>> -> memref<1x112x128xf32, #tpu.memory_space<vmem>>
      %dma_wait3A_1331 = tpu.memref_squeeze %dma_wait3A_1330 : memref<1x112x128xf32, #tpu.memory_space<vmem>> -> memref<112x128xf32, #tpu.memory_space<vmem>>
      %dma_wait3A_1332 = arith.constant 0 : i32
      %dma_wait3A_1333 = arith.constant 0 : i32
      %dma_wait3A_1334 = tpu.memref_slice %arg26[%dma_wait3A_1332, %dma_wait3A_1333] : memref<12544x128xf32, #tpu.memory_space<vmem_shared>> -> memref<12544x128xf32, #tpu.memory_space<vmem_shared>>
      tpu.wait_indirect_dma semaphore(%run_scoped3A_1319 : memref<!tpu.dma_semaphore, #tpu.memory_space<semaphore_mem>>) src(%dma_wait3A_1331 : memref<112x128xf32, #tpu.memory_space<vmem>>) dst(%dma_wait3A_1334 : memref<12544x128xf32, #tpu.memory_space<vmem_shared>>)
      tpu.yield
    }) : () -> ()
    %add3A_1146 = arith.constant 49952 : i32
    %add3A_1147 = arith.addi %mul3A_0, %add3A_1146 : i32
    %add3A_1148 = arith.constant 50000 : i32
    %add3A_1149 = arith.addi %mul3A_0, %add3A_1148 : i32
    %sub3A_1150 = arith.constant 224 : i32
    %sub3A_1151 = arith.subi %add3A_1149, %sub3A_1150 : i32
    %min3A_1152 = arith.minsi %add3A_1147, %sub3A_1151 : i32
    %dma_wait3A_1153 = tpu.memref_slice %arg3[%min3A_1152] : memref<800000xi32, #tpu.memory_space<hbm>> -> memref<224xi32, #tpu.memory_space<hbm>>
    %dma_wait3A_1154 = tpu.memref_slice %arg3[%min3A_1152] : memref<800000xi32, #tpu.memory_space<hbm>> -> memref<224xi32, #tpu.memory_space<hbm>>
    tpu.wait_dma2 semaphore(%arg24 : memref<!tpu.dma_semaphore, #tpu.memory_space<semaphore_mem>>) src(%dma_wait3A_1154 : memref<224xi32, #tpu.memory_space<hbm>>) dst(%arg8 : memref<224xi32, #tpu.memory_space<vmem>>)
    %dma_wait3A_1155 = tpu.memref_slice %arg4[%min3A_1152] : memref<800000xi32, #tpu.memory_space<hbm>> -> memref<224xi32, #tpu.memory_space<hbm>>
    %dma_wait3A_1156 = tpu.memref_slice %arg4[%min3A_1152] : memref<800000xi32, #tpu.memory_space<hbm>> -> memref<224xi32, #tpu.memory_space<hbm>>
    tpu.wait_dma2 semaphore(%arg25 : memref<!tpu.dma_semaphore, #tpu.memory_space<semaphore_mem>>) src(%dma_wait3A_1156 : memref<224xi32, #tpu.memory_space<hbm>>) dst(%arg10 : memref<224xi32, #tpu.memory_space<vmem>>)
    %add3A_1157 = arith.constant 49952 : i32
    %add3A_1158 = arith.addi %mul3A_0, %add3A_1157 : i32
    "tpu.region"() ({
      %run_scoped3A_1319 = tpu.sem_alloc : memref<!tpu.dma_semaphore, #tpu.memory_space<semaphore_mem>>
      %dma_start3A_1320 = arith.constant 0 : i32
      %dma_start3A_1321 = tpu.memref_slice %arg7[%dma_start3A_1320] : memref<224xi32, #tpu.memory_space<vmem>> -> memref<48xi32, #tpu.memory_space<vmem>>
      %dma_start3A_1322 = tpu.memref_slice %arg3[%add3A_1158] : memref<800000xi32, #tpu.memory_space<hbm>> -> memref<48xi32, #tpu.memory_space<hbm>>
      %dma_start3A_1323 = arith.constant 0 : i32
      %dma_start3A_1324 = tpu.memref_slice %arg7[%dma_start3A_1323] : memref<224xi32, #tpu.memory_space<vmem>> -> memref<48xi32, #tpu.memory_space<vmem>>
      %dma_start3A_1325 = tpu.memref_slice %arg3[%add3A_1158] : memref<800000xi32, #tpu.memory_space<hbm>> -> memref<48xi32, #tpu.memory_space<hbm>>
      tpu.enqueue_dma source(%dma_start3A_1325 : memref<48xi32, #tpu.memory_space<hbm>>) target(%dma_start3A_1324 : memref<48xi32, #tpu.memory_space<vmem>>) target_semaphore(%run_scoped3A_1319 : memref<!tpu.dma_semaphore, #tpu.memory_space<semaphore_mem>>)
      %dma_wait3A_1326 = arith.constant 0 : i32
      %dma_wait3A_1327 = tpu.memref_slice %arg7[%dma_wait3A_1326] : memref<224xi32, #tpu.memory_space<vmem>> -> memref<48xi32, #tpu.memory_space<vmem>>
      %dma_wait3A_1328 = tpu.memref_slice %arg3[%add3A_1158] : memref<800000xi32, #tpu.memory_space<hbm>> -> memref<48xi32, #tpu.memory_space<hbm>>
      %dma_wait3A_1329 = arith.constant 0 : i32
      %dma_wait3A_1330 = tpu.memref_slice %arg7[%dma_wait3A_1329] : memref<224xi32, #tpu.memory_space<vmem>> -> memref<48xi32, #tpu.memory_space<vmem>>
      %dma_wait3A_1331 = tpu.memref_slice %arg3[%add3A_1158] : memref<800000xi32, #tpu.memory_space<hbm>> -> memref<48xi32, #tpu.memory_space<hbm>>
      tpu.wait_dma2 semaphore(%run_scoped3A_1319 : memref<!tpu.dma_semaphore, #tpu.memory_space<semaphore_mem>>) src(%dma_wait3A_1331 : memref<48xi32, #tpu.memory_space<hbm>>) dst(%dma_wait3A_1330 : memref<48xi32, #tpu.memory_space<vmem>>)
      tpu.yield
    }) : () -> ()
    "tpu.region"() ({
      %run_scoped3A_1319 = tpu.sem_alloc : memref<!tpu.dma_semaphore, #tpu.memory_space<semaphore_mem>>
      %dma_start3A_1320 = arith.constant 0 : i32
      %dma_start3A_1321 = tpu.memref_slice %arg9[%dma_start3A_1320] : memref<224xi32, #tpu.memory_space<vmem>> -> memref<48xi32, #tpu.memory_space<vmem>>
      %dma_start3A_1322 = tpu.memref_slice %arg4[%add3A_1158] : memref<800000xi32, #tpu.memory_space<hbm>> -> memref<48xi32, #tpu.memory_space<hbm>>
      %dma_start3A_1323 = arith.constant 0 : i32
      %dma_start3A_1324 = tpu.memref_slice %arg9[%dma_start3A_1323] : memref<224xi32, #tpu.memory_space<vmem>> -> memref<48xi32, #tpu.memory_space<vmem>>
      %dma_start3A_1325 = tpu.memref_slice %arg4[%add3A_1158] : memref<800000xi32, #tpu.memory_space<hbm>> -> memref<48xi32, #tpu.memory_space<hbm>>
      tpu.enqueue_dma source(%dma_start3A_1325 : memref<48xi32, #tpu.memory_space<hbm>>) target(%dma_start3A_1324 : memref<48xi32, #tpu.memory_space<vmem>>) target_semaphore(%run_scoped3A_1319 : memref<!tpu.dma_semaphore, #tpu.memory_space<semaphore_mem>>)
      %dma_wait3A_1326 = arith.constant 0 : i32
      %dma_wait3A_1327 = tpu.memref_slice %arg9[%dma_wait3A_1326] : memref<224xi32, #tpu.memory_space<vmem>> -> memref<48xi32, #tpu.memory_space<vmem>>
      %dma_wait3A_1328 = tpu.memref_slice %arg4[%add3A_1158] : memref<800000xi32, #tpu.memory_space<hbm>> -> memref<48xi32, #tpu.memory_space<hbm>>
      %dma_wait3A_1329 = arith.constant 0 : i32
      %dma_wait3A_1330 = tpu.memref_slice %arg9[%dma_wait3A_1329] : memref<224xi32, #tpu.memory_space<vmem>> -> memref<48xi32, #tpu.memory_space<vmem>>
      %dma_wait3A_1331 = tpu.memref_slice %arg4[%add3A_1158] : memref<800000xi32, #tpu.memory_space<hbm>> -> memref<48xi32, #tpu.memory_space<hbm>>
      tpu.wait_dma2 semaphore(%run_scoped3A_1319 : memref<!tpu.dma_semaphore, #tpu.memory_space<semaphore_mem>>) src(%dma_wait3A_1331 : memref<48xi32, #tpu.memory_space<hbm>>) dst(%dma_wait3A_1330 : memref<48xi32, #tpu.memory_space<vmem>>)
      tpu.yield
    }) : () -> ()
    %get3A_1159 = arith.constant 0 : index
    %get3A_1160 = tpu.vector_load %arg9[%get3A_1159] {strides = array<i32>} : memref<224xi32, #tpu.memory_space<vmem>>, vector<16xi32>,
    %get3A_1161 = vector.shape_cast %get3A_1160 : vector<16xi32> to vector<16xi32>
    %get3A_1162 = arith.constant 0 : index
    %get3A_1163 = tpu.vector_load %arg7[%get3A_1162] {strides = array<i32>} : memref<224xi32, #tpu.memory_space<vmem>>, vector<16xi32>,
    %get3A_1164 = vector.shape_cast %get3A_1163 : vector<16xi32> to vector<16xi32>
    %ge3A_1165 = vector.broadcast %mul3A_655 : i32 to vector<16xi32>
    %ge3A_1166 = arith.cmpi sge, %get3A_1161, %ge3A_1165 : vector<16xi32>
    %add3A_1167 = arith.constant 12544 : i32
    %add3A_1168 = arith.addi %mul3A_655, %add3A_1167 : i32
    %lt3A_1169 = vector.broadcast %add3A_1168 : i32 to vector<16xi32>
    %lt3A_1170 = arith.cmpi slt, %get3A_1161, %lt3A_1169 : vector<16xi32>
    %and3A_1171 = arith.andi %ge3A_1166, %lt3A_1170 : vector<16xi1>
    %jit3A_1172 = arith.constant -1 : i32
    %broadcast_in_dim3A_1173 = vector.broadcast %jit3A_1172 : i32 to vector<16xi32>
    %select_n3A_1174 = arith.select %and3A_1171, %get3A_1164, %broadcast_in_dim3A_1173 : vector<16xi1>, vector<16xi32>
    %swap3A_1175 = arith.constant 0 : index
    %swap3A_1176 = tpu.vector_load %arg11[%swap3A_1175] {strides = array<i32>} : memref<112xi32, #tpu.memory_space<vmem>>, vector<16xi32>,
    %swap3A_1177 = vector.shape_cast %swap3A_1176 : vector<16xi32> to vector<16xi32>
    %swap3A_1178 = vector.shape_cast %select_n3A_1174 : vector<16xi32> to vector<16xi32>
    tpu.vector_store %arg11[%swap3A_1175], %swap3A_1178 {strides = array<i32>} : memref<112xi32, #tpu.memory_space<vmem>>, vector<16xi32>,
    %sub3A_1179 = vector.broadcast %mul3A_655 : i32 to vector<16xi32>
    %sub3A_1180 = arith.subi %get3A_1161, %sub3A_1179 : vector<16xi32>
    %jit3A_1181 = arith.constant -1 : i32
    %broadcast_in_dim3A_1182 = vector.broadcast %jit3A_1181 : i32 to vector<16xi32>
    %select_n3A_1183 = arith.select %and3A_1171, %sub3A_1180, %broadcast_in_dim3A_1182 : vector<16xi1>, vector<16xi32>
    %swap3A_1184 = arith.constant 0 : index
    %swap3A_1185 = tpu.vector_load %arg15[%swap3A_1184] {strides = array<i32>} : memref<112xi32, #tpu.memory_space<vmem>>, vector<16xi32>,
    %swap3A_1186 = vector.shape_cast %swap3A_1185 : vector<16xi32> to vector<16xi32>
    %swap3A_1187 = vector.shape_cast %select_n3A_1183 : vector<16xi32> to vector<16xi32>
    tpu.vector_store %arg15[%swap3A_1184], %swap3A_1187 {strides = array<i32>} : memref<112xi32, #tpu.memory_space<vmem>>, vector<16xi32>,
    %get3A_1188 = arith.constant 16 : index
    %get3A_1189 = tpu.vector_load %arg9[%get3A_1188] {strides = array<i32>} : memref<224xi32, #tpu.memory_space<vmem>>, vector<16xi32>,
    %get3A_1190 = vector.shape_cast %get3A_1189 : vector<16xi32> to vector<16xi32>
    %get3A_1191 = arith.constant 16 : index
    %get3A_1192 = tpu.vector_load %arg7[%get3A_1191] {strides = array<i32>} : memref<224xi32, #tpu.memory_space<vmem>>, vector<16xi32>,
    %get3A_1193 = vector.shape_cast %get3A_1192 : vector<16xi32> to vector<16xi32>
    %ge3A_1194 = vector.broadcast %mul3A_655 : i32 to vector<16xi32>
    %ge3A_1195 = arith.cmpi sge, %get3A_1190, %ge3A_1194 : vector<16xi32>
    %add3A_1196 = arith.constant 12544 : i32
    %add3A_1197 = arith.addi %mul3A_655, %add3A_1196 : i32
    %lt3A_1198 = vector.broadcast %add3A_1197 : i32 to vector<16xi32>
    %lt3A_1199 = arith.cmpi slt, %get3A_1190, %lt3A_1198 : vector<16xi32>
    %and3A_1200 = arith.andi %ge3A_1195, %lt3A_1199 : vector<16xi1>
    %jit3A_1201 = arith.constant -1 : i32
    %broadcast_in_dim3A_1202 = vector.broadcast %jit3A_1201 : i32 to vector<16xi32>
    %select_n3A_1203 = arith.select %and3A_1200, %get3A_1193, %broadcast_in_dim3A_1202 : vector<16xi1>, vector<16xi32>
    %swap3A_1204 = arith.constant 16 : index
    %swap3A_1205 = tpu.vector_load %arg11[%swap3A_1204] {strides = array<i32>} : memref<112xi32, #tpu.memory_space<vmem>>, vector<16xi32>,
    %swap3A_1206 = vector.shape_cast %swap3A_1205 : vector<16xi32> to vector<16xi32>
    %swap3A_1207 = vector.shape_cast %select_n3A_1203 : vector<16xi32> to vector<16xi32>
    tpu.vector_store %arg11[%swap3A_1204], %swap3A_1207 {strides = array<i32>} : memref<112xi32, #tpu.memory_space<vmem>>, vector<16xi32>,
    %sub3A_1208 = vector.broadcast %mul3A_655 : i32 to vector<16xi32>
    %sub3A_1209 = arith.subi %get3A_1190, %sub3A_1208 : vector<16xi32>
    %jit3A_1210 = arith.constant -1 : i32
    %broadcast_in_dim3A_1211 = vector.broadcast %jit3A_1210 : i32 to vector<16xi32>
    %select_n3A_1212 = arith.select %and3A_1200, %sub3A_1209, %broadcast_in_dim3A_1211 : vector<16xi1>, vector<16xi32>
    %swap3A_1213 = arith.constant 16 : index
    %swap3A_1214 = tpu.vector_load %arg15[%swap3A_1213] {strides = array<i32>} : memref<112xi32, #tpu.memory_space<vmem>>, vector<16xi32>,
    %swap3A_1215 = vector.shape_cast %swap3A_1214 : vector<16xi32> to vector<16xi32>
    %swap3A_1216 = vector.shape_cast %select_n3A_1212 : vector<16xi32> to vector<16xi32>
    tpu.vector_store %arg15[%swap3A_1213], %swap3A_1216 {strides = array<i32>} : memref<112xi32, #tpu.memory_space<vmem>>, vector<16xi32>,
    %get3A_1217 = arith.constant 32 : index
    %get3A_1218 = tpu.vector_load %arg9[%get3A_1217] {strides = array<i32>} : memref<224xi32, #tpu.memory_space<vmem>>, vector<16xi32>,
    %get3A_1219 = vector.shape_cast %get3A_1218 : vector<16xi32> to vector<16xi32>
    %get3A_1220 = arith.constant 32 : index
    %get3A_1221 = tpu.vector_load %arg7[%get3A_1220] {strides = array<i32>} : memref<224xi32, #tpu.memory_space<vmem>>, vector<16xi32>,
    %get3A_1222 = vector.shape_cast %get3A_1221 : vector<16xi32> to vector<16xi32>
    %ge3A_1223 = vector.broadcast %mul3A_655 : i32 to vector<16xi32>
    %ge3A_1224 = arith.cmpi sge, %get3A_1219, %ge3A_1223 : vector<16xi32>
    %add3A_1225 = arith.constant 12544 : i32
    %add3A_1226 = arith.addi %mul3A_655, %add3A_1225 : i32
    %lt3A_1227 = vector.broadcast %add3A_1226 : i32 to vector<16xi32>
    %lt3A_1228 = arith.cmpi slt, %get3A_1219, %lt3A_1227 : vector<16xi32>
    %and3A_1229 = arith.andi %ge3A_1224, %lt3A_1228 : vector<16xi1>
    %jit3A_1230 = arith.constant -1 : i32
    %broadcast_in_dim3A_1231 = vector.broadcast %jit3A_1230 : i32 to vector<16xi32>
    %select_n3A_1232 = arith.select %and3A_1229, %get3A_1222, %broadcast_in_dim3A_1231 : vector<16xi1>, vector<16xi32>
    %swap3A_1233 = arith.constant 32 : index
    %swap3A_1234 = tpu.vector_load %arg11[%swap3A_1233] {strides = array<i32>} : memref<112xi32, #tpu.memory_space<vmem>>, vector<16xi32>,
    %swap3A_1235 = vector.shape_cast %swap3A_1234 : vector<16xi32> to vector<16xi32>
    %swap3A_1236 = vector.shape_cast %select_n3A_1232 : vector<16xi32> to vector<16xi32>
    tpu.vector_store %arg11[%swap3A_1233], %swap3A_1236 {strides = array<i32>} : memref<112xi32, #tpu.memory_space<vmem>>, vector<16xi32>,
    %sub3A_1237 = vector.broadcast %mul3A_655 : i32 to vector<16xi32>
    %sub3A_1238 = arith.subi %get3A_1219, %sub3A_1237 : vector<16xi32>
    %jit3A_1239 = arith.constant -1 : i32
    %broadcast_in_dim3A_1240 = vector.broadcast %jit3A_1239 : i32 to vector<16xi32>
    %select_n3A_1241 = arith.select %and3A_1229, %sub3A_1238, %broadcast_in_dim3A_1240 : vector<16xi1>, vector<16xi32>
    %swap3A_1242 = arith.constant 32 : index
    %swap3A_1243 = tpu.vector_load %arg15[%swap3A_1242] {strides = array<i32>} : memref<112xi32, #tpu.memory_space<vmem>>, vector<16xi32>,
    %swap3A_1244 = vector.shape_cast %swap3A_1243 : vector<16xi32> to vector<16xi32>
    %swap3A_1245 = vector.shape_cast %select_n3A_1241 : vector<16xi32> to vector<16xi32>
    tpu.vector_store %arg15[%swap3A_1242], %swap3A_1245 {strides = array<i32>} : memref<112xi32, #tpu.memory_space<vmem>>, vector<16xi32>,
    %broadcast_in_dim3A_1246 = arith.constant -1 : i32
    %broadcast_in_dim3A_1247 = vector.broadcast %broadcast_in_dim3A_1246 : i32 to vector<16xi32>
    %swap3A_1248 = arith.constant 48 : index
    %swap3A_1249 = tpu.vector_load %arg11[%swap3A_1248] {strides = array<i32>} : memref<112xi32, #tpu.memory_space<vmem>>, vector<16xi32>,
    %swap3A_1250 = vector.shape_cast %swap3A_1249 : vector<16xi32> to vector<16xi32>
    %swap3A_1251 = vector.shape_cast %broadcast_in_dim3A_1247 : vector<16xi32> to vector<16xi32>
    tpu.vector_store %arg11[%swap3A_1248], %swap3A_1251 {strides = array<i32>} : memref<112xi32, #tpu.memory_space<vmem>>, vector<16xi32>,
    %broadcast_in_dim3A_1252 = arith.constant -1 : i32
    %broadcast_in_dim3A_1253 = vector.broadcast %broadcast_in_dim3A_1252 : i32 to vector<16xi32>
    %swap3A_1254 = arith.constant 48 : index
    %swap3A_1255 = tpu.vector_load %arg15[%swap3A_1254] {strides = array<i32>} : memref<112xi32, #tpu.memory_space<vmem>>, vector<16xi32>,
    %swap3A_1256 = vector.shape_cast %swap3A_1255 : vector<16xi32> to vector<16xi32>
    %swap3A_1257 = vector.shape_cast %broadcast_in_dim3A_1253 : vector<16xi32> to vector<16xi32>
    tpu.vector_store %arg15[%swap3A_1254], %swap3A_1257 {strides = array<i32>} : memref<112xi32, #tpu.memory_space<vmem>>, vector<16xi32>,
    %broadcast_in_dim3A_1258 = arith.constant -1 : i32
    %broadcast_in_dim3A_1259 = vector.broadcast %broadcast_in_dim3A_1258 : i32 to vector<16xi32>
    %swap3A_1260 = arith.constant 64 : index
    %swap3A_1261 = tpu.vector_load %arg11[%swap3A_1260] {strides = array<i32>} : memref<112xi32, #tpu.memory_space<vmem>>, vector<16xi32>,
    %swap3A_1262 = vector.shape_cast %swap3A_1261 : vector<16xi32> to vector<16xi32>
    %swap3A_1263 = vector.shape_cast %broadcast_in_dim3A_1259 : vector<16xi32> to vector<16xi32>
    tpu.vector_store %arg11[%swap3A_1260], %swap3A_1263 {strides = array<i32>} : memref<112xi32, #tpu.memory_space<vmem>>, vector<16xi32>,
    %broadcast_in_dim3A_1264 = arith.constant -1 : i32
    %broadcast_in_dim3A_1265 = vector.broadcast %broadcast_in_dim3A_1264 : i32 to vector<16xi32>
    %swap3A_1266 = arith.constant 64 : index
    %swap3A_1267 = tpu.vector_load %arg15[%swap3A_1266] {strides = array<i32>} : memref<112xi32, #tpu.memory_space<vmem>>, vector<16xi32>,
    %swap3A_1268 = vector.shape_cast %swap3A_1267 : vector<16xi32> to vector<16xi32>
    %swap3A_1269 = vector.shape_cast %broadcast_in_dim3A_1265 : vector<16xi32> to vector<16xi32>
    tpu.vector_store %arg15[%swap3A_1266], %swap3A_1269 {strides = array<i32>} : memref<112xi32, #tpu.memory_space<vmem>>, vector<16xi32>,
    %broadcast_in_dim3A_1270 = arith.constant -1 : i32
    %broadcast_in_dim3A_1271 = vector.broadcast %broadcast_in_dim3A_1270 : i32 to vector<16xi32>
    %swap3A_1272 = arith.constant 80 : index
    %swap3A_1273 = tpu.vector_load %arg11[%swap3A_1272] {strides = array<i32>} : memref<112xi32, #tpu.memory_space<vmem>>, vector<16xi32>,
    %swap3A_1274 = vector.shape_cast %swap3A_1273 : vector<16xi32> to vector<16xi32>
    %swap3A_1275 = vector.shape_cast %broadcast_in_dim3A_1271 : vector<16xi32> to vector<16xi32>
    tpu.vector_store %arg11[%swap3A_1272], %swap3A_1275 {strides = array<i32>} : memref<112xi32, #tpu.memory_space<vmem>>, vector<16xi32>,
    %broadcast_in_dim3A_1276 = arith.constant -1 : i32
    %broadcast_in_dim3A_1277 = vector.broadcast %broadcast_in_dim3A_1276 : i32 to vector<16xi32>
    %swap3A_1278 = arith.constant 80 : index
    %swap3A_1279 = tpu.vector_load %arg15[%swap3A_1278] {strides = array<i32>} : memref<112xi32, #tpu.memory_space<vmem>>, vector<16xi32>,
    %swap3A_1280 = vector.shape_cast %swap3A_1279 : vector<16xi32> to vector<16xi32>
    %swap3A_1281 = vector.shape_cast %broadcast_in_dim3A_1277 : vector<16xi32> to vector<16xi32>
    tpu.vector_store %arg15[%swap3A_1278], %swap3A_1281 {strides = array<i32>} : memref<112xi32, #tpu.memory_space<vmem>>, vector<16xi32>,
    %broadcast_in_dim3A_1282 = arith.constant -1 : i32
    %broadcast_in_dim3A_1283 = vector.broadcast %broadcast_in_dim3A_1282 : i32 to vector<16xi32>
    %swap3A_1284 = arith.constant 96 : index
    %swap3A_1285 = tpu.vector_load %arg11[%swap3A_1284] {strides = array<i32>} : memref<112xi32, #tpu.memory_space<vmem>>, vector<16xi32>,
    %swap3A_1286 = vector.shape_cast %swap3A_1285 : vector<16xi32> to vector<16xi32>
    %swap3A_1287 = vector.shape_cast %broadcast_in_dim3A_1283 : vector<16xi32> to vector<16xi32>
    tpu.vector_store %arg11[%swap3A_1284], %swap3A_1287 {strides = array<i32>} : memref<112xi32, #tpu.memory_space<vmem>>, vector<16xi32>,
    %broadcast_in_dim3A_1288 = arith.constant -1 : i32
    %broadcast_in_dim3A_1289 = vector.broadcast %broadcast_in_dim3A_1288 : i32 to vector<16xi32>
    %swap3A_1290 = arith.constant 96 : index
    %swap3A_1291 = tpu.vector_load %arg15[%swap3A_1290] {strides = array<i32>} : memref<112xi32, #tpu.memory_space<vmem>>, vector<16xi32>,
    %swap3A_1292 = vector.shape_cast %swap3A_1291 : vector<16xi32> to vector<16xi32>
    %swap3A_1293 = vector.shape_cast %broadcast_in_dim3A_1289 : vector<16xi32> to vector<16xi32>
    tpu.vector_store %arg15[%swap3A_1290], %swap3A_1293 {strides = array<i32>} : memref<112xi32, #tpu.memory_space<vmem>>, vector<16xi32>,
    %dma_start3A_1294 = arith.constant 0 : i32
    %dma_start3A_1295 = arith.constant 0 : i32
    %dma_start3A_1296 = arith.constant 0 : i32
    %dma_start3A_1297 = tpu.memref_slice %arg19[%dma_start3A_1294, %dma_start3A_1295, %dma_start3A_1296] : memref<2x112x128xf32, #tpu.memory_space<vmem>> -> memref<1x112x128xf32, #tpu.memory_space<vmem>>
    %dma_start3A_1298 = tpu.memref_squeeze %dma_start3A_1297 : memref<1x112x128xf32, #tpu.memory_space<vmem>> -> memref<112x128xf32, #tpu.memory_space<vmem>>
    %dma_start3A_1299 = arith.constant 0 : i32
    %dma_start3A_1300 = arith.constant 0 : i32
    %dma_start3A_1301 = tpu.memref_slice %arg2[%dma_start3A_1299, %dma_start3A_1300] : memref<50176x128xf32, #tpu.memory_space<hbm>> -> memref<50176x128xf32, #tpu.memory_space<hbm>>
    %dma_start3A_1302 = arith.constant -1 : i32
    tpu.enqueue_indirect_dma source(%dma_start3A_1301 : memref<50176x128xf32, #tpu.memory_space<hbm>>) target(%dma_start3A_1298 : memref<112x128xf32, #tpu.memory_space<vmem>>) offsets(%arg11 : memref<112xi32, #tpu.memory_space<vmem>>) offset_filter(%dma_start3A_1302) semaphore(%arg20 : memref<!tpu.dma_semaphore, #tpu.memory_space<semaphore_mem>>)
    %dma_wait3A_1303 = arith.constant 0 : i32
    %dma_wait3A_1304 = arith.constant 0 : i32
    %dma_wait3A_1305 = arith.constant 0 : i32
    %dma_wait3A_1306 = tpu.memref_slice %arg19[%dma_wait3A_1303, %dma_wait3A_1304, %dma_wait3A_1305] : memref<2x112x128xf32, #tpu.memory_space<vmem>> -> memref<1x112x128xf32, #tpu.memory_space<vmem>>
    %dma_wait3A_1307 = tpu.memref_squeeze %dma_wait3A_1306 : memref<1x112x128xf32, #tpu.memory_space<vmem>> -> memref<112x128xf32, #tpu.memory_space<vmem>>
    %dma_wait3A_1308 = arith.constant 0 : i32
    %dma_wait3A_1309 = arith.constant 0 : i32
    %dma_wait3A_1310 = tpu.memref_slice %arg2[%dma_wait3A_1308, %dma_wait3A_1309] : memref<50176x128xf32, #tpu.memory_space<hbm>> -> memref<50176x128xf32, #tpu.memory_space<hbm>>
    tpu.wait_indirect_dma semaphore(%arg20 : memref<!tpu.dma_semaphore, #tpu.memory_space<semaphore_mem>>) src(%dma_wait3A_1310 : memref<50176x128xf32, #tpu.memory_space<hbm>>) dst(%dma_wait3A_1307 : memref<112x128xf32, #tpu.memory_space<vmem>>)
    %run_scoped3A_1311 = arith.constant 0 : i32
    "tpu.region"() ({
      %run_scoped3A_1319 = tpu.sem_alloc : memref<!tpu.dma_semaphore, #tpu.memory_space<semaphore_mem>>
      %dma_start3A_1320 = arith.constant 0 : i32
      %dma_start3A_1321 = arith.constant 0 : i32
      %dma_start3A_1322 = tpu.memref_slice %arg19[%run_scoped3A_1311, %dma_start3A_1320, %dma_start3A_1321] : memref<2x112x128xf32, #tpu.memory_space<vmem>> -> memref<1x112x128xf32, #tpu.memory_space<vmem>>
      %dma_start3A_1323 = tpu.memref_squeeze %dma_start3A_1322 : memref<1x112x128xf32, #tpu.memory_space<vmem>> -> memref<112x128xf32, #tpu.memory_space<vmem>>
      %dma_start3A_1324 = arith.constant 0 : i32
      %dma_start3A_1325 = arith.constant 0 : i32
      %dma_start3A_1326 = tpu.memref_slice %arg26[%dma_start3A_1324, %dma_start3A_1325] : memref<12544x128xf32, #tpu.memory_space<vmem_shared>> -> memref<12544x128xf32, #tpu.memory_space<vmem_shared>>
      %dma_start3A_1327 = arith.constant -1 : i32
      tpu.enqueue_indirect_dma source(%dma_start3A_1323 : memref<112x128xf32, #tpu.memory_space<vmem>>) target(%dma_start3A_1326 : memref<12544x128xf32, #tpu.memory_space<vmem_shared>>) offsets(%arg15 : memref<112xi32, #tpu.memory_space<vmem>>) offset_filter(%dma_start3A_1327) semaphore(%run_scoped3A_1319 : memref<!tpu.dma_semaphore, #tpu.memory_space<semaphore_mem>>) {add = true}
      %dma_wait3A_1328 = arith.constant 0 : i32
      %dma_wait3A_1329 = arith.constant 0 : i32
      %dma_wait3A_1330 = tpu.memref_slice %arg19[%run_scoped3A_1311, %dma_wait3A_1328, %dma_wait3A_1329] : memref<2x112x128xf32, #tpu.memory_space<vmem>> -> memref<1x112x128xf32, #tpu.memory_space<vmem>>
      %dma_wait3A_1331 = tpu.memref_squeeze %dma_wait3A_1330 : memref<1x112x128xf32, #tpu.memory_space<vmem>> -> memref<112x128xf32, #tpu.memory_space<vmem>>
      %dma_wait3A_1332 = arith.constant 0 : i32
      %dma_wait3A_1333 = arith.constant 0 : i32
      %dma_wait3A_1334 = tpu.memref_slice %arg26[%dma_wait3A_1332, %dma_wait3A_1333] : memref<12544x128xf32, #tpu.memory_space<vmem_shared>> -> memref<12544x128xf32, #tpu.memory_space<vmem_shared>>
      tpu.wait_indirect_dma semaphore(%run_scoped3A_1319 : memref<!tpu.dma_semaphore, #tpu.memory_space<semaphore_mem>>) src(%dma_wait3A_1331 : memref<112x128xf32, #tpu.memory_space<vmem>>) dst(%dma_wait3A_1334 : memref<12544x128xf32, #tpu.memory_space<vmem_shared>>)
      tpu.yield
    }) : () -> ()
    %barrier3A_1312 = arith.constant 0 : index
    tpu.barrier barrier_id(%barrier3A_1312)
    %mul3A_1313 = arith.constant 784 : i32
    %mul3A_1314 = arith.muli %arg1, %mul3A_1313 : i32
    %mul3A_1315 = arith.constant 784 : i32
    %mul3A_1316 = arith.muli %arg1, %mul3A_1315 : i32
    %add3A_1317 = arith.addi %mul3A_655, %mul3A_1316 : i32
    "tpu.region"() ({
      %run_scoped3A_1319 = tpu.sem_alloc : memref<!tpu.dma_semaphore, #tpu.memory_space<semaphore_mem>>
      %dma_start3A_1320 = arith.constant 0 : i32
      %dma_start3A_1321 = tpu.memref_slice %arg6[%add3A_1317, %dma_start3A_1320] : memref<50176x128xf32, #tpu.memory_space<hbm>> -> memref<784x128xf32, #tpu.memory_space<hbm>>
      %dma_start3A_1322 = arith.constant 0 : i32
      %dma_start3A_1323 = tpu.memref_slice %arg26[%mul3A_1314, %dma_start3A_1322] : memref<12544x128xf32, #tpu.memory_space<vmem_shared>> -> memref<784x128xf32, #tpu.memory_space<vmem_shared>>
      tpu.enqueue_dma source(%dma_start3A_1323 : memref<784x128xf32, #tpu.memory_space<vmem_shared>>) target(%dma_start3A_1321 : memref<784x128xf32, #tpu.memory_space<hbm>>) target_semaphore(%run_scoped3A_1319 : memref<!tpu.dma_semaphore, #tpu.memory_space<semaphore_mem>>)
      %dma_wait3A_1324 = arith.constant 0 : i32
      %dma_wait3A_1325 = tpu.memref_slice %arg6[%add3A_1317, %dma_wait3A_1324] : memref<50176x128xf32, #tpu.memory_space<hbm>> -> memref<784x128xf32, #tpu.memory_space<hbm>>
      %dma_wait3A_1326 = arith.constant 0 : i32
      %dma_wait3A_1327 = tpu.memref_slice %arg26[%mul3A_1314, %dma_wait3A_1326] : memref<12544x128xf32, #tpu.memory_space<vmem_shared>> -> memref<784x128xf32, #tpu.memory_space<vmem_shared>>
      tpu.wait_dma2 semaphore(%run_scoped3A_1319 : memref<!tpu.dma_semaphore, #tpu.memory_space<semaphore_mem>>) src(%dma_wait3A_1327 : memref<784x128xf32, #tpu.memory_space<vmem_shared>>) dst(%dma_wait3A_1325 : memref<784x128xf32, #tpu.memory_space<hbm>>)
      tpu.yield
    }) : () -> ()
    %barrier3A_1318 = arith.constant 0 : index
    tpu.barrier barrier_id(%barrier3A_1318)
    return
  }
}

module attributes {stable_mosaic.version = 14 : i64} {
  func.func @_mlin_body(%arg0: i32, %arg1: memref<256x128xf32, #tpu.memory_space<vmem>>, %arg2: memref<256x1xf32, #tpu.memory_space<vmem>>, %arg3: memref<128x128xf32, #tpu.memory_space<vmem>>, %arg4: memref<1x128xf32, #tpu.memory_space<vmem>>, %arg5: memref<1x128xf32, #tpu.memory_space<vmem>>, %arg6: memref<256x128xf32, #tpu.memory_space<vmem>>) attributes {dimension_semantics = [#tpu.dimension_semantics<arbitrary>], iteration_bounds = array<i64: 196>, scalar_prefetch = 0 : i64, scratch_operands = 0 : i64, tpu.core_type = #tpu.core_type<tc>, window_params = [{transform_indices = @transform_0, window_bounds = array<i64: 256, 128>}, {transform_indices = @transform_1, window_bounds = array<i64: 256, 1>}, {pipeline_mode = #tpu.pipeline_mode<synchronous>, transform_indices = @transform_2, window_bounds = array<i64: 128, 128>}, {pipeline_mode = #tpu.pipeline_mode<synchronous>, transform_indices = @transform_3, window_bounds = array<i64: 1, 128>}, {pipeline_mode = #tpu.pipeline_mode<synchronous>, transform_indices = @transform_4, window_bounds = array<i64: 1, 128>}, {transform_indices = @transform_5, window_bounds = array<i64: 256, 128>}]} {
    %get3A = arith.constant 0 : index
    %get3A_0 = arith.constant 0 : index
    %get3A_1 = vector.load %arg1[%get3A, %get3A_0] : memref<256x128xf32, #tpu.memory_space<vmem>>, vector<256x128xf32>
    %get3A_2 = arith.constant 0 : index
    %get3A_3 = arith.constant 0 : index
    %get3A_4 = vector.load %arg3[%get3A_2, %get3A_3] : memref<128x128xf32, #tpu.memory_space<vmem>>, vector<128x128xf32>
    %dot_general3A = arith.constant dense<0.000000e+00> : vector<256x128xf32>
    %dot_general3A_5 = tpu.matmul %get3A_1, %get3A_4, %dot_general3A {dimension_numbers = #tpu.dot_dimension_numbers<[1], [0], [0], [1], [0, 0, 1, 1], [], []>, transpose_lhs_hint = false} : vector<256x128xf32>, vector<128x128xf32>, vector<256x128xf32> -> vector<256x128xf32>
    %get3A_6 = arith.constant 0 : index
    %get3A_7 = arith.constant 0 : index
    %get3A_8 = vector.load %arg2[%get3A_6, %get3A_7] : memref<256x1xf32, #tpu.memory_space<vmem>>, vector<256x1xf32>
    %get3A_9 = arith.constant 0 : index
    %get3A_10 = arith.constant 0 : index
    %get3A_11 = vector.load %arg4[%get3A_9, %get3A_10] : memref<1x128xf32, #tpu.memory_space<vmem>>, vector<1x128xf32>
    %mul3A = vector.broadcast %get3A_8 : vector<256x1xf32> to vector<256x128xf32>
    %mul3A_12 = vector.broadcast %get3A_11 : vector<1x128xf32> to vector<256x128xf32>
    %mul3A_13 = arith.mulf %mul3A, %mul3A_12 : vector<256x128xf32>
    %add3A = arith.addf %dot_general3A_5, %mul3A_13 : vector<256x128xf32>
    %get3A_14 = arith.constant 0 : index
    %get3A_15 = arith.constant 0 : index
    %get3A_16 = vector.load %arg5[%get3A_14, %get3A_15] : memref<1x128xf32, #tpu.memory_space<vmem>>, vector<1x128xf32>
    %add3A_17 = vector.broadcast %get3A_16 : vector<1x128xf32> to vector<256x128xf32>
    %add3A_18 = arith.addf %add3A, %add3A_17 : vector<256x128xf32>
    %swap3A = arith.constant 0 : index
    %swap3A_19 = arith.constant 0 : index
    %swap3A_20 = vector.load %arg6[%swap3A, %swap3A_19] : memref<256x128xf32, #tpu.memory_space<vmem>>, vector<256x128xf32>
    tpu.vector_store %arg6[%swap3A, %swap3A_19], %add3A_18 {strides = array<i32>} : memref<256x128xf32, #tpu.memory_space<vmem>>, vector<256x128xf32>,
    return
  }
  func.func @transform_0(%arg0: i32) -> (i32, i32) {
    %c0_i32 = arith.constant 0 : i32
    %c0_i32_0 = arith.constant 0 : i32
    return %arg0, %c0_i32 : i32, i32
  }
  func.func @transform_1(%arg0: i32) -> (i32, i32) {
    %c0_i32 = arith.constant 0 : i32
    %c0_i32_0 = arith.constant 0 : i32
    return %arg0, %c0_i32 : i32, i32
  }
  func.func @transform_2(%arg0: i32) -> (i32, i32) {
    %c0_i32 = arith.constant 0 : i32
    %c0_i32_0 = arith.constant 0 : i32
    %c0_i32_1 = arith.constant 0 : i32
    return %c0_i32, %c0_i32_0 : i32, i32
  }
  func.func @transform_3(%arg0: i32) -> (i32, i32) {
    %c0_i32 = arith.constant 0 : i32
    %c0_i32_0 = arith.constant 0 : i32
    %c0_i32_1 = arith.constant 0 : i32
    return %c0_i32, %c0_i32_0 : i32, i32
  }
  func.func @transform_4(%arg0: i32) -> (i32, i32) {
    %c0_i32 = arith.constant 0 : i32
    %c0_i32_0 = arith.constant 0 : i32
    %c0_i32_1 = arith.constant 0 : i32
    return %c0_i32, %c0_i32_0 : i32, i32
  }
  func.func @transform_5(%arg0: i32) -> (i32, i32) {
    %c0_i32 = arith.constant 0 : i32
    %c0_i32_0 = arith.constant 0 : i32
    return %arg0, %c0_i32 : i32, i32
  }
}

module attributes {stable_mosaic.version = 14 : i64} {
  func.func @_gru_body(%arg0: i32, %arg1: memref<256x128xf32, #tpu.memory_space<vmem>>, %arg2: memref<256x128xf32, #tpu.memory_space<vmem>>, %arg3: memref<128x384xf32, #tpu.memory_space<vmem>>, %arg4: memref<128x384xf32, #tpu.memory_space<vmem>>, %arg5: memref<1x384xf32, #tpu.memory_space<vmem>>, %arg6: memref<1x384xf32, #tpu.memory_space<vmem>>, %arg7: memref<256x128xf32, #tpu.memory_space<vmem>>) attributes {dimension_semantics = [#tpu.dimension_semantics<arbitrary>], iteration_bounds = array<i64: 196>, scalar_prefetch = 0 : i64, scratch_operands = 0 : i64, tpu.core_type = #tpu.core_type<tc>, window_params = [{transform_indices = @transform_0, window_bounds = array<i64: 256, 128>}, {transform_indices = @transform_1, window_bounds = array<i64: 256, 128>}, {pipeline_mode = #tpu.pipeline_mode<synchronous>, transform_indices = @transform_2, window_bounds = array<i64: 128, 384>}, {pipeline_mode = #tpu.pipeline_mode<synchronous>, transform_indices = @transform_3, window_bounds = array<i64: 128, 384>}, {pipeline_mode = #tpu.pipeline_mode<synchronous>, transform_indices = @transform_4, window_bounds = array<i64: 1, 384>}, {pipeline_mode = #tpu.pipeline_mode<synchronous>, transform_indices = @transform_5, window_bounds = array<i64: 1, 384>}, {transform_indices = @transform_6, window_bounds = array<i64: 256, 128>}]} {
    %get3A = arith.constant 0 : index
    %get3A_0 = arith.constant 0 : index
    %get3A_1 = vector.load %arg1[%get3A, %get3A_0] : memref<256x128xf32, #tpu.memory_space<vmem>>, vector<256x128xf32>
    %get3A_2 = arith.constant 0 : index
    %get3A_3 = arith.constant 0 : index
    %get3A_4 = vector.load %arg2[%get3A_2, %get3A_3] : memref<256x128xf32, #tpu.memory_space<vmem>>, vector<256x128xf32>
    %slice3A = vector.extract_strided_slice %get3A_1 {offsets = [0, 100], sizes = [256, 1], strides = [1, 1]} : vector<256x128xf32> to vector<256x1xf32>
    %max3A = arith.constant 1.000000e+00 : f32
    %max3A_5 = vector.broadcast %max3A : f32 to vector<256x1xf32>
    %max3A_6 = arith.maximumf %slice3A, %max3A_5 : vector<256x1xf32>
    %div3A = arith.constant 1.000000e+00 : f32
    %div3A_7 = vector.broadcast %div3A : f32 to vector<256x1xf32>
    %div3A_8 = arith.divf %div3A_7, %max3A_6 : vector<256x1xf32>
    %mul3A = vector.broadcast %div3A_8 : vector<256x1xf32> to vector<256x128xf32>
    %mul3A_9 = arith.mulf %get3A_1, %mul3A : vector<256x128xf32>
    %get3A_10 = arith.constant 0 : index
    %get3A_11 = arith.constant 0 : index
    %get3A_12 = vector.load %arg3[%get3A_10, %get3A_11] : memref<128x384xf32, #tpu.memory_space<vmem>>, vector<128x384xf32>
    %dot_general3A = arith.constant dense<0.000000e+00> : vector<256x384xf32>
    %dot_general3A_13 = tpu.matmul %mul3A_9, %get3A_12, %dot_general3A {dimension_numbers = #tpu.dot_dimension_numbers<[1], [0], [0], [1], [0, 0, 1, 1], [], []>, transpose_lhs_hint = false} : vector<256x128xf32>, vector<128x384xf32>, vector<256x384xf32> -> vector<256x384xf32>
    %get3A_14 = arith.constant 0 : index
    %get3A_15 = arith.constant 0 : index
    %get3A_16 = vector.load %arg5[%get3A_14, %get3A_15] : memref<1x384xf32, #tpu.memory_space<vmem>>, vector<1x384xf32>
    %add3A = vector.broadcast %get3A_16 : vector<1x384xf32> to vector<256x384xf32>
    %add3A_17 = arith.addf %dot_general3A_13, %add3A : vector<256x384xf32>
    %get3A_18 = arith.constant 0 : index
    %get3A_19 = arith.constant 0 : index
    %get3A_20 = vector.load %arg4[%get3A_18, %get3A_19] : memref<128x384xf32, #tpu.memory_space<vmem>>, vector<128x384xf32>
    %dot_general3A_21 = arith.constant dense<0.000000e+00> : vector<256x384xf32>
    %dot_general3A_22 = tpu.matmul %get3A_4, %get3A_20, %dot_general3A_21 {dimension_numbers = #tpu.dot_dimension_numbers<[1], [0], [0], [1], [0, 0, 1, 1], [], []>, transpose_lhs_hint = false} : vector<256x128xf32>, vector<128x384xf32>, vector<256x384xf32> -> vector<256x384xf32>
    %get3A_23 = arith.constant 0 : index
    %get3A_24 = arith.constant 0 : index
    %get3A_25 = vector.load %arg6[%get3A_23, %get3A_24] : memref<1x384xf32, #tpu.memory_space<vmem>>, vector<1x384xf32>
    %add3A_26 = vector.broadcast %get3A_25 : vector<1x384xf32> to vector<256x384xf32>
    %add3A_27 = arith.addf %dot_general3A_22, %add3A_26 : vector<256x384xf32>
    %slice3A_28 = vector.extract_strided_slice %add3A_17 {offsets = [0, 0], sizes = [256, 128], strides = [1, 1]} : vector<256x384xf32> to vector<256x128xf32>
    %slice3A_29 = vector.extract_strided_slice %add3A_27 {offsets = [0, 0], sizes = [256, 128], strides = [1, 1]} : vector<256x384xf32> to vector<256x128xf32>
    %add3A_30 = arith.addf %slice3A_28, %slice3A_29 : vector<256x128xf32>
    %logistic3A = arith.negf %add3A_30 : vector<256x128xf32>
    %logistic3A_31 = math.exp %logistic3A : vector<256x128xf32>
    %logistic3A_32 = arith.constant 1.000000e+00 : f32
    %logistic3A_33 = vector.broadcast %logistic3A_32 : f32 to vector<256x128xf32>
    %logistic3A_34 = arith.addf %logistic3A_33, %logistic3A_31 : vector<256x128xf32>
    %logistic3A_35 = arith.divf %logistic3A_33, %logistic3A_34 : vector<256x128xf32>
    %slice3A_36 = vector.extract_strided_slice %add3A_17 {offsets = [0, 128], sizes = [256, 128], strides = [1, 1]} : vector<256x384xf32> to vector<256x128xf32>
    %slice3A_37 = vector.extract_strided_slice %add3A_27 {offsets = [0, 128], sizes = [256, 128], strides = [1, 1]} : vector<256x384xf32> to vector<256x128xf32>
    %add3A_38 = arith.addf %slice3A_36, %slice3A_37 : vector<256x128xf32>
    %logistic3A_39 = arith.negf %add3A_38 : vector<256x128xf32>
    %logistic3A_40 = math.exp %logistic3A_39 : vector<256x128xf32>
    %logistic3A_41 = arith.constant 1.000000e+00 : f32
    %logistic3A_42 = vector.broadcast %logistic3A_41 : f32 to vector<256x128xf32>
    %logistic3A_43 = arith.addf %logistic3A_42, %logistic3A_40 : vector<256x128xf32>
    %logistic3A_44 = arith.divf %logistic3A_42, %logistic3A_43 : vector<256x128xf32>
    %slice3A_45 = vector.extract_strided_slice %add3A_17 {offsets = [0, 256], sizes = [256, 128], strides = [1, 1]} : vector<256x384xf32> to vector<256x128xf32>
    %slice3A_46 = vector.extract_strided_slice %add3A_27 {offsets = [0, 256], sizes = [256, 128], strides = [1, 1]} : vector<256x384xf32> to vector<256x128xf32>
    %mul3A_47 = arith.mulf %logistic3A_35, %slice3A_46 : vector<256x128xf32>
    %add3A_48 = arith.addf %slice3A_45, %mul3A_47 : vector<256x128xf32>
    %tanh3A = math.tanh %add3A_48 : vector<256x128xf32>
    %sub3A = arith.constant 1.000000e+00 : f32
    %sub3A_49 = vector.broadcast %sub3A : f32 to vector<256x128xf32>
    %sub3A_50 = arith.subf %sub3A_49, %logistic3A_44 : vector<256x128xf32>
    %mul3A_51 = arith.mulf %sub3A_50, %tanh3A : vector<256x128xf32>
    %mul3A_52 = arith.mulf %logistic3A_44, %get3A_4 : vector<256x128xf32>
    %add3A_53 = arith.addf %mul3A_51, %mul3A_52 : vector<256x128xf32>
    %iota3A = tpu.iota {dimensions = array<i32: 1>} : vector<256x128xi32>
    %eq3A = arith.constant 100 : i32
    %eq3A_54 = vector.broadcast %eq3A : i32 to vector<256x128xi32>
    %eq3A_55 = arith.cmpi eq, %iota3A, %eq3A_54 : vector<256x128xi32>
    %jit3A = arith.constant 1.000000e+00 : f32
    %broadcast_in_dim3A = vector.broadcast %jit3A : f32 to vector<256x128xf32>
    %select_n3A = arith.select %eq3A_55, %broadcast_in_dim3A, %add3A_53 : vector<256x128xi1>, vector<256x128xf32>
    %swap3A = arith.constant 0 : index
    %swap3A_56 = arith.constant 0 : index
    %swap3A_57 = vector.load %arg7[%swap3A, %swap3A_56] : memref<256x128xf32, #tpu.memory_space<vmem>>, vector<256x128xf32>
    tpu.vector_store %arg7[%swap3A, %swap3A_56], %select_n3A {strides = array<i32>} : memref<256x128xf32, #tpu.memory_space<vmem>>, vector<256x128xf32>,
    return
  }
  func.func @transform_0(%arg0: i32) -> (i32, i32) {
    %c0_i32 = arith.constant 0 : i32
    %c0_i32_0 = arith.constant 0 : i32
    return %arg0, %c0_i32 : i32, i32
  }
  func.func @transform_1(%arg0: i32) -> (i32, i32) {
    %c0_i32 = arith.constant 0 : i32
    %c0_i32_0 = arith.constant 0 : i32
    return %arg0, %c0_i32 : i32, i32
  }
  func.func @transform_2(%arg0: i32) -> (i32, i32) {
    %c0_i32 = arith.constant 0 : i32
    %c0_i32_0 = arith.constant 0 : i32
    %c0_i32_1 = arith.constant 0 : i32
    return %c0_i32, %c0_i32_0 : i32, i32
  }
  func.func @transform_3(%arg0: i32) -> (i32, i32) {
    %c0_i32 = arith.constant 0 : i32
    %c0_i32_0 = arith.constant 0 : i32
    %c0_i32_1 = arith.constant 0 : i32
    return %c0_i32, %c0_i32_0 : i32, i32
  }
  func.func @transform_4(%arg0: i32) -> (i32, i32) {
    %c0_i32 = arith.constant 0 : i32
    %c0_i32_0 = arith.constant 0 : i32
    %c0_i32_1 = arith.constant 0 : i32
    return %c0_i32, %c0_i32_0 : i32, i32
  }
  func.func @transform_5(%arg0: i32) -> (i32, i32) {
    %c0_i32 = arith.constant 0 : i32
    %c0_i32_0 = arith.constant 0 : i32
    %c0_i32_1 = arith.constant 0 : i32
    return %c0_i32, %c0_i32_0 : i32, i32
  }
  func.func @transform_6(%arg0: i32) -> (i32, i32) {
    %c0_i32 = arith.constant 0 : i32
    %c0_i32_0 = arith.constant 0 : i32
    return %arg0, %c0_i32 : i32, i32
  }
}

module attributes {stable_mosaic.version = 14 : i64} {
  func.func @_fc_body(%arg0: i32, %arg1: memref<512x128xf32, #tpu.memory_space<vmem>>, %arg2: memref<512x128xf32, #tpu.memory_space<vmem>>, %arg3: memref<128x512xf32, #tpu.memory_space<vmem>>, %arg4: memref<1x512xf32, #tpu.memory_space<vmem>>, %arg5: memref<512x512xf32, #tpu.memory_space<vmem>>) attributes {dimension_semantics = [#tpu.dimension_semantics<arbitrary>], iteration_bounds = array<i64: 98>, scalar_prefetch = 0 : i64, scratch_operands = 0 : i64, tpu.core_type = #tpu.core_type<tc>, window_params = [{pipeline_mode = #tpu.pipeline_mode<synchronous>, transform_indices = @transform_0, window_bounds = array<i64: 512, 128>}, {pipeline_mode = #tpu.pipeline_mode<synchronous>, transform_indices = @transform_1, window_bounds = array<i64: 512, 128>}, {transform_indices = @transform_2, window_bounds = array<i64: 128, 512>}, {transform_indices = @transform_3, window_bounds = array<i64: 1, 512>}, {transform_indices = @transform_4, window_bounds = array<i64: 512, 512>}]} {
    %get3A = arith.constant 0 : index
    %get3A_0 = arith.constant 0 : index
    %get3A_1 = vector.load %arg1[%get3A, %get3A_0] : memref<512x128xf32, #tpu.memory_space<vmem>>, vector<512x128xf32>
    %get3A_2 = arith.constant 0 : index
    %get3A_3 = arith.constant 0 : index
    %get3A_4 = vector.load %arg2[%get3A_2, %get3A_3] : memref<512x128xf32, #tpu.memory_space<vmem>>, vector<512x128xf32>
    %add3A = arith.addf %get3A_1, %get3A_4 : vector<512x128xf32>
    %slice3A = vector.extract_strided_slice %add3A {offsets = [0, 100], sizes = [512, 1], strides = [1, 1]} : vector<512x128xf32> to vector<512x1xf32>
    %max3A = arith.constant 1.000000e+00 : f32
    %max3A_5 = vector.broadcast %max3A : f32 to vector<512x1xf32>
    %max3A_6 = arith.maximumf %slice3A, %max3A_5 : vector<512x1xf32>
    %div3A = arith.constant 1.000000e+00 : f32
    %div3A_7 = vector.broadcast %div3A : f32 to vector<512x1xf32>
    %div3A_8 = arith.divf %div3A_7, %max3A_6 : vector<512x1xf32>
    %mul3A = vector.broadcast %div3A_8 : vector<512x1xf32> to vector<512x128xf32>
    %mul3A_9 = arith.mulf %add3A, %mul3A : vector<512x128xf32>
    %get3A_10 = arith.constant 0 : index
    %get3A_11 = arith.constant 0 : index
    %get3A_12 = vector.load %arg3[%get3A_10, %get3A_11] : memref<128x512xf32, #tpu.memory_space<vmem>>, vector<128x512xf32>
    %dot_general3A = arith.constant dense<0.000000e+00> : vector<512x512xf32>
    %dot_general3A_13 = tpu.matmul %mul3A_9, %get3A_12, %dot_general3A {dimension_numbers = #tpu.dot_dimension_numbers<[1], [0], [0], [1], [0, 0, 1, 1], [], []>, transpose_lhs_hint = false} : vector<512x128xf32>, vector<128x512xf32>, vector<512x512xf32> -> vector<512x512xf32>
    %get3A_14 = arith.constant 0 : index
    %get3A_15 = arith.constant 0 : index
    %get3A_16 = vector.load %arg4[%get3A_14, %get3A_15] : memref<1x512xf32, #tpu.memory_space<vmem>>, vector<1x512xf32>
    %add3A_17 = vector.broadcast %get3A_16 : vector<1x512xf32> to vector<512x512xf32>
    %add3A_18 = arith.addf %dot_general3A_13, %add3A_17 : vector<512x512xf32>
    %swap3A = arith.constant 0 : index
    %swap3A_19 = arith.constant 0 : index
    %swap3A_20 = vector.load %arg5[%swap3A, %swap3A_19] : memref<512x512xf32, #tpu.memory_space<vmem>>, vector<512x512xf32>
    tpu.vector_store %arg5[%swap3A, %swap3A_19], %add3A_18 {strides = array<i32>} : memref<512x512xf32, #tpu.memory_space<vmem>>, vector<512x512xf32>,
    return
  }
  func.func @transform_0(%arg0: i32) -> (i32, i32) {
    %c0_i32 = arith.constant 0 : i32
    %c0_i32_0 = arith.constant 0 : i32
    %c0_i32_1 = arith.constant 0 : i32
    return %c0_i32, %c0_i32_0 : i32, i32
  }
  func.func @transform_1(%arg0: i32) -> (i32, i32) {
    %c0_i32 = arith.constant 0 : i32
    %c0_i32_0 = arith.constant 0 : i32
    %c0_i32_1 = arith.constant 0 : i32
    return %c0_i32, %c0_i32_0 : i32, i32
  }
  func.func @transform_2(%arg0: i32) -> (i32, i32) {
    %c0_i32 = arith.constant 0 : i32
    %c0_i32_0 = arith.constant 0 : i32
    return %c0_i32, %arg0 : i32, i32
  }
  func.func @transform_3(%arg0: i32) -> (i32, i32) {
    %c0_i32 = arith.constant 0 : i32
    %c0_i32_0 = arith.constant 0 : i32
    return %c0_i32, %arg0 : i32, i32
  }
  func.func @transform_4(%arg0: i32) -> (i32, i32) {
    %c0_i32 = arith.constant 0 : i32
    %c0_i32_0 = arith.constant 0 : i32
    return %c0_i32, %arg0 : i32, i32
  }
}

</mosaic_0001>

<sc_bundles>
// kernel: kernel.11.cloned.1.call-start
scs
__scs_entry_jumppad:
0x0: {  	(pc) =	sbr.rel $0x88, $3  }
0x1: {  	(tag) =	ssettag $0x0;
	lr =	simm.s32 $0x1  }
0x2: {  	[smem:$0x3F8C] =	sst lr;
	_ =	strace $0xD0000000  }
0x3: {  	_ = 	snop  }
0x4: {  	_ = 	snop  }
0x5: {  	_ = 	snop  }
0x6: {  	_ = 	snop  }
0x7: {  	_ = 	snop  }
__scs_overlays_trampoline_lowered:
0x8: {  	[smem:$0x3F9B] =	sst s0  }
0x9: {  	[smem:$0x3F9C] =	sst s1  }
0xa: {  	[smem:$0x3F9D] =	sst s2  }
0xb: {  	[smem:$0x3F9E] =	sst s3  }
0xc: {  	[smem:$0x3F9F] =	sst s4  }
0xd: {  	[smem:$0x3FA0] =	sst s5  }
0xe: {  	[smem:$0x3FA1] =	sst s6  }
0xf: {  	[smem:$0x3FA2] =	sst s7  }
0x10: {  	[smem:$0x3FA3] =	sst s8  }
0x11: {  	[smem:$0x3FA4] =	sst s9;
	s0 =	simm.s32 @!p0 $0x0  }
0x12: {  	s1 =	sld [smem:$0x3F8A];
	s0 =	simm.s32 @p0 $0x1  }
0x13: {  	[smem:$0x3FA5] =	sst s0;
	s0 =	simm.s32 @!p1 $0x0  }
0x14: {  	s2 =	sld [smem:$0x3F89];
	s0 =	simm.s32 @p1 $0x1  }
0x15: {  	[smem:$0x3FA6] =	sst s0;
	s0 =	simm.s32 @!p2 $0x0  }
0x16: {  	s3 =	sld [smem:$0x3FDB];
	s0 =	simm.s32 @p2 $0x1  }
0x17: {  	s4 =	simm.s32 $0x1BF5;
	[smem:$0x3FA8] =	sst s0  }
0x18: {  	s0 =	sld [smem:$0x3F8B];
	_ =	swait.ge [sflag:s4], $0x0  }
0x19: {  	s7 =	sld [smem:$0x3F8C]  }
0x1a: {  	s8 =	sadd.s32 $0xFFFFE003, lr  }
0x1b: {  	s9 =	sadd.s32 $0xFFFFFEF7, lr;
	s5 =	simm.s32 $0xFFFFFFFF;
	p2 =	slt.u32 s8, $0xFFFFF086  }
0x1c: {  	p1 =	slt.u32 s9, $0xF7A;
	s5 =	simm.s32 @!p2 $0x0  }
0x1d: {  	s5 =	simm.s32 @p1 $0x1;
	p0 =	seq.s32 s7, s2  }
0x1e: {  	s7 =	smul.u32 @!p0 $0xF7A, s2;
	p2 =	seq.s32 @!p0 s5, $0x0  }
0x1f: {  	s9 =	smul.u32 $0xF7A, s1;
	s8 =	simm.s32 @!p0 $0x1BF5;
	p2 =	por !p2, p0  }
0x20: {  	[sflag:s8] =	ssyncset.s32 @!p0 $0xFFFFF086;
	s6 =	sadd.s32 @!p0 s3, s7;
	s7 =	simm.s32 @!p0 $0x108  }
0x21: {  	s3 =	sadd.s32 s3, s9;
	s6 =	sadd.s32 @!p0 $0x88, s6;
	s7 =	simm.s32 @p2 $0x1082  }
0x22: {  	[simem:s7], [sflag:s8] =	dma.local @!p0 [hbm:s6], $0xF7A  }
0x23: {  	s9 =	sor.u32 $0xD0000000, s2;
	s6 =	simm.s32 $0x108;
	_ =	swait.ge @!p0 [sflag:s8], $0x0  }
0x24: {  	s3 =	sadd.s32 $0x88, s3;
	s6 =	simm.s32 @!p1 $0x1082;
	[sflag:s4] =	ssyncset.s32 $0xFFFFF086  }
0x25: {  	[simem:s6], [sflag:s4] =	dma.local [hbm:s3], $0xF7A  }
0x26: {  	[smem:$0x3F8C] =	sst s1;
	(tag) =	ssettag s2;
	_ =	strace s9  }
0x27: {  	s1 =	sld [smem:$0x3F9C]  }
0x28: {  	s2 =	sld [smem:$0x3F9D]  }
0x29: {  	s4 =	sld [smem:$0x3F9F]  }
0x2a: {  	p0 =	seq.s32 s5, $0x0;
	s5 =	sld [smem:$0x3FA0]  }
0x2b: {  	s6 =	sld [smem:$0x3FA1]  }
0x2c: {  	s7 =	sld [smem:$0x3FA2]  }
0x2d: {  	s3 =	simm.s32 $0x108;
	s8 =	sld [smem:$0x3FA3]  }
0x2e: {  	s3 =	simm.s32 @!p0 $0x1082;
	s9 =	sld [smem:$0x3FA4]  }
0x2f: {  	lr =	sadd.s32 s0, s3;
	s0 =	sld [smem:$0x3F9B]  }
0x30: {  	s3 =	sld [smem:$0x3F9E]  }
0x31: {  	[smem:$0x3FA7] =	sst s10  }
0x32: {  	s10 =	sld [smem:$0x3FA5];
	_ =	sdelay $0x3  }
0x33: {  	p0 =	seq.s32 s10, $0x1;
	s10 =	sld [smem:$0x3FA7];
	_ =	sdelay $0x3  }
0x34: {  	[smem:$0x3FA7] =	sst s10  }
0x35: {  	s10 =	sld [smem:$0x3FA6];
	_ =	sdelay $0x3  }
0x36: {  	p1 =	seq.s32 s10, $0x1;
	s10 =	sld [smem:$0x3FA7];
	_ =	sdelay $0x3  }
0x37: {  	[smem:$0x3FA7] =	sst s10  }
0x38: {  	s10 =	sld [smem:$0x3FA8]  }
0x39: {  	_ = 	snop;
	(pc) =	sbr.ind lr, $3  }
0x3a: {  	_ = 	snop  }
0x3b: {  	_ = 	snop  }
0x3c: {  	p2 =	seq.s32 s10, $0x1;
	s10 =	sld [smem:$0x3FA7]  }
0x3d: {  	_ =	shalt  }
0x3e: {  	_ =	shalt  }
0x3f: {  	_ =	shalt  }
0x40: {  	_ =	shalt  }
0x41: {  	_ =	shalt  }
0x42: {  	_ =	shalt  }
0x43: {  	_ =	shalt  }
0x44: {  	_ =	shalt  }
0x45: {  	_ =	shalt  }
0x46: {  	_ =	shalt  }
0x47: {  	_ =	shalt  }
0x48: {  	_ =	shalt  }
0x49: {  	_ =	shalt  }
0x4a: {  	_ =	shalt  }
0x4b: {  	_ =	shalt  }
0x4c: {  	_ =	shalt  }
0x4d: {  	_ =	shalt  }
0x4e: {  	_ =	shalt  }
0x4f: {  	_ =	shalt  }
0x50: {  	_ =	shalt  }
0x51: {  	_ =	shalt  }
0x52: {  	_ =	shalt  }
0x53: {  	_ =	shalt  }
0x54: {  	_ =	shalt  }
0x55: {  	_ =	shalt  }
0x56: {  	_ =	shalt  }
0x57: {  	_ =	shalt  }
0x58: {  	_ =	shalt  }
0x59: {  	_ =	shalt  }
0x5a: {  	_ =	shalt  }
0x5b: {  	_ =	shalt  }
0x5c: {  	_ =	shalt  }
0x5d: {  	_ =	shalt  }
0x5e: {  	_ =	shalt  }
0x5f: {  	_ =	shalt  }
0x60: {  	_ =	shalt  }
0x61: {  	_ =	shalt  }
0x62: {  	_ =	shalt  }
0x63: {  	_ =	shalt  }
0x64: {  	_ =	shalt  }
0x65: {  	_ =	shalt  }
0x66: {  	_ =	shalt  }
0x67: {  	_ =	shalt  }
0x68: {  	_ =	shalt  }
0x69: {  	_ =	shalt  }
0x6a: {  	_ =	shalt  }
0x6b: {  	_ =	shalt  }
0x6c: {  	_ =	shalt  }
0x6d: {  	_ =	shalt  }
0x6e: {  	_ =	shalt  }
0x6f: {  	_ =	shalt  }
0x70: {  	_ =	shalt  }
0x71: {  	_ =	shalt  }
0x72: {  	_ =	shalt  }
0x73: {  	_ =	shalt  }
0x74: {  	_ =	shalt  }
0x75: {  	_ =	shalt  }
0x76: {  	_ =	shalt  }
0x77: {  	_ =	shalt  }
0x78: {  	_ =	shalt  }
0x79: {  	_ =	shalt  }
0x7a: {  	_ =	shalt  }
0x7b: {  	_ =	shalt  }
0x7c: {  	_ =	shalt  }
0x7d: {  	_ =	shalt  }
0x7e: {  	_ =	shalt  }
0x7f: {  	_ =	shalt  }
0x80: {  	_ =	shalt  }
0x81: {  	_ =	shalt  }
0x82: {  	_ =	shalt  }
0x83: {  	_ =	shalt  }
0x84: {  	_ =	shalt  }
0x85: {  	_ =	shalt  }
0x86: {  	_ =	shalt  }
0x87: {  	_ =	shalt  }
.Lfunc_end0:
.L_simem_size_0:
called_computation.2_lowered:
.L_overlay_start_0:
0x88: {  	s2 =	sld [smem:$0x3FD9]  }
0x89: {  	s3 =	sld [smem:$0x3FFE];
	_ =	sdelay $0x1  }
0x8a: {  	s1 =	srdreg.scid  }
0x8b: {  	s0 =	sand.u32 $0x1, s1  }
0x8c: {  	s17 =	sshll.u32 s0, $0xA;
	s2 =	sadd.s32 s3, s2  }
0x8d: {  	s2 =	sadd.s32 s2, s17  }
0x8e: {  	[smem:$0x3FB3] =	sst s2  }
0x8f: {  	_ = 	snop  }
0x90: {  	s2 =	sld [smem:$0x3FD0];
	(tm) =	ssettm $0x1  }
0x91: {  	s18 =	sld [smem:$0x3FFB];
	_ =	sdelay $0x3  }
0x92: {  	_ =	strace s18  }
0x93: {  	s3 =	sld [smem:$0x3FFC];
	_ =	sdelay $0x3  }
0x94: {  	_ =	strace s3  }
0x95: {  	s3 =	sld [smem:$0x3FFD];
	_ =	sdelay $0x3  }
0x96: {  	_ =	strace s3  }
0x97: {  	_ =	strace $0x8FFFFFFF  }
0x98: {  	s19 =	sld [smem:$0x3FDB];
	_ =	sdelay $0x1  }
0x99: {  	s4 =	simm.s32 $_scs_section_size  }
0x9a: {  	s5 =	simm.s32 $_size__tile_overlayer_lowered;
	s6 =	simm.s32 $_tile_overlayer_lowered  }
0x9b: {  	s22 =	simm.s32 $0x1BFF;
	s21 =	sshll.u32 s6, $0x1;
	s3 =	sadd.s32 s4, s19  }
0x9c: {  	s7 =	simm.s32 $0x0;
	s20 =	sshll.u32 s5, $0x1;
	s5 =	sadd.s32 s21, s3  }
0x9d: {  	[timem:s7], [sflag:s22] =	dma.local [hbm:s5], s20  }
0x9e: {  	_ =	swait.ge [sflag:s22], s20  }
0x9f: {  	s4 =	ssub.s32 $0x0, s20;
	[sflag:s22] =	ssyncset.done $0x0  }
0xa0: {  	[sflag:s22] =	ssyncadd.s32 s4;
	_ =	sdelay $0x1  }
0xa1: {  	s23 =	simm.s32 $0x1B8B  }
0xa2: {  	_ =	swait.ge [sflag:s23], $0x1  }
0xa3: {  	[sflag:s23] =	ssyncset.done $0x0  }
0xa4: {  	s25 =	simm.s32 $0x1B8E;
	s24 =	sld [smem:$0x3FFE];
	[sflag:s23] =	ssyncadd.s32 $0xFFFFFFFF  }
0xa5: {  	s26 =	simm.s32 $execute0_lowered;
	[smem:$0x3FD2] =	sst s25  }
0xa6: {  	s5 =	sshll.u32 s26, $0x1;
	_ =	strace $0x80000049;
	[dreg:$0x1] =	wrdreg $0xFFFFFFFF  }
0xa7: {  	s28 =	simm.s32 $_size_execute0_lowered;
	s3 =	sadd.s32 s3, s5;
	[dreg:$0x0] =	wrdreg $0x0  }
0xa8: {  	s5 =	sshll.u32 s28, $0x1;
	[dreg:$0x2] =	wrdreg s3  }
0xa9: {  	[dreg:$0x3] =	wrdreg s5  }
0xaa: {  	[dreg:$0x4] =	wrdreg $0xC0  }
0xab: {  	_ =	task [dreg:s7], $0x5FFFF  }
0xac: {  	[dreg:$0x1] =	wrdreg $0xFFFFFFFF  }
0xad: {  	[dreg:$0x0] =	wrdreg $0x60  }
0xae: {  	[dreg:$0x2] =	wrdreg s2  }
0xaf: {  	[dreg:$0x3] =	wrdreg s24  }
0xb0: {  	[dreg:$0x4] =	wrdreg $0x78000  }
0xb1: {  	[dreg:$0x5] =	wrdreg $0x9  }
0xb2: {  	_ =	task.clear_ibuf [dreg:s7], $0x6FFFF;
	_ =	strace $0x90000049  }
0xb3: {  	s29 =	simm.s32 $0x9;
	_ =	strace $0x8000004B  }
0xb4: {  	_ =	swait.ge [sflag:s29], $0x1  }
0xb5: {  	[sflag:s29] =	ssyncadd.s32 $0xFFFFFFFF  }
0xb6: {  	_ =	strace $0x9000004B  }
0xb7: {  	_ =	sfence  }
0xb8: {  	s30 =	sld [smem:$0x0];
	_ =	sdelay $0x2  }
0xb9: {  	s31 =	sshll.u32 s1, $0xD;
	s1 =	sshrl.u32 s1, $0x2  }
0xba: {  	s3 =	sand.u32 $0x4000, s31;
	s1 =	sadd.s32 s1, s30  }
0xbb: {  	s0 =	sor.u32 s3, s0;
	s1 =	sshll.u32 s1, $0x11  }
0xbc: {  	s0 =	sor.u32 s1, s0  }
0xbd: {  	s0 =	sadd.s32 $0x8F2B, s0  }
0xbe: {  	[sflag:s0] =	ssyncadd.remote.s32 $0x1  }
0xbf: {  	_ =	sfence.sel $0xFFFF  }
0xc0: {  	[dreg:$0x0] =	wrdreg $0xFFFFFFFF;
	(pc) =	sbr.abs _section_cstart, $3  }
0xc1: {  	[dreg:$0x1] =	wrdreg $0xFFFFFFFF  }
0xc2: {  	_ =	task.clear_ibuf [dreg:s7], $0x2FFFF;
	_ =	strace $0x9FFFFFFF  }
0xc3: {  	(tm) =	ssettm $0x7FFFFFFF  }
tec
execute0_lowered:
.L_overlay_start_1:
0x0: {  	(tag) =	ssettag $0x1  }
0x1: {  	s1 =	rddreg [dreg:$0x0]  }
0x2: {  	s0 =	rddreg [dreg:$0x1]  }
0x3: {  	s2 =	rddreg [dreg:$0x2]  }
0x4: {  	s3 =	simm.s32 $0x0;
	s4 =	srdreg.scid;
	s14 =	stileid.u32  }
0x5: {  	s30 =	simm.s32 $0x7;
	s31 =	simm.s32 $0x200;
	s17 =	simm.s32 $0x100  }
0x6: {  	s28 =	simm.s32 $0x5;
	s29 =	simm.s32 $0x6;
	s16 =	simm.s32 $0x1  }
0x7: {  	[smem:$0x7FF] =	sst s3;
	s5 =	sadd.s32 $0x1AE400, s0;
	s10 =	smul.u32 $0xC350, s14  }
0x8: {  	s6 =	sadd.s32 $0x195C00, s0;
	s4 =	sand.u32 $0x1, s4;
	s11 =	smul.u32 $0x310, s14  }
0x9: {  	s7 =	sadd.s32 $0x5A00, s0;
	s0 =	sadd.s32 $0x6200, s0;
	s24 =	smul.u32 $0x62000, s14  }
0xa: {  	s20 =	sshll.u32 s14, $0x6;
	s14 =	smul.u32 $0x186A, s14;
	_ =	strace $0x8000004A  }
0xb: {  	[dreg:$0x4] =	wrdreg s7;
	s19 =	ssub.s32 $0x2, s4;
	s20 =	sor.u32 $0x1C07, s20  }
0xc: {  	s8 =	sshrl.u32 s19, $0x1;
	s21 =	sshrl.u32 s10, $0x3;
	s9 =	sadd.s32 $0xC270, s10  }
0xd: {  	s25 =	sshrl.u32 s24, $0x2;
	s10 =	sadd.s32 $0x2A0, s10;
	s7 =	ssub.s32 s19, s8  }
0xe: {  	s8 =	smul.u32 $0x3100, s4;
	s12 =	sadd.s32 s5, s21;
	[dreg:$0x10] =	wrdreg s10  }
0xf: {  	s22 =	sadd.s32 $0x1C, s21;
	s13 =	sadd.s32 s6, s21;
	[dreg:$0x6] =	wrdreg s12  }
0x10: {  	s4 =	sadd.s32 $0x1864, s21;
	[dreg:$0x7] =	wrdreg s13;
	s23 =	sadd.s32 s5, s22  }
0x11: {  	s21 =	sadd.s32 s14, s6;
	s12 =	sadd.s32 s6, s22;
	[dreg:$0x8] =	wrdreg s23  }
0x12: {  	s10 =	simm.s32 $0x600;
	s15 =	sadd.s32 s5, s4;
	[dreg:$0x9] =	wrdreg s12  }
0x13: {  	s4 =	sadd.s32 s6, s4;
	s7 =	smax.u32 s7, $0x1;
	[dreg:$0xa] =	wrdreg s15  }
0x14: {  	s22 =	sadd.s32 s14, s5;
	s14 =	simm.s32 $0x500;
	[dreg:$0xb] =	wrdreg s4  }
0x15: {  	s12 =	sadd.s32 $0x3100, s8;
	s4 =	sadd.s32 s25, s2;
	[dreg:$0xf] =	wrdreg s7  }
0x16: {  	s15 =	sadd.s32 $0x6200, s8;
	s18 =	sadd.s32 $0x3800, s4;
	[dreg:$0xc] =	wrdreg s4  }
0x17: {  	s26 =	sadd.s32 s11, s8;
	s19 =	sadd.s32 $0x7000, s4;
	[dreg:$0x11] =	wrdreg s18  }
0x18: {  	s11 =	sadd.s32 s11, s15;
	s23 =	sadd.s32 $0xA800, s4;
	[dreg:$0x12] =	wrdreg s19  }
0x19: {  	s13 =	sshll.u32 s26, $0x4;
	s24 =	sadd.s32 $0xE000, s4;
	[dreg:$0x13] =	wrdreg s23  }
0x1a: {  	s25 =	sadd.s32 $0x11800, s4;
	s26 =	sadd.s32 $0x15000, s4;
	[dreg:$0x14] =	wrdreg s24  }
0x1b: {  	s4 =	simm.s32 $0x4;
	v1 =	vmov s12;
	s12 =	simm.s32 $0x2;
	[dreg:$0x15] =	wrdreg s25  }
0x1c: {  	s11 =	sshll.u32 s11, $0x4;
	s13 =	sadd.s32 s0, s13;
	[dreg:$0x16] =	wrdreg s26  }
0x1d: {  	s19 =	simm.s32 $0x70;
	s23 =	simm.s32 $0x400;
	s24 =	simm.s32 $0x800  }
0x1e: {  	s26 =	simm.s32 $0x4000;
	s18 =	simm.s32 $0x100;
	[dreg:$0xd] =	wrdreg s13  }
0x1f: {  	s0 =	sadd.s32 s0, s11;
	s11 =	sadd.s32 $0x9300, s8;
	s13 =	simm.s32 $0x480  }
0x20: {  	v0 =	vmov s8;
	s8 =	smov.u32 s20;
	s20 =	simm.s32 $0x700;
	[dreg:$0xe] =	wrdreg s0  }
0x21: {  	v4 =	vimm.s32 $0xFFFFFFFF;
	v2 =	vmov s15;
	s0 =	simm.s32 $0x3;
	v3 =	vmov s11;
	s11 =	simm.s32 $0x0;
	[dreg:$0x5] =	wrdreg s8  }
.LBB2_1:
0x22: {  	[dreg:$0x17] =	wrdreg s11  }
0x23: {  	s7 =	rddreg [dreg:$0xc]  }
0x24: {  	s15 =	sshrl.u32 s7, $0x3;
	s7 =	rddreg [dreg:$0x4]  }
0x25: {  	[spmem:s15], [sflag:s8] =	dma.local [hbm:s7], $0x700  }
0x26: {  	_ =	swait.ge [sflag:s30], $0x700  }
0x27: {  	s25 =	rddreg [dreg:$0x11]  }
0x28: {  	[sflag:s30] =	ssyncset.done $0x0;
	s11 =	sshrl.u32 s25, $0x3  }
0x29: {  	[sflag:s30] =	ssyncadd.s32 $0xFFFFF900;
	[dreg:$0x19] =	wrdreg s11  }
0x2a: {  	[spmem:s11], [sflag:s8] =	dma.local [hbm:s7], $0x700  }
0x2b: {  	_ =	swait.ge [sflag:s30], $0x700  }
0x2c: {  	s25 =	rddreg [dreg:$0x12]  }
0x2d: {  	[sflag:s30] =	ssyncset.done $0x0;
	s11 =	sshrl.u32 s25, $0x3  }
0x2e: {  	[sflag:s30] =	ssyncadd.s32 $0xFFFFF900;
	[dreg:$0x1a] =	wrdreg s11  }
0x2f: {  	[spmem:s11], [sflag:s8] =	dma.local [hbm:s7], $0x700  }
0x30: {  	_ =	swait.ge [sflag:s30], $0x700  }
0x31: {  	s25 =	rddreg [dreg:$0x13]  }
0x32: {  	[sflag:s30] =	ssyncset.done $0x0;
	s11 =	sshrl.u32 s25, $0x3  }
0x33: {  	[sflag:s30] =	ssyncadd.s32 $0xFFFFF900;
	[dreg:$0x1b] =	wrdreg s11  }
0x34: {  	[spmem:s11], [sflag:s8] =	dma.local [hbm:s7], $0x700  }
0x35: {  	_ =	swait.ge [sflag:s30], $0x700  }
0x36: {  	s25 =	rddreg [dreg:$0x14]  }
0x37: {  	[sflag:s30] =	ssyncset.done $0x0;
	s11 =	sshrl.u32 s25, $0x3  }
0x38: {  	[sflag:s30] =	ssyncadd.s32 $0xFFFFF900;
	[dreg:$0x1c] =	wrdreg s11  }
0x39: {  	[spmem:s11], [sflag:s8] =	dma.local [hbm:s7], $0x700  }
0x3a: {  	_ =	swait.ge [sflag:s30], $0x700  }
0x3b: {  	s25 =	rddreg [dreg:$0x15]  }
0x3c: {  	[sflag:s30] =	ssyncset.done $0x0;
	s11 =	sshrl.u32 s25, $0x3  }
0x3d: {  	[sflag:s30] =	ssyncadd.s32 $0xFFFFF900;
	[dreg:$0x1d] =	wrdreg s11  }
0x3e: {  	[spmem:s11], [sflag:s8] =	dma.local [hbm:s7], $0x700  }
0x3f: {  	_ =	swait.ge [sflag:s30], $0x700  }
0x40: {  	s25 =	rddreg [dreg:$0x16]  }
0x41: {  	[sflag:s30] =	ssyncset.done $0x0;
	s11 =	sshrl.u32 s25, $0x3  }
0x42: {  	[sflag:s30] =	ssyncadd.s32 $0xFFFFF900;
	[dreg:$0x1e] =	wrdreg s11  }
0x43: {  	[spmem:s11], [sflag:s8] =	dma.local [hbm:s7], $0x700  }
0x44: {  	_ =	swait.ge [sflag:s30], $0x700  }
0x45: {  	[sflag:s30] =	ssyncset.done $0x0  }
0x46: {  	[sflag:s30] =	ssyncadd.s32 $0xFFFFF900  }
0x47: {  	[bflag:$0x0] =	sbarrier.arrive $0xFFFF  }
0x48: {  	s25 =	rddreg [dreg:$0x6]  }
0x49: {  	[tilespmem:s3], [sflag:$0x3] =	stream.linear.gather [hbm4b:s25+s3], $0xE0, $0x38;
	v63 =	vld [tilespmem:$0x0]  }
0x4a: {  	s8 =	rddreg [dreg:$0x7]  }
0x4b: {  	[tilespmem:s31], [sflag:$0x4] =	stream.linear.gather [hbm4b:s8+s3], $0xE0, $0x38;
	v63 =	vld [tilespmem:$0x0]  }
0x4c: {  	_ =	swait.ge [sflag:s0], $0xE0  }
0x4d: {  	[sflag:s0] =	ssyncset.done $0x0  }
0x4e: {  	[sflag:s0] =	ssyncadd.s32 $0xFFFFFF20  }
0x4f: {  	_ =	swait.ge [sflag:s4], $0xE0  }
0x50: {  	[sflag:s4] =	ssyncset.done $0x0  }
0x51: {  	s11 =	rddreg [dreg:$0x8];
	[sflag:s4] =	ssyncadd.s32 $0xFFFFFF20  }
0x52: {  	[tilespmem:s17], [sflag:$0x5] =	stream.linear.gather [hbm4b:s11+s3], $0xE0, $0x38;
	v63 =	vld [tilespmem:$0x0]  }
0x53: {  	s25 =	simm.s32 $0x300;
	s17 =	rddreg [dreg:$0x9]  }
0x54: {  	[tilespmem:s25], [sflag:$0x6] =	stream.linear.gather [hbm4b:s17+s3], $0xE0, $0x38;
	v63 =	vld [tilespmem:$0x0]  }
0x55: {  	v5 =	vld [tilespmem:$0x200]  }
0x56: {  	v6 =	vld [tilespmem:$0x210]  }
0x57: {  	v7 =	vld [tilespmem:$0x0]  }
0x58: {  	v9 =	vld [tilespmem:$0x220]  }
0x59: {  	v8 =	vld [tilespmem:$0x10]  }
0x5a: {  	v10 =	vld [tilespmem:$0x230];
	vm0 =	vge.s32 v5, v0;
	vm1 =	vlt.s32 v5, v1  }
0x5b: {  	v11 =	vld [tilespmem:$0x20];
	vm15 =	vge.s32 v6, v0;
	vm2 =	vlt.s32 v6, v1;
	vm0 =	vmand vm0, vm1  }
0x5c: {  	v12 =	vld [tilespmem:$0x30];
	v5 =	vsub.s32 v5, v0;
	v6 =	vsub.s32 v6, v0;
	v7 =	vnsel vm0, $0xFFFFFFFF, v7  }
0x5d: {  	v48 =	vld [tilespmem:$0x240];
	vm4 =	vge.s32 v9, v0;
	vm1 =	vmand vm15, vm2;
	v5 =	vnsel vm0, $0xFFFFFFFF, v5;
	[tilespmem:$0x400] =	vst v7  }
0x5e: {  	vm5 =	vlt.s32 v9, v1;
	v7 =	vnsel vm1, $0xFFFFFFFF, v8;
	[tilespmem:$0x600] =	vst v5;
	v5 =	vnsel vm1, $0xFFFFFFFF, v6;
	v6 =	vld [tilespmem:$0x250]  }
0x5f: {  	vm6 =	vge.s32 v10, v0;
	vm7 =	vlt.s32 v10, v1;
	vm0 =	vmand vm4, vm5;
	[tilespmem:$0x410] =	vst v7;
	v7 =	vld [tilespmem:$0x40]  }
0x60: {  	v51 =	vld [tilespmem:$0x260];
	vm1 =	vmand vm6, vm7;
	[tilespmem:$0x610] =	vst v5;
	v5 =	vnsel vm0, $0xFFFFFFFF, v11  }
0x61: {  	v49 =	vld [tilespmem:$0x50];
	v9 =	vsub.s32 v9, v0;
	v10 =	vsub.s32 v10, v0;
	v50 =	vnsel vm1, $0xFFFFFFFF, v12;
	[tilespmem:$0x420] =	vst v5  }
0x62: {  	vm8 =	vge.s32 v48, v0;
	vm9 =	vlt.s32 v48, v1;
	v5 =	vnsel vm0, $0xFFFFFFFF, v9;
	[tilespmem:$0x430] =	vst v50  }
0x63: {  	v52 =	vld [tilespmem:$0x60];
	vm0 =	vmand vm8, vm9;
	[tilespmem:$0x620] =	vst v5;
	v5 =	vnsel vm1, $0xFFFFFFFF, v10;
	vm10 =	vge.s32 v6, v0  }
0x64: {  	[tilespmem:$0x630] =	vst v5;
	vm11 =	vlt.s32 v6, v1;
	v5 =	vnsel vm0, $0xFFFFFFFF, v7;
	v7 =	vsub.s32 v48, v0  }
0x65: {  	vm12 =	vge.s32 v51, v0;
	vm1 =	vmand vm10, vm11;
	[tilespmem:$0x440] =	vst v5;
	v5 =	vnsel vm0, $0xFFFFFFFF, v7  }
0x66: {  	vm13 =	vlt.s32 v51, v1;
	v7 =	vnsel vm1, $0xFFFFFFFF, v49;
	[tilespmem:$0x640] =	vst v5;
	v5 =	vsub.s32 v6, v0  }
0x67: {  	vm0 =	vmand vm12, vm13;
	[tilespmem:$0x450] =	vst v7;
	v5 =	vnsel vm1, $0xFFFFFFFF, v5  }
0x68: {  	v6 =	vsub.s32 v51, v0;
	[tilespmem:$0x650] =	vst v5;
	v5 =	vnsel vm0, $0xFFFFFFFF, v52  }
0x69: {  	[tilespmem:$0x460] =	vst v5;
	v5 =	vnsel vm0, $0xFFFFFFFF, v6  }
0x6a: {  	[tilespmem:$0x660] =	vst v5;
	(ifvalue) =	ssetifvalue $0xFFFFFFFF  }
0x6b: {  	(ifvalue) =	ssetifvalue $0xFFFFFFFF  }
0x6c: {  	[tilespmem:s24], [sflag:$0x1] =	stream.indirect.gather [hbm4b:s1+s19], $0x80, s23, s19, $0x40b8;
	v63 =	vld [tilespmem:$0x0]  }
0x6d: {  	v5 =	vld [tilespmem:$0x270]  }
0x6e: {  	v6 =	vld [tilespmem:$0x280]  }
0x6f: {  	v7 =	vld [tilespmem:$0x70]  }
0x70: {  	v54 =	vld [tilespmem:$0x290]  }
0x71: {  	v53 =	vld [tilespmem:$0x80]  }
0x72: {  	v55 =	vld [tilespmem:$0x2A0];
	vm14 =	vge.s32 v5, v0;
	vm15 =	vlt.s32 v5, v1  }
0x73: {  	v56 =	vld [tilespmem:$0x90];
	vm4 =	vge.s32 v6, v0;
	vm5 =	vlt.s32 v6, v1;
	vm0 =	vmand vm14, vm15  }
0x74: {  	v57 =	vld [tilespmem:$0xA0];
	v5 =	vsub.s32 v5, v0;
	v6 =	vsub.s32 v6, v0;
	v7 =	vnsel vm0, $0xFFFFFFFF, v7  }
0x75: {  	v58 =	vld [tilespmem:$0x2B0];
	vm6 =	vge.s32 v54, v0;
	vm1 =	vmand vm4, vm5;
	v5 =	vnsel vm0, $0xFFFFFFFF, v5;
	[tilespmem:$0x480] =	vst v7  }
0x76: {  	vm7 =	vlt.s32 v54, v1;
	v7 =	vnsel vm1, $0xFFFFFFFF, v53;
	[tilespmem:$0x680] =	vst v5;
	v5 =	vnsel vm1, $0xFFFFFFFF, v6;
	v6 =	vld [tilespmem:$0x2C0]  }
0x77: {  	vm8 =	vge.s32 v55, v0;
	vm9 =	vlt.s32 v55, v1;
	vm0 =	vmand vm6, vm7;
	[tilespmem:$0x490] =	vst v7;
	v7 =	vld [tilespmem:$0xB0]  }
0x78: {  	v61 =	vld [tilespmem:$0x2D0];
	vm1 =	vmand vm8, vm9;
	[tilespmem:$0x690] =	vst v5;
	v5 =	vnsel vm0, $0xFFFFFFFF, v56  }
0x79: {  	v59 =	vld [tilespmem:$0xC0];
	v9 =	vsub.s32 v54, v0;
	v10 =	vsub.s32 v55, v0;
	v60 =	vnsel vm1, $0xFFFFFFFF, v57;
	[tilespmem:$0x4A0] =	vst v5  }
0x7a: {  	vm10 =	vge.s32 v58, v0;
	vm11 =	vlt.s32 v58, v1;
	v5 =	vnsel vm0, $0xFFFFFFFF, v9;
	[tilespmem:$0x4B0] =	vst v60  }
0x7b: {  	v62 =	vld [tilespmem:$0xD0];
	vm0 =	vmand vm10, vm11;
	[tilespmem:$0x6A0] =	vst v5;
	v5 =	vnsel vm1, $0xFFFFFFFF, v10;
	vm12 =	vge.s32 v6, v0  }
0x7c: {  	[tilespmem:$0x6B0] =	vst v5;
	vm13 =	vlt.s32 v6, v1;
	v5 =	vnsel vm0, $0xFFFFFFFF, v7;
	v7 =	vsub.s32 v58, v0  }
0x7d: {  	vm14 =	vge.s32 v61, v0;
	vm1 =	vmand vm12, vm13;
	[tilespmem:$0x4C0] =	vst v5;
	v5 =	vnsel vm0, $0xFFFFFFFF, v7  }
0x7e: {  	vm15 =	vlt.s32 v61, v1;
	v7 =	vnsel vm1, $0xFFFFFFFF, v59;
	[tilespmem:$0x6C0] =	vst v5;
	v5 =	vsub.s32 v6, v0  }
0x7f: {  	vm0 =	vmand vm14, vm15;
	[tilespmem:$0x4D0] =	vst v7;
	v5 =	vnsel vm1, $0xFFFFFFFF, v5  }
0x80: {  	v6 =	vsub.s32 v61, v0;
	[tilespmem:$0x6D0] =	vst v5;
	v5 =	vnsel vm0, $0xFFFFFFFF, v62  }
0x81: {  	[tilespmem:$0x4E0] =	vst v5;
	v5 =	vnsel vm0, $0xFFFFFFFF, v6  }
0x82: {  	[tilespmem:$0x6E0] =	vst v5;
	(ifvalue) =	ssetifvalue $0xFFFFFFFF  }
0x83: {  	s7 =	simm.s32 $0x38;
	(ifvalue) =	ssetifvalue $0xFFFFFFFF  }
0x84: {  	[tilespmem:s26], [sflag:$0x2] =	stream.indirect.gather [hbm4b:s1+s19], $0x80, s13, s19, $0x40b8;
	v63 =	vld [tilespmem:$0x0]  }
0x85: {  	s17 =	simm.s32 $0x780;
	s8 =	rddreg [dreg:$0x10];
	s13 =	simm.s32 $0x680  }
.LBB2_2:
0x86: {  	_ =	swait.ge [sflag:s28], $0xE0  }
0x87: {  	[sflag:s28] =	ssyncset.done $0x0  }
0x88: {  	[sflag:s28] =	ssyncadd.s32 $0xFFFFFF20  }
0x89: {  	_ =	swait.ge [sflag:s29], $0xE0  }
0x8a: {  	[sflag:s29] =	ssyncset.done $0x0  }
0x8b: {  	s11 =	sadd.s32 s7, s22;
	[sflag:s29] =	ssyncadd.s32 $0xFFFFFF20  }
0x8c: {  	[tilespmem:s3], [sflag:$0x3] =	stream.linear.gather [hbm4b:s11+s3], $0xE0, $0x38;
	v63 =	vld [tilespmem:$0x0]  }
0x8d: {  	s11 =	sadd.s32 s7, s21  }
0x8e: {  	[tilespmem:s31], [sflag:$0x4] =	stream.linear.gather [hbm4b:s11+s3], $0xE0, $0x38;
	v63 =	vld [tilespmem:$0x0]  }
0x8f: {  	v5 =	vld [tilespmem:$0x300]  }
0x90: {  	v6 =	vld [tilespmem:$0x100]  }
0x91: {  	v7 =	vld [tilespmem:$0x310]  }
0x92: {  	v8 =	vld [tilespmem:$0x320]  }
0x93: {  	v9 =	vld [tilespmem:$0x110]  }
0x94: {  	v10 =	vld [tilespmem:$0x120];
	vm0 =	vge.s32 v5, v0;
	vm1 =	vlt.s32 v5, v1  }
0x95: {  	v11 =	vld [tilespmem:$0x330];
	v5 =	vsub.s32 v5, v0;
	vm0 =	vmand vm0, vm1  }
0x96: {  	v12 =	vld [tilespmem:$0x340];
	vm11 =	vge.s32 v7, v0;
	vm12 =	vlt.s32 v7, v1;
	v6 =	vnsel vm0, $0xFFFFFFFF, v6  }
0x97: {  	vm13 =	vge.s32 v8, v0;
	v5 =	vnsel vm0, $0xFFFFFFFF, v5;
	vm0 =	vmand vm11, vm12;
	[tilespmem:$0x500] =	vst v6;
	v6 =	vld [tilespmem:$0x130]  }
0x98: {  	v28 =	vld [tilespmem:$0x140];
	vm2 =	vlt.s32 v8, v1;
	v7 =	vsub.s32 v7, v0;
	[tilespmem:$0x700] =	vst v5;
	v5 =	vnsel vm0, $0xFFFFFFFF, v9  }
0x99: {  	v29 =	vld [tilespmem:$0x350];
	v8 =	vsub.s32 v8, v0;
	vm1 =	vmand vm13, vm2;
	[tilespmem:$0x510] =	vst v5;
	v5 =	vnsel vm0, $0xFFFFFFFF, v7  }
0x9a: {  	v30 =	vld [tilespmem:$0x360];
	vm14 =	vge.s32 v11, v0;
	vm15 =	vlt.s32 v11, v1;
	v7 =	vnsel vm1, $0xFFFFFFFF, v10;
	[tilespmem:$0x710] =	vst v5  }
0x9b: {  	vm4 =	vge.s32 v12, v0;
	vm0 =	vmand vm14, vm15;
	v5 =	vnsel vm1, $0xFFFFFFFF, v8;
	[tilespmem:$0x520] =	vst v7;
	v7 =	vld [tilespmem:$0x150]  }
0x9c: {  	v33 =	vld [tilespmem:$0x370];
	vm5 =	vlt.s32 v12, v1;
	[tilespmem:$0x720] =	vst v5;
	v5 =	vnsel vm0, $0xFFFFFFFF, v6;
	v6 =	vsub.s32 v11, v0  }
0x9d: {  	v31 =	vld [tilespmem:$0x160];
	v32 =	vsub.s32 v12, v0;
	vm1 =	vmand vm4, vm5;
	[tilespmem:$0x530] =	vst v5;
	v5 =	vnsel vm0, $0xFFFFFFFF, v6  }
0x9e: {  	v34 =	vld [tilespmem:$0x380];
	vm6 =	vge.s32 v29, v0;
	vm7 =	vlt.s32 v29, v1;
	v6 =	vnsel vm1, $0xFFFFFFFF, v28;
	[tilespmem:$0x730] =	vst v5  }
0x9f: {  	vm8 =	vge.s32 v30, v0;
	vm0 =	vmand vm6, vm7;
	v5 =	vnsel vm1, $0xFFFFFFFF, v32;
	[tilespmem:$0x540] =	vst v6;
	v6 =	vld [tilespmem:$0x170]  }
0xa0: {  	v35 =	vld [tilespmem:$0x180];
	vm9 =	vlt.s32 v30, v1;
	[tilespmem:$0x740] =	vst v5;
	v5 =	vnsel vm0, $0xFFFFFFFF, v7;
	v7 =	vsub.s32 v29, v0  }
0xa1: {  	v36 =	vld [tilespmem:$0x390];
	vm10 =	vge.s32 v33, v0;
	vm1 =	vmand vm8, vm9;
	[tilespmem:$0x550] =	vst v5;
	v5 =	vnsel vm0, $0xFFFFFFFF, v7  }
0xa2: {  	v37 =	vld [tilespmem:$0x3A0];
	vm11 =	vlt.s32 v33, v1;
	v8 =	vsub.s32 v30, v0;
	v7 =	vnsel vm1, $0xFFFFFFFF, v31;
	[tilespmem:$0x750] =	vst v5  }
0xa3: {  	vm13 =	vlt.s32 v34, v1;
	vm0 =	vmand vm10, vm11;
	v5 =	vnsel vm1, $0xFFFFFFFF, v8;
	[tilespmem:$0x560] =	vst v7;
	v7 =	vld [tilespmem:$0x190]  }
0xa4: {  	v39 =	vld [tilespmem:$0x3B0];
	vm12 =	vge.s32 v34, v0;
	[tilespmem:$0x760] =	vst v5;
	v5 =	vnsel vm0, $0xFFFFFFFF, v6;
	v6 =	vsub.s32 v33, v0  }
0xa5: {  	v38 =	vld [tilespmem:$0x1A0];
	v9 =	vsub.s32 v34, v0;
	vm1 =	vmand vm12, vm13;
	[tilespmem:$0x580] =	vst v5;
	v5 =	vnsel vm0, $0xFFFFFFFF, v6  }
0xa6: {  	v40 =	vld [tilespmem:$0x3C0];
	vm14 =	vge.s32 v36, v0;
	vm15 =	vlt.s32 v36, v1;
	v6 =	vnsel vm1, $0xFFFFFFFF, v35;
	[tilespmem:$0x780] =	vst v5  }
0xa7: {  	vm4 =	vge.s32 v37, v0;
	vm0 =	vmand vm14, vm15;
	v5 =	vnsel vm1, $0xFFFFFFFF, v9;
	[tilespmem:$0x590] =	vst v6;
	v6 =	vld [tilespmem:$0x1B0]  }
0xa8: {  	v42 =	vld [tilespmem:$0x3D0];
	vm5 =	vlt.s32 v37, v1;
	[tilespmem:$0x790] =	vst v5;
	v5 =	vnsel vm0, $0xFFFFFFFF, v7;
	v7 =	vsub.s32 v36, v0  }
0xa9: {  	v41 =	vld [tilespmem:$0x1C0];
	vm6 =	vge.s32 v39, v0;
	vm1 =	vmand vm4, vm5;
	[tilespmem:$0x5A0] =	vst v5;
	v5 =	vnsel vm0, $0xFFFFFFFF, v7  }
0xaa: {  	vm7 =	vlt.s32 v39, v1;
	v8 =	vsub.s32 v37, v0;
	v7 =	vnsel vm1, $0xFFFFFFFF, v38;
	[tilespmem:$0x7A0] =	vst v5  }
0xab: {  	vm8 =	vge.s32 v40, v0;
	vm0 =	vmand vm6, vm7;
	v5 =	vnsel vm1, $0xFFFFFFFF, v8;
	[tilespmem:$0x5B0] =	vst v7;
	v7 =	vld [tilespmem:$0x1D0]  }
0xac: {  	vm9 =	vlt.s32 v40, v1;
	[tilespmem:$0x7B0] =	vst v5;
	v5 =	vnsel vm0, $0xFFFFFFFF, v6;
	v6 =	vsub.s32 v39, v0  }
0xad: {  	vm10 =	vge.s32 v42, v0;
	vm1 =	vmand vm8, vm9;
	[tilespmem:$0x5C0] =	vst v5;
	v5 =	vnsel vm0, $0xFFFFFFFF, v6  }
0xae: {  	vm11 =	vlt.s32 v42, v1;
	v6 =	vnsel vm1, $0xFFFFFFFF, v41;
	[tilespmem:$0x7C0] =	vst v5;
	v5 =	vsub.s32 v40, v0  }
0xaf: {  	vm0 =	vmand vm10, vm11;
	[tilespmem:$0x5D0] =	vst v6;
	v5 =	vnsel vm1, $0xFFFFFFFF, v5  }
0xb0: {  	v6 =	vsub.s32 v42, v0;
	[tilespmem:$0x7D0] =	vst v5;
	v5 =	vnsel vm0, $0xFFFFFFFF, v7  }
0xb1: {  	[tilespmem:$0x5E0] =	vst v5;
	v5 =	vnsel vm0, $0xFFFFFFFF, v6  }
0xb2: {  	[tilespmem:$0x7E0] =	vst v5  }
0xb3: {  	_ =	swait.ge [sflag:s16], $0x3800  }
0xb4: {  	[sflag:s16] =	ssyncset.done $0x0  }
0xb5: {  	[sflag:s16] =	ssyncadd.s32 $0xFFFFC800;
	(ifvalue) =	ssetifvalue $0xFFFFFFFF  }
0xb6: {  	[spmem:s2] =	stream.indirect.scatter.add.f32 [tilespmem:s24], [sflag:$0x7], $0x80, s10, s19, $0x40b8;
	v63 =	vld [tilespmem:$0x0]  }
0xb7: {  	_ =	swait.ge [sflag:s30], $0x3800  }
0xb8: {  	[sflag:s30] =	ssyncset.done $0x0  }
0xb9: {  	[sflag:s30] =	ssyncadd.s32 $0xFFFFC800;
	(ifvalue) =	ssetifvalue $0xFFFFFFFF  }
0xba: {  	(ifvalue) =	ssetifvalue $0xFFFFFFFF  }
0xbb: {  	[tilespmem:s24], [sflag:$0x1] =	stream.indirect.gather [hbm4b:s1+s19], $0x80, s14, s19, $0x40b8;
	v63 =	vld [tilespmem:$0x0]  }
0xbc: {  	_ =	swait.ge [sflag:s12], $0x3800  }
0xbd: {  	[sflag:s12] =	ssyncset.done $0x0  }
0xbe: {  	[sflag:s12] =	ssyncadd.s32 $0xFFFFC800;
	(ifvalue) =	ssetifvalue $0xFFFFFFFF  }
0xbf: {  	[spmem:s2] =	stream.indirect.scatter.add.f32 [tilespmem:s26], [sflag:$0x7], $0x80, s13, s19, $0x40b8;
	v63 =	vld [tilespmem:$0x0]  }
0xc0: {  	_ =	swait.ge [sflag:s30], $0x3800  }
0xc1: {  	[sflag:s30] =	ssyncset.done $0x0  }
0xc2: {  	[sflag:s30] =	ssyncadd.s32 $0xFFFFC800;
	(ifvalue) =	ssetifvalue $0xFFFFFFFF  }
0xc3: {  	s14 =	simm.s32 $0x580;
	(ifvalue) =	ssetifvalue $0xFFFFFFFF  }
0xc4: {  	[tilespmem:s26], [sflag:$0x2] =	stream.indirect.gather [hbm4b:s1+s19], $0x80, s14, s19, $0x40b8;
	v63 =	vld [tilespmem:$0x0]  }
0xc5: {  	_ =	swait.ge [sflag:s0], $0xE0  }
0xc6: {  	[sflag:s0] =	ssyncset.done $0x0  }
0xc7: {  	p0 =	slt.s32 s8, s9;
	s11 =	smov.u32 s9;
	[sflag:s0] =	ssyncadd.s32 $0xFFFFFF20  }
0xc8: {  	s11 =	smov.u32 @p0 s8;
	_ =	swait.ge [sflag:s4], $0xE0  }
0xc9: {  	s11 =	sshrl.u32 s11, $0x3;
	[sflag:s4] =	ssyncset.done $0x0  }
0xca: {  	s14 =	sadd.s32 s5, s11;
	[sflag:s4] =	ssyncadd.s32 $0xFFFFFF20  }
0xcb: {  	[tilespmem:s18], [sflag:$0x5] =	stream.linear.gather [hbm4b:s14+s3], $0xE0, $0x38;
	v63 =	vld [tilespmem:$0x0]  }
0xcc: {  	s25 =	simm.s32 $0x300;
	s11 =	sadd.s32 s6, s11  }
0xcd: {  	[tilespmem:s25], [sflag:$0x6] =	stream.linear.gather [hbm4b:s11+s3], $0xE0, $0x38;
	v63 =	vld [tilespmem:$0x0]  }
0xce: {  	v5 =	vld [tilespmem:$0x200]  }
0xcf: {  	v6 =	vld [tilespmem:$0x0]  }
0xd0: {  	v7 =	vld [tilespmem:$0x210]  }
0xd1: {  	v43 =	vld [tilespmem:$0x220]  }
0xd2: {  	v44 =	vld [tilespmem:$0x10]  }
0xd3: {  	v45 =	vld [tilespmem:$0x20];
	vm12 =	vge.s32 v5, v0;
	vm13 =	vlt.s32 v5, v1  }
0xd4: {  	v46 =	vld [tilespmem:$0x230];
	v5 =	vsub.s32 v5, v0;
	vm0 =	vmand vm12, vm13  }
0xd5: {  	v47 =	vld [tilespmem:$0x240];
	vm14 =	vge.s32 v7, v0;
	vm15 =	vlt.s32 v7, v1;
	v6 =	vnsel vm0, $0xFFFFFFFF, v6  }
0xd6: {  	vm4 =	vge.s32 v43, v0;
	v5 =	vnsel vm0, $0xFFFFFFFF, v5;
	vm0 =	vmand vm14, vm15;
	[tilespmem:$0x400] =	vst v6;
	v6 =	vld [tilespmem:$0x30]  }
0xd7: {  	v48 =	vld [tilespmem:$0x40];
	vm5 =	vlt.s32 v43, v1;
	v7 =	vsub.s32 v7, v0;
	[tilespmem:$0x600] =	vst v5;
	v5 =	vnsel vm0, $0xFFFFFFFF, v44  }
0xd8: {  	v49 =	vld [tilespmem:$0x250];
	v8 =	vsub.s32 v43, v0;
	vm1 =	vmand vm4, vm5;
	[tilespmem:$0x410] =	vst v5;
	v5 =	vnsel vm0, $0xFFFFFFFF, v7  }
0xd9: {  	v50 =	vld [tilespmem:$0x260];
	vm6 =	vge.s32 v46, v0;
	vm7 =	vlt.s32 v46, v1;
	v7 =	vnsel vm1, $0xFFFFFFFF, v45;
	[tilespmem:$0x610] =	vst v5  }
0xda: {  	vm8 =	vge.s32 v47, v0;
	vm0 =	vmand vm6, vm7;
	v5 =	vnsel vm1, $0xFFFFFFFF, v8;
	[tilespmem:$0x420] =	vst v7;
	v7 =	vld [tilespmem:$0x50]  }
0xdb: {  	v53 =	vld [tilespmem:$0x270];
	vm9 =	vlt.s32 v47, v1;
	[tilespmem:$0x620] =	vst v5;
	v5 =	vnsel vm0, $0xFFFFFFFF, v6;
	v6 =	vsub.s32 v46, v0  }
0xdc: {  	v51 =	vld [tilespmem:$0x60];
	v52 =	vsub.s32 v47, v0;
	vm1 =	vmand vm8, vm9;
	[tilespmem:$0x430] =	vst v5;
	v5 =	vnsel vm0, $0xFFFFFFFF, v6  }
0xdd: {  	v54 =	vld [tilespmem:$0x280];
	vm10 =	vge.s32 v49, v0;
	vm11 =	vlt.s32 v49, v1;
	v6 =	vnsel vm1, $0xFFFFFFFF, v48;
	[tilespmem:$0x630] =	vst v5  }
0xde: {  	vm12 =	vge.s32 v50, v0;
	vm0 =	vmand vm10, vm11;
	v5 =	vnsel vm1, $0xFFFFFFFF, v52;
	[tilespmem:$0x440] =	vst v6;
	v6 =	vld [tilespmem:$0x70]  }
0xdf: {  	v55 =	vld [tilespmem:$0x80];
	vm13 =	vlt.s32 v50, v1;
	[tilespmem:$0x640] =	vst v5;
	v5 =	vnsel vm0, $0xFFFFFFFF, v7;
	v7 =	vsub.s32 v49, v0  }
0xe0: {  	v56 =	vld [tilespmem:$0x290];
	vm14 =	vge.s32 v53, v0;
	vm1 =	vmand vm12, vm13;
	[tilespmem:$0x450] =	vst v5;
	v5 =	vnsel vm0, $0xFFFFFFFF, v7  }
0xe1: {  	v57 =	vld [tilespmem:$0x2A0];
	vm15 =	vlt.s32 v53, v1;
	v8 =	vsub.s32 v50, v0;
	v7 =	vnsel vm1, $0xFFFFFFFF, v51;
	[tilespmem:$0x650] =	vst v5  }
0xe2: {  	vm4 =	vge.s32 v54, v0;
	vm0 =	vmand vm14, vm15;
	v5 =	vnsel vm1, $0xFFFFFFFF, v8;
	[tilespmem:$0x460] =	vst v7;
	v7 =	vld [tilespmem:$0x90]  }
0xe3: {  	v59 =	vld [tilespmem:$0x2B0];
	vm5 =	vlt.s32 v54, v1;
	[tilespmem:$0x660] =	vst v5;
	v5 =	vnsel vm0, $0xFFFFFFFF, v6;
	v6 =	vsub.s32 v53, v0  }
0xe4: {  	v58 =	vld [tilespmem:$0xA0];
	v9 =	vsub.s32 v54, v0;
	vm1 =	vmand vm4, vm5;
	[tilespmem:$0x480] =	vst v5;
	v5 =	vnsel vm0, $0xFFFFFFFF, v6  }
0xe5: {  	v60 =	vld [tilespmem:$0x2C0];
	vm6 =	vge.s32 v56, v0;
	vm7 =	vlt.s32 v56, v1;
	v6 =	vnsel vm1, $0xFFFFFFFF, v55;
	[tilespmem:$0x680] =	vst v5  }
0xe6: {  	vm8 =	vge.s32 v57, v0;
	vm0 =	vmand vm6, vm7;
	v5 =	vnsel vm1, $0xFFFFFFFF, v9;
	[tilespmem:$0x490] =	vst v6;
	v6 =	vld [tilespmem:$0xB0]  }
0xe7: {  	v62 =	vld [tilespmem:$0x2D0];
	vm9 =	vlt.s32 v57, v1;
	[tilespmem:$0x690] =	vst v5;
	v5 =	vnsel vm0, $0xFFFFFFFF, v7;
	v7 =	vsub.s32 v56, v0  }
0xe8: {  	v61 =	vld [tilespmem:$0xC0];
	vm10 =	vge.s32 v59, v0;
	vm1 =	vmand vm8, vm9;
	[tilespmem:$0x4A0] =	vst v5;
	v5 =	vnsel vm0, $0xFFFFFFFF, v7  }
0xe9: {  	vm11 =	vlt.s32 v59, v1;
	v8 =	vsub.s32 v57, v0;
	v7 =	vnsel vm1, $0xFFFFFFFF, v58;
	[tilespmem:$0x6A0] =	vst v5  }
0xea: {  	vm12 =	vge.s32 v60, v0;
	vm0 =	vmand vm10, vm11;
	v5 =	vnsel vm1, $0xFFFFFFFF, v8;
	[tilespmem:$0x4B0] =	vst v7;
	v7 =	vld [tilespmem:$0xD0]  }
0xeb: {  	vm13 =	vlt.s32 v60, v1;
	[tilespmem:$0x6B0] =	vst v5;
	v5 =	vnsel vm0, $0xFFFFFFFF, v6;
	v6 =	vsub.s32 v59, v0  }
0xec: {  	vm14 =	vge.s32 v62, v0;
	vm1 =	vmand vm12, vm13;
	[tilespmem:$0x4C0] =	vst v5;
	v5 =	vnsel vm0, $0xFFFFFFFF, v6  }
0xed: {  	vm15 =	vlt.s32 v62, v1;
	v6 =	vnsel vm1, $0xFFFFFFFF, v61;
	[tilespmem:$0x6C0] =	vst v5;
	v5 =	vsub.s32 v60, v0  }
0xee: {  	vm0 =	vmand vm14, vm15;
	[tilespmem:$0x4D0] =	vst v6;
	v5 =	vnsel vm1, $0xFFFFFFFF, v5  }
0xef: {  	v6 =	vsub.s32 v62, v0;
	[tilespmem:$0x6D0] =	vst v5;
	v5 =	vnsel vm0, $0xFFFFFFFF, v7  }
0xf0: {  	[tilespmem:$0x4E0] =	vst v5;
	v5 =	vnsel vm0, $0xFFFFFFFF, v6  }
0xf1: {  	[tilespmem:$0x6E0] =	vst v5  }
0xf2: {  	_ =	swait.ge [sflag:s16], $0x3800  }
0xf3: {  	[sflag:s16] =	ssyncset.done $0x0  }
0xf4: {  	[sflag:s16] =	ssyncadd.s32 $0xFFFFC800;
	(ifvalue) =	ssetifvalue $0xFFFFFFFF  }
0xf5: {  	[spmem:s2] =	stream.indirect.scatter.add.f32 [tilespmem:s24], [sflag:$0x7], $0x80, s20, s19, $0x40b8;
	v63 =	vld [tilespmem:$0x0]  }
0xf6: {  	_ =	swait.ge [sflag:s30], $0x3800  }
0xf7: {  	[sflag:s30] =	ssyncset.done $0x0  }
0xf8: {  	[sflag:s30] =	ssyncadd.s32 $0xFFFFC800;
	(ifvalue) =	ssetifvalue $0xFFFFFFFF  }
0xf9: {  	(ifvalue) =	ssetifvalue $0xFFFFFFFF  }
0xfa: {  	[tilespmem:s24], [sflag:$0x1] =	stream.indirect.gather [hbm4b:s1+s19], $0x80, s23, s19, $0x40b8;
	v63 =	vld [tilespmem:$0x0]  }
0xfb: {  	_ =	swait.ge [sflag:s12], $0x3800  }
0xfc: {  	[sflag:s12] =	ssyncset.done $0x0  }
0xfd: {  	p0 =	sne.s32 s7, $0x1848;
	[sflag:s12] =	ssyncadd.s32 $0xFFFFC800;
	(ifvalue) =	ssetifvalue $0xFFFFFFFF  }
0xfe: {  	[spmem:s2] =	stream.indirect.scatter.add.f32 [tilespmem:s26], [sflag:$0x7], $0x80, s17, s19, $0x40b8;
	v63 =	vld [tilespmem:$0x0]  }
.Ltmp0:
0xff: {  	_ =	swait.ge [sflag:s30], $0x3800;
	(pc) =	sbr.rel @p0 .LBB2_2-.Ltmp0, $4  }
0x100: {  	s8 =	sadd.s32 $0x1C0, s8;
	s7 =	sadd.s32 $0x38, s7;
	[sflag:s30] =	ssyncset.done $0x0  }
0x101: {  	s14 =	simm.s32 $0x500;
	[sflag:s30] =	ssyncadd.s32 $0xFFFFC800;
	(ifvalue) =	ssetifvalue $0xFFFFFFFF  }
0x102: {  	s25 =	simm.s32 $0x480;
	s11 =	simm.s32 $0x300;
	(ifvalue) =	ssetifvalue $0xFFFFFFFF  }
0x103: {  	[tilespmem:s26], [sflag:$0x2] =	stream.indirect.gather [hbm4b:s1+s19], $0x80, s25, s19, $0x40b8;
	v63 =	vld [tilespmem:$0x0]  }
0x104: {  	_ =	swait.ge [sflag:s16], $0x3800  }
0x105: {  	[sflag:s16] =	ssyncset.done $0x0  }
0x106: {  	[sflag:s16] =	ssyncadd.s32 $0xFFFFC800;
	(ifvalue) =	ssetifvalue $0xFFFFFFFF  }
0x107: {  	[spmem:s2] =	stream.indirect.scatter.add.f32 [tilespmem:s24], [sflag:$0x7], $0x80, s10, s19, $0x40b8;
	v63 =	vld [tilespmem:$0x0]  }
0x108: {  	_ =	swait.ge [sflag:s30], $0x3800  }
0x109: {  	[sflag:s30] =	ssyncset.done $0x0  }
0x10a: {  	[sflag:s30] =	ssyncadd.s32 $0xFFFFC800  }
0x10b: {  	_ =	swait.ge [sflag:s12], $0x3800  }
0x10c: {  	[sflag:s12] =	ssyncset.done $0x0  }
0x10d: {  	[sflag:s12] =	ssyncadd.s32 $0xFFFFC800;
	(ifvalue) =	ssetifvalue $0xFFFFFFFF  }
0x10e: {  	[spmem:s2] =	stream.indirect.scatter.add.f32 [tilespmem:s26], [sflag:$0x7], $0x80, s13, s19, $0x40b8;
	v63 =	vld [tilespmem:$0x0]  }
0x10f: {  	_ =	swait.ge [sflag:s30], $0x3800  }
0x110: {  	[sflag:s30] =	ssyncset.done $0x0  }
0x111: {  	[sflag:s30] =	ssyncadd.s32 $0xFFFFC800  }
0x112: {  	_ =	swait.ge [sflag:s28], $0xE0  }
0x113: {  	[sflag:s28] =	ssyncset.done $0x0  }
0x114: {  	[sflag:s28] =	ssyncadd.s32 $0xFFFFFF20  }
0x115: {  	_ =	swait.ge [sflag:s29], $0xE0  }
0x116: {  	[sflag:s29] =	ssyncset.done $0x0  }
0x117: {  	s7 =	rddreg [dreg:$0xa];
	[sflag:s29] =	ssyncadd.s32 $0xFFFFFF20  }
0x118: {  	[tilespmem:s3], [sflag:$0x7] =	stream.linear.gather [hbm4b:s7+s3], $0x30, $0x38;
	v63 =	vld [tilespmem:$0x0]  }
0x119: {  	_ =	swait.ge [sflag:s30], $0x30  }
0x11a: {  	[sflag:s30] =	ssyncset.done $0x0  }
0x11b: {  	s8 =	rddreg [dreg:$0xb];
	[sflag:s30] =	ssyncadd.s32 $0xFFFFFFD0  }
0x11c: {  	[tilespmem:s31], [sflag:$0x7] =	stream.linear.gather [hbm4b:s8+s3], $0x30, $0x38;
	v63 =	vld [tilespmem:$0x0]  }
0x11d: {  	_ =	swait.ge [sflag:s30], $0x30  }
0x11e: {  	[sflag:s30] =	ssyncset.done $0x0  }
0x11f: {  	[sflag:s30] =	ssyncadd.s32 $0xFFFFFFD0  }
0x120: {  	v5 =	vld [tilespmem:$0x200];
	[tilespmem:$0x430] =	vst v4  }
0x121: {  	v6 =	vld [tilespmem:$0x210];
	[tilespmem:$0x630] =	vst v4  }
0x122: {  	v7 =	vld [tilespmem:$0x0];
	[tilespmem:$0x440] =	vst v4  }
0x123: {  	v9 =	vld [tilespmem:$0x220];
	[tilespmem:$0x640] =	vst v4  }
0x124: {  	v8 =	vld [tilespmem:$0x10];
	[tilespmem:$0x450] =	vst v4  }
0x125: {  	[tilespmem:$0x650] =	vst v4;
	vm0 =	vge.s32 v5, v0;
	vm1 =	vlt.s32 v5, v1  }
0x126: {  	v10 =	vld [tilespmem:$0x20];
	[tilespmem:$0x460] =	vst v4;
	vm9 =	vge.s32 v6, v0;
	vm0 =	vmand vm0, vm1  }
0x127: {  	[tilespmem:$0x660] =	vst v4;
	vm2 =	vlt.s32 v6, v1;
	v5 =	vsub.s32 v5, v0;
	v7 =	vnsel vm0, $0xFFFFFFFF, v7  }
0x128: {  	vm10 =	vge.s32 v9, v0;
	vm1 =	vmand vm9, vm2;
	v5 =	vnsel vm0, $0xFFFFFFFF, v5;
	[tilespmem:$0x400] =	vst v7  }
0x129: {  	vm11 =	vlt.s32 v9, v1;
	v7 =	vnsel vm1, $0xFFFFFFFF, v8;
	[tilespmem:$0x600] =	vst v5;
	v5 =	vsub.s32 v6, v0  }
0x12a: {  	vm0 =	vmand vm10, vm11;
	[tilespmem:$0x410] =	vst v7;
	v5 =	vnsel vm1, $0xFFFFFFFF, v5  }
0x12b: {  	v6 =	vsub.s32 v9, v0;
	[tilespmem:$0x610] =	vst v5;
	v5 =	vnsel vm0, $0xFFFFFFFF, v10  }
0x12c: {  	[tilespmem:$0x420] =	vst v5;
	v5 =	vnsel vm0, $0xFFFFFFFF, v6  }
0x12d: {  	[tilespmem:$0x620] =	vst v5;
	(ifvalue) =	ssetifvalue $0xFFFFFFFF  }
0x12e: {  	(ifvalue) =	ssetifvalue $0xFFFFFFFF  }
0x12f: {  	[tilespmem:s24], [sflag:$0x1] =	stream.indirect.gather [hbm4b:s1+s19], $0x80, s23, s19, $0x40b8;
	v63 =	vld [tilespmem:$0x0]  }
0x130: {  	_ =	swait.ge [sflag:s16], $0x3800  }
0x131: {  	[sflag:s16] =	ssyncset.done $0x0  }
0x132: {  	[sflag:s16] =	ssyncadd.s32 $0xFFFFC800;
	(ifvalue) =	ssetifvalue $0xFFFFFFFF  }
0x133: {  	[spmem:s2] =	stream.indirect.scatter.add.f32 [tilespmem:s24], [sflag:$0x7], $0x80, s10, s19, $0x40b8;
	v63 =	vld [tilespmem:$0x0]  }
0x134: {  	_ =	swait.ge [sflag:s30], $0x3800  }
0x135: {  	[sflag:s30] =	ssyncset.done $0x0  }
0x136: {  	[sflag:s30] =	ssyncadd.s32 $0xFFFFC800  }
0x137: {  	[bflag:$0x0] =	sbarrier.arrive $0xFFFF  }
0x138: {  	s8 =	rddreg [dreg:$0x5]  }
0x139: {  	s10 =	rddreg [dreg:$0xd]  }
0x13a: {  	[hbm:s10], [sflag:s8] =	dma.local [spmem:s15], $0x3100  }
0x13b: {  	_ =	swait.ge [sflag:s30], $0x3100  }
0x13c: {  	[sflag:s30] =	ssyncset.done $0x0  }
0x13d: {  	[sflag:s30] =	ssyncadd.s32 $0xFFFFCF00  }
0x13e: {  	[bflag:$0x0] =	sbarrier.arrive $0xFFFF  }
0x13f: {  	s7 =	rddreg [dreg:$0x4]  }
0x140: {  	[dreg:$0x18] =	wrdreg s15  }
0x141: {  	[spmem:s15], [sflag:s8] =	dma.local [hbm:s7], $0x700  }
0x142: {  	_ =	swait.ge [sflag:s30], $0x700  }
0x143: {  	[sflag:s30] =	ssyncset.done $0x0  }
0x144: {  	s13 =	rddreg [dreg:$0x19];
	[sflag:s30] =	ssyncadd.s32 $0xFFFFF900  }
0x145: {  	[spmem:s13], [sflag:s8] =	dma.local [hbm:s7], $0x700  }
0x146: {  	_ =	swait.ge [sflag:s30], $0x700  }
0x147: {  	[sflag:s30] =	ssyncset.done $0x0  }
0x148: {  	s15 =	rddreg [dreg:$0x1a];
	[sflag:s30] =	ssyncadd.s32 $0xFFFFF900  }
0x149: {  	[spmem:s15], [sflag:s8] =	dma.local [hbm:s7], $0x700  }
0x14a: {  	_ =	swait.ge [sflag:s30], $0x700  }
0x14b: {  	[sflag:s30] =	ssyncset.done $0x0  }
0x14c: {  	s23 =	rddreg [dreg:$0x1b];
	[sflag:s30] =	ssyncadd.s32 $0xFFFFF900  }
0x14d: {  	[spmem:s23], [sflag:s8] =	dma.local [hbm:s7], $0x700  }
0x14e: {  	_ =	swait.ge [sflag:s30], $0x700  }
0x14f: {  	[sflag:s30] =	ssyncset.done $0x0  }
0x150: {  	s13 =	rddreg [dreg:$0x1c];
	[sflag:s30] =	ssyncadd.s32 $0xFFFFF900  }
0x151: {  	[spmem:s13], [sflag:s8] =	dma.local [hbm:s7], $0x700  }
0x152: {  	_ =	swait.ge [sflag:s30], $0x700  }
0x153: {  	[sflag:s30] =	ssyncset.done $0x0  }
0x154: {  	s15 =	rddreg [dreg:$0x1d];
	[sflag:s30] =	ssyncadd.s32 $0xFFFFF900  }
0x155: {  	[spmem:s15], [sflag:s8] =	dma.local [hbm:s7], $0x700  }
0x156: {  	_ =	swait.ge [sflag:s30], $0x700  }
0x157: {  	[sflag:s30] =	ssyncset.done $0x0  }
0x158: {  	s23 =	rddreg [dreg:$0x1e];
	[sflag:s30] =	ssyncadd.s32 $0xFFFFF900  }
0x159: {  	[spmem:s23], [sflag:s8] =	dma.local [hbm:s7], $0x700  }
0x15a: {  	_ =	swait.ge [sflag:s30], $0x700  }
0x15b: {  	[sflag:s30] =	ssyncset.done $0x0  }
0x15c: {  	[sflag:s30] =	ssyncadd.s32 $0xFFFFF900  }
0x15d: {  	[bflag:$0x0] =	sbarrier.arrive $0xFFFF  }
0x15e: {  	s8 =	rddreg [dreg:$0x6]  }
0x15f: {  	[tilespmem:s3], [sflag:$0x3] =	stream.linear.gather [hbm4b:s8+s3], $0xE0, $0x38;
	v63 =	vld [tilespmem:$0x0]  }
0x160: {  	s10 =	rddreg [dreg:$0x7]  }
0x161: {  	[tilespmem:s31], [sflag:$0x4] =	stream.linear.gather [hbm4b:s10+s3], $0xE0, $0x38;
	v63 =	vld [tilespmem:$0x0]  }
0x162: {  	_ =	swait.ge [sflag:s0], $0xE0  }
0x163: {  	[sflag:s0] =	ssyncset.done $0x0  }
0x164: {  	[sflag:s0] =	ssyncadd.s32 $0xFFFFFF20  }
0x165: {  	_ =	swait.ge [sflag:s4], $0xE0  }
0x166: {  	[sflag:s4] =	ssyncset.done $0x0  }
0x167: {  	s13 =	rddreg [dreg:$0x8];
	[sflag:s4] =	ssyncadd.s32 $0xFFFFFF20  }
0x168: {  	[tilespmem:s18], [sflag:$0x5] =	stream.linear.gather [hbm4b:s13+s3], $0xE0, $0x38;
	v63 =	vld [tilespmem:$0x0]  }
0x169: {  	s15 =	rddreg [dreg:$0x9]  }
0x16a: {  	[tilespmem:s11], [sflag:$0x6] =	stream.linear.gather [hbm4b:s15+s3], $0xE0, $0x38;
	v63 =	vld [tilespmem:$0x0]  }
0x16b: {  	v5 =	vld [tilespmem:$0x200]  }
0x16c: {  	v6 =	vld [tilespmem:$0x210]  }
0x16d: {  	v7 =	vld [tilespmem:$0x0]  }
0x16e: {  	v46 =	vld [tilespmem:$0x220]  }
0x16f: {  	v45 =	vld [tilespmem:$0x10]  }
0x170: {  	v47 =	vld [tilespmem:$0x230];
	vm12 =	vge.s32 v5, v2;
	vm13 =	vlt.s32 v5, v3  }
0x171: {  	v11 =	vld [tilespmem:$0x20];
	vm14 =	vge.s32 v6, v2;
	vm15 =	vlt.s32 v6, v3;
	vm0 =	vmand vm12, vm13  }
0x172: {  	v12 =	vld [tilespmem:$0x30];
	v5 =	vsub.s32 v5, v2;
	v6 =	vsub.s32 v6, v2;
	v7 =	vnsel vm0, $0xFFFFFFFF, v7  }
0x173: {  	v48 =	vld [tilespmem:$0x240];
	vm4 =	vge.s32 v46, v2;
	vm1 =	vmand vm14, vm15;
	v5 =	vnsel vm0, $0xFFFFFFFF, v5;
	[tilespmem:$0x400] =	vst v7  }
0x174: {  	vm5 =	vlt.s32 v46, v3;
	v7 =	vnsel vm1, $0xFFFFFFFF, v45;
	[tilespmem:$0x600] =	vst v5;
	v5 =	vnsel vm1, $0xFFFFFFFF, v6;
	v6 =	vld [tilespmem:$0x250]  }
0x175: {  	vm6 =	vge.s32 v47, v2;
	vm7 =	vlt.s32 v47, v3;
	vm0 =	vmand vm4, vm5;
	[tilespmem:$0x410] =	vst v7;
	v7 =	vld [tilespmem:$0x40]  }
0x176: {  	v51 =	vld [tilespmem:$0x260];
	vm1 =	vmand vm6, vm7;
	[tilespmem:$0x610] =	vst v5;
	v5 =	vnsel vm0, $0xFFFFFFFF, v11  }
0x177: {  	v49 =	vld [tilespmem:$0x50];
	v9 =	vsub.s32 v46, v2;
	v10 =	vsub.s32 v47, v2;
	v50 =	vnsel vm1, $0xFFFFFFFF, v12;
	[tilespmem:$0x420] =	vst v5  }
0x178: {  	vm8 =	vge.s32 v48, v2;
	vm9 =	vlt.s32 v48, v3;
	v5 =	vnsel vm0, $0xFFFFFFFF, v9;
	[tilespmem:$0x430] =	vst v50  }
0x179: {  	v52 =	vld [tilespmem:$0x60];
	vm0 =	vmand vm8, vm9;
	[tilespmem:$0x620] =	vst v5;
	v5 =	vnsel vm1, $0xFFFFFFFF, v10;
	vm10 =	vge.s32 v6, v2  }
0x17a: {  	[tilespmem:$0x630] =	vst v5;
	vm11 =	vlt.s32 v6, v3;
	v5 =	vnsel vm0, $0xFFFFFFFF, v7;
	v7 =	vsub.s32 v48, v2  }
0x17b: {  	vm12 =	vge.s32 v51, v2;
	vm1 =	vmand vm10, vm11;
	[tilespmem:$0x440] =	vst v5;
	v5 =	vnsel vm0, $0xFFFFFFFF, v7  }
0x17c: {  	vm13 =	vlt.s32 v51, v3;
	v7 =	vnsel vm1, $0xFFFFFFFF, v49;
	[tilespmem:$0x640] =	vst v5;
	v5 =	vsub.s32 v6, v2  }
0x17d: {  	vm0 =	vmand vm12, vm13;
	[tilespmem:$0x450] =	vst v7;
	v5 =	vnsel vm1, $0xFFFFFFFF, v5  }
0x17e: {  	v6 =	vsub.s32 v51, v2;
	[tilespmem:$0x650] =	vst v5;
	v5 =	vnsel vm0, $0xFFFFFFFF, v52  }
0x17f: {  	[tilespmem:$0x460] =	vst v5;
	v5 =	vnsel vm0, $0xFFFFFFFF, v6  }
0x180: {  	[tilespmem:$0x660] =	vst v5;
	(ifvalue) =	ssetifvalue $0xFFFFFFFF  }
0x181: {  	s8 =	simm.s32 $0x400;
	(ifvalue) =	ssetifvalue $0xFFFFFFFF  }
0x182: {  	[tilespmem:s24], [sflag:$0x1] =	stream.indirect.gather [hbm4b:s1+s19], $0x80, s8, s19, $0x40b8;
	v63 =	vld [tilespmem:$0x0]  }
0x183: {  	v5 =	vld [tilespmem:$0x270]  }
0x184: {  	v6 =	vld [tilespmem:$0x280]  }
0x185: {  	v7 =	vld [tilespmem:$0x70]  }
0x186: {  	v54 =	vld [tilespmem:$0x290]  }
0x187: {  	v53 =	vld [tilespmem:$0x80]  }
0x188: {  	v55 =	vld [tilespmem:$0x2A0];
	vm14 =	vge.s32 v5, v2;
	vm15 =	vlt.s32 v5, v3  }
0x189: {  	v56 =	vld [tilespmem:$0x90];
	vm4 =	vge.s32 v6, v2;
	vm5 =	vlt.s32 v6, v3;
	vm0 =	vmand vm14, vm15  }
0x18a: {  	v57 =	vld [tilespmem:$0xA0];
	v5 =	vsub.s32 v5, v2;
	v6 =	vsub.s32 v6, v2;
	v7 =	vnsel vm0, $0xFFFFFFFF, v7  }
0x18b: {  	v58 =	vld [tilespmem:$0x2B0];
	vm6 =	vge.s32 v54, v2;
	vm1 =	vmand vm4, vm5;
	v5 =	vnsel vm0, $0xFFFFFFFF, v5;
	[tilespmem:$0x480] =	vst v7  }
0x18c: {  	vm7 =	vlt.s32 v54, v3;
	v7 =	vnsel vm1, $0xFFFFFFFF, v53;
	[tilespmem:$0x680] =	vst v5;
	v5 =	vnsel vm1, $0xFFFFFFFF, v6;
	v6 =	vld [tilespmem:$0x2C0]  }
0x18d: {  	vm8 =	vge.s32 v55, v2;
	vm9 =	vlt.s32 v55, v3;
	vm0 =	vmand vm6, vm7;
	[tilespmem:$0x490] =	vst v7;
	v7 =	vld [tilespmem:$0xB0]  }
0x18e: {  	v61 =	vld [tilespmem:$0x2D0];
	vm1 =	vmand vm8, vm9;
	[tilespmem:$0x690] =	vst v5;
	v5 =	vnsel vm0, $0xFFFFFFFF, v56  }
0x18f: {  	v59 =	vld [tilespmem:$0xC0];
	v9 =	vsub.s32 v54, v2;
	v10 =	vsub.s32 v55, v2;
	v60 =	vnsel vm1, $0xFFFFFFFF, v57;
	[tilespmem:$0x4A0] =	vst v5  }
0x190: {  	vm10 =	vge.s32 v58, v2;
	vm11 =	vlt.s32 v58, v3;
	v5 =	vnsel vm0, $0xFFFFFFFF, v9;
	[tilespmem:$0x4B0] =	vst v60  }
0x191: {  	v62 =	vld [tilespmem:$0xD0];
	vm0 =	vmand vm10, vm11;
	[tilespmem:$0x6A0] =	vst v5;
	v5 =	vnsel vm1, $0xFFFFFFFF, v10;
	vm12 =	vge.s32 v6, v2  }
0x192: {  	[tilespmem:$0x6B0] =	vst v5;
	vm13 =	vlt.s32 v6, v3;
	v5 =	vnsel vm0, $0xFFFFFFFF, v7;
	v7 =	vsub.s32 v58, v2  }
0x193: {  	vm14 =	vge.s32 v61, v2;
	vm1 =	vmand vm12, vm13;
	[tilespmem:$0x4C0] =	vst v5;
	v5 =	vnsel vm0, $0xFFFFFFFF, v7  }
0x194: {  	vm15 =	vlt.s32 v61, v3;
	v7 =	vnsel vm1, $0xFFFFFFFF, v59;
	[tilespmem:$0x6C0] =	vst v5;
	v5 =	vsub.s32 v6, v2  }
0x195: {  	vm0 =	vmand vm14, vm15;
	[tilespmem:$0x4D0] =	vst v7;
	v5 =	vnsel vm1, $0xFFFFFFFF, v5  }
0x196: {  	v6 =	vsub.s32 v61, v2;
	[tilespmem:$0x6D0] =	vst v5;
	v5 =	vnsel vm0, $0xFFFFFFFF, v62  }
0x197: {  	s23 =	simm.s32 $0x200;
	[tilespmem:$0x4E0] =	vst v5;
	v5 =	vnsel vm0, $0xFFFFFFFF, v6  }
0x198: {  	s7 =	simm.s32 $0x38;
	s10 =	simm.s32 $0x400;
	[tilespmem:$0x6E0] =	vst v5;
	(ifvalue) =	ssetifvalue $0xFFFFFFFF  }
0x199: {  	s31 =	simm.s32 $0x680;
	s13 =	simm.s32 $0x480;
	(ifvalue) =	ssetifvalue $0xFFFFFFFF  }
0x19a: {  	[tilespmem:s26], [sflag:$0x2] =	stream.indirect.gather [hbm4b:s1+s19], $0x80, s25, s19, $0x40b8;
	v63 =	vld [tilespmem:$0x0]  }
0x19b: {  	s15 =	simm.s32 $0x600;
	s8 =	rddreg [dreg:$0x10];
	s25 =	simm.s32 $0x300  }
.LBB2_4:
0x19c: {  	_ =	swait.ge [sflag:s28], $0xE0  }
0x19d: {  	[sflag:s28] =	ssyncset.done $0x0  }
0x19e: {  	[sflag:s28] =	ssyncadd.s32 $0xFFFFFF20  }
0x19f: {  	_ =	swait.ge [sflag:s29], $0xE0  }
0x1a0: {  	[sflag:s29] =	ssyncset.done $0x0  }
0x1a1: {  	s11 =	sadd.s32 s7, s22;
	[sflag:s29] =	ssyncadd.s32 $0xFFFFFF20  }
0x1a2: {  	[tilespmem:s3], [sflag:$0x3] =	stream.linear.gather [hbm4b:s11+s3], $0xE0, $0x38;
	v63 =	vld [tilespmem:$0x0]  }
0x1a3: {  	s11 =	sadd.s32 s7, s21  }
0x1a4: {  	[tilespmem:s23], [sflag:$0x4] =	stream.linear.gather [hbm4b:s11+s3], $0xE0, $0x38;
	v63 =	vld [tilespmem:$0x0]  }
0x1a5: {  	v5 =	vld [tilespmem:$0x300]  }
0x1a6: {  	v6 =	vld [tilespmem:$0x100]  }
0x1a7: {  	v7 =	vld [tilespmem:$0x310]  }
0x1a8: {  	v8 =	vld [tilespmem:$0x320]  }
0x1a9: {  	v9 =	vld [tilespmem:$0x110]  }
0x1aa: {  	v10 =	vld [tilespmem:$0x120];
	vm0 =	vge.s32 v5, v2;
	vm1 =	vlt.s32 v5, v3  }
0x1ab: {  	v11 =	vld [tilespmem:$0x330];
	v5 =	vsub.s32 v5, v2;
	vm0 =	vmand vm0, vm1  }
0x1ac: {  	v12 =	vld [tilespmem:$0x340];
	vm11 =	vge.s32 v7, v2;
	vm12 =	vlt.s32 v7, v3;
	v6 =	vnsel vm0, $0xFFFFFFFF, v6  }
0x1ad: {  	vm13 =	vge.s32 v8, v2;
	v5 =	vnsel vm0, $0xFFFFFFFF, v5;
	vm0 =	vmand vm11, vm12;
	[tilespmem:$0x500] =	vst v6;
	v6 =	vld [tilespmem:$0x130]  }
0x1ae: {  	v28 =	vld [tilespmem:$0x140];
	vm2 =	vlt.s32 v8, v3;
	v7 =	vsub.s32 v7, v2;
	[tilespmem:$0x700] =	vst v5;
	v5 =	vnsel vm0, $0xFFFFFFFF, v9  }
0x1af: {  	v29 =	vld [tilespmem:$0x350];
	v8 =	vsub.s32 v8, v2;
	vm1 =	vmand vm13, vm2;
	[tilespmem:$0x510] =	vst v5;
	v5 =	vnsel vm0, $0xFFFFFFFF, v7  }
0x1b0: {  	v30 =	vld [tilespmem:$0x360];
	vm14 =	vge.s32 v11, v2;
	vm15 =	vlt.s32 v11, v3;
	v7 =	vnsel vm1, $0xFFFFFFFF, v10;
	[tilespmem:$0x710] =	vst v5  }
0x1b1: {  	vm4 =	vge.s32 v12, v2;
	vm0 =	vmand vm14, vm15;
	v5 =	vnsel vm1, $0xFFFFFFFF, v8;
	[tilespmem:$0x520] =	vst v7;
	v7 =	vld [tilespmem:$0x150]  }
0x1b2: {  	v33 =	vld [tilespmem:$0x370];
	vm5 =	vlt.s32 v12, v3;
	[tilespmem:$0x720] =	vst v5;
	v5 =	vnsel vm0, $0xFFFFFFFF, v6;
	v6 =	vsub.s32 v11, v2  }
0x1b3: {  	v31 =	vld [tilespmem:$0x160];
	v32 =	vsub.s32 v12, v2;
	vm1 =	vmand vm4, vm5;
	[tilespmem:$0x530] =	vst v5;
	v5 =	vnsel vm0, $0xFFFFFFFF, v6  }
0x1b4: {  	v34 =	vld [tilespmem:$0x380];
	vm6 =	vge.s32 v29, v2;
	vm7 =	vlt.s32 v29, v3;
	v6 =	vnsel vm1, $0xFFFFFFFF, v28;
	[tilespmem:$0x730] =	vst v5  }
0x1b5: {  	vm8 =	vge.s32 v30, v2;
	vm0 =	vmand vm6, vm7;
	v5 =	vnsel vm1, $0xFFFFFFFF, v32;
	[tilespmem:$0x540] =	vst v6;
	v6 =	vld [tilespmem:$0x170]  }
0x1b6: {  	v35 =	vld [tilespmem:$0x180];
	vm9 =	vlt.s32 v30, v3;
	[tilespmem:$0x740] =	vst v5;
	v5 =	vnsel vm0, $0xFFFFFFFF, v7;
	v7 =	vsub.s32 v29, v2  }
0x1b7: {  	v36 =	vld [tilespmem:$0x390];
	vm10 =	vge.s32 v33, v2;
	vm1 =	vmand vm8, vm9;
	[tilespmem:$0x550] =	vst v5;
	v5 =	vnsel vm0, $0xFFFFFFFF, v7  }
0x1b8: {  	v37 =	vld [tilespmem:$0x3A0];
	vm11 =	vlt.s32 v33, v3;
	v8 =	vsub.s32 v30, v2;
	v7 =	vnsel vm1, $0xFFFFFFFF, v31;
	[tilespmem:$0x750] =	vst v5  }
0x1b9: {  	vm13 =	vlt.s32 v34, v3;
	vm0 =	vmand vm10, vm11;
	v5 =	vnsel vm1, $0xFFFFFFFF, v8;
	[tilespmem:$0x560] =	vst v7;
	v7 =	vld [tilespmem:$0x190]  }
0x1ba: {  	v39 =	vld [tilespmem:$0x3B0];
	vm12 =	vge.s32 v34, v2;
	[tilespmem:$0x760] =	vst v5;
	v5 =	vnsel vm0, $0xFFFFFFFF, v6;
	v6 =	vsub.s32 v33, v2  }
0x1bb: {  	v38 =	vld [tilespmem:$0x1A0];
	v9 =	vsub.s32 v34, v2;
	vm1 =	vmand vm12, vm13;
	[tilespmem:$0x580] =	vst v5;
	v5 =	vnsel vm0, $0xFFFFFFFF, v6  }
0x1bc: {  	v40 =	vld [tilespmem:$0x3C0];
	vm14 =	vge.s32 v36, v2;
	vm15 =	vlt.s32 v36, v3;
	v6 =	vnsel vm1, $0xFFFFFFFF, v35;
	[tilespmem:$0x780] =	vst v5  }
0x1bd: {  	vm4 =	vge.s32 v37, v2;
	vm0 =	vmand vm14, vm15;
	v5 =	vnsel vm1, $0xFFFFFFFF, v9;
	[tilespmem:$0x590] =	vst v6;
	v6 =	vld [tilespmem:$0x1B0]  }
0x1be: {  	v42 =	vld [tilespmem:$0x3D0];
	vm5 =	vlt.s32 v37, v3;
	[tilespmem:$0x790] =	vst v5;
	v5 =	vnsel vm0, $0xFFFFFFFF, v7;
	v7 =	vsub.s32 v36, v2  }
0x1bf: {  	v41 =	vld [tilespmem:$0x1C0];
	vm6 =	vge.s32 v39, v2;
	vm1 =	vmand vm4, vm5;
	[tilespmem:$0x5A0] =	vst v5;
	v5 =	vnsel vm0, $0xFFFFFFFF, v7  }
0x1c0: {  	vm7 =	vlt.s32 v39, v3;
	v8 =	vsub.s32 v37, v2;
	v7 =	vnsel vm1, $0xFFFFFFFF, v38;
	[tilespmem:$0x7A0] =	vst v5  }
0x1c1: {  	vm8 =	vge.s32 v40, v2;
	vm0 =	vmand vm6, vm7;
	v5 =	vnsel vm1, $0xFFFFFFFF, v8;
	[tilespmem:$0x5B0] =	vst v7;
	v7 =	vld [tilespmem:$0x1D0]  }
0x1c2: {  	vm9 =	vlt.s32 v40, v3;
	[tilespmem:$0x7B0] =	vst v5;
	v5 =	vnsel vm0, $0xFFFFFFFF, v6;
	v6 =	vsub.s32 v39, v2  }
0x1c3: {  	vm10 =	vge.s32 v42, v2;
	vm1 =	vmand vm8, vm9;
	[tilespmem:$0x5C0] =	vst v5;
	v5 =	vnsel vm0, $0xFFFFFFFF, v6  }
0x1c4: {  	vm11 =	vlt.s32 v42, v3;
	v6 =	vnsel vm1, $0xFFFFFFFF, v41;
	[tilespmem:$0x7C0] =	vst v5;
	v5 =	vsub.s32 v40, v2  }
0x1c5: {  	vm0 =	vmand vm10, vm11;
	[tilespmem:$0x5D0] =	vst v6;
	v5 =	vnsel vm1, $0xFFFFFFFF, v5  }
0x1c6: {  	v6 =	vsub.s32 v42, v2;
	[tilespmem:$0x7D0] =	vst v5;
	v5 =	vnsel vm0, $0xFFFFFFFF, v7  }
0x1c7: {  	[tilespmem:$0x5E0] =	vst v5;
	v5 =	vnsel vm0, $0xFFFFFFFF, v6  }
0x1c8: {  	[tilespmem:$0x7E0] =	vst v5  }
0x1c9: {  	_ =	swait.ge [sflag:s16], $0x3800  }
0x1ca: {  	[sflag:s16] =	ssyncset.done $0x0  }
0x1cb: {  	[sflag:s16] =	ssyncadd.s32 $0xFFFFC800;
	(ifvalue) =	ssetifvalue $0xFFFFFFFF  }
0x1cc: {  	[spmem:s2] =	stream.indirect.scatter.add.f32 [tilespmem:s24], [sflag:$0x7], $0x80, s15, s19, $0x40b8;
	v63 =	vld [tilespmem:$0x0]  }
0x1cd: {  	_ =	swait.ge [sflag:s30], $0x3800  }
0x1ce: {  	[sflag:s30] =	ssyncset.done $0x0  }
0x1cf: {  	[sflag:s30] =	ssyncadd.s32 $0xFFFFC800;
	(ifvalue) =	ssetifvalue $0xFFFFFFFF  }
0x1d0: {  	(ifvalue) =	ssetifvalue $0xFFFFFFFF  }
0x1d1: {  	[tilespmem:s24], [sflag:$0x1] =	stream.indirect.gather [hbm4b:s1+s19], $0x80, s14, s19, $0x40b8;
	v63 =	vld [tilespmem:$0x0]  }
0x1d2: {  	_ =	swait.ge [sflag:s12], $0x3800  }
0x1d3: {  	[sflag:s12] =	ssyncset.done $0x0  }
0x1d4: {  	[sflag:s12] =	ssyncadd.s32 $0xFFFFC800;
	(ifvalue) =	ssetifvalue $0xFFFFFFFF  }
0x1d5: {  	[spmem:s2] =	stream.indirect.scatter.add.f32 [tilespmem:s26], [sflag:$0x7], $0x80, s31, s19, $0x40b8;
	v63 =	vld [tilespmem:$0x0]  }
0x1d6: {  	_ =	swait.ge [sflag:s30], $0x3800  }
0x1d7: {  	[sflag:s30] =	ssyncset.done $0x0  }
0x1d8: {  	[sflag:s30] =	ssyncadd.s32 $0xFFFFC800;
	(ifvalue) =	ssetifvalue $0xFFFFFFFF  }
0x1d9: {  	s14 =	simm.s32 $0x580;
	(ifvalue) =	ssetifvalue $0xFFFFFFFF  }
0x1da: {  	[tilespmem:s26], [sflag:$0x2] =	stream.indirect.gather [hbm4b:s1+s19], $0x80, s14, s19, $0x40b8;
	v63 =	vld [tilespmem:$0x0]  }
0x1db: {  	_ =	swait.ge [sflag:s0], $0xE0  }
0x1dc: {  	[sflag:s0] =	ssyncset.done $0x0  }
0x1dd: {  	p0 =	slt.s32 s8, s9;
	s11 =	smov.u32 s9;
	[sflag:s0] =	ssyncadd.s32 $0xFFFFFF20  }
0x1de: {  	s11 =	smov.u32 @p0 s8;
	_ =	swait.ge [sflag:s4], $0xE0  }
0x1df: {  	s11 =	sshrl.u32 s11, $0x3;
	[sflag:s4] =	ssyncset.done $0x0  }
0x1e0: {  	s14 =	sadd.s32 s5, s11;
	[sflag:s4] =	ssyncadd.s32 $0xFFFFFF20  }
0x1e1: {  	[tilespmem:s18], [sflag:$0x5] =	stream.linear.gather [hbm4b:s14+s3], $0xE0, $0x38;
	v63 =	vld [tilespmem:$0x0]  }
0x1e2: {  	s11 =	sadd.s32 s6, s11  }
0x1e3: {  	[tilespmem:s25], [sflag:$0x6] =	stream.linear.gather [hbm4b:s11+s3], $0xE0, $0x38;
	v63 =	vld [tilespmem:$0x0]  }
0x1e4: {  	v5 =	vld [tilespmem:$0x200]  }
0x1e5: {  	v6 =	vld [tilespmem:$0x0]  }
0x1e6: {  	v7 =	vld [tilespmem:$0x210]  }
0x1e7: {  	v43 =	vld [tilespmem:$0x220]  }
0x1e8: {  	v44 =	vld [tilespmem:$0x10]  }
0x1e9: {  	v45 =	vld [tilespmem:$0x20];
	vm12 =	vge.s32 v5, v2;
	vm13 =	vlt.s32 v5, v3  }
0x1ea: {  	v46 =	vld [tilespmem:$0x230];
	v5 =	vsub.s32 v5, v2;
	vm0 =	vmand vm12, vm13  }
0x1eb: {  	v47 =	vld [tilespmem:$0x240];
	vm14 =	vge.s32 v7, v2;
	vm15 =	vlt.s32 v7, v3;
	v6 =	vnsel vm0, $0xFFFFFFFF, v6  }
0x1ec: {  	vm4 =	vge.s32 v43, v2;
	v5 =	vnsel vm0, $0xFFFFFFFF, v5;
	vm0 =	vmand vm14, vm15;
	[tilespmem:$0x400] =	vst v6;
	v6 =	vld [tilespmem:$0x30]  }
0x1ed: {  	v48 =	vld [tilespmem:$0x40];
	vm5 =	vlt.s32 v43, v3;
	v7 =	vsub.s32 v7, v2;
	[tilespmem:$0x600] =	vst v5;
	v5 =	vnsel vm0, $0xFFFFFFFF, v44  }
0x1ee: {  	v49 =	vld [tilespmem:$0x250];
	v8 =	vsub.s32 v43, v2;
	vm1 =	vmand vm4, vm5;
	[tilespmem:$0x410] =	vst v5;
	v5 =	vnsel vm0, $0xFFFFFFFF, v7  }
0x1ef: {  	v50 =	vld [tilespmem:$0x260];
	vm6 =	vge.s32 v46, v2;
	vm7 =	vlt.s32 v46, v3;
	v7 =	vnsel vm1, $0xFFFFFFFF, v45;
	[tilespmem:$0x610] =	vst v5  }
0x1f0: {  	vm8 =	vge.s32 v47, v2;
	vm0 =	vmand vm6, vm7;
	v5 =	vnsel vm1, $0xFFFFFFFF, v8;
	[tilespmem:$0x420] =	vst v7;
	v7 =	vld [tilespmem:$0x50]  }
0x1f1: {  	v53 =	vld [tilespmem:$0x270];
	vm9 =	vlt.s32 v47, v3;
	[tilespmem:$0x620] =	vst v5;
	v5 =	vnsel vm0, $0xFFFFFFFF, v6;
	v6 =	vsub.s32 v46, v2  }
0x1f2: {  	v51 =	vld [tilespmem:$0x60];
	v52 =	vsub.s32 v47, v2;
	vm1 =	vmand vm8, vm9;
	[tilespmem:$0x430] =	vst v5;
	v5 =	vnsel vm0, $0xFFFFFFFF, v6  }
0x1f3: {  	v54 =	vld [tilespmem:$0x280];
	vm10 =	vge.s32 v49, v2;
	vm11 =	vlt.s32 v49, v3;
	v6 =	vnsel vm1, $0xFFFFFFFF, v48;
	[tilespmem:$0x630] =	vst v5  }
0x1f4: {  	vm12 =	vge.s32 v50, v2;
	vm0 =	vmand vm10, vm11;
	v5 =	vnsel vm1, $0xFFFFFFFF, v52;
	[tilespmem:$0x440] =	vst v6;
	v6 =	vld [tilespmem:$0x70]  }
0x1f5: {  	v55 =	vld [tilespmem:$0x80];
	vm13 =	vlt.s32 v50, v3;
	[tilespmem:$0x640] =	vst v5;
	v5 =	vnsel vm0, $0xFFFFFFFF, v7;
	v7 =	vsub.s32 v49, v2  }
0x1f6: {  	v56 =	vld [tilespmem:$0x290];
	vm14 =	vge.s32 v53, v2;
	vm1 =	vmand vm12, vm13;
	[tilespmem:$0x450] =	vst v5;
	v5 =	vnsel vm0, $0xFFFFFFFF, v7  }
0x1f7: {  	v57 =	vld [tilespmem:$0x2A0];
	vm15 =	vlt.s32 v53, v3;
	v8 =	vsub.s32 v50, v2;
	v7 =	vnsel vm1, $0xFFFFFFFF, v51;
	[tilespmem:$0x650] =	vst v5  }
0x1f8: {  	vm4 =	vge.s32 v54, v2;
	vm0 =	vmand vm14, vm15;
	v5 =	vnsel vm1, $0xFFFFFFFF, v8;
	[tilespmem:$0x460] =	vst v7;
	v7 =	vld [tilespmem:$0x90]  }
0x1f9: {  	v59 =	vld [tilespmem:$0x2B0];
	vm5 =	vlt.s32 v54, v3;
	[tilespmem:$0x660] =	vst v5;
	v5 =	vnsel vm0, $0xFFFFFFFF, v6;
	v6 =	vsub.s32 v53, v2  }
0x1fa: {  	v58 =	vld [tilespmem:$0xA0];
	v9 =	vsub.s32 v54, v2;
	vm1 =	vmand vm4, vm5;
	[tilespmem:$0x480] =	vst v5;
	v5 =	vnsel vm0, $0xFFFFFFFF, v6  }
0x1fb: {  	v60 =	vld [tilespmem:$0x2C0];
	vm6 =	vge.s32 v56, v2;
	vm7 =	vlt.s32 v56, v3;
	v6 =	vnsel vm1, $0xFFFFFFFF, v55;
	[tilespmem:$0x680] =	vst v5  }
0x1fc: {  	vm8 =	vge.s32 v57, v2;
	vm0 =	vmand vm6, vm7;
	v5 =	vnsel vm1, $0xFFFFFFFF, v9;
	[tilespmem:$0x490] =	vst v6;
	v6 =	vld [tilespmem:$0xB0]  }
0x1fd: {  	v62 =	vld [tilespmem:$0x2D0];
	vm9 =	vlt.s32 v57, v3;
	[tilespmem:$0x690] =	vst v5;
	v5 =	vnsel vm0, $0xFFFFFFFF, v7;
	v7 =	vsub.s32 v56, v2  }
0x1fe: {  	v61 =	vld [tilespmem:$0xC0];
	vm10 =	vge.s32 v59, v2;
	vm1 =	vmand vm8, vm9;
	[tilespmem:$0x4A0] =	vst v5;
	v5 =	vnsel vm0, $0xFFFFFFFF, v7  }
0x1ff: {  	vm11 =	vlt.s32 v59, v3;
	v8 =	vsub.s32 v57, v2;
	v7 =	vnsel vm1, $0xFFFFFFFF, v58;
	[tilespmem:$0x6A0] =	vst v5  }
0x200: {  	vm12 =	vge.s32 v60, v2;
	vm0 =	vmand vm10, vm11;
	v5 =	vnsel vm1, $0xFFFFFFFF, v8;
	[tilespmem:$0x4B0] =	vst v7;
	v7 =	vld [tilespmem:$0xD0]  }
0x201: {  	vm13 =	vlt.s32 v60, v3;
	[tilespmem:$0x6B0] =	vst v5;
	v5 =	vnsel vm0, $0xFFFFFFFF, v6;
	v6 =	vsub.s32 v59, v2  }
0x202: {  	vm14 =	vge.s32 v62, v2;
	vm1 =	vmand vm12, vm13;
	[tilespmem:$0x4C0] =	vst v5;
	v5 =	vnsel vm0, $0xFFFFFFFF, v6  }
0x203: {  	vm15 =	vlt.s32 v62, v3;
	v6 =	vnsel vm1, $0xFFFFFFFF, v61;
	[tilespmem:$0x6C0] =	vst v5;
	v5 =	vsub.s32 v60, v2  }
0x204: {  	vm0 =	vmand vm14, vm15;
	[tilespmem:$0x4D0] =	vst v6;
	v5 =	vnsel vm1, $0xFFFFFFFF, v5  }
0x205: {  	v6 =	vsub.s32 v62, v2;
	[tilespmem:$0x6D0] =	vst v5;
	v5 =	vnsel vm0, $0xFFFFFFFF, v7  }
0x206: {  	[tilespmem:$0x4E0] =	vst v5;
	v5 =	vnsel vm0, $0xFFFFFFFF, v6  }
0x207: {  	[tilespmem:$0x6E0] =	vst v5  }
0x208: {  	_ =	swait.ge [sflag:s16], $0x3800  }
0x209: {  	[sflag:s16] =	ssyncset.done $0x0  }
0x20a: {  	[sflag:s16] =	ssyncadd.s32 $0xFFFFC800;
	(ifvalue) =	ssetifvalue $0xFFFFFFFF  }
0x20b: {  	[spmem:s2] =	stream.indirect.scatter.add.f32 [tilespmem:s24], [sflag:$0x7], $0x80, s20, s19, $0x40b8;
	v63 =	vld [tilespmem:$0x0]  }
0x20c: {  	_ =	swait.ge [sflag:s30], $0x3800  }
0x20d: {  	[sflag:s30] =	ssyncset.done $0x0  }
0x20e: {  	[sflag:s30] =	ssyncadd.s32 $0xFFFFC800;
	(ifvalue) =	ssetifvalue $0xFFFFFFFF  }
0x20f: {  	(ifvalue) =	ssetifvalue $0xFFFFFFFF  }
0x210: {  	[tilespmem:s24], [sflag:$0x1] =	stream.indirect.gather [hbm4b:s1+s19], $0x80, s10, s19, $0x40b8;
	v63 =	vld [tilespmem:$0x0]  }
0x211: {  	_ =	swait.ge [sflag:s12], $0x3800  }
0x212: {  	[sflag:s12] =	ssyncset.done $0x0  }
0x213: {  	p0 =	sne.s32 s7, $0x1848;
	[sflag:s12] =	ssyncadd.s32 $0xFFFFC800;
	(ifvalue) =	ssetifvalue $0xFFFFFFFF  }
0x214: {  	[spmem:s2] =	stream.indirect.scatter.add.f32 [tilespmem:s26], [sflag:$0x7], $0x80, s17, s19, $0x40b8;
	v63 =	vld [tilespmem:$0x0]  }
.Ltmp1:
0x215: {  	_ =	swait.ge [sflag:s30], $0x3800;
	(pc) =	sbr.rel @p0 .LBB2_4-.Ltmp1, $4  }
0x216: {  	[sflag:s30] =	ssyncset.done $0x0  }
0x217: {  	s8 =	sadd.s32 $0x1C0, s8;
	[sflag:s30] =	ssyncadd.s32 $0xFFFFC800;
	(ifvalue) =	ssetifvalue $0xFFFFFFFF  }
0x218: {  	s7 =	sadd.s32 $0x38, s7;
	s14 =	simm.s32 $0x500;
	(ifvalue) =	ssetifvalue $0xFFFFFFFF  }
0x219: {  	[tilespmem:s26], [sflag:$0x2] =	stream.indirect.gather [hbm4b:s1+s19], $0x80, s13, s19, $0x40b8;
	v63 =	vld [tilespmem:$0x0]  }
0x21a: {  	_ =	swait.ge [sflag:s16], $0x3800  }
0x21b: {  	[sflag:s16] =	ssyncset.done $0x0  }
0x21c: {  	[sflag:s16] =	ssyncadd.s32 $0xFFFFC800;
	(ifvalue) =	ssetifvalue $0xFFFFFFFF  }
0x21d: {  	[spmem:s2] =	stream.indirect.scatter.add.f32 [tilespmem:s24], [sflag:$0x7], $0x80, s15, s19, $0x40b8;
	v63 =	vld [tilespmem:$0x0]  }
0x21e: {  	_ =	swait.ge [sflag:s30], $0x3800  }
0x21f: {  	[sflag:s30] =	ssyncset.done $0x0  }
0x220: {  	[sflag:s30] =	ssyncadd.s32 $0xFFFFC800  }
0x221: {  	_ =	swait.ge [sflag:s12], $0x3800  }
0x222: {  	[sflag:s12] =	ssyncset.done $0x0  }
0x223: {  	[sflag:s12] =	ssyncadd.s32 $0xFFFFC800;
	(ifvalue) =	ssetifvalue $0xFFFFFFFF  }
0x224: {  	[spmem:s2] =	stream.indirect.scatter.add.f32 [tilespmem:s26], [sflag:$0x7], $0x80, s31, s19, $0x40b8;
	v63 =	vld [tilespmem:$0x0]  }
0x225: {  	_ =	swait.ge [sflag:s30], $0x3800  }
0x226: {  	[sflag:s30] =	ssyncset.done $0x0  }
0x227: {  	[sflag:s30] =	ssyncadd.s32 $0xFFFFC800  }
0x228: {  	_ =	swait.ge [sflag:s28], $0xE0  }
0x229: {  	[sflag:s28] =	ssyncset.done $0x0  }
0x22a: {  	[sflag:s28] =	ssyncadd.s32 $0xFFFFFF20  }
0x22b: {  	_ =	swait.ge [sflag:s29], $0xE0  }
0x22c: {  	[sflag:s29] =	ssyncset.done $0x0  }
0x22d: {  	s7 =	rddreg [dreg:$0xa];
	[sflag:s29] =	ssyncadd.s32 $0xFFFFFF20  }
0x22e: {  	[tilespmem:s3], [sflag:$0x7] =	stream.linear.gather [hbm4b:s7+s3], $0x30, $0x38;
	v63 =	vld [tilespmem:$0x0]  }
0x22f: {  	_ =	swait.ge [sflag:s30], $0x30  }
0x230: {  	[sflag:s30] =	ssyncset.done $0x0  }
0x231: {  	s31 =	simm.s32 $0x200;
	s13 =	rddreg [dreg:$0xb];
	[sflag:s30] =	ssyncadd.s32 $0xFFFFFFD0  }
0x232: {  	[tilespmem:s31], [sflag:$0x7] =	stream.linear.gather [hbm4b:s13+s3], $0x30, $0x38;
	v63 =	vld [tilespmem:$0x0]  }
0x233: {  	_ =	swait.ge [sflag:s30], $0x30  }
0x234: {  	[sflag:s30] =	ssyncset.done $0x0  }
0x235: {  	[sflag:s30] =	ssyncadd.s32 $0xFFFFFFD0  }
0x236: {  	v5 =	vld [tilespmem:$0x200];
	[tilespmem:$0x430] =	vst v4  }
0x237: {  	v6 =	vld [tilespmem:$0x210];
	[tilespmem:$0x630] =	vst v4  }
0x238: {  	v7 =	vld [tilespmem:$0x0];
	[tilespmem:$0x440] =	vst v4  }
0x239: {  	v9 =	vld [tilespmem:$0x220];
	[tilespmem:$0x640] =	vst v4  }
0x23a: {  	v8 =	vld [tilespmem:$0x10];
	[tilespmem:$0x450] =	vst v4  }
0x23b: {  	[tilespmem:$0x650] =	vst v4;
	vm0 =	vge.s32 v5, v2;
	vm1 =	vlt.s32 v5, v3  }
0x23c: {  	v10 =	vld [tilespmem:$0x20];
	[tilespmem:$0x460] =	vst v4;
	vm13 =	vge.s32 v6, v2;
	vm0 =	vmand vm0, vm1  }
0x23d: {  	[tilespmem:$0x660] =	vst v4;
	vm2 =	vlt.s32 v6, v3;
	v5 =	vsub.s32 v5, v2;
	v7 =	vnsel vm0, $0xFFFFFFFF, v7  }
0x23e: {  	vm14 =	vge.s32 v9, v2;
	vm1 =	vmand vm13, vm2;
	v5 =	vnsel vm0, $0xFFFFFFFF, v5;
	[tilespmem:$0x400] =	vst v7  }
0x23f: {  	vm15 =	vlt.s32 v9, v3;
	v7 =	vnsel vm1, $0xFFFFFFFF, v8;
	[tilespmem:$0x600] =	vst v5;
	v5 =	vsub.s32 v6, v2  }
0x240: {  	vm0 =	vmand vm14, vm15;
	v5 =	vnsel vm1, $0xFFFFFFFF, v5;
	[tilespmem:$0x410] =	vst v7  }
0x241: {  	v6 =	vsub.s32 v9, v2;
	[tilespmem:$0x610] =	vst v5;
	v5 =	vnsel vm0, $0xFFFFFFFF, v10  }
0x242: {  	[tilespmem:$0x420] =	vst v5;
	v5 =	vnsel vm0, $0xFFFFFFFF, v6  }
0x243: {  	[tilespmem:$0x620] =	vst v5;
	(ifvalue) =	ssetifvalue $0xFFFFFFFF  }
0x244: {  	s23 =	simm.s32 $0x400;
	(ifvalue) =	ssetifvalue $0xFFFFFFFF  }
0x245: {  	[tilespmem:s24], [sflag:$0x1] =	stream.indirect.gather [hbm4b:s1+s19], $0x80, s23, s19, $0x40b8;
	v63 =	vld [tilespmem:$0x0]  }
0x246: {  	_ =	swait.ge [sflag:s16], $0x3800  }
0x247: {  	[sflag:s16] =	ssyncset.done $0x0  }
0x248: {  	[sflag:s16] =	ssyncadd.s32 $0xFFFFC800;
	(ifvalue) =	ssetifvalue $0xFFFFFFFF  }
0x249: {  	[spmem:s2] =	stream.indirect.scatter.add.f32 [tilespmem:s24], [sflag:$0x7], $0x80, s15, s19, $0x40b8;
	v63 =	vld [tilespmem:$0x0]  }
0x24a: {  	_ =	swait.ge [sflag:s30], $0x3800  }
0x24b: {  	[sflag:s30] =	ssyncset.done $0x0  }
0x24c: {  	[sflag:s30] =	ssyncadd.s32 $0xFFFFC800  }
0x24d: {  	[bflag:$0x0] =	sbarrier.arrive $0xFFFF  }
0x24e: {  	s8 =	rddreg [dreg:$0x5]  }
0x24f: {  	s17 =	rddreg [dreg:$0xe]  }
0x250: {  	s10 =	rddreg [dreg:$0x18]  }
0x251: {  	[hbm:s17], [sflag:s8] =	dma.local [spmem:s10], $0x3100  }
0x252: {  	_ =	swait.ge [sflag:s30], $0x3100  }
0x253: {  	s11 =	rddreg [dreg:$0x17]  }
0x254: {  	s25 =	rddreg [dreg:$0xf];
	s11 =	sadd.s32 $0x1, s11  }
0x255: {  	p0 =	sne.s32 s11, s25  }
.Ltmp2:
0x256: {  	_ = 	snop;
	(pc) =	sbr.rel @p0 .LBB2_1-.Ltmp2, $4  }
0x257: {  	[sflag:s30] =	ssyncset.done $0x0  }
0x258: {  	[sflag:s30] =	ssyncadd.s32 $0xFFFFCF00  }
0x259: {  	[bflag:$0x0] =	sbarrier.arrive $0xFFFF  }
0x25a: {  	s13 =	simm.s32 $0x480;
	s17 =	simm.s32 $0x100;
	s10 =	simm.s32 $0x600  }
0x25b: {  	_ =	sfence.sel $0x180000  }
0x25c: {  	[bflag:$0x0] =	sbarrier.arrive $0xFFFF  }
0x25d: {  	_ =	strace $0x9000004A  }
0x25e: {  	s0 =	stileid.u32;
	[bflag:$0x2] =	sbarrier.arrive $0xFFFF  }
0x25f: {  	p0 =	sne.s32 s0, $0x0;
	s0 =	rddreg [dreg:$0x3]  }
0x260: {  	s0 =	sadd.s32 @!p0 $0x100000, s0  }
0x261: {  	[sflag:s0] =	ssyncadd.tile.s32 @!p0 $0x1;
	_ =	shalt  }
.Lfunc_end2:
_tile_overlayer_lowered:
.L_overlay_start_2:
0x262: {  	(tag) =	ssettag $0x2  }
0x263: {  	s0 =	rddreg [dreg:$0x0];
	s2 =	stileid.u32  }
0x264: {  	s1 =	rddreg [dreg:$0x1];
	p0 =	sne.s32 s2, $0x0  }
0x265: {  	s3 =	rddreg [dreg:$0x2];
	[bflag:$0x3] =	sbarrier.arrive $0xFFFF;
	s2 =	simm.s32 @!p0 $0x1C07  }
0x266: {  	[timem:s3], [sflag:s2] =	dma.local @!p0 [hbm:s0], s1  }
0x267: {  	s0 =	simm.s32 @!p0 $0x7  }
0x268: {  	_ =	swait.ge @!p0 [sflag:s0], s1  }
0x269: {  	s1 =	ssub.s32 @!p0 $0x0, s1;
	[sflag:s0] =	ssyncset.done @!p0 $0x0  }
0x26a: {  	[sflag:s0] =	ssyncadd.s32 @!p0 s1  }
0x26b: {  	[bflag:$0x3] =	sbarrier.arrive $0xFFFF  }
0x26c: {  	_ =	shalt  }

// kernel: kernel.14.cloned.1.call-start
scs
__scs_entry_jumppad:
0x0: {  	(pc) =	sbr.rel $0x88, $3  }
0x1: {  	(tag) =	ssettag $0x0;
	lr =	simm.s32 $0x1  }
0x2: {  	[smem:$0x3F8C] =	sst lr;
	_ =	strace $0xD0000000  }
0x3: {  	_ = 	snop  }
0x4: {  	_ = 	snop  }
0x5: {  	_ = 	snop  }
0x6: {  	_ = 	snop  }
0x7: {  	_ = 	snop  }
__scs_overlays_trampoline_lowered:
0x8: {  	[smem:$0x3F9B] =	sst s0  }
0x9: {  	[smem:$0x3F9C] =	sst s1  }
0xa: {  	[smem:$0x3F9D] =	sst s2  }
0xb: {  	[smem:$0x3F9E] =	sst s3  }
0xc: {  	[smem:$0x3F9F] =	sst s4  }
0xd: {  	[smem:$0x3FA0] =	sst s5  }
0xe: {  	[smem:$0x3FA1] =	sst s6  }
0xf: {  	[smem:$0x3FA2] =	sst s7  }
0x10: {  	[smem:$0x3FA3] =	sst s8  }
0x11: {  	[smem:$0x3FA4] =	sst s9;
	s0 =	simm.s32 @!p0 $0x0  }
0x12: {  	s1 =	sld [smem:$0x3F8A];
	s0 =	simm.s32 @p0 $0x1  }
0x13: {  	[smem:$0x3FA5] =	sst s0;
	s0 =	simm.s32 @!p1 $0x0  }
0x14: {  	s2 =	sld [smem:$0x3F89];
	s0 =	simm.s32 @p1 $0x1  }
0x15: {  	[smem:$0x3FA6] =	sst s0;
	s0 =	simm.s32 @!p2 $0x0  }
0x16: {  	s3 =	sld [smem:$0x3FDB];
	s0 =	simm.s32 @p2 $0x1  }
0x17: {  	s4 =	simm.s32 $0x1BF5;
	[smem:$0x3FA8] =	sst s0  }
0x18: {  	s0 =	sld [smem:$0x3F8B];
	_ =	swait.ge [sflag:s4], $0x0  }
0x19: {  	s7 =	sld [smem:$0x3F8C]  }
0x1a: {  	s8 =	sadd.s32 $0xFFFFE003, lr  }
0x1b: {  	s9 =	sadd.s32 $0xFFFFFEF7, lr;
	s5 =	simm.s32 $0xFFFFFFFF;
	p2 =	slt.u32 s8, $0xFFFFF086  }
0x1c: {  	p1 =	slt.u32 s9, $0xF7A;
	s5 =	simm.s32 @!p2 $0x0  }
0x1d: {  	s5 =	simm.s32 @p1 $0x1;
	p0 =	seq.s32 s7, s2  }
0x1e: {  	s7 =	smul.u32 @!p0 $0xF7A, s2;
	p2 =	seq.s32 @!p0 s5, $0x0  }
0x1f: {  	s9 =	smul.u32 $0xF7A, s1;
	s8 =	simm.s32 @!p0 $0x1BF5;
	p2 =	por !p2, p0  }
0x20: {  	[sflag:s8] =	ssyncset.s32 @!p0 $0xFFFFF086;
	s6 =	sadd.s32 @!p0 s3, s7;
	s7 =	simm.s32 @!p0 $0x108  }
0x21: {  	s3 =	sadd.s32 s3, s9;
	s6 =	sadd.s32 @!p0 $0x88, s6;
	s7 =	simm.s32 @p2 $0x1082  }
0x22: {  	[simem:s7], [sflag:s8] =	dma.local @!p0 [hbm:s6], $0xF7A  }
0x23: {  	s9 =	sor.u32 $0xD0000000, s2;
	s6 =	simm.s32 $0x108;
	_ =	swait.ge @!p0 [sflag:s8], $0x0  }
0x24: {  	s3 =	sadd.s32 $0x88, s3;
	s6 =	simm.s32 @!p1 $0x1082;
	[sflag:s4] =	ssyncset.s32 $0xFFFFF086  }
0x25: {  	[simem:s6], [sflag:s4] =	dma.local [hbm:s3], $0xF7A  }
0x26: {  	[smem:$0x3F8C] =	sst s1;
	(tag) =	ssettag s2;
	_ =	strace s9  }
0x27: {  	s1 =	sld [smem:$0x3F9C]  }
0x28: {  	s2 =	sld [smem:$0x3F9D]  }
0x29: {  	s4 =	sld [smem:$0x3F9F]  }
0x2a: {  	p0 =	seq.s32 s5, $0x0;
	s5 =	sld [smem:$0x3FA0]  }
0x2b: {  	s6 =	sld [smem:$0x3FA1]  }
0x2c: {  	s7 =	sld [smem:$0x3FA2]  }
0x2d: {  	s3 =	simm.s32 $0x108;
	s8 =	sld [smem:$0x3FA3]  }
0x2e: {  	s3 =	simm.s32 @!p0 $0x1082;
	s9 =	sld [smem:$0x3FA4]  }
0x2f: {  	lr =	sadd.s32 s0, s3;
	s0 =	sld [smem:$0x3F9B]  }
0x30: {  	s3 =	sld [smem:$0x3F9E]  }
0x31: {  	[smem:$0x3FA7] =	sst s10  }
0x32: {  	s10 =	sld [smem:$0x3FA5];
	_ =	sdelay $0x3  }
0x33: {  	p0 =	seq.s32 s10, $0x1;
	s10 =	sld [smem:$0x3FA7];
	_ =	sdelay $0x3  }
0x34: {  	[smem:$0x3FA7] =	sst s10  }
0x35: {  	s10 =	sld [smem:$0x3FA6];
	_ =	sdelay $0x3  }
0x36: {  	p1 =	seq.s32 s10, $0x1;
	s10 =	sld [smem:$0x3FA7];
	_ =	sdelay $0x3  }
0x37: {  	[smem:$0x3FA7] =	sst s10  }
0x38: {  	s10 =	sld [smem:$0x3FA8]  }
0x39: {  	_ = 	snop;
	(pc) =	sbr.ind lr, $3  }
0x3a: {  	_ = 	snop  }
0x3b: {  	_ = 	snop  }
0x3c: {  	p2 =	seq.s32 s10, $0x1;
	s10 =	sld [smem:$0x3FA7]  }
0x3d: {  	_ =	shalt  }
0x3e: {  	_ =	shalt  }
0x3f: {  	_ =	shalt  }
0x40: {  	_ =	shalt  }
0x41: {  	_ =	shalt  }
0x42: {  	_ =	shalt  }
0x43: {  	_ =	shalt  }
0x44: {  	_ =	shalt  }
0x45: {  	_ =	shalt  }
0x46: {  	_ =	shalt  }
0x47: {  	_ =	shalt  }
0x48: {  	_ =	shalt  }
0x49: {  	_ =	shalt  }
0x4a: {  	_ =	shalt  }
0x4b: {  	_ =	shalt  }
0x4c: {  	_ =	shalt  }
0x4d: {  	_ =	shalt  }
0x4e: {  	_ =	shalt  }
0x4f: {  	_ =	shalt  }
0x50: {  	_ =	shalt  }
0x51: {  	_ =	shalt  }
0x52: {  	_ =	shalt  }
0x53: {  	_ =	shalt  }
0x54: {  	_ =	shalt  }
0x55: {  	_ =	shalt  }
0x56: {  	_ =	shalt  }
0x57: {  	_ =	shalt  }
0x58: {  	_ =	shalt  }
0x59: {  	_ =	shalt  }
0x5a: {  	_ =	shalt  }
0x5b: {  	_ =	shalt  }
0x5c: {  	_ =	shalt  }
0x5d: {  	_ =	shalt  }
0x5e: {  	_ =	shalt  }
0x5f: {  	_ =	shalt  }
0x60: {  	_ =	shalt  }
0x61: {  	_ =	shalt  }
0x62: {  	_ =	shalt  }
0x63: {  	_ =	shalt  }
0x64: {  	_ =	shalt  }
0x65: {  	_ =	shalt  }
0x66: {  	_ =	shalt  }
0x67: {  	_ =	shalt  }
0x68: {  	_ =	shalt  }
0x69: {  	_ =	shalt  }
0x6a: {  	_ =	shalt  }
0x6b: {  	_ =	shalt  }
0x6c: {  	_ =	shalt  }
0x6d: {  	_ =	shalt  }
0x6e: {  	_ =	shalt  }
0x6f: {  	_ =	shalt  }
0x70: {  	_ =	shalt  }
0x71: {  	_ =	shalt  }
0x72: {  	_ =	shalt  }
0x73: {  	_ =	shalt  }
0x74: {  	_ =	shalt  }
0x75: {  	_ =	shalt  }
0x76: {  	_ =	shalt  }
0x77: {  	_ =	shalt  }
0x78: {  	_ =	shalt  }
0x79: {  	_ =	shalt  }
0x7a: {  	_ =	shalt  }
0x7b: {  	_ =	shalt  }
0x7c: {  	_ =	shalt  }
0x7d: {  	_ =	shalt  }
0x7e: {  	_ =	shalt  }
0x7f: {  	_ =	shalt  }
0x80: {  	_ =	shalt  }
0x81: {  	_ =	shalt  }
0x82: {  	_ =	shalt  }
0x83: {  	_ =	shalt  }
0x84: {  	_ =	shalt  }
0x85: {  	_ =	shalt  }
0x86: {  	_ =	shalt  }
0x87: {  	_ =	shalt  }
.Lfunc_end0:
.L_simem_size_0:
called_computation.3_lowered:
.L_overlay_start_0:
0x88: {  	s2 =	sld [smem:$0x3FD9]  }
0x89: {  	s3 =	sld [smem:$0x3FFE];
	_ =	sdelay $0x1  }
0x8a: {  	s1 =	srdreg.scid  }
0x8b: {  	s0 =	sand.u32 $0x1, s1  }
0x8c: {  	s16 =	sshll.u32 s0, $0xA;
	s2 =	sadd.s32 s3, s2  }
0x8d: {  	s2 =	sadd.s32 s2, s16  }
0x8e: {  	[smem:$0x3FB3] =	sst s2  }
0x8f: {  	_ = 	snop  }
0x90: {  	(tm) =	ssettm $0x1  }
0x91: {  	s17 =	sld [smem:$0x3FFB];
	_ =	sdelay $0x3  }
0x92: {  	_ =	strace s17  }
0x93: {  	s2 =	sld [smem:$0x3FFC];
	_ =	sdelay $0x3  }
0x94: {  	_ =	strace s2  }
0x95: {  	s2 =	sld [smem:$0x3FFD];
	_ =	sdelay $0x3  }
0x96: {  	_ =	strace s2  }
0x97: {  	_ =	strace $0x8FFFFFFF  }
0x98: {  	s18 =	sld [smem:$0x3FDB];
	_ =	sdelay $0x1  }
0x99: {  	s19 =	simm.s32 $_scs_section_size  }
0x9a: {  	s4 =	simm.s32 $_size__tile_overlayer_lowered;
	s5 =	simm.s32 $_tile_overlayer_lowered  }
0x9b: {  	s22 =	simm.s32 $0x1BFF;
	s21 =	sshll.u32 s5, $0x1;
	s2 =	sadd.s32 s19, s18  }
0x9c: {  	s6 =	simm.s32 $0x0;
	s20 =	sshll.u32 s4, $0x1;
	s4 =	sadd.s32 s21, s2  }
0x9d: {  	[timem:s6], [sflag:s22] =	dma.local [hbm:s4], s20  }
0x9e: {  	_ =	swait.ge [sflag:s22], s20  }
0x9f: {  	s3 =	ssub.s32 $0x0, s20;
	[sflag:s22] =	ssyncset.done $0x0  }
0xa0: {  	[sflag:s22] =	ssyncadd.s32 s3;
	_ =	sdelay $0x1  }
0xa1: {  	s23 =	simm.s32 $0x1B8B  }
0xa2: {  	_ =	swait.ge [sflag:s23], $0x1  }
0xa3: {  	[sflag:s23] =	ssyncset.done $0x0  }
0xa4: {  	s25 =	simm.s32 $0x1B8E;
	s24 =	sld [smem:$0x3FFE];
	[sflag:s23] =	ssyncadd.s32 $0xFFFFFFFF  }
0xa5: {  	s26 =	simm.s32 $execute0_lowered;
	[smem:$0x3FD2] =	sst s25  }
0xa6: {  	s4 =	sshll.u32 s26, $0x1;
	_ =	strace $0x8000004C;
	[dreg:$0x1] =	wrdreg $0xFFFFFFFF  }
0xa7: {  	s28 =	simm.s32 $_size_execute0_lowered;
	s2 =	sadd.s32 s2, s4;
	[dreg:$0x0] =	wrdreg $0x0  }
0xa8: {  	s4 =	sshll.u32 s28, $0x1;
	[dreg:$0x2] =	wrdreg s2  }
0xa9: {  	[dreg:$0x3] =	wrdreg s4  }
0xaa: {  	[dreg:$0x4] =	wrdreg $0xC0  }
0xab: {  	_ =	task [dreg:s6], $0x5FFFF  }
0xac: {  	[dreg:$0x1] =	wrdreg $0xFFFFFFFF  }
0xad: {  	[dreg:$0x0] =	wrdreg $0x60  }
0xae: {  	[dreg:$0x2] =	wrdreg s24  }
0xaf: {  	[dreg:$0x3] =	wrdreg $0x38800  }
0xb0: {  	[dreg:$0x4] =	wrdreg $0x9  }
0xb1: {  	_ =	task.clear_ibuf [dreg:s6], $0x5FFFF;
	_ =	strace $0x9000004C  }
0xb2: {  	s29 =	simm.s32 $0x9;
	_ =	strace $0x8000004E  }
0xb3: {  	_ =	swait.ge [sflag:s29], $0x1  }
0xb4: {  	[sflag:s29] =	ssyncadd.s32 $0xFFFFFFFF  }
0xb5: {  	_ =	strace $0x9000004E  }
0xb6: {  	_ =	sfence  }
0xb7: {  	s30 =	sld [smem:$0x0];
	_ =	sdelay $0x2  }
0xb8: {  	s31 =	sshll.u32 s1, $0xD;
	s1 =	sshrl.u32 s1, $0x2  }
0xb9: {  	s3 =	sand.u32 $0x4000, s31;
	s1 =	sadd.s32 s1, s30  }
0xba: {  	s0 =	sor.u32 s3, s0;
	s1 =	sshll.u32 s1, $0x11  }
0xbb: {  	s0 =	sor.u32 s1, s0  }
0xbc: {  	s0 =	sadd.s32 $0x8F2B, s0  }
0xbd: {  	[sflag:s0] =	ssyncadd.remote.s32 $0x1  }
0xbe: {  	_ =	sfence.sel $0xFFFF  }
0xbf: {  	[dreg:$0x0] =	wrdreg $0xFFFFFFFF;
	(pc) =	sbr.abs _section_cstart, $3  }
0xc0: {  	[dreg:$0x1] =	wrdreg $0xFFFFFFFF  }
0xc1: {  	_ =	task.clear_ibuf [dreg:s6], $0x2FFFF;
	_ =	strace $0x9FFFFFFF  }
0xc2: {  	(tm) =	ssettm $0x7FFFFFFF  }
0xc3: {  	_ =	shalt  }
tec
execute0_lowered:
.L_overlay_start_1:
0x0: {  	(tag) =	ssettag $0x1  }
0x1: {  	s0 =	stileid.u32  }
0x2: {  	s1 =	srdreg.scid;
	s4 =	smul.u32 $0xC400, s0  }
0x3: {  	s5 =	rddreg [dreg:$0x0];
	s7 =	smul.u32 $0xC40, s0  }
0x4: {  	s2 =	rddreg [dreg:$0x1];
	s3 =	simm.s32 $0x0;
	s22 =	smul.u32 $0x1400, s0  }
0x5: {  	s13 =	simm.s32 $0x70;
	s6 =	sand.u32 $0x1, s1;
	s26 =	smul.u32 $0x5000, s0  }
0x6: {  	s14 =	simm.s32 $0x0;
	s1 =	rddreg [dreg:$0x2];
	s8 =	smul.u32 $0x620, s6  }
0x7: {  	[smem:$0x7FF] =	sst s3;
	s30 =	sshll.u32 s0, $0x6;
	s9 =	smul.u32 $0x14000, s6  }
0x8: {  	_ =	strace $0x8000004D;
	s25 =	ssub.s32 $0x2, s6;
	s6 =	smul.u32 $0x6200, s6  }
0x9: {  	s10 =	sadd.s32 s4, s5;
	s4 =	sadd.s32 $0x5A00, s5;
	s28 =	sshrl.u32 s25, $0x1  }
0xa: {  	s29 =	sshrl.u32 s26, $0x2;
	s7 =	sadd.s32 s8, s7;
	s24 =	sadd.s32 s22, s9  }
0xb: {  	s8 =	ssub.s32 s25, s28;
	s12 =	sadd.s32 s29, s2;
	s31 =	sadd.s32 s6, s10  }
0xc: {  	s23 =	sshrl.u32 s7, $0x3;
	s7 =	sshrl.u32 s24, $0x3;
	s10 =	sshrl.u32 s12, $0x3  }
0xd: {  	s12 =	simm.s32 $0x80;
	s11 =	sadd.s32 s23, s5;
	s7 =	sadd.s32 s7, s5  }
0xe: {  	s5 =	sor.u32 $0x1C01, s30;
	s6 =	sadd.s32 $0x6200, s7;
	s7 =	smax.u32 s8, $0x1  }
0xf: {  	s8 =	sadd.s32 $0xCBC00, s31;
	s9 =	sadd.s32 $0xCA200, s11;
	s11 =	simm.s32 $0x1  }
.LBB2_1:
0x10: {  	[spmem:s10], [sflag:s5] =	dma.local [hbm:s4], $0x280  }
0x11: {  	_ =	swait.ge [sflag:s11], $0x280  }
0x12: {  	[sflag:s11] =	ssyncset.done $0x0  }
0x13: {  	[sflag:s11] =	ssyncadd.s32 $0xFFFFFD80  }
0x14: {  	s15 =	sadd.s32 $0x0, s9;
	[bflag:$0x0] =	sbarrier.arrive $0xFFFF  }
0x15: {  	[tilespmem:s3], [sflag:$0x1] =	stream.linear.gather [hbm4b:s15+s3], $0x70, $0x38;
	[tilespmem:$0x4C80] =	vst v63  }
0x16: {  	_ =	swait.ge [sflag:s11], $0x70  }
0x17: {  	[sflag:s11] =	ssyncset.done $0x0  }
0x18: {  	[sflag:s11] =	ssyncadd.s32 $0xFFFFFF90  }
0x19: {  	[tilespmem:s12], [sflag:$0x1] =	stream.linear.gather [hbm4b:s8+s3], $0x3800, $0x38;
	[tilespmem:$0x4C80] =	vst v63  }
0x1a: {  	_ =	swait.ge [sflag:s11], $0x3800  }
0x1b: {  	[sflag:s11] =	ssyncset.done $0x0  }
0x1c: {  	[sflag:s11] =	ssyncadd.s32 $0xFFFFC800  }
0x1d: {  	[spmem:s2] =	stream.indirect.scatter.add.f32 [tilespmem:s12], [sflag:$0x1], $0x80, s3, s13, $0xb8;
	[tilespmem:$0x4C80] =	vst v63  }
0x1e: {  	s16 =	simm.s32 $0xE;
	_ =	swait.ge [sflag:s11], $0x3800  }
0x1f: {  	s17 =	simm.s32 $0x1C;
	s15 =	sadd.s32 $0x700, s8;
	[sflag:s11] =	ssyncset.done $0x0  }
.LBB2_2:
0x20: {  	s18 =	sadd.s32 s16, s9  }
0x21: {  	[sflag:s11] =	ssyncadd.s32 $0xFFFFC800;
	s16 =	smov.u32 s17;
	s19 =	sadd.s32 $0xE, s17  }
0x22: {  	[tilespmem:s3], [sflag:$0x1] =	stream.linear.gather [hbm4b:s18+s3], $0x70, $0x38;
	[tilespmem:$0x4C80] =	vst v63  }
0x23: {  	p0 =	sne.s32 s17, $0xB6;
	_ =	swait.ge [sflag:s11], $0x70  }
0x24: {  	[sflag:s11] =	ssyncset.done $0x0  }
0x25: {  	[sflag:s11] =	ssyncadd.s32 $0xFFFFFF90  }
0x26: {  	[tilespmem:s12], [sflag:$0x1] =	stream.linear.gather [hbm4b:s15+s3], $0x3800, $0x38;
	[tilespmem:$0x4C80] =	vst v63  }
0x27: {  	_ =	swait.ge [sflag:s11], $0x3800  }
.Ltmp0:
0x28: {  	[sflag:s11] =	ssyncset.done $0x0;
	(pc) =	sbr.rel @p0 .LBB2_2-.Ltmp0, $4  }
0x29: {  	[sflag:s11] =	ssyncadd.s32 $0xFFFFC800  }
0x2a: {  	[spmem:s2] =	stream.indirect.scatter.add.f32 [tilespmem:s12], [sflag:$0x1], $0x80, s3, s13, $0xb8;
	[tilespmem:$0x4C80] =	vst v63  }
0x2b: {  	_ =	swait.ge [sflag:s11], $0x3800  }
0x2c: {  	s17 =	smov.u32 s19;
	s15 =	sadd.s32 $0x700, s15;
	[sflag:s11] =	ssyncset.done $0x0  }
0x2d: {  	s16 =	sadd.s32 s16, s9;
	[sflag:s11] =	ssyncadd.s32 $0xFFFFC800  }
0x2e: {  	[tilespmem:s3], [sflag:$0x1] =	stream.linear.gather [hbm4b:s16+s3], $0x70, $0x38;
	[tilespmem:$0x4C80] =	vst v63  }
0x2f: {  	_ =	swait.ge [sflag:s11], $0x70  }
0x30: {  	[sflag:s11] =	ssyncset.done $0x0  }
0x31: {  	[sflag:s11] =	ssyncadd.s32 $0xFFFFFF90  }
0x32: {  	[tilespmem:s12], [sflag:$0x1] =	stream.linear.gather [hbm4b:s15+s3], $0x3800, $0x38;
	[tilespmem:$0x4C80] =	vst v63  }
0x33: {  	_ =	swait.ge [sflag:s11], $0x3800  }
0x34: {  	[sflag:s11] =	ssyncset.done $0x0  }
0x35: {  	[sflag:s11] =	ssyncadd.s32 $0xFFFFC800  }
0x36: {  	[spmem:s2] =	stream.indirect.scatter.add.f32 [tilespmem:s12], [sflag:$0x1], $0x80, s3, s13, $0xb8;
	[tilespmem:$0x4C80] =	vst v63  }
0x37: {  	_ =	swait.ge [sflag:s11], $0x3800  }
0x38: {  	s14 =	sadd.s32 $0x1, s14;
	[sflag:s11] =	ssyncset.done $0x0  }
0x39: {  	p0 =	sne.s32 s14, s7;
	[sflag:s11] =	ssyncadd.s32 $0xFFFFC800  }
.Ltmp1:
0x3a: {  	[bflag:$0x0] =	sbarrier.arrive $0xFFFF;
	(pc) =	sbr.rel @p0 .LBB2_1-.Ltmp1, $4  }
0x3b: {  	[hbm:s6], [sflag:s5] =	dma.local [spmem:s10], $0x280  }
0x3c: {  	_ =	swait.ge [sflag:s11], $0x280  }
0x3d: {  	[sflag:s11] =	ssyncset.done $0x0  }
0x3e: {  	[sflag:s11] =	ssyncadd.s32 $0xFFFFFD80  }
0x3f: {  	_ =	sfence.sel $0x180000  }
0x40: {  	[bflag:$0x0] =	sbarrier.arrive $0xFFFF  }
0x41: {  	p0 =	sne.s32 s0, $0x0;
	_ =	strace $0x9000004D  }
0x42: {  	s0 =	sadd.s32 @!p0 $0x100000, s1;
	[bflag:$0x2] =	sbarrier.arrive $0xFFFF  }
0x43: {  	[sflag:s0] =	ssyncadd.tile.s32 @!p0 $0x1;
	_ =	shalt  }
.Lfunc_end2:
_tile_overlayer_lowered:
.L_overlay_start_2:
0x44: {  	(tag) =	ssettag $0x2  }
0x45: {  	s0 =	rddreg [dreg:$0x0];
	s2 =	stileid.u32  }
0x46: {  	s1 =	rddreg [dreg:$0x1];
	p0 =	sne.s32 s2, $0x0  }
0x47: {  	s3 =	rddreg [dreg:$0x2];
	[bflag:$0x3] =	sbarrier.arrive $0xFFFF;
	s2 =	simm.s32 @!p0 $0x1C01  }
0x48: {  	[timem:s3], [sflag:s2] =	dma.local @!p0 [hbm:s0], s1  }
0x49: {  	s0 =	simm.s32 @!p0 $0x1  }
0x4a: {  	_ =	swait.ge @!p0 [sflag:s0], s1  }
0x4b: {  	s1 =	ssub.s32 @!p0 $0x0, s1;
	[sflag:s0] =	ssyncset.done @!p0 $0x0  }
0x4c: {  	[sflag:s0] =	ssyncadd.s32 @!p0 s1  }
0x4d: {  	[bflag:$0x3] =	sbarrier.arrive $0xFFFF  }
0x4e: {  	_ =	shalt  }

// kernel: kernel.8.cloned.1.call-start
scs
__scs_entry_jumppad:
0x0: {  	(pc) =	sbr.rel $0x88, $3  }
0x1: {  	(tag) =	ssettag $0x0;
	lr =	simm.s32 $0x1  }
0x2: {  	[smem:$0x3F8C] =	sst lr;
	_ =	strace $0xD0000000  }
0x3: {  	_ = 	snop  }
0x4: {  	_ = 	snop  }
0x5: {  	_ = 	snop  }
0x6: {  	_ = 	snop  }
0x7: {  	_ = 	snop  }
__scs_overlays_trampoline_lowered:
0x8: {  	[smem:$0x3F9B] =	sst s0  }
0x9: {  	[smem:$0x3F9C] =	sst s1  }
0xa: {  	[smem:$0x3F9D] =	sst s2  }
0xb: {  	[smem:$0x3F9E] =	sst s3  }
0xc: {  	[smem:$0x3F9F] =	sst s4  }
0xd: {  	[smem:$0x3FA0] =	sst s5  }
0xe: {  	[smem:$0x3FA1] =	sst s6  }
0xf: {  	[smem:$0x3FA2] =	sst s7  }
0x10: {  	[smem:$0x3FA3] =	sst s8  }
0x11: {  	[smem:$0x3FA4] =	sst s9;
	s0 =	simm.s32 @!p0 $0x0  }
0x12: {  	s1 =	sld [smem:$0x3F8A];
	s0 =	simm.s32 @p0 $0x1  }
0x13: {  	[smem:$0x3FA5] =	sst s0;
	s0 =	simm.s32 @!p1 $0x0  }
0x14: {  	s2 =	sld [smem:$0x3F89];
	s0 =	simm.s32 @p1 $0x1  }
0x15: {  	[smem:$0x3FA6] =	sst s0;
	s0 =	simm.s32 @!p2 $0x0  }
0x16: {  	s3 =	sld [smem:$0x3FDB];
	s0 =	simm.s32 @p2 $0x1  }
0x17: {  	s4 =	simm.s32 $0x1BF5;
	[smem:$0x3FA8] =	sst s0  }
0x18: {  	s0 =	sld [smem:$0x3F8B];
	_ =	swait.ge [sflag:s4], $0x0  }
0x19: {  	s7 =	sld [smem:$0x3F8C]  }
0x1a: {  	s8 =	sadd.s32 $0xFFFFE003, lr  }
0x1b: {  	s9 =	sadd.s32 $0xFFFFFEF7, lr;
	s5 =	simm.s32 $0xFFFFFFFF;
	p2 =	slt.u32 s8, $0xFFFFF086  }
0x1c: {  	p1 =	slt.u32 s9, $0xF7A;
	s5 =	simm.s32 @!p2 $0x0  }
0x1d: {  	s5 =	simm.s32 @p1 $0x1;
	p0 =	seq.s32 s7, s2  }
0x1e: {  	s7 =	smul.u32 @!p0 $0xF7A, s2;
	p2 =	seq.s32 @!p0 s5, $0x0  }
0x1f: {  	s9 =	smul.u32 $0xF7A, s1;
	s8 =	simm.s32 @!p0 $0x1BF5;
	p2 =	por !p2, p0  }
0x20: {  	[sflag:s8] =	ssyncset.s32 @!p0 $0xFFFFF086;
	s6 =	sadd.s32 @!p0 s3, s7;
	s7 =	simm.s32 @!p0 $0x108  }
0x21: {  	s3 =	sadd.s32 s3, s9;
	s6 =	sadd.s32 @!p0 $0x88, s6;
	s7 =	simm.s32 @p2 $0x1082  }
0x22: {  	[simem:s7], [sflag:s8] =	dma.local @!p0 [hbm:s6], $0xF7A  }
0x23: {  	s9 =	sor.u32 $0xD0000000, s2;
	s6 =	simm.s32 $0x108;
	_ =	swait.ge @!p0 [sflag:s8], $0x0  }
0x24: {  	s3 =	sadd.s32 $0x88, s3;
	s6 =	simm.s32 @!p1 $0x1082;
	[sflag:s4] =	ssyncset.s32 $0xFFFFF086  }
0x25: {  	[simem:s6], [sflag:s4] =	dma.local [hbm:s3], $0xF7A  }
0x26: {  	[smem:$0x3F8C] =	sst s1;
	(tag) =	ssettag s2;
	_ =	strace s9  }
0x27: {  	s1 =	sld [smem:$0x3F9C]  }
0x28: {  	s2 =	sld [smem:$0x3F9D]  }
0x29: {  	s4 =	sld [smem:$0x3F9F]  }
0x2a: {  	p0 =	seq.s32 s5, $0x0;
	s5 =	sld [smem:$0x3FA0]  }
0x2b: {  	s6 =	sld [smem:$0x3FA1]  }
0x2c: {  	s7 =	sld [smem:$0x3FA2]  }
0x2d: {  	s3 =	simm.s32 $0x108;
	s8 =	sld [smem:$0x3FA3]  }
0x2e: {  	s3 =	simm.s32 @!p0 $0x1082;
	s9 =	sld [smem:$0x3FA4]  }
0x2f: {  	lr =	sadd.s32 s0, s3;
	s0 =	sld [smem:$0x3F9B]  }
0x30: {  	s3 =	sld [smem:$0x3F9E]  }
0x31: {  	[smem:$0x3FA7] =	sst s10  }
0x32: {  	s10 =	sld [smem:$0x3FA5];
	_ =	sdelay $0x3  }
0x33: {  	p0 =	seq.s32 s10, $0x1;
	s10 =	sld [smem:$0x3FA7];
	_ =	sdelay $0x3  }
0x34: {  	[smem:$0x3FA7] =	sst s10  }
0x35: {  	s10 =	sld [smem:$0x3FA6];
	_ =	sdelay $0x3  }
0x36: {  	p1 =	seq.s32 s10, $0x1;
	s10 =	sld [smem:$0x3FA7];
	_ =	sdelay $0x3  }
0x37: {  	[smem:$0x3FA7] =	sst s10  }
0x38: {  	s10 =	sld [smem:$0x3FA8]  }
0x39: {  	_ = 	snop;
	(pc) =	sbr.ind lr, $3  }
0x3a: {  	_ = 	snop  }
0x3b: {  	_ = 	snop  }
0x3c: {  	p2 =	seq.s32 s10, $0x1;
	s10 =	sld [smem:$0x3FA7]  }
0x3d: {  	_ =	shalt  }
0x3e: {  	_ =	shalt  }
0x3f: {  	_ =	shalt  }
0x40: {  	_ =	shalt  }
0x41: {  	_ =	shalt  }
0x42: {  	_ =	shalt  }
0x43: {  	_ =	shalt  }
0x44: {  	_ =	shalt  }
0x45: {  	_ =	shalt  }
0x46: {  	_ =	shalt  }
0x47: {  	_ =	shalt  }
0x48: {  	_ =	shalt  }
0x49: {  	_ =	shalt  }
0x4a: {  	_ =	shalt  }
0x4b: {  	_ =	shalt  }
0x4c: {  	_ =	shalt  }
0x4d: {  	_ =	shalt  }
0x4e: {  	_ =	shalt  }
0x4f: {  	_ =	shalt  }
0x50: {  	_ =	shalt  }
0x51: {  	_ =	shalt  }
0x52: {  	_ =	shalt  }
0x53: {  	_ =	shalt  }
0x54: {  	_ =	shalt  }
0x55: {  	_ =	shalt  }
0x56: {  	_ =	shalt  }
0x57: {  	_ =	shalt  }
0x58: {  	_ =	shalt  }
0x59: {  	_ =	shalt  }
0x5a: {  	_ =	shalt  }
0x5b: {  	_ =	shalt  }
0x5c: {  	_ =	shalt  }
0x5d: {  	_ =	shalt  }
0x5e: {  	_ =	shalt  }
0x5f: {  	_ =	shalt  }
0x60: {  	_ =	shalt  }
0x61: {  	_ =	shalt  }
0x62: {  	_ =	shalt  }
0x63: {  	_ =	shalt  }
0x64: {  	_ =	shalt  }
0x65: {  	_ =	shalt  }
0x66: {  	_ =	shalt  }
0x67: {  	_ =	shalt  }
0x68: {  	_ =	shalt  }
0x69: {  	_ =	shalt  }
0x6a: {  	_ =	shalt  }
0x6b: {  	_ =	shalt  }
0x6c: {  	_ =	shalt  }
0x6d: {  	_ =	shalt  }
0x6e: {  	_ =	shalt  }
0x6f: {  	_ =	shalt  }
0x70: {  	_ =	shalt  }
0x71: {  	_ =	shalt  }
0x72: {  	_ =	shalt  }
0x73: {  	_ =	shalt  }
0x74: {  	_ =	shalt  }
0x75: {  	_ =	shalt  }
0x76: {  	_ =	shalt  }
0x77: {  	_ =	shalt  }
0x78: {  	_ =	shalt  }
0x79: {  	_ =	shalt  }
0x7a: {  	_ =	shalt  }
0x7b: {  	_ =	shalt  }
0x7c: {  	_ =	shalt  }
0x7d: {  	_ =	shalt  }
0x7e: {  	_ =	shalt  }
0x7f: {  	_ =	shalt  }
0x80: {  	_ =	shalt  }
0x81: {  	_ =	shalt  }
0x82: {  	_ =	shalt  }
0x83: {  	_ =	shalt  }
0x84: {  	_ =	shalt  }
0x85: {  	_ =	shalt  }
0x86: {  	_ =	shalt  }
0x87: {  	_ =	shalt  }
.Lfunc_end0:
.L_simem_size_0:
called_computation.1_lowered:
.L_overlay_start_0:
0x88: {  	s2 =	sld [smem:$0x3FD9]  }
0x89: {  	s3 =	sld [smem:$0x3FFE];
	_ =	sdelay $0x1  }
0x8a: {  	s1 =	srdreg.scid  }
0x8b: {  	s0 =	sand.u32 $0x1, s1  }
0x8c: {  	s17 =	sshll.u32 s0, $0xA;
	s2 =	sadd.s32 s3, s2  }
0x8d: {  	s2 =	sadd.s32 s2, s17  }
0x8e: {  	[smem:$0x3FB3] =	sst s2  }
0x8f: {  	_ = 	snop  }
0x90: {  	s2 =	sld [smem:$0x3FD0];
	(tm) =	ssettm $0x1  }
0x91: {  	s18 =	sld [smem:$0x3FFB];
	_ =	sdelay $0x3  }
0x92: {  	_ =	strace s18  }
0x93: {  	s3 =	sld [smem:$0x3FFC];
	_ =	sdelay $0x3  }
0x94: {  	_ =	strace s3  }
0x95: {  	s3 =	sld [smem:$0x3FFD];
	_ =	sdelay $0x3  }
0x96: {  	_ =	strace s3  }
0x97: {  	_ =	strace $0x8FFFFFFF  }
0x98: {  	s19 =	sld [smem:$0x3FDB];
	_ =	sdelay $0x1  }
0x99: {  	s4 =	simm.s32 $_scs_section_size  }
0x9a: {  	s5 =	simm.s32 $_size__tile_overlayer_lowered;
	s6 =	simm.s32 $_tile_overlayer_lowered  }
0x9b: {  	s22 =	simm.s32 $0x1BFF;
	s21 =	sshll.u32 s6, $0x1;
	s3 =	sadd.s32 s4, s19  }
0x9c: {  	s7 =	simm.s32 $0x0;
	s20 =	sshll.u32 s5, $0x1;
	s5 =	sadd.s32 s21, s3  }
0x9d: {  	[timem:s7], [sflag:s22] =	dma.local [hbm:s5], s20  }
0x9e: {  	_ =	swait.ge [sflag:s22], s20  }
0x9f: {  	s4 =	ssub.s32 $0x0, s20;
	[sflag:s22] =	ssyncset.done $0x0  }
0xa0: {  	[sflag:s22] =	ssyncadd.s32 s4;
	_ =	sdelay $0x1  }
0xa1: {  	s23 =	simm.s32 $0x1B8B  }
0xa2: {  	_ =	swait.ge [sflag:s23], $0x1  }
0xa3: {  	[sflag:s23] =	ssyncset.done $0x0  }
0xa4: {  	s25 =	simm.s32 $0x1B8E;
	s24 =	sld [smem:$0x3FFE];
	[sflag:s23] =	ssyncadd.s32 $0xFFFFFFFF  }
0xa5: {  	s26 =	simm.s32 $execute0_lowered;
	[smem:$0x3FD2] =	sst s25  }
0xa6: {  	s5 =	sshll.u32 s26, $0x1;
	_ =	strace $0x80000046;
	[dreg:$0x1] =	wrdreg $0xFFFFFFFF  }
0xa7: {  	s28 =	simm.s32 $_size_execute0_lowered;
	s3 =	sadd.s32 s3, s5;
	[dreg:$0x0] =	wrdreg $0x0  }
0xa8: {  	s5 =	sshll.u32 s28, $0x1;
	[dreg:$0x2] =	wrdreg s3  }
0xa9: {  	[dreg:$0x3] =	wrdreg s5  }
0xaa: {  	[dreg:$0x4] =	wrdreg $0xC0  }
0xab: {  	_ =	task [dreg:s7], $0x5FFFF  }
0xac: {  	[dreg:$0x1] =	wrdreg $0xFFFFFFFF  }
0xad: {  	[dreg:$0x0] =	wrdreg $0x60  }
0xae: {  	[dreg:$0x2] =	wrdreg s24  }
0xaf: {  	[dreg:$0x3] =	wrdreg s2  }
0xb0: {  	[dreg:$0x4] =	wrdreg $0x9  }
0xb1: {  	_ =	task.clear_ibuf [dreg:s7], $0x5FFFF;
	_ =	strace $0x90000046  }
0xb2: {  	s29 =	simm.s32 $0x9;
	_ =	strace $0x80000048  }
0xb3: {  	_ =	swait.ge [sflag:s29], $0x1  }
0xb4: {  	[sflag:s29] =	ssyncadd.s32 $0xFFFFFFFF  }
0xb5: {  	_ =	strace $0x90000048  }
0xb6: {  	_ =	sfence  }
0xb7: {  	s30 =	sld [smem:$0x0];
	_ =	sdelay $0x2  }
0xb8: {  	s31 =	sshll.u32 s1, $0xD;
	s1 =	sshrl.u32 s1, $0x2  }
0xb9: {  	s3 =	sand.u32 $0x4000, s31;
	s1 =	sadd.s32 s1, s30  }
0xba: {  	s0 =	sor.u32 s3, s0;
	s1 =	sshll.u32 s1, $0x11  }
0xbb: {  	s0 =	sor.u32 s1, s0  }
0xbc: {  	s0 =	sadd.s32 $0x8F2B, s0  }
0xbd: {  	[sflag:s0] =	ssyncadd.remote.s32 $0x1  }
0xbe: {  	_ =	sfence.sel $0xFFFF  }
0xbf: {  	[dreg:$0x0] =	wrdreg $0xFFFFFFFF;
	(pc) =	sbr.abs _section_cstart, $3  }
0xc0: {  	[dreg:$0x1] =	wrdreg $0xFFFFFFFF  }
0xc1: {  	_ =	task.clear_ibuf [dreg:s7], $0x2FFFF;
	_ =	strace $0x9FFFFFFF  }
0xc2: {  	(tm) =	ssettm $0x7FFFFFFF  }
0xc3: {  	_ =	shalt  }
tec
execute0_lowered:
.L_overlay_start_1:
0x0: {  	(tag) =	ssettag $0x1  }
0x1: {  	s4 =	rddreg [dreg:$0x0]  }
0x2: {  	s2 =	rddreg [dreg:$0x1]  }
0x3: {  	s0 =	rddreg [dreg:$0x2]  }
0x4: {  	s5 =	srdreg.scid;
	s1 =	stileid.u32;
	s3 =	simm.s32 $0x0  }
0x5: {  	s11 =	simm.s32 $0x2;
	s12 =	simm.s32 $0x70;
	s6 =	smul.u32 $0xC40, s1  }
0x6: {  	s13 =	simm.s32 $0x80;
	s5 =	sand.u32 $0x1, s5;
	s8 =	smul.u32 $0xC400, s1  }
0x7: {  	s14 =	simm.s32 $0x1;
	s15 =	simm.s32 $0x0;
	s7 =	smul.u32 $0x620, s5  }
0x8: {  	[smem:$0x7FF] =	sst s3;
	s30 =	ssub.s32 $0x2, s5;
	s5 =	smul.u32 $0x6200, s5  }
0x9: {  	_ =	strace $0x80000047;
	s8 =	sadd.s32 s8, s4;
	s6 =	sadd.s32 s7, s6  }
0xa: {  	s9 =	sshrl.u32 s30, $0x1;
	s5 =	sadd.s32 s5, s8;
	s6 =	sshrl.u32 s6, $0x3  }
0xb: {  	s31 =	ssub.s32 s30, s9;
	s5 =	sadd.s32 $0xDC00, s5;
	s10 =	sadd.s32 s6, s4  }
0xc: {  	s4 =	smax.u32 s31, $0x1;
	s6 =	sadd.s32 $0xA800, s10;
	s7 =	sadd.s32 $0xC200, s10  }
0xd: {  	s8 =	sadd.s32 $0x7400, s10;
	s9 =	sadd.s32 $0x8E00, s10;
	s10 =	sadd.s32 $0x5A00, s10  }
.LBB2_1:
0xe: {  	s16 =	sadd.s32 $0x0, s10  }
0xf: {  	[tilespmem:s3], [sflag:$0x2] =	stream.linear.gather [hbm4b:s16+s3], $0x70, $0x38;
	[tilespmem:$0x3880] =	vst v63  }
0x10: {  	_ =	swait.ge [sflag:s11], $0x70  }
0x11: {  	[sflag:s11] =	ssyncset.done $0x0  }
0x12: {  	[sflag:s11] =	ssyncadd.s32 $0xFFFFFF90  }
0x13: {  	[tilespmem:s13], [sflag:$0x1] =	stream.indirect.gather [hbm4b:s2+s12], $0x80, s3, s12, $0xb8;
	[tilespmem:$0x3880] =	vst v63  }
0x14: {  	_ =	swait.ge [sflag:s14], $0x3800  }
0x15: {  	[sflag:s14] =	ssyncset.done $0x0  }
0x16: {  	s28 =	sadd.s32 $0x0, s9;
	[sflag:s14] =	ssyncadd.s32 $0xFFFFC800  }
0x17: {  	[tilespmem:s3], [sflag:$0x2] =	stream.linear.gather [hbm4b:s28+s3], $0x70, $0x38;
	[tilespmem:$0x3880] =	vst v63  }
0x18: {  	_ =	swait.ge [sflag:s11], $0x70  }
0x19: {  	[sflag:s11] =	ssyncset.done $0x0  }
0x1a: {  	[sflag:s11] =	ssyncadd.s32 $0xFFFFFF90  }
0x1b: {  	[tilespmem:s13], [sflag:$0x1] =	stream.indirect.gather.add.f32 [hbm:s2], $0x80, s3, s12, $0xb8;
	[tilespmem:$0x3880] =	vst v63  }
0x1c: {  	_ =	swait.ge [sflag:s14], $0x3800  }
0x1d: {  	[sflag:s14] =	ssyncset.done $0x0  }
0x1e: {  	s29 =	sadd.s32 $0x0, s8;
	[sflag:s14] =	ssyncadd.s32 $0xFFFFC800  }
0x1f: {  	[tilespmem:s3], [sflag:$0x2] =	stream.linear.gather [hbm4b:s29+s3], $0x70, $0x38;
	[tilespmem:$0x3880] =	vst v63  }
0x20: {  	_ =	swait.ge [sflag:s11], $0x70  }
0x21: {  	[sflag:s11] =	ssyncset.done $0x0  }
0x22: {  	[sflag:s11] =	ssyncadd.s32 $0xFFFFFF90  }
0x23: {  	[tilespmem:s13], [sflag:$0x1] =	stream.indirect.gather.add.f32 [hbm:s2], $0x80, s3, s12, $0xb8;
	[tilespmem:$0x3880] =	vst v63  }
0x24: {  	_ =	swait.ge [sflag:s14], $0x3800  }
0x25: {  	[sflag:s14] =	ssyncset.done $0x0  }
0x26: {  	s30 =	sadd.s32 $0x0, s7;
	[sflag:s14] =	ssyncadd.s32 $0xFFFFC800  }
0x27: {  	[tilespmem:s3], [sflag:$0x2] =	stream.linear.gather [hbm4b:s30+s3], $0x70, $0x38;
	[tilespmem:$0x3880] =	vst v63  }
0x28: {  	_ =	swait.ge [sflag:s11], $0x70  }
0x29: {  	[sflag:s11] =	ssyncset.done $0x0  }
0x2a: {  	[sflag:s11] =	ssyncadd.s32 $0xFFFFFF90  }
0x2b: {  	[tilespmem:s13], [sflag:$0x1] =	stream.indirect.gather.add.f32 [hbm:s2], $0x80, s3, s12, $0xb8;
	[tilespmem:$0x3880] =	vst v63  }
0x2c: {  	_ =	swait.ge [sflag:s14], $0x3800  }
0x2d: {  	[sflag:s14] =	ssyncset.done $0x0  }
0x2e: {  	s31 =	sadd.s32 $0x0, s6;
	[sflag:s14] =	ssyncadd.s32 $0xFFFFC800  }
0x2f: {  	[tilespmem:s3], [sflag:$0x2] =	stream.linear.gather [hbm4b:s31+s3], $0x70, $0x38;
	[tilespmem:$0x3880] =	vst v63  }
0x30: {  	_ =	swait.ge [sflag:s11], $0x70  }
0x31: {  	[sflag:s11] =	ssyncset.done $0x0  }
0x32: {  	[sflag:s11] =	ssyncadd.s32 $0xFFFFFF90  }
0x33: {  	[tilespmem:s13], [sflag:$0x1] =	stream.indirect.gather.add.f32 [hbm:s2], $0x80, s3, s12, $0xb8;
	[tilespmem:$0x3880] =	vst v63  }
0x34: {  	_ =	swait.ge [sflag:s14], $0x3800  }
0x35: {  	[sflag:s14] =	ssyncset.done $0x0  }
0x36: {  	[sflag:s14] =	ssyncadd.s32 $0xFFFFC800  }
0x37: {  	[hbm4b:s5+s3] =	stream.linear.scatter [tilespmem:s13], [sflag:$0x2], $0x3800, $0x38;
	[tilespmem:$0x3880] =	vst v63  }
0x38: {  	s17 =	simm.s32 $0xE;
	_ =	swait.ge [sflag:s11], $0x3800  }
0x39: {  	s20 =	simm.s32 $0x1C;
	s16 =	sadd.s32 $0x700, s5;
	[sflag:s11] =	ssyncset.done $0x0  }
.LBB2_2:
0x3a: {  	s21 =	sadd.s32 s17, s10  }
0x3b: {  	[sflag:s11] =	ssyncadd.s32 $0xFFFFC800;
	s19 =	smov.u32 s20;
	s18 =	sadd.s32 $0xE, s20  }
0x3c: {  	[tilespmem:s3], [sflag:$0x2] =	stream.linear.gather [hbm4b:s21+s3], $0x70, $0x38;
	[tilespmem:$0x3880] =	vst v63  }
0x3d: {  	p0 =	sne.s32 s20, $0xB6;
	_ =	swait.ge [sflag:s11], $0x70  }
0x3e: {  	[sflag:s11] =	ssyncset.done $0x0  }
0x3f: {  	[sflag:s11] =	ssyncadd.s32 $0xFFFFFF90  }
0x40: {  	[tilespmem:s13], [sflag:$0x1] =	stream.indirect.gather [hbm4b:s2+s12], $0x80, s3, s12, $0xb8;
	[tilespmem:$0x3880] =	vst v63  }
0x41: {  	_ =	swait.ge [sflag:s14], $0x3800  }
0x42: {  	[sflag:s14] =	ssyncset.done $0x0  }
0x43: {  	s20 =	sadd.s32 s17, s9;
	[sflag:s14] =	ssyncadd.s32 $0xFFFFC800  }
0x44: {  	[tilespmem:s3], [sflag:$0x2] =	stream.linear.gather [hbm4b:s20+s3], $0x70, $0x38;
	[tilespmem:$0x3880] =	vst v63  }
0x45: {  	_ =	swait.ge [sflag:s11], $0x70  }
0x46: {  	[sflag:s11] =	ssyncset.done $0x0  }
0x47: {  	[sflag:s11] =	ssyncadd.s32 $0xFFFFFF90  }
0x48: {  	[tilespmem:s13], [sflag:$0x1] =	stream.indirect.gather.add.f32 [hbm:s2], $0x80, s3, s12, $0xb8;
	[tilespmem:$0x3880] =	vst v63  }
0x49: {  	_ =	swait.ge [sflag:s14], $0x3800  }
0x4a: {  	[sflag:s14] =	ssyncset.done $0x0  }
0x4b: {  	s20 =	sadd.s32 s17, s8;
	[sflag:s14] =	ssyncadd.s32 $0xFFFFC800  }
0x4c: {  	[tilespmem:s3], [sflag:$0x2] =	stream.linear.gather [hbm4b:s20+s3], $0x70, $0x38;
	[tilespmem:$0x3880] =	vst v63  }
0x4d: {  	_ =	swait.ge [sflag:s11], $0x70  }
0x4e: {  	[sflag:s11] =	ssyncset.done $0x0  }
0x4f: {  	[sflag:s11] =	ssyncadd.s32 $0xFFFFFF90  }
0x50: {  	[tilespmem:s13], [sflag:$0x1] =	stream.indirect.gather.add.f32 [hbm:s2], $0x80, s3, s12, $0xb8;
	[tilespmem:$0x3880] =	vst v63  }
0x51: {  	_ =	swait.ge [sflag:s14], $0x3800  }
0x52: {  	[sflag:s14] =	ssyncset.done $0x0  }
0x53: {  	s20 =	sadd.s32 s17, s7;
	[sflag:s14] =	ssyncadd.s32 $0xFFFFC800  }
0x54: {  	[tilespmem:s3], [sflag:$0x2] =	stream.linear.gather [hbm4b:s20+s3], $0x70, $0x38;
	[tilespmem:$0x3880] =	vst v63  }
0x55: {  	_ =	swait.ge [sflag:s11], $0x70  }
0x56: {  	[sflag:s11] =	ssyncset.done $0x0  }
0x57: {  	[sflag:s11] =	ssyncadd.s32 $0xFFFFFF90  }
0x58: {  	[tilespmem:s13], [sflag:$0x1] =	stream.indirect.gather.add.f32 [hbm:s2], $0x80, s3, s12, $0xb8;
	[tilespmem:$0x3880] =	vst v63  }
0x59: {  	_ =	swait.ge [sflag:s14], $0x3800  }
0x5a: {  	[sflag:s14] =	ssyncset.done $0x0  }
0x5b: {  	s20 =	sadd.s32 s17, s6;
	s17 =	smov.u32 s19;
	[sflag:s14] =	ssyncadd.s32 $0xFFFFC800  }
0x5c: {  	[tilespmem:s3], [sflag:$0x2] =	stream.linear.gather [hbm4b:s20+s3], $0x70, $0x38;
	[tilespmem:$0x3880] =	vst v63  }
0x5d: {  	_ =	swait.ge [sflag:s11], $0x70  }
0x5e: {  	[sflag:s11] =	ssyncset.done $0x0  }
0x5f: {  	[sflag:s11] =	ssyncadd.s32 $0xFFFFFF90  }
0x60: {  	[tilespmem:s13], [sflag:$0x1] =	stream.indirect.gather.add.f32 [hbm:s2], $0x80, s3, s12, $0xb8;
	[tilespmem:$0x3880] =	vst v63  }
0x61: {  	_ =	swait.ge [sflag:s14], $0x3800  }
.Ltmp0:
0x62: {  	[sflag:s14] =	ssyncset.done $0x0;
	(pc) =	sbr.rel @p0 .LBB2_2-.Ltmp0, $4  }
0x63: {  	[sflag:s14] =	ssyncadd.s32 $0xFFFFC800  }
0x64: {  	[hbm4b:s16+s3] =	stream.linear.scatter [tilespmem:s13], [sflag:$0x2], $0x3800, $0x38;
	[tilespmem:$0x3880] =	vst v63  }
0x65: {  	_ =	swait.ge [sflag:s11], $0x3800  }
0x66: {  	s20 =	smov.u32 s18;
	s16 =	sadd.s32 $0x700, s16;
	[sflag:s11] =	ssyncset.done $0x0  }
0x67: {  	s18 =	sadd.s32 s17, s10;
	[sflag:s11] =	ssyncadd.s32 $0xFFFFC800  }
0x68: {  	[tilespmem:s3], [sflag:$0x2] =	stream.linear.gather [hbm4b:s18+s3], $0x70, $0x38;
	[tilespmem:$0x3880] =	vst v63  }
0x69: {  	_ =	swait.ge [sflag:s11], $0x70  }
0x6a: {  	[sflag:s11] =	ssyncset.done $0x0  }
0x6b: {  	[sflag:s11] =	ssyncadd.s32 $0xFFFFFF90  }
0x6c: {  	[tilespmem:s13], [sflag:$0x1] =	stream.indirect.gather [hbm4b:s2+s12], $0x80, s3, s12, $0xb8;
	[tilespmem:$0x3880] =	vst v63  }
0x6d: {  	_ =	swait.ge [sflag:s14], $0x3800  }
0x6e: {  	[sflag:s14] =	ssyncset.done $0x0  }
0x6f: {  	s28 =	sadd.s32 s17, s9;
	[sflag:s14] =	ssyncadd.s32 $0xFFFFC800  }
0x70: {  	[tilespmem:s3], [sflag:$0x2] =	stream.linear.gather [hbm4b:s28+s3], $0x70, $0x38;
	[tilespmem:$0x3880] =	vst v63  }
0x71: {  	_ =	swait.ge [sflag:s11], $0x70  }
0x72: {  	[sflag:s11] =	ssyncset.done $0x0  }
0x73: {  	[sflag:s11] =	ssyncadd.s32 $0xFFFFFF90  }
0x74: {  	[tilespmem:s13], [sflag:$0x1] =	stream.indirect.gather.add.f32 [hbm:s2], $0x80, s3, s12, $0xb8;
	[tilespmem:$0x3880] =	vst v63  }
0x75: {  	_ =	swait.ge [sflag:s14], $0x3800  }
0x76: {  	[sflag:s14] =	ssyncset.done $0x0  }
0x77: {  	s29 =	sadd.s32 s17, s8;
	[sflag:s14] =	ssyncadd.s32 $0xFFFFC800  }
0x78: {  	[tilespmem:s3], [sflag:$0x2] =	stream.linear.gather [hbm4b:s29+s3], $0x70, $0x38;
	[tilespmem:$0x3880] =	vst v63  }
0x79: {  	_ =	swait.ge [sflag:s11], $0x70  }
0x7a: {  	[sflag:s11] =	ssyncset.done $0x0  }
0x7b: {  	[sflag:s11] =	ssyncadd.s32 $0xFFFFFF90  }
0x7c: {  	[tilespmem:s13], [sflag:$0x1] =	stream.indirect.gather.add.f32 [hbm:s2], $0x80, s3, s12, $0xb8;
	[tilespmem:$0x3880] =	vst v63  }
0x7d: {  	_ =	swait.ge [sflag:s14], $0x3800  }
0x7e: {  	[sflag:s14] =	ssyncset.done $0x0  }
0x7f: {  	s30 =	sadd.s32 s17, s7;
	[sflag:s14] =	ssyncadd.s32 $0xFFFFC800  }
0x80: {  	[tilespmem:s3], [sflag:$0x2] =	stream.linear.gather [hbm4b:s30+s3], $0x70, $0x38;
	[tilespmem:$0x3880] =	vst v63  }
0x81: {  	_ =	swait.ge [sflag:s11], $0x70  }
0x82: {  	[sflag:s11] =	ssyncset.done $0x0  }
0x83: {  	[sflag:s11] =	ssyncadd.s32 $0xFFFFFF90  }
0x84: {  	[tilespmem:s13], [sflag:$0x1] =	stream.indirect.gather.add.f32 [hbm:s2], $0x80, s3, s12, $0xb8;
	[tilespmem:$0x3880] =	vst v63  }
0x85: {  	_ =	swait.ge [sflag:s14], $0x3800  }
0x86: {  	[sflag:s14] =	ssyncset.done $0x0  }
0x87: {  	s31 =	sadd.s32 s17, s6;
	[sflag:s14] =	ssyncadd.s32 $0xFFFFC800  }
0x88: {  	[tilespmem:s3], [sflag:$0x2] =	stream.linear.gather [hbm4b:s31+s3], $0x70, $0x38;
	[tilespmem:$0x3880] =	vst v63  }
0x89: {  	_ =	swait.ge [sflag:s11], $0x70  }
0x8a: {  	[sflag:s11] =	ssyncset.done $0x0  }
0x8b: {  	[sflag:s11] =	ssyncadd.s32 $0xFFFFFF90  }
0x8c: {  	[tilespmem:s13], [sflag:$0x1] =	stream.indirect.gather.add.f32 [hbm:s2], $0x80, s3, s12, $0xb8;
	[tilespmem:$0x3880] =	vst v63  }
0x8d: {  	s15 =	sadd.s32 $0x1, s15;
	_ =	swait.ge [sflag:s14], $0x3800  }
0x8e: {  	p0 =	sne.s32 s15, s4;
	[sflag:s14] =	ssyncset.done $0x0  }
.Ltmp1:
0x8f: {  	[sflag:s14] =	ssyncadd.s32 $0xFFFFC800;
	(pc) =	sbr.rel @p0 .LBB2_1-.Ltmp1, $4  }
0x90: {  	[hbm4b:s16+s3] =	stream.linear.scatter [tilespmem:s13], [sflag:$0x2], $0x3800, $0x38;
	[tilespmem:$0x3880] =	vst v63  }
0x91: {  	_ =	swait.ge [sflag:s11], $0x3800  }
0x92: {  	[sflag:s11] =	ssyncset.done $0x0  }
0x93: {  	[sflag:s11] =	ssyncadd.s32 $0xFFFFC800  }
0x94: {  	_ =	sfence.sel $0x180000  }
0x95: {  	[bflag:$0x0] =	sbarrier.arrive $0xFFFF  }
0x96: {  	p0 =	sne.s32 s1, $0x0;
	_ =	strace $0x90000047  }
0x97: {  	s0 =	sadd.s32 @!p0 $0x100000, s0;
	[bflag:$0x2] =	sbarrier.arrive $0xFFFF  }
0x98: {  	[sflag:s0] =	ssyncadd.tile.s32 @!p0 $0x1;
	_ =	shalt  }
.Lfunc_end2:
_tile_overlayer_lowered:
.L_overlay_start_2:
0x99: {  	(tag) =	ssettag $0x2  }
0x9a: {  	s0 =	rddreg [dreg:$0x0];
	s2 =	stileid.u32  }
0x9b: {  	s1 =	rddreg [dreg:$0x1];
	p0 =	sne.s32 s2, $0x0  }
0x9c: {  	s3 =	rddreg [dreg:$0x2];
	[bflag:$0x3] =	sbarrier.arrive $0xFFFF;
	s2 =	simm.s32 @!p0 $0x1C02  }
0x9d: {  	[timem:s3], [sflag:s2] =	dma.local @!p0 [hbm:s0], s1  }
0x9e: {  	s0 =	simm.s32 @!p0 $0x2  }
0x9f: {  	_ =	swait.ge @!p0 [sflag:s0], s1  }
0xa0: {  	s1 =	ssub.s32 @!p0 $0x0, s1;
	[sflag:s0] =	ssyncset.done @!p0 $0x0  }
0xa1: {  	[sflag:s0] =	ssyncadd.s32 @!p0 s1  }
0xa2: {  	[bflag:$0x3] =	sbarrier.arrive $0xFFFF  }
0xa3: {  	_ =	shalt  }

// kernel: sparse-core-data-format-call.cloned.1.call-start
scs
called_computation_lowered:
.L_overlay_start_0:
0x0: {  	s2 =	sld [smem:$0x3FD9]  }
0x1: {  	s3 =	sld [smem:$0x3FFE];
	_ =	sdelay $0x1  }
0x2: {  	s1 =	srdreg.scid  }
0x3: {  	s0 =	sand.u32 $0x1, s1  }
0x4: {  	s18 =	sshll.u32 s0, $0xA;
	s2 =	sadd.s32 s3, s2  }
0x5: {  	s2 =	sadd.s32 s2, s18  }
0x6: {  	[smem:$0x3FB3] =	sst s2  }
0x7: {  	_ = 	snop  }
0x8: {  	s2 =	sld [smem:$0x3FD0];
	(tm) =	ssettm $0x1  }
0x9: {  	s19 =	sld [smem:$0x3FFB];
	_ =	sdelay $0x3  }
0xa: {  	_ =	strace s19  }
0xb: {  	s3 =	sld [smem:$0x3FFC];
	_ =	sdelay $0x3  }
0xc: {  	_ =	strace s3  }
0xd: {  	s3 =	sld [smem:$0x3FFD];
	_ =	sdelay $0x3  }
0xe: {  	_ =	strace s3  }
0xf: {  	_ =	strace $0x8FFFFFFF  }
0x10: {  	s20 =	sld [smem:$0x3FDB];
	_ =	sdelay $0x1  }
0x11: {  	s4 =	simm.s32 $_scs_section_size  }
0x12: {  	s5 =	simm.s32 $_size__tile_overlayer_lowered;
	s6 =	simm.s32 $_tile_overlayer_lowered  }
0x13: {  	s23 =	simm.s32 $0x1BFF;
	s22 =	sshll.u32 s6, $0x1;
	s3 =	sadd.s32 s4, s20  }
0x14: {  	s7 =	simm.s32 $0x0;
	s21 =	sshll.u32 s5, $0x1;
	s5 =	sadd.s32 s22, s3  }
0x15: {  	[timem:s7], [sflag:s23] =	dma.local [hbm:s5], s21  }
0x16: {  	_ =	swait.ge [sflag:s23], s21  }
0x17: {  	s4 =	ssub.s32 $0x0, s21;
	[sflag:s23] =	ssyncset.done $0x0  }
0x18: {  	[sflag:s23] =	ssyncadd.s32 s4;
	_ =	sdelay $0x1  }
0x19: {  	s24 =	simm.s32 $0x1B8B  }
0x1a: {  	_ =	swait.ge [sflag:s24], $0x1  }
0x1b: {  	[sflag:s24] =	ssyncset.done $0x0  }
0x1c: {  	s26 =	simm.s32 $0x1B8E;
	s25 =	sld [smem:$0x3FFE];
	[sflag:s24] =	ssyncadd.s32 $0xFFFFFFFF  }
0x1d: {  	s27 =	simm.s32 $execute0_lowered;
	[smem:$0x3FD2] =	sst s26  }
0x1e: {  	s5 =	sshll.u32 s27, $0x1;
	_ =	strace $0x8000004F;
	[dreg:$0x1] =	wrdreg $0xFFFFFFFF  }
0x1f: {  	s28 =	simm.s32 $_size_execute0_lowered;
	s3 =	sadd.s32 s3, s5;
	[dreg:$0x0] =	wrdreg $0x0  }
0x20: {  	s5 =	sshll.u32 s28, $0x1;
	[dreg:$0x2] =	wrdreg s3  }
0x21: {  	[dreg:$0x3] =	wrdreg s5  }
0x22: {  	[dreg:$0x4] =	wrdreg $0xC0  }
0x23: {  	_ =	task [dreg:s7], $0x5FFFF  }
0x24: {  	[dreg:$0x1] =	wrdreg $0xFFFFFFFF  }
0x25: {  	[dreg:$0x0] =	wrdreg $0x60  }
0x26: {  	[dreg:$0x2] =	wrdreg s25  }
0x27: {  	[dreg:$0x3] =	wrdreg s2  }
0x28: {  	[dreg:$0x4] =	wrdreg $0x9  }
0x29: {  	_ =	task.clear_ibuf [dreg:s7], $0x5FFFF;
	_ =	strace $0x9000004F  }
0x2a: {  	s29 =	simm.s32 $0x9;
	_ =	strace $0x80000051  }
0x2b: {  	_ =	swait.ge [sflag:s29], $0x1  }
0x2c: {  	[sflag:s29] =	ssyncadd.s32 $0xFFFFFFFF  }
0x2d: {  	_ =	strace $0x90000051  }
0x2e: {  	_ =	sfence  }
0x2f: {  	s30 =	sld [smem:$0x0];
	_ =	sdelay $0x2  }
0x30: {  	s31 =	sshll.u32 s1, $0xD;
	s1 =	sshrl.u32 s1, $0x2  }
0x31: {  	s3 =	sand.u32 $0x4000, s31;
	s1 =	sadd.s32 s1, s30  }
0x32: {  	s0 =	sor.u32 s3, s0;
	s1 =	sshll.u32 s1, $0x11  }
0x33: {  	s0 =	sor.u32 s1, s0  }
0x34: {  	s0 =	sadd.s32 $0x8F2B, s0  }
0x35: {  	[sflag:s0] =	ssyncadd.remote.s32 $0x1  }
0x36: {  	_ =	sfence.sel $0xFFFF  }
0x37: {  	[dreg:$0x0] =	wrdreg $0xFFFFFFFF;
	(pc) =	sbr.abs _section_cstart, $3  }
0x38: {  	[dreg:$0x1] =	wrdreg $0xFFFFFFFF  }
0x39: {  	_ =	task.clear_ibuf [dreg:s7], $0x2FFFF;
	_ =	strace $0x9FFFFFFF  }
0x3a: {  	(tm) =	ssettm $0x7FFFFFFF  }
0x3b: {  	_ =	shalt  }
tec
execute0_lowered:
.L_overlay_start_1:
0x0: {  	(tag) =	ssettag $0x1  }
0x1: {  	s0 =	stileid.u32  }
0x2: {  	s2 =	srdreg.scid;
	s7 =	rddreg [dreg:$0x0]  }
0x3: {  	s6 =	simm.s32 $0x1;
	s31 =	simm.s32 $0x2;
	s16 =	simm.s32 $0x0  }
0x4: {  	s9 =	simm.s32 $0x1000;
	s15 =	simm.s32 $0x0;
	s10 =	simm.s32 $0x0  }
0x5: {  	s11 =	simm.s32 $0x0;
	s14 =	simm.s32 $0x0;
	s1 =	sshll.u32 s0, $0x7  }
0x6: {  	s3 =	sshll.u32 s0, $0x5;
	s2 =	sshll.u32 s2, $0x9;
	s1 =	sand.u32 $0x180, s1  }
0x7: {  	s7 =	sadd.s32 $0x315A00, s7;
	s2 =	sor.u32 s3, s2;
	s5 =	ssub.s32 $0x200, s1  }
0x8: {  	s3 =	rddreg [dreg:$0x1];
	s4 =	sand.u32 $0x380, s2;
	s29 =	sand.u32 $0x180, s5  }
0x9: {  	s30 =	ssub.s32 $0xC300, s4;
	s5 =	sshrl.u32 s5, $0x9;
	p0 =	sne.s32 s29, $0x0  }
.Ltmp0:
0xa: {  	s8 =	sshrl.u32 s30, $0xA;
	s6 =	simm.s32 @!p0 $0x0;
	(pc) =	sbr.rel .LBB1_1-.Ltmp0, $4  }
0xb: {  	s2 =	rddreg [dreg:$0x2];
	s8 =	sadd.s32 $0x1, s8;
	s6 =	sadd.s32 s6, s5  }
0xc: {  	_ =	strace $0x80000050;
	s5 =	simm.s32 $0x1;
	s6 =	smul.u32 s6, s8  }
0xd: {  	s13 =	smov.u32 s1;
	s12 =	smov.u32 s4;
	[sflag:s5] =	ssyncpa.u1 $0x0  }
0xe: {  	p0 =	por $0x0, $0x0;
	[sflag:s31] =	ssyncpa.u1 $0x0;
	s8 =	sadd.s32 $0x1, s6  }
.LBB1_4:
0xf: {  	s21 =	sshra.s32 s21, $0x2;
	s22 =	sshll.u32 s10, $0x9  }
0x10: {  	s23 =	sshll.u32 s11, $0x3;
	s24 =	sshll.u32 s10, $0x7;
	s27 =	sand.u32 $0x78, s11  }
0x11: {  	p1 =	sgt.s32 s10, $0xC2D0;
	s22 =	sand.u32 $0xFFFFF000, s22;
	s23 =	sand.u32 $0xFFFFFC00, s23  }
0x12: {  	s20 =	sadd.s32 s21, s20;
	s26 =	sand.u32 $0x200, s24;
	s28 =	sand.u32 $0x180, s24  }
0x13: {  	v5 =	vld [tilespmem:s18+$0xFFFFFFD0];
	[tilespmem:s19+$0x2040 ss:$0x81] =	vst.msk $0xffff, v4;
	s25 =	sadd.s32 s23, s22;
	s22 =	sor.u32 s27, s28;
	s23 =	smov.u32 s10  }
0x14: {  	v58 =	vld [tilespmem:s18+$0xFFFFFFE0];
	[tilespmem:s19+$0x2850 ss:$0x81] =	vst.msk $0xffff, v3;
	s21 =	sor.u32 s26, s25;
	s23 =	simm.s32 @!p1 $0xC2D0;
	s25 =	sshra.s32 s10, $0x1F  }
0x15: {  	v59 =	vld [tilespmem:s18+$0xFFFFFFF0];
	[tilespmem:s19+$0x3060 ss:$0x81] =	vst.msk $0xffff, v2;
	p1 =	sgt.s32 s11, $0x180;
	s26 =	sshra.s32 s11, $0x1F;
	s21 =	sshrl.u32 s21, $0x9  }
0x16: {  	v60 =	vld [tilespmem:s18+$0x0];
	[tilespmem:s19+$0x0 ss:$0x81] =	vst.msk $0xffff, v1;
	s30 =	sand.u32 s25, s10;
	s25 =	smov.u32 s11;
	s31 =	sand.u32 s26, s11  }
0x17: {  	v61 =	vld [tilespmem:s18+$0x10];
	[tilespmem:s20+$0x3870 ss:$0x81] =	vst.msk $0xffff, v0;
	s29 =	smulhi.u32 $0xA7C5AD, s21;
	s19 =	ssub.s32 s23, s30;
	s25 =	simm.s32 @!p1 $0x180  }
0x18: {  	v62 =	vld [tilespmem:s18+$0x20];
	[tilespmem:s20+$0x810 ss:$0x81] =	vst.msk $0xffff, v5;
	s23 =	ssub.s32 s25, s31;
	s26 =	sadd.s32 $0xFFFF3D30, s19;
	s19 =	ssub.s32 $0xC350, s19  }
0x19: {  	v63 =	vld [tilespmem:s18+$0xFFFFFFC0];
	[tilespmem:s20+$0x1020 ss:$0x81] =	vst.msk $0xffff, v58;
	s24 =	sshrl.u32 s29, $0x7;
	p1 =	sgt.s32 s26, $0x7F;
	s28 =	sadd.s32 $0xFFFFFE80, s23  }
0x1a: {  	[tilespmem:s20+$0x1830 ss:$0x81] =	vst.msk $0xffff, v59;
	s23 =	ssub.s32 $0x200, s23;
	s27 =	smul.u32 $0xC350, s24;
	p2 =	sgt.s32 s28, $0x7F  }
0x1b: {  	[tilespmem:s20+$0x2040 ss:$0x81] =	vst.msk $0xffff, v60;
	s30 =	sand.u32 $0x7, s11;
	s19 =	simm.s32 @p1 $0x0;
	s23 =	simm.s32 @p2 $0x0  }
0x1c: {  	[tilespmem:s20+$0x2850 ss:$0x81] =	vst.msk $0xffff, v61;
	s29 =	sshrl.u32 s22, $0x3;
	s18 =	ssub.s32 s21, s27;
	s19 =	smul.u32 s23, s19  }
0x1d: {  	[tilespmem:s20+$0x3060 ss:$0x81] =	vst.msk $0xffff, v62;
	s22 =	sshll.u32 s30, $0x12;
	s21 =	sadd.s32 s3, s29;
	s18 =	sshll.u32 s18, $0x6  }
0x1e: {  	[tilespmem:s20+$0x0 ss:$0x81] =	vst.msk $0xffff, v63;
	s31 =	sor.u32 $0x400, s22;
	s19 =	sand.u32 $0x3FFFFFFF, s19;
	s18 =	sadd.s32 s18, s21  }
0x1f: {  	[hbm4b:s18+s31] =	stream.strided.scatter [tilespmem:s17], [sflag:$0x2], s19, s9, s31, $0x20;
	[tilespmem:$0x10100] =	vst v63  }
.LBB1_5:
0x20: {  	p1 =	slt.u32 s14, $0x2  }
0x21: {  	s18 =	smov.u32 s16;
	p2 =	sgt.s32 @!p1 s16, $0xC2D0;
	s17 =	sshra.s32 @!p1 s16, $0x1F  }
0x22: {  	p3 =	sgt.s32 @!p1 s15, $0x180;
	s19 =	sshra.s32 @!p1 s15, $0x1F;
	p2 =	por !p2, p1  }
0x23: {  	s16 =	sand.u32 @!p1 s17, s16;
	p3 =	por !p3, p1;
	s17 =	smov.u32 s15  }
0x24: {  	s15 =	sand.u32 @!p1 s19, s15;
	s18 =	simm.s32 @p2 $0xC2D0;
	s17 =	simm.s32 @p3 $0x180  }
0x25: {  	s16 =	ssub.s32 @!p1 s18, s16;
	s15 =	ssub.s32 @!p1 s17, s15  }
0x26: {  	s19 =	smov.u32 s13;
	s17 =	sadd.s32 @!p1 $0xFFFF3D30, s16;
	s18 =	sadd.s32 @!p1 $0xFFFFFE80, s15  }
0x27: {  	s16 =	ssub.s32 @!p1 $0xC350, s16;
	p2 =	sgt.s32 @!p1 s17, $0x7F;
	p3 =	sgt.s32 @!p1 s18, $0x7F  }
0x28: {  	s15 =	ssub.s32 @!p1 $0x200, s15;
	p2 =	por !p2, p1;
	p3 =	por !p3, p1  }
0x29: {  	s17 =	sadd.s32 $0x400, s12;
	s16 =	simm.s32 @!p2 $0x0;
	s15 =	simm.s32 @!p3 $0x0  }
0x2a: {  	p2 =	sgt.s32 s17, $0xC34F;
	s15 =	smul.u32 @!p1 s15, s16;
	s16 =	sadd.s32 $0x200, s13  }
0x2b: {  	s19 =	smov.u32 @p2 s16  }
0x2c: {  	s17 =	smov.u32 @p2 s4;
	p2 =	sgt.s32 s19, $0x1FF  }
0x2d: {  	s19 =	smov.u32 @p2 s1;
	p2 =	sne.s32 s14, s8  }
.Ltmp1:
0x2e: {  	p0 =	por !p0, !p0;
	s18 =	simm.s32 @!p1 $0x2;
	(pc) =	sbr.rel @!p2 .LBB1_6-.Ltmp1, $4  }
0x2f: {  	s16 =	smov.u32 s10;
	s10 =	smov.u32 s12;
	s15 =	sand.u32 @!p1 $0x3FFFFFFF, s15  }
0x30: {  	s12 =	smov.u32 s17;
	_ =	swait.ge @!p1 [sflag:s18], s15;
	s20 =	ssub.s32 @!p1 $0x0, s15  }
0x31: {  	s15 =	smov.u32 s11;
	s14 =	sadd.s32 $0x1, s14;
	[sflag:s18] =	ssyncset.done @!p1 $0x0  }
0x32: {  	s11 =	smov.u32 s13;
	s13 =	smov.u32 s19;
	[sflag:s18] =	ssyncadd.s32 @!p1 s20  }
.LBB1_1:
0x33: {  	p1 =	sge.u32 s14, s6  }
0x34: {  	s17 =	sshrl.u32 @!p1 s13, $0x3  }
0x35: {  	s18 =	sshll.u32 @!p1 s12, $0x3;
	s17 =	smul.u32 @!p1 $0x61C00, s17  }
0x36: {  	s19 =	sshll.u32 @!p1 s13, $0x7;
	s18 =	sand.u32 @!p1 $0xFFFFFC00, s18  }
0x37: {  	s17 =	sadd.s32 @!p1 s17, s18;
	s18 =	sand.u32 @!p1 $0x380, s19  }
0x38: {  	s19 =	sand.u32 @!p1 $0x7F, s12;
	s17 =	sor.u32 @!p1 s18, s17  }
0x39: {  	s18 =	sor.u32 @!p1 s19, s17  }
0x3a: {  	s19 =	smulhi.u32 @!p1 $0xA79C7B17, s18;
	_ =	sdelay $0x1  }
0x3b: {  	s17 =	smulhi.u32 @!p1 $0xA79C7B17, s17;
	s19 =	sshrl.u32 @!p1 s19, $0xF  }
0x3c: {  	s19 =	smul.u32 @!p1 $0xC380, s19  }
0x3d: {  	s31 =	sadd.s32 $0xFFFFFFFF, s14;
	s20 =	sxor.u32 @!p1 $0xFFFFFFFF, s14;
	s17 =	sshrl.u32 @!p1 s17, $0xF  }
0x3e: {  	s20 =	sshll.u32 @!p1 s20, $0xE;
	s17 =	sand.u32 @!p1 $0x1FF, s17;
	s18 =	ssub.s32 @!p1 s18, s19  }
0x3f: {  	s17 =	smul.u32 @!p1 $0x1870, s17;
	s19 =	sshrl.u32 @!p1 s18, $0x3;
	s18 =	sand.u32 @!p1 $0x7, s18  }
0x40: {  	s20 =	sand.u32 @!p1 $0x4000, s20;
	s19 =	sadd.s32 @!p1 s7, s19;
	s18 =	sshll.u32 @!p1 s18, $0x12  }
0x41: {  	s17 =	sadd.s32 @!p1 s17, s19;
	s18 =	sor.u32 @!p1 $0x400, s18;
	s19 =	simm.s32 @!p1 $0x61C00  }
0x42: {  	[tilespmem:s20], [sflag:$0x1] =	stream.strided.gather @!p1 [hbm4b:s17+s18], $0x4000, s19, s18, $0x38;
	[tilespmem:$0x10100] =	vst v63  }
0x43: {  	p1 =	sge.u32 s31, s6  }
.Ltmp2:
0x44: {  	_ = 	snop;
	(pc) =	sbr.rel @p1 .LBB1_5-.Ltmp2, $1  }
0x45: {  	_ =	sdelay $0x3  }
0x46: {  	s17 =	simm.s32 $0x1  }
0x47: {  	_ =	swait.ge [sflag:s5], $0x4000;
	s17 =	simm.s32 @!p0 $0x0  }
0x48: {  	[sflag:s5] =	ssyncset.done $0x0;
	s18 =	sshll.u32 s17, $0xE  }
0x49: {  	[sflag:s5] =	ssyncadd.s32 $0xFFFFC000;
	s18 =	sor.u32 $0x40, s18  }
0x4a: {  	s17 =	smul.u32 $0x10200, s17;
	v0 =	vld [tilespmem:s18+$0x30]  }
0x4b: {  	v1 =	vld [tilespmem:s18+$0xFFFFFFD0]  }
0x4c: {  	s17 =	sshrl.u32 s17, $0x2;
	v5 =	vld [tilespmem:s18+$0xFFFFFFE0]  }
0x4d: {  	v6 =	vld [tilespmem:s18+$0xFFFFFFF0];
	s20 =	sor.u32 $0x8000, s17  }
0x4e: {  	s31 =	sand.u32 $0x1, s14;
	v4 =	vld [tilespmem:s18+$0x0];
	s19 =	sadd.s32 $0x0, s20  }
0x4f: {  	v3 =	vld [tilespmem:s18+$0x10];
	s17 =	smul.u32 $0x10200, s31;
	[tilespmem:s19+$0x3870 ss:$0x81] =	vst.msk $0xffff, v0  }
0x50: {  	v2 =	vld [tilespmem:s18+$0x20];
	[tilespmem:s19+$0x810 ss:$0x81] =	vst.msk $0xffff, v1  }
0x51: {  	s17 =	sshrl.u32 s17, $0x2;
	v1 =	vld [tilespmem:s18+$0xFFFFFFC0];
	[tilespmem:s19+$0x1020 ss:$0x81] =	vst.msk $0xffff, v5;
	s18 =	sadd.s32 $0x80, s18  }
0x52: {  	s21 =	simm.s32 $0x4;
	s22 =	simm.s32 $0x8;
	s17 =	sor.u32 $0x8000, s17;
	[tilespmem:s19+$0x1830 ss:$0x81] =	vst.msk $0xffff, v6;
	v0 =	vld [tilespmem:s18+$0x30]  }
.LBB1_3:
0x53: {  	p1 =	sne.s32 s22, $0x1FC;
	v5 =	vld [tilespmem:s18+$0xFFFFFFD0];
	[tilespmem:s19+$0x2040 ss:$0x81] =	vst.msk $0xffff, v4  }
0x54: {  	v6 =	vld [tilespmem:s18+$0xFFFFFFE0];
	[tilespmem:s19+$0x2850 ss:$0x81] =	vst.msk $0xffff, v3  }
0x55: {  	s23 =	sshra.s32 s21, $0x2;
	s21 =	smov.u32 s22;
	v7 =	vld [tilespmem:s18+$0xFFFFFFF0];
	[tilespmem:s19+$0x3060 ss:$0x81] =	vst.msk $0xffff, v2  }
.Ltmp3:
0x56: {  	v4 =	vld [tilespmem:s18+$0x0];
	[tilespmem:s19+$0x0 ss:$0x81] =	vst.msk $0xffff, v1;
	s19 =	sadd.s32 s23, s20;
	(pc) =	sbr.rel @p1 .LBB1_3-.Ltmp3, $4  }
0x57: {  	v3 =	vld [tilespmem:s18+$0x10];
	[tilespmem:s19+$0x3870 ss:$0x81] =	vst.msk $0xffff, v0  }
0x58: {  	[tilespmem:s19+$0x810 ss:$0x81] =	vst.msk $0xffff, v5;
	v2 =	vld [tilespmem:s18+$0x20]  }
0x59: {  	v1 =	vld [tilespmem:s18+$0xFFFFFFC0];
	[tilespmem:s19+$0x1020 ss:$0x81] =	vst.msk $0xffff, v6;
	s18 =	sadd.s32 $0x80, s18  }
0x5a: {  	s22 =	sadd.s32 $0x4, s22;
	v0 =	vld [tilespmem:s18+$0x30];
	[tilespmem:s19+$0x1830 ss:$0x81] =	vst.msk $0xffff, v7  }
.Ltmp4:
0x5b: {  	_ = 	snop;
	(pc) =	sbr.rel .LBB1_4-.Ltmp4, $1  }
0x5c: {  	_ =	sdelay $0x3  }
.LBB1_6:
0x5d: {  	_ =	sfence.sel $0x180000  }
0x5e: {  	s1 =	simm.s32 $0x1;
	[bflag:$0x0] =	sbarrier.arrive $0xFFFF  }
0x5f: {  	s31 =	simm.s32 $0x2;
	[sflag:s1] =	ssyncpa.u1 $0x1  }
0x60: {  	[sflag:s31] =	ssyncpa.u1 $0x1  }
0x61: {  	p0 =	sne.s32 s0, $0x0;
	_ =	strace $0x90000050  }
0x62: {  	s0 =	sadd.s32 @!p0 $0x100000, s2;
	[bflag:$0x2] =	sbarrier.arrive $0xFFFF  }
0x63: {  	[sflag:s0] =	ssyncadd.tile.s32 @!p0 $0x1;
	_ =	shalt  }
.Lfunc_end1:
_tile_overlayer_lowered:
.L_overlay_start_2:
0x64: {  	(tag) =	ssettag $0x2  }
0x65: {  	s0 =	rddreg [dreg:$0x0];
	s2 =	stileid.u32  }
0x66: {  	s1 =	rddreg [dreg:$0x1];
	p0 =	sne.s32 s2, $0x0  }
0x67: {  	s3 =	rddreg [dreg:$0x2];
	[bflag:$0x3] =	sbarrier.arrive $0xFFFF;
	s2 =	simm.s32 @!p0 $0x1C01  }
0x68: {  	[timem:s3], [sflag:s2] =	dma.local @!p0 [hbm:s0], s1  }
0x69: {  	s0 =	simm.s32 @!p0 $0x1  }
0x6a: {  	_ =	swait.ge @!p0 [sflag:s0], s1  }
0x6b: {  	s1 =	ssub.s32 @!p0 $0x0, s1;
	[sflag:s0] =	ssyncset.done @!p0 $0x0  }
0x6c: {  	[sflag:s0] =	ssyncadd.s32 @!p0 s1  }
0x6d: {  	[bflag:$0x3] =	sbarrier.arrive $0xFFFF  }
0x6e: {  	_ =	shalt  }

</sc_bundles>
